<compile_context>
chip_gen: v7x
topology: tpu7x:2x2x1
jax: 0.10.2.dev20260603
libtpu: 0.0.44.dev20260713+nightly
codegen_flags: <defaults>
</compile_context>

<pallas_src>
import functools

import jax
import jax.numpy as jnp
from jax import lax
from jax.experimental import pallas as pl
from jax.experimental.pallas import tpu as pltpu
from jax.experimental.pallas import tpu_sc as plsc

N = 10000
C = 500
ORIG = 128
ATOM = 48
HID = 16
H = 128

BLK = 1024
NP = 10240
NBLK = NP // BLK
CP = 512
WIDE = 64

NW = 32
ROWS_W = NP // NW
LANES = 16
STRIPE = CP // 16

_EPS_BN = 1e-5
_EPS_DEN = 1e-13


def _tc1_body(x_ref, wemb_ref, bemb_ref, wg1_ref, bg1_ref, ggam_ref,
              gbet_ref, wg2_ref, bg2_ref, af_ref, g_ref):
    f32 = jnp.float32
    wemb = wemb_ref[:, :]
    bemb = bemb_ref[:, :]
    wg1 = wg1_ref[:, :]
    bg1 = bg1_ref[:, :]

    def loop_a(t, carry):
        s1, s2 = carry
        xb = x_ref[pl.ds(t * BLK, BLK), :]
        af = jnp.dot(xb, wemb, preferred_element_type=f32) + bemb
        af_ref[pl.ds(t * BLK, BLK), :] = af
        z = jnp.dot(af, wg1, preferred_element_type=f32) + bg1
        rmask = (jax.lax.broadcasted_iota(jnp.int32, (BLK, 1), 0)
                 + t * BLK < N).astype(f32)
        zm = z * rmask
        s1 = s1 + jnp.sum(zm, axis=0, keepdims=True)
        s2 = s2 + jnp.sum(zm * z, axis=0, keepdims=True)
        return s1, s2

    s1, s2 = jax.lax.fori_loop(
        0, NBLK, loop_a,
        (jnp.zeros((1, HID), f32), jnp.zeros((1, HID), f32)))
    mean = s1 / N
    var = s2 / N - mean * mean
    scale = ggam_ref[:, :] * jax.lax.rsqrt(var + _EPS_BN)
    shift = gbet_ref[:, :] - mean * scale

    def loop_g(t, carry):
        af = af_ref[pl.ds(t * BLK, BLK), :]
        z = jnp.dot(af, wg1, preferred_element_type=f32) + bg1
        h = jnp.maximum(z * scale + shift, 0.0)
        g = jnp.dot(h, wg2_ref[:, :], preferred_element_type=f32) + bg2_ref[:, :]
        g_ref[pl.ds(t * BLK, BLK), :] = g
        return carry

    jax.lax.fori_loop(0, NBLK, loop_g, 0)


SLABW = CP * LANES
ACCW = CP * WIDE
STW = STRIPE * LANES
STA = STRIPE * WIDE


def _sc_body(af_hbm, g_hbm, aw_hbm, idx_hbm, zeros_hbm, neginf_hbm, out_hbm,
             outm_hbm, idx1_v, g1_v, maxacc_v, stripe_tmp, stripe_max, smax_v,
             aw2_v, af_v, stage_v, acc_v, acc_tmp, acc_sum,
             sp_slabs, sp_smax, sp_acc):
    f32 = jnp.float32
    ci = lax.axis_index("c")
    si = lax.axis_index("s")
    wid = ci * 16 + si

    base1 = wid * ROWS_W
    pltpu.sync_copy(neginf_hbm, maxacc_v)
    pltpu.sync_copy(idx_hbm.at[pl.ds(base1, ROWS_W)], idx1_v)
    pltpu.sync_copy(g_hbm.at[pl.ds(base1, ROWS_W)], g1_v)
    cur0 = idx1_v[pl.ds(0, LANES)][0]
    neg_inf = jnp.float32(-jnp.inf)

    def grp1(i, carry):
        cur, m = carry
        idx_vec = idx1_v[pl.ds(i * LANES, LANES)]
        g_vec = g1_v[pl.ds(i * LANES, LANES)]
        for l in range(LANES):
            s = idx_vec[l]
            gv = g_vec[l]
            flush = s != cur

            @pl.when(flush)
            def _(cur=cur, m=m):
                maxacc_v[pl.ds(cur * LANES, LANES)] = jnp.full((LANES,), m, f32)

            m = jnp.where(flush, gv, jnp.maximum(m, gv))
            cur = jnp.where(flush, s, cur)
        return cur, m

    cur, m = jax.lax.fori_loop(0, ROWS_W // LANES, grp1, (cur0, neg_inf))
    maxacc_v[pl.ds(cur * LANES, LANES)] = jnp.full((LANES,), m, f32)

    pltpu.sync_copy(maxacc_v, sp_slabs.at[si])
    plsc.subcore_barrier()
    pltpu.sync_copy(sp_slabs.at[0, pl.ds(si * STW, STW)], stripe_max)

    def merge_max(t, carry):
        pltpu.sync_copy(sp_slabs.at[t, pl.ds(si * STW, STW)], stripe_tmp)
        for r in range(STW // LANES):
            stripe_max[pl.ds(r * LANES, LANES)] = jnp.maximum(
                stripe_max[pl.ds(r * LANES, LANES)],
                stripe_tmp[pl.ds(r * LANES, LANES)])
        return carry

    jax.lax.fori_loop(1, 16, merge_max, 0)
    pltpu.sync_copy(stripe_max, sp_smax.at[pl.ds(si * STW, STW)])
    pltpu.sync_copy(stripe_max, outm_hbm.at[pl.ds(ci * SLABW + si * STW, STW)])
    plsc.subcore_barrier()
    pltpu.sync_copy(sp_smax, smax_v)

    base2 = wid * ROWS_W
    pltpu.sync_copy(zeros_hbm, acc_v)
    pltpu.sync_copy(aw_hbm.at[pl.ds(base2, ROWS_W)], aw2_v)
    pltpu.sync_copy(af_hbm.at[pl.ds(base2 * ATOM, ROWS_W * ATOM)], af_v)

    cur0b = idx1_v[pl.ds(0, LANES)][0]
    zvec = jnp.zeros((LANES,), f32)
    for k in range(WIDE // LANES):
        stage_v[pl.ds(k * LANES, LANES)] = zvec

    def grp2(i, cur):
        b16 = i * LANES
        idx_vec = idx1_v[pl.ds(b16, LANES)]
        g_vec = g1_v[pl.ds(b16, LANES)]
        aw_vec = aw2_v[pl.ds(b16, LANES)]
        a0 = stage_v[pl.ds(0, LANES)]
        a1 = stage_v[pl.ds(LANES, LANES)]
        a2 = stage_v[pl.ds(2 * LANES, LANES)]
        a3 = stage_v[pl.ds(3 * LANES, LANES)]
        for l in range(LANES):
            s = idx_vec[l]
            j = b16 + l
            gs = jnp.full((LANES,), g_vec[l], f32)
            aws = jnp.full((LANES,), aw_vec[l], f32)
            ms = smax_v[pl.ds(s * LANES, LANES)]
            es = aws * jnp.exp(gs - ms)
            r0 = af_v[pl.ds(j * ATOM, LANES)] * es
            r1 = af_v[pl.ds(j * ATOM + LANES, LANES)] * es
            r2 = af_v[pl.ds(j * ATOM + 2 * LANES, LANES)] * es
            flush = s != cur

            @pl.when(flush)
            def _(cur=cur, a0=a0, a1=a1, a2=a2, a3=a3):
                acc_v[pl.ds(cur * WIDE, LANES)] = a0
                acc_v[pl.ds(cur * WIDE + LANES, LANES)] = a1
                acc_v[pl.ds(cur * WIDE + 2 * LANES, LANES)] = a2
                acc_v[pl.ds(cur * WIDE + 3 * LANES, LANES)] = a3

            kf = jnp.where(flush, jnp.float32(0.0), jnp.float32(1.0))
            a0 = r0 + a0 * kf
            a1 = r1 + a1 * kf
            a2 = r2 + a2 * kf
            a3 = es + a3 * kf
            cur = jnp.where(flush, s, cur)
        stage_v[pl.ds(0, LANES)] = a0
        stage_v[pl.ds(LANES, LANES)] = a1
        stage_v[pl.ds(2 * LANES, LANES)] = a2
        stage_v[pl.ds(3 * LANES, LANES)] = a3
        return cur

    cur = jax.lax.fori_loop(0, ROWS_W // LANES, grp2, cur0b)
    acc_v[pl.ds(cur * WIDE, LANES)] = stage_v[pl.ds(0, LANES)]
    acc_v[pl.ds(cur * WIDE + LANES, LANES)] = stage_v[pl.ds(LANES, LANES)]
    acc_v[pl.ds(cur * WIDE + 2 * LANES, LANES)] = stage_v[pl.ds(2 * LANES, LANES)]
    acc_v[pl.ds(cur * WIDE + 3 * LANES, LANES)] = stage_v[pl.ds(3 * LANES, LANES)]

    pltpu.sync_copy(acc_v, sp_acc.at[si])
    plsc.subcore_barrier()
    pltpu.sync_copy(sp_acc.at[0, pl.ds(si * STA, STA)], acc_sum)

    def merge_sum(t, carry):
        pltpu.sync_copy(sp_acc.at[t, pl.ds(si * STA, STA)], acc_tmp)
        for r in range(STA // LANES):
            acc_sum[pl.ds(r * LANES, LANES)] = (
                acc_sum[pl.ds(r * LANES, LANES)]
                + acc_tmp[pl.ds(r * LANES, LANES)])
        return carry

    jax.lax.fori_loop(1, 16, merge_sum, 0)
    pltpu.sync_copy(acc_sum, out_hbm.at[pl.ds(ci * ACCW + si * STA, STA)])


def _tc2_body(parts_ref, smax_ref, wfc_ref, bfc_ref, fgam_ref, fbet_ref,
              wout_ref, bout_ref, out_ref):
    f32 = jnp.float32

    m0 = smax_ref[0:CP, 0:1]
    m1 = smax_ref[CP:2 * CP, 0:1]
    mm = jnp.maximum(jnp.maximum(m0, m1), jnp.float32(-1e30))
    s0 = jnp.exp(m0 - mm)
    s1 = jnp.exp(m1 - mm)
    acc = parts_ref[0:CP, :] * s0 + parts_ref[CP:2 * CP, :] * s1
    crys = acc[:, :ATOM] / (acc[:, ATOM:ATOM + 1] + _EPS_DEN)
    y = jnp.dot(crys, wfc_ref[:, :], preferred_element_type=f32) + bfc_ref[:, :]
    ciota_col = jax.lax.broadcasted_iota(jnp.int32, (CP, 1), 0)
    cmask = (ciota_col < C).astype(f32)
    ym = y * cmask
    m2 = jnp.sum(ym, axis=0, keepdims=True) / C
    v2 = jnp.sum(ym * y, axis=0, keepdims=True) / C - m2 * m2
    yn = (y - m2) * (fgam_ref[:, :] * jax.lax.rsqrt(v2 + _EPS_BN)) + fbet_ref[:, :]
    sp = jnp.maximum(yn, 0.0) + jnp.log1p(jnp.exp(-jnp.abs(yn)))
    out_ref[:, :] = jnp.dot(sp, wout_ref[:, :],
                            preferred_element_type=f32) + bout_ref[:, :]


@jax.jit
def kernel(atom_weights, orig_atom_fea, nbr_fea, self_fea_idx, nbr_fea_idx,
           crystal_atom_idx, W_emb, b_emb, W_g1, b_g1, g_gamma, g_beta,
           W_g2, b_g2, W_fc, b_fc, fc_gamma, fc_beta, W_out, b_out):
    del nbr_fea, self_fea_idx, nbr_fea_idx
    f32 = jnp.float32
    pad = NP - N
    xp = jnp.pad(orig_atom_fea, ((0, pad), (0, 0)))
    awp = jnp.pad(atom_weights, ((0, pad), (0, 0))).reshape(NP)
    idx = crystal_atom_idx.astype(jnp.int32)
    idxp = jnp.pad(idx, (0, pad), constant_values=CP - 1)

    af, g = pl.pallas_call(
        _tc1_body,
        out_shape=[jax.ShapeDtypeStruct((NP, ATOM), f32),
                   jax.ShapeDtypeStruct((NP, 1), f32)],
    )(xp, W_emb, b_emb.reshape(1, ATOM), W_g1, b_g1.reshape(1, HID),
      g_gamma.reshape(1, HID), g_beta.reshape(1, HID),
      W_g2, b_g2.reshape(1, 1))

    sc_call = functools.partial(
        pl.kernel,
        out_type=(jax.ShapeDtypeStruct((2 * ACCW,), f32),
                  jax.ShapeDtypeStruct((2 * SLABW,), f32)),
        mesh=plsc.VectorSubcoreMesh(core_axis_name="c", subcore_axis_name="s"),
        scratch_types=[
            pltpu.VMEM((ROWS_W,), jnp.int32),
            pltpu.VMEM((ROWS_W,), f32),
            pltpu.VMEM((SLABW,), f32),
            pltpu.VMEM((STW,), f32),
            pltpu.VMEM((STW,), f32),
            pltpu.VMEM((SLABW,), f32),
            pltpu.VMEM((ROWS_W,), f32),
            pltpu.VMEM((ROWS_W * ATOM,), f32),
            pltpu.VMEM((WIDE,), f32),
            pltpu.VMEM((ACCW,), f32),
            pltpu.VMEM((STA,), f32),
            pltpu.VMEM((STA,), f32),
            pltpu.VMEM_SHARED((16, SLABW), f32),
            pltpu.VMEM_SHARED((SLABW,), f32),
            pltpu.VMEM_SHARED((16, ACCW), f32),
        ],
    )(_sc_body)
    parts, smax2 = sc_call(af.reshape(NP * ATOM), g.reshape(NP), awp, idxp,
                           jnp.zeros((ACCW,), f32),
                           jnp.full((SLABW,), -jnp.inf, f32))

    out = pl.pallas_call(
        _tc2_body,
        out_shape=jax.ShapeDtypeStruct((CP, 1), f32),
    )(parts.reshape(2 * CP, WIDE), smax2.reshape(2 * CP, LANES),
      W_fc, b_fc.reshape(1, H), fc_gamma.reshape(1, H),
      fc_beta.reshape(1, H), W_out, b_out.reshape(1, 1))
    return out[:C]

# --- scband reference (transcript-rebuilt; emitter-appended) ---
"""Pipeline reference for scband-composition-net-35596688949644 (READ-ONLY COPY).

The authoritative reference and input builder live on the scoring server;
editing this copy changes nothing except your own understanding.
"""

import jax, jax.numpy as jnp
import numpy as np

N = 10000
M = 320000
C = 500
ORIG = 128
NBR = 16
ATOM = 48
HID = 16
H = 128


def _lin(k, fin, fout):
    bound = 1.0 / np.sqrt(fin)
    k1, k2 = jax.random.split(k)
    W = jax.random.uniform(k1, (fin, fout), minval=-bound, maxval=bound, dtype=jnp.float32)
    b = jax.random.uniform(k2, (fout,), minval=-bound, maxval=bound, dtype=jnp.float32)
    return W, b


def setup_inputs(seed: int = 0) -> dict:
    key = jax.random.key(seed)
    ks = jax.random.split(key, 12)
    inp = {}
    inp["atom_weights"] = jax.random.uniform(ks[0], (N, 1), dtype=jnp.float32)
    inp["orig_atom_fea"] = jax.random.normal(ks[1], (N, ORIG), dtype=jnp.float32)
    inp["nbr_fea"] = jax.random.normal(ks[2], (M, NBR), dtype=jnp.float32)
    inp["self_fea_idx"] = jnp.sort(jax.random.randint(ks[3], (M,), 0, N))
    inp["nbr_fea_idx"] = jax.random.randint(ks[4], (M,), 0, N)
    inp["crystal_atom_idx"] = jnp.sort(jax.random.randint(ks[5], (N,), 0, C))
    inp["W_emb"], inp["b_emb"] = _lin(ks[6], ORIG, ATOM)
    inp["W_g1"], inp["b_g1"] = _lin(ks[7], ATOM, HID)
    inp["g_gamma"] = jnp.ones((HID,), dtype=jnp.float32)
    inp["g_beta"] = jnp.zeros((HID,), dtype=jnp.float32)
    inp["W_g2"], inp["b_g2"] = _lin(ks[8], HID, 1)
    inp["W_fc"], inp["b_fc"] = _lin(ks[9], ATOM, H)
    inp["fc_gamma"] = jnp.ones((H,), dtype=jnp.float32)
    inp["fc_beta"] = jnp.zeros((H,), dtype=jnp.float32)
    inp["W_out"], inp["b_out"] = _lin(ks[10], H, 1)
    return inp


def _bn(x, gamma, beta, eps=1e-5):
    # BatchNorm1d in training mode: batch statistics
    m = jnp.mean(x, axis=0)
    v = jnp.var(x, axis=0)
    return (x - m) / jnp.sqrt(v + eps) * gamma + beta


def reference(atom_weights, orig_atom_fea, nbr_fea, self_fea_idx, nbr_fea_idx,
              crystal_atom_idx, W_emb, b_emb, W_g1, b_g1, g_gamma, g_beta,
              W_g2, b_g2, W_fc, b_fc, fc_gamma, fc_beta, W_out, b_out):
    # NOTE: CompositionNet.forward never invokes the MessageLayer graph stack;
    # nbr_fea / self_fea_idx / nbr_fea_idx are accepted but unused, matching torch.
    atom_fea = orig_atom_fea @ W_emb + b_emb  # embedding Linear

    # GlobalAttention pooling (gate_nn = Linear -> BN -> ReLU -> Linear)
    h = jax.nn.relu(_bn(atom_fea @ W_g1 + b_g1, g_gamma, g_beta))
    gate = (h @ W_g2 + b_g2).reshape(-1, 1)
    seg_max = jax.ops.segment_max(gate, crystal_atom_idx, num_segments=C)
    gate = gate - seg_max[crystal_atom_idx]
    gate = atom_weights * jnp.exp(gate)
    denom = jax.ops.segment_sum(gate, crystal_atom_idx, num_segments=C)
    gate = gate / (denom[crystal_atom_idx] + 1e-13)
    crys_fea = jax.ops.segment_sum(gate * atom_fea, crystal_atom_idx, num_segments=C)

    crys_fea = jax.nn.softplus(_bn(crys_fea @ W_fc + b_fc, fc_gamma, fc_beta))
    out = crys_fea @ W_out + b_out
    return out

if __name__ == "__main__":
    import jax
    _d = setup_inputs()
    print(jax.jit(kernel)(*tuple(_d.values())))

</pallas_src>

<mosaic_0001>
#map = affine_map<(d0, d1) -> (0)>
module attributes {stable_mosaic.version = 14 : i64} {
  func.func @_sc_body(%arg0: i32, %arg1: i32, %arg2: memref<491520xf32, #tpu.memory_space<hbm>>, %arg3: memref<10240xf32, #tpu.memory_space<hbm>>, %arg4: memref<10240xf32, #tpu.memory_space<hbm>>, %arg5: memref<10240xi32, #tpu.memory_space<hbm>>, %arg6: memref<32768xf32, #tpu.memory_space<hbm>>, %arg7: memref<8192xf32, #tpu.memory_space<hbm>>, %arg8: memref<65536xf32, #tpu.memory_space<hbm>>, %arg9: memref<16384xf32, #tpu.memory_space<hbm>>, %arg10: memref<320xi32, #tpu.memory_space<vmem>>, %arg11: memref<320xf32, #tpu.memory_space<vmem>>, %arg12: memref<8192xf32, #tpu.memory_space<vmem>>, %arg13: memref<512xf32, #tpu.memory_space<vmem>>, %arg14: memref<512xf32, #tpu.memory_space<vmem>>, %arg15: memref<8192xf32, #tpu.memory_space<vmem>>, %arg16: memref<320xf32, #tpu.memory_space<vmem>>, %arg17: memref<15360xf32, #tpu.memory_space<vmem>>, %arg18: memref<64xf32, #tpu.memory_space<vmem>>, %arg19: memref<32768xf32, #tpu.memory_space<vmem>>, %arg20: memref<2048xf32, #tpu.memory_space<vmem>>, %arg21: memref<2048xf32, #tpu.memory_space<vmem>>, %arg22: memref<16x8192xf32, #tpu.memory_space<vmem_shared>>, %arg23: memref<8192xf32, #tpu.memory_space<vmem_shared>>, %arg24: memref<16x32768xf32, #tpu.memory_space<vmem_shared>>) attributes {dimension_semantics = [#tpu.dimension_semantics<core_parallel>, #tpu.dimension_semantics<subcore_parallel>], iteration_bounds = array<i64: 2, 16>, scalar_prefetch = 0 : i64, scratch_operands = 15 : i64, tpu.core_type = #tpu.core_type<sc_vector_subcore>, window_params = [{transform_indices = #map}, {transform_indices = #map}, {transform_indices = #map}, {transform_indices = #map}, {transform_indices = #map}, {transform_indices = #map}, {transform_indices = #map}, {transform_indices = #map}]} {
    %mul3A = arith.constant 16 : i32
    %mul3A_0 = arith.muli %arg0, %mul3A : i32
    %add3A = arith.addi %mul3A_0, %arg1 : i32
    %mul3A_1 = arith.constant 320 : i32
    %mul3A_2 = arith.muli %add3A, %mul3A_1 : i32
    "tpu.region"() ({
      %run_scoped3A_122 = tpu.sem_alloc : memref<!tpu.dma_semaphore, #tpu.memory_space<semaphore_mem>>
      tpu.enqueue_dma source(%arg7 : memref<8192xf32, #tpu.memory_space<hbm>>) target(%arg12 : memref<8192xf32, #tpu.memory_space<vmem>>) target_semaphore(%run_scoped3A_122 : memref<!tpu.dma_semaphore, #tpu.memory_space<semaphore_mem>>)
      tpu.wait_dma2 semaphore(%run_scoped3A_122 : memref<!tpu.dma_semaphore, #tpu.memory_space<semaphore_mem>>) src(%arg7 : memref<8192xf32, #tpu.memory_space<hbm>>) dst(%arg12 : memref<8192xf32, #tpu.memory_space<vmem>>)
      tpu.yield
    }) : () -> ()
    "tpu.region"() ({
      %run_scoped3A_122 = tpu.sem_alloc : memref<!tpu.dma_semaphore, #tpu.memory_space<semaphore_mem>>
      %dma_start3A = tpu.memref_slice %arg5[%mul3A_2] : memref<10240xi32, #tpu.memory_space<hbm>> -> memref<320xi32, #tpu.memory_space<hbm>>
      %dma_start3A_123 = tpu.memref_slice %arg5[%mul3A_2] : memref<10240xi32, #tpu.memory_space<hbm>> -> memref<320xi32, #tpu.memory_space<hbm>>
      tpu.enqueue_dma source(%dma_start3A_123 : memref<320xi32, #tpu.memory_space<hbm>>) target(%arg10 : memref<320xi32, #tpu.memory_space<vmem>>) target_semaphore(%run_scoped3A_122 : memref<!tpu.dma_semaphore, #tpu.memory_space<semaphore_mem>>)
      %dma_wait3A = tpu.memref_slice %arg5[%mul3A_2] : memref<10240xi32, #tpu.memory_space<hbm>> -> memref<320xi32, #tpu.memory_space<hbm>>
      %dma_wait3A_124 = tpu.memref_slice %arg5[%mul3A_2] : memref<10240xi32, #tpu.memory_space<hbm>> -> memref<320xi32, #tpu.memory_space<hbm>>
      tpu.wait_dma2 semaphore(%run_scoped3A_122 : memref<!tpu.dma_semaphore, #tpu.memory_space<semaphore_mem>>) src(%dma_wait3A_124 : memref<320xi32, #tpu.memory_space<hbm>>) dst(%arg10 : memref<320xi32, #tpu.memory_space<vmem>>)
      tpu.yield
    }) : () -> ()
    "tpu.region"() ({
      %run_scoped3A_122 = tpu.sem_alloc : memref<!tpu.dma_semaphore, #tpu.memory_space<semaphore_mem>>
      %dma_start3A = tpu.memref_slice %arg3[%mul3A_2] : memref<10240xf32, #tpu.memory_space<hbm>> -> memref<320xf32, #tpu.memory_space<hbm>>
      %dma_start3A_123 = tpu.memref_slice %arg3[%mul3A_2] : memref<10240xf32, #tpu.memory_space<hbm>> -> memref<320xf32, #tpu.memory_space<hbm>>
      tpu.enqueue_dma source(%dma_start3A_123 : memref<320xf32, #tpu.memory_space<hbm>>) target(%arg11 : memref<320xf32, #tpu.memory_space<vmem>>) target_semaphore(%run_scoped3A_122 : memref<!tpu.dma_semaphore, #tpu.memory_space<semaphore_mem>>)
      %dma_wait3A = tpu.memref_slice %arg3[%mul3A_2] : memref<10240xf32, #tpu.memory_space<hbm>> -> memref<320xf32, #tpu.memory_space<hbm>>
      %dma_wait3A_124 = tpu.memref_slice %arg3[%mul3A_2] : memref<10240xf32, #tpu.memory_space<hbm>> -> memref<320xf32, #tpu.memory_space<hbm>>
      tpu.wait_dma2 semaphore(%run_scoped3A_122 : memref<!tpu.dma_semaphore, #tpu.memory_space<semaphore_mem>>) src(%dma_wait3A_124 : memref<320xf32, #tpu.memory_space<hbm>>) dst(%arg11 : memref<320xf32, #tpu.memory_space<vmem>>)
      tpu.yield
    }) : () -> ()
    %get3A = arith.constant 0 : index
    %get3A_3 = tpu.vector_load %arg10[%get3A] {strides = array<i32>} : memref<320xi32, #tpu.memory_space<vmem>>, vector<16xi32>,
    %get3A_4 = vector.shape_cast %get3A_3 : vector<16xi32> to vector<16xi32>
    %slice3A = vector.extract_strided_slice %get3A_4 {offsets = [0], sizes = [1], strides = [1]} : vector<16xi32> to vector<1xi32>
    %squeeze3A = vector.extract %slice3A[0] : i32 from vector<1xi32>
    %scan3A = arith.constant 0xFF800000 : f32
    %scan3A_5 = arith.constant 0 : i32
    %scan3A_6 = arith.constant 20 : i32
    %scan3A_7 = arith.addi %scan3A_5, %scan3A_6 : i32
    %scan3A_8 = arith.constant 1 : i32
    %scan3A_9:2 = scf.for %scan3A_122 = %scan3A_5 to %scan3A_7 step %scan3A_8 iter_args(%scan3A_123 = %squeeze3A, %scan3A_124 = %scan3A) -> (i32, f32)  : i32 {
      %mul3A_125 = arith.constant 16 : i32
      %mul3A_126 = arith.muli %scan3A_122, %mul3A_125 : i32
      %get3A_127 = arith.index_cast %mul3A_126 : i32 to index
      %get3A_128 = tpu.vector_load %arg10[%get3A_127] {strides = array<i32>} : memref<320xi32, #tpu.memory_space<vmem>>, vector<16xi32>,
      %get3A_129 = vector.shape_cast %get3A_128 : vector<16xi32> to vector<16xi32>
      %mul3A_130 = arith.constant 16 : i32
      %mul3A_131 = arith.muli %scan3A_122, %mul3A_130 : i32
      %get3A_132 = arith.index_cast %mul3A_131 : i32 to index
      %get3A_133 = tpu.vector_load %arg11[%get3A_132] {strides = array<i32>} : memref<320xf32, #tpu.memory_space<vmem>>, vector<16xf32>,
      %get3A_134 = vector.shape_cast %get3A_133 : vector<16xf32> to vector<16xf32>
      %slice3A_135 = vector.extract_strided_slice %get3A_129 {offsets = [0], sizes = [1], strides = [1]} : vector<16xi32> to vector<1xi32>
      %squeeze3A_136 = vector.extract %slice3A_135[0] : i32 from vector<1xi32>
      %slice3A_137 = vector.extract_strided_slice %get3A_134 {offsets = [0], sizes = [1], strides = [1]} : vector<16xf32> to vector<1xf32>
      %squeeze3A_138 = vector.extract %slice3A_137[0] : f32 from vector<1xf32>
      %ne3A = arith.cmpi ne, %squeeze3A_136, %scan3A_123 : i32
      %convert_element_type3A = arith.extui %ne3A : i1 to i32
      %cond3A = arith.constant 0 : i32
      %cond3A_139 = arith.cmpi ne, %convert_element_type3A, %cond3A : i32
      scf.if %cond3A_139 {
        %broadcast_in_dim3A_306 = vector.broadcast %scan3A_124 : f32 to vector<16xf32>
        %mul3A_307 = arith.constant 16 : i32
        %mul3A_308 = arith.muli %scan3A_123, %mul3A_307 : i32
        %swap3A_309 = arith.index_cast %mul3A_308 : i32 to index
        %swap3A_310 = tpu.vector_load %arg12[%swap3A_309] {strides = array<i32>} : memref<8192xf32, #tpu.memory_space<vmem>>, vector<16xf32>,
        %swap3A_311 = vector.shape_cast %swap3A_310 : vector<16xf32> to vector<16xf32>
        %swap3A_312 = vector.shape_cast %broadcast_in_dim3A_306 : vector<16xf32> to vector<16xf32>
        tpu.vector_store %arg12[%swap3A_309], %swap3A_312 {strides = array<i32>} : memref<8192xf32, #tpu.memory_space<vmem>>, vector<16xf32>,
      } else {
      }
      %max3A = arith.maximumf %scan3A_124, %squeeze3A_138 : f32
      %select_n3A = arith.select %ne3A, %squeeze3A_138, %max3A : f32
      %select_n3A_140 = arith.select %ne3A, %squeeze3A_136, %scan3A_123 : i32
      %slice3A_141 = vector.extract_strided_slice %get3A_129 {offsets = [1], sizes = [1], strides = [1]} : vector<16xi32> to vector<1xi32>
      %squeeze3A_142 = vector.extract %slice3A_141[0] : i32 from vector<1xi32>
      %slice3A_143 = vector.extract_strided_slice %get3A_134 {offsets = [1], sizes = [1], strides = [1]} : vector<16xf32> to vector<1xf32>
      %squeeze3A_144 = vector.extract %slice3A_143[0] : f32 from vector<1xf32>
      %ne3A_145 = arith.cmpi ne, %squeeze3A_142, %select_n3A_140 : i32
      %convert_element_type3A_146 = arith.extui %ne3A_145 : i1 to i32
      %cond3A_147 = arith.constant 0 : i32
      %cond3A_148 = arith.cmpi ne, %convert_element_type3A_146, %cond3A_147 : i32
      scf.if %cond3A_148 {
        %broadcast_in_dim3A_306 = vector.broadcast %select_n3A : f32 to vector<16xf32>
        %mul3A_307 = arith.constant 16 : i32
        %mul3A_308 = arith.muli %select_n3A_140, %mul3A_307 : i32
        %swap3A_309 = arith.index_cast %mul3A_308 : i32 to index
        %swap3A_310 = tpu.vector_load %arg12[%swap3A_309] {strides = array<i32>} : memref<8192xf32, #tpu.memory_space<vmem>>, vector<16xf32>,
        %swap3A_311 = vector.shape_cast %swap3A_310 : vector<16xf32> to vector<16xf32>
        %swap3A_312 = vector.shape_cast %broadcast_in_dim3A_306 : vector<16xf32> to vector<16xf32>
        tpu.vector_store %arg12[%swap3A_309], %swap3A_312 {strides = array<i32>} : memref<8192xf32, #tpu.memory_space<vmem>>, vector<16xf32>,
      } else {
      }
      %max3A_149 = arith.maximumf %select_n3A, %squeeze3A_144 : f32
      %select_n3A_150 = arith.select %ne3A_145, %squeeze3A_144, %max3A_149 : f32
      %select_n3A_151 = arith.select %ne3A_145, %squeeze3A_142, %select_n3A_140 : i32
      %slice3A_152 = vector.extract_strided_slice %get3A_129 {offsets = [2], sizes = [1], strides = [1]} : vector<16xi32> to vector<1xi32>
      %squeeze3A_153 = vector.extract %slice3A_152[0] : i32 from vector<1xi32>
      %slice3A_154 = vector.extract_strided_slice %get3A_134 {offsets = [2], sizes = [1], strides = [1]} : vector<16xf32> to vector<1xf32>
      %squeeze3A_155 = vector.extract %slice3A_154[0] : f32 from vector<1xf32>
      %ne3A_156 = arith.cmpi ne, %squeeze3A_153, %select_n3A_151 : i32
      %convert_element_type3A_157 = arith.extui %ne3A_156 : i1 to i32
      %cond3A_158 = arith.constant 0 : i32
      %cond3A_159 = arith.cmpi ne, %convert_element_type3A_157, %cond3A_158 : i32
      scf.if %cond3A_159 {
        %broadcast_in_dim3A_306 = vector.broadcast %select_n3A_150 : f32 to vector<16xf32>
        %mul3A_307 = arith.constant 16 : i32
        %mul3A_308 = arith.muli %select_n3A_151, %mul3A_307 : i32
        %swap3A_309 = arith.index_cast %mul3A_308 : i32 to index
        %swap3A_310 = tpu.vector_load %arg12[%swap3A_309] {strides = array<i32>} : memref<8192xf32, #tpu.memory_space<vmem>>, vector<16xf32>,
        %swap3A_311 = vector.shape_cast %swap3A_310 : vector<16xf32> to vector<16xf32>
        %swap3A_312 = vector.shape_cast %broadcast_in_dim3A_306 : vector<16xf32> to vector<16xf32>
        tpu.vector_store %arg12[%swap3A_309], %swap3A_312 {strides = array<i32>} : memref<8192xf32, #tpu.memory_space<vmem>>, vector<16xf32>,
      } else {
      }
      %max3A_160 = arith.maximumf %select_n3A_150, %squeeze3A_155 : f32
      %select_n3A_161 = arith.select %ne3A_156, %squeeze3A_155, %max3A_160 : f32
      %select_n3A_162 = arith.select %ne3A_156, %squeeze3A_153, %select_n3A_151 : i32
      %slice3A_163 = vector.extract_strided_slice %get3A_129 {offsets = [3], sizes = [1], strides = [1]} : vector<16xi32> to vector<1xi32>
      %squeeze3A_164 = vector.extract %slice3A_163[0] : i32 from vector<1xi32>
      %slice3A_165 = vector.extract_strided_slice %get3A_134 {offsets = [3], sizes = [1], strides = [1]} : vector<16xf32> to vector<1xf32>
      %squeeze3A_166 = vector.extract %slice3A_165[0] : f32 from vector<1xf32>
      %ne3A_167 = arith.cmpi ne, %squeeze3A_164, %select_n3A_162 : i32
      %convert_element_type3A_168 = arith.extui %ne3A_167 : i1 to i32
      %cond3A_169 = arith.constant 0 : i32
      %cond3A_170 = arith.cmpi ne, %convert_element_type3A_168, %cond3A_169 : i32
      scf.if %cond3A_170 {
        %broadcast_in_dim3A_306 = vector.broadcast %select_n3A_161 : f32 to vector<16xf32>
        %mul3A_307 = arith.constant 16 : i32
        %mul3A_308 = arith.muli %select_n3A_162, %mul3A_307 : i32
        %swap3A_309 = arith.index_cast %mul3A_308 : i32 to index
        %swap3A_310 = tpu.vector_load %arg12[%swap3A_309] {strides = array<i32>} : memref<8192xf32, #tpu.memory_space<vmem>>, vector<16xf32>,
        %swap3A_311 = vector.shape_cast %swap3A_310 : vector<16xf32> to vector<16xf32>
        %swap3A_312 = vector.shape_cast %broadcast_in_dim3A_306 : vector<16xf32> to vector<16xf32>
        tpu.vector_store %arg12[%swap3A_309], %swap3A_312 {strides = array<i32>} : memref<8192xf32, #tpu.memory_space<vmem>>, vector<16xf32>,
      } else {
      }
      %max3A_171 = arith.maximumf %select_n3A_161, %squeeze3A_166 : f32
      %select_n3A_172 = arith.select %ne3A_167, %squeeze3A_166, %max3A_171 : f32
      %select_n3A_173 = arith.select %ne3A_167, %squeeze3A_164, %select_n3A_162 : i32
      %slice3A_174 = vector.extract_strided_slice %get3A_129 {offsets = [4], sizes = [1], strides = [1]} : vector<16xi32> to vector<1xi32>
      %squeeze3A_175 = vector.extract %slice3A_174[0] : i32 from vector<1xi32>
      %slice3A_176 = vector.extract_strided_slice %get3A_134 {offsets = [4], sizes = [1], strides = [1]} : vector<16xf32> to vector<1xf32>
      %squeeze3A_177 = vector.extract %slice3A_176[0] : f32 from vector<1xf32>
      %ne3A_178 = arith.cmpi ne, %squeeze3A_175, %select_n3A_173 : i32
      %convert_element_type3A_179 = arith.extui %ne3A_178 : i1 to i32
      %cond3A_180 = arith.constant 0 : i32
      %cond3A_181 = arith.cmpi ne, %convert_element_type3A_179, %cond3A_180 : i32
      scf.if %cond3A_181 {
        %broadcast_in_dim3A_306 = vector.broadcast %select_n3A_172 : f32 to vector<16xf32>
        %mul3A_307 = arith.constant 16 : i32
        %mul3A_308 = arith.muli %select_n3A_173, %mul3A_307 : i32
        %swap3A_309 = arith.index_cast %mul3A_308 : i32 to index
        %swap3A_310 = tpu.vector_load %arg12[%swap3A_309] {strides = array<i32>} : memref<8192xf32, #tpu.memory_space<vmem>>, vector<16xf32>,
        %swap3A_311 = vector.shape_cast %swap3A_310 : vector<16xf32> to vector<16xf32>
        %swap3A_312 = vector.shape_cast %broadcast_in_dim3A_306 : vector<16xf32> to vector<16xf32>
        tpu.vector_store %arg12[%swap3A_309], %swap3A_312 {strides = array<i32>} : memref<8192xf32, #tpu.memory_space<vmem>>, vector<16xf32>,
      } else {
      }
      %max3A_182 = arith.maximumf %select_n3A_172, %squeeze3A_177 : f32
      %select_n3A_183 = arith.select %ne3A_178, %squeeze3A_177, %max3A_182 : f32
      %select_n3A_184 = arith.select %ne3A_178, %squeeze3A_175, %select_n3A_173 : i32
      %slice3A_185 = vector.extract_strided_slice %get3A_129 {offsets = [5], sizes = [1], strides = [1]} : vector<16xi32> to vector<1xi32>
      %squeeze3A_186 = vector.extract %slice3A_185[0] : i32 from vector<1xi32>
      %slice3A_187 = vector.extract_strided_slice %get3A_134 {offsets = [5], sizes = [1], strides = [1]} : vector<16xf32> to vector<1xf32>
      %squeeze3A_188 = vector.extract %slice3A_187[0] : f32 from vector<1xf32>
      %ne3A_189 = arith.cmpi ne, %squeeze3A_186, %select_n3A_184 : i32
      %convert_element_type3A_190 = arith.extui %ne3A_189 : i1 to i32
      %cond3A_191 = arith.constant 0 : i32
      %cond3A_192 = arith.cmpi ne, %convert_element_type3A_190, %cond3A_191 : i32
      scf.if %cond3A_192 {
        %broadcast_in_dim3A_306 = vector.broadcast %select_n3A_183 : f32 to vector<16xf32>
        %mul3A_307 = arith.constant 16 : i32
        %mul3A_308 = arith.muli %select_n3A_184, %mul3A_307 : i32
        %swap3A_309 = arith.index_cast %mul3A_308 : i32 to index
        %swap3A_310 = tpu.vector_load %arg12[%swap3A_309] {strides = array<i32>} : memref<8192xf32, #tpu.memory_space<vmem>>, vector<16xf32>,
        %swap3A_311 = vector.shape_cast %swap3A_310 : vector<16xf32> to vector<16xf32>
        %swap3A_312 = vector.shape_cast %broadcast_in_dim3A_306 : vector<16xf32> to vector<16xf32>
        tpu.vector_store %arg12[%swap3A_309], %swap3A_312 {strides = array<i32>} : memref<8192xf32, #tpu.memory_space<vmem>>, vector<16xf32>,
      } else {
      }
      %max3A_193 = arith.maximumf %select_n3A_183, %squeeze3A_188 : f32
      %select_n3A_194 = arith.select %ne3A_189, %squeeze3A_188, %max3A_193 : f32
      %select_n3A_195 = arith.select %ne3A_189, %squeeze3A_186, %select_n3A_184 : i32
      %slice3A_196 = vector.extract_strided_slice %get3A_129 {offsets = [6], sizes = [1], strides = [1]} : vector<16xi32> to vector<1xi32>
      %squeeze3A_197 = vector.extract %slice3A_196[0] : i32 from vector<1xi32>
      %slice3A_198 = vector.extract_strided_slice %get3A_134 {offsets = [6], sizes = [1], strides = [1]} : vector<16xf32> to vector<1xf32>
      %squeeze3A_199 = vector.extract %slice3A_198[0] : f32 from vector<1xf32>
      %ne3A_200 = arith.cmpi ne, %squeeze3A_197, %select_n3A_195 : i32
      %convert_element_type3A_201 = arith.extui %ne3A_200 : i1 to i32
      %cond3A_202 = arith.constant 0 : i32
      %cond3A_203 = arith.cmpi ne, %convert_element_type3A_201, %cond3A_202 : i32
      scf.if %cond3A_203 {
        %broadcast_in_dim3A_306 = vector.broadcast %select_n3A_194 : f32 to vector<16xf32>
        %mul3A_307 = arith.constant 16 : i32
        %mul3A_308 = arith.muli %select_n3A_195, %mul3A_307 : i32
        %swap3A_309 = arith.index_cast %mul3A_308 : i32 to index
        %swap3A_310 = tpu.vector_load %arg12[%swap3A_309] {strides = array<i32>} : memref<8192xf32, #tpu.memory_space<vmem>>, vector<16xf32>,
        %swap3A_311 = vector.shape_cast %swap3A_310 : vector<16xf32> to vector<16xf32>
        %swap3A_312 = vector.shape_cast %broadcast_in_dim3A_306 : vector<16xf32> to vector<16xf32>
        tpu.vector_store %arg12[%swap3A_309], %swap3A_312 {strides = array<i32>} : memref<8192xf32, #tpu.memory_space<vmem>>, vector<16xf32>,
      } else {
      }
      %max3A_204 = arith.maximumf %select_n3A_194, %squeeze3A_199 : f32
      %select_n3A_205 = arith.select %ne3A_200, %squeeze3A_199, %max3A_204 : f32
      %select_n3A_206 = arith.select %ne3A_200, %squeeze3A_197, %select_n3A_195 : i32
      %slice3A_207 = vector.extract_strided_slice %get3A_129 {offsets = [7], sizes = [1], strides = [1]} : vector<16xi32> to vector<1xi32>
      %squeeze3A_208 = vector.extract %slice3A_207[0] : i32 from vector<1xi32>
      %slice3A_209 = vector.extract_strided_slice %get3A_134 {offsets = [7], sizes = [1], strides = [1]} : vector<16xf32> to vector<1xf32>
      %squeeze3A_210 = vector.extract %slice3A_209[0] : f32 from vector<1xf32>
      %ne3A_211 = arith.cmpi ne, %squeeze3A_208, %select_n3A_206 : i32
      %convert_element_type3A_212 = arith.extui %ne3A_211 : i1 to i32
      %cond3A_213 = arith.constant 0 : i32
      %cond3A_214 = arith.cmpi ne, %convert_element_type3A_212, %cond3A_213 : i32
      scf.if %cond3A_214 {
        %broadcast_in_dim3A_306 = vector.broadcast %select_n3A_205 : f32 to vector<16xf32>
        %mul3A_307 = arith.constant 16 : i32
        %mul3A_308 = arith.muli %select_n3A_206, %mul3A_307 : i32
        %swap3A_309 = arith.index_cast %mul3A_308 : i32 to index
        %swap3A_310 = tpu.vector_load %arg12[%swap3A_309] {strides = array<i32>} : memref<8192xf32, #tpu.memory_space<vmem>>, vector<16xf32>,
        %swap3A_311 = vector.shape_cast %swap3A_310 : vector<16xf32> to vector<16xf32>
        %swap3A_312 = vector.shape_cast %broadcast_in_dim3A_306 : vector<16xf32> to vector<16xf32>
        tpu.vector_store %arg12[%swap3A_309], %swap3A_312 {strides = array<i32>} : memref<8192xf32, #tpu.memory_space<vmem>>, vector<16xf32>,
      } else {
      }
      %max3A_215 = arith.maximumf %select_n3A_205, %squeeze3A_210 : f32
      %select_n3A_216 = arith.select %ne3A_211, %squeeze3A_210, %max3A_215 : f32
      %select_n3A_217 = arith.select %ne3A_211, %squeeze3A_208, %select_n3A_206 : i32
      %slice3A_218 = vector.extract_strided_slice %get3A_129 {offsets = [8], sizes = [1], strides = [1]} : vector<16xi32> to vector<1xi32>
      %squeeze3A_219 = vector.extract %slice3A_218[0] : i32 from vector<1xi32>
      %slice3A_220 = vector.extract_strided_slice %get3A_134 {offsets = [8], sizes = [1], strides = [1]} : vector<16xf32> to vector<1xf32>
      %squeeze3A_221 = vector.extract %slice3A_220[0] : f32 from vector<1xf32>
      %ne3A_222 = arith.cmpi ne, %squeeze3A_219, %select_n3A_217 : i32
      %convert_element_type3A_223 = arith.extui %ne3A_222 : i1 to i32
      %cond3A_224 = arith.constant 0 : i32
      %cond3A_225 = arith.cmpi ne, %convert_element_type3A_223, %cond3A_224 : i32
      scf.if %cond3A_225 {
        %broadcast_in_dim3A_306 = vector.broadcast %select_n3A_216 : f32 to vector<16xf32>
        %mul3A_307 = arith.constant 16 : i32
        %mul3A_308 = arith.muli %select_n3A_217, %mul3A_307 : i32
        %swap3A_309 = arith.index_cast %mul3A_308 : i32 to index
        %swap3A_310 = tpu.vector_load %arg12[%swap3A_309] {strides = array<i32>} : memref<8192xf32, #tpu.memory_space<vmem>>, vector<16xf32>,
        %swap3A_311 = vector.shape_cast %swap3A_310 : vector<16xf32> to vector<16xf32>
        %swap3A_312 = vector.shape_cast %broadcast_in_dim3A_306 : vector<16xf32> to vector<16xf32>
        tpu.vector_store %arg12[%swap3A_309], %swap3A_312 {strides = array<i32>} : memref<8192xf32, #tpu.memory_space<vmem>>, vector<16xf32>,
      } else {
      }
      %max3A_226 = arith.maximumf %select_n3A_216, %squeeze3A_221 : f32
      %select_n3A_227 = arith.select %ne3A_222, %squeeze3A_221, %max3A_226 : f32
      %select_n3A_228 = arith.select %ne3A_222, %squeeze3A_219, %select_n3A_217 : i32
      %slice3A_229 = vector.extract_strided_slice %get3A_129 {offsets = [9], sizes = [1], strides = [1]} : vector<16xi32> to vector<1xi32>
      %squeeze3A_230 = vector.extract %slice3A_229[0] : i32 from vector<1xi32>
      %slice3A_231 = vector.extract_strided_slice %get3A_134 {offsets = [9], sizes = [1], strides = [1]} : vector<16xf32> to vector<1xf32>
      %squeeze3A_232 = vector.extract %slice3A_231[0] : f32 from vector<1xf32>
      %ne3A_233 = arith.cmpi ne, %squeeze3A_230, %select_n3A_228 : i32
      %convert_element_type3A_234 = arith.extui %ne3A_233 : i1 to i32
      %cond3A_235 = arith.constant 0 : i32
      %cond3A_236 = arith.cmpi ne, %convert_element_type3A_234, %cond3A_235 : i32
      scf.if %cond3A_236 {
        %broadcast_in_dim3A_306 = vector.broadcast %select_n3A_227 : f32 to vector<16xf32>
        %mul3A_307 = arith.constant 16 : i32
        %mul3A_308 = arith.muli %select_n3A_228, %mul3A_307 : i32
        %swap3A_309 = arith.index_cast %mul3A_308 : i32 to index
        %swap3A_310 = tpu.vector_load %arg12[%swap3A_309] {strides = array<i32>} : memref<8192xf32, #tpu.memory_space<vmem>>, vector<16xf32>,
        %swap3A_311 = vector.shape_cast %swap3A_310 : vector<16xf32> to vector<16xf32>
        %swap3A_312 = vector.shape_cast %broadcast_in_dim3A_306 : vector<16xf32> to vector<16xf32>
        tpu.vector_store %arg12[%swap3A_309], %swap3A_312 {strides = array<i32>} : memref<8192xf32, #tpu.memory_space<vmem>>, vector<16xf32>,
      } else {
      }
      %max3A_237 = arith.maximumf %select_n3A_227, %squeeze3A_232 : f32
      %select_n3A_238 = arith.select %ne3A_233, %squeeze3A_232, %max3A_237 : f32
      %select_n3A_239 = arith.select %ne3A_233, %squeeze3A_230, %select_n3A_228 : i32
      %slice3A_240 = vector.extract_strided_slice %get3A_129 {offsets = [10], sizes = [1], strides = [1]} : vector<16xi32> to vector<1xi32>
      %squeeze3A_241 = vector.extract %slice3A_240[0] : i32 from vector<1xi32>
      %slice3A_242 = vector.extract_strided_slice %get3A_134 {offsets = [10], sizes = [1], strides = [1]} : vector<16xf32> to vector<1xf32>
      %squeeze3A_243 = vector.extract %slice3A_242[0] : f32 from vector<1xf32>
      %ne3A_244 = arith.cmpi ne, %squeeze3A_241, %select_n3A_239 : i32
      %convert_element_type3A_245 = arith.extui %ne3A_244 : i1 to i32
      %cond3A_246 = arith.constant 0 : i32
      %cond3A_247 = arith.cmpi ne, %convert_element_type3A_245, %cond3A_246 : i32
      scf.if %cond3A_247 {
        %broadcast_in_dim3A_306 = vector.broadcast %select_n3A_238 : f32 to vector<16xf32>
        %mul3A_307 = arith.constant 16 : i32
        %mul3A_308 = arith.muli %select_n3A_239, %mul3A_307 : i32
        %swap3A_309 = arith.index_cast %mul3A_308 : i32 to index
        %swap3A_310 = tpu.vector_load %arg12[%swap3A_309] {strides = array<i32>} : memref<8192xf32, #tpu.memory_space<vmem>>, vector<16xf32>,
        %swap3A_311 = vector.shape_cast %swap3A_310 : vector<16xf32> to vector<16xf32>
        %swap3A_312 = vector.shape_cast %broadcast_in_dim3A_306 : vector<16xf32> to vector<16xf32>
        tpu.vector_store %arg12[%swap3A_309], %swap3A_312 {strides = array<i32>} : memref<8192xf32, #tpu.memory_space<vmem>>, vector<16xf32>,
      } else {
      }
      %max3A_248 = arith.maximumf %select_n3A_238, %squeeze3A_243 : f32
      %select_n3A_249 = arith.select %ne3A_244, %squeeze3A_243, %max3A_248 : f32
      %select_n3A_250 = arith.select %ne3A_244, %squeeze3A_241, %select_n3A_239 : i32
      %slice3A_251 = vector.extract_strided_slice %get3A_129 {offsets = [11], sizes = [1], strides = [1]} : vector<16xi32> to vector<1xi32>
      %squeeze3A_252 = vector.extract %slice3A_251[0] : i32 from vector<1xi32>
      %slice3A_253 = vector.extract_strided_slice %get3A_134 {offsets = [11], sizes = [1], strides = [1]} : vector<16xf32> to vector<1xf32>
      %squeeze3A_254 = vector.extract %slice3A_253[0] : f32 from vector<1xf32>
      %ne3A_255 = arith.cmpi ne, %squeeze3A_252, %select_n3A_250 : i32
      %convert_element_type3A_256 = arith.extui %ne3A_255 : i1 to i32
      %cond3A_257 = arith.constant 0 : i32
      %cond3A_258 = arith.cmpi ne, %convert_element_type3A_256, %cond3A_257 : i32
      scf.if %cond3A_258 {
        %broadcast_in_dim3A_306 = vector.broadcast %select_n3A_249 : f32 to vector<16xf32>
        %mul3A_307 = arith.constant 16 : i32
        %mul3A_308 = arith.muli %select_n3A_250, %mul3A_307 : i32
        %swap3A_309 = arith.index_cast %mul3A_308 : i32 to index
        %swap3A_310 = tpu.vector_load %arg12[%swap3A_309] {strides = array<i32>} : memref<8192xf32, #tpu.memory_space<vmem>>, vector<16xf32>,
        %swap3A_311 = vector.shape_cast %swap3A_310 : vector<16xf32> to vector<16xf32>
        %swap3A_312 = vector.shape_cast %broadcast_in_dim3A_306 : vector<16xf32> to vector<16xf32>
        tpu.vector_store %arg12[%swap3A_309], %swap3A_312 {strides = array<i32>} : memref<8192xf32, #tpu.memory_space<vmem>>, vector<16xf32>,
      } else {
      }
      %max3A_259 = arith.maximumf %select_n3A_249, %squeeze3A_254 : f32
      %select_n3A_260 = arith.select %ne3A_255, %squeeze3A_254, %max3A_259 : f32
      %select_n3A_261 = arith.select %ne3A_255, %squeeze3A_252, %select_n3A_250 : i32
      %slice3A_262 = vector.extract_strided_slice %get3A_129 {offsets = [12], sizes = [1], strides = [1]} : vector<16xi32> to vector<1xi32>
      %squeeze3A_263 = vector.extract %slice3A_262[0] : i32 from vector<1xi32>
      %slice3A_264 = vector.extract_strided_slice %get3A_134 {offsets = [12], sizes = [1], strides = [1]} : vector<16xf32> to vector<1xf32>
      %squeeze3A_265 = vector.extract %slice3A_264[0] : f32 from vector<1xf32>
      %ne3A_266 = arith.cmpi ne, %squeeze3A_263, %select_n3A_261 : i32
      %convert_element_type3A_267 = arith.extui %ne3A_266 : i1 to i32
      %cond3A_268 = arith.constant 0 : i32
      %cond3A_269 = arith.cmpi ne, %convert_element_type3A_267, %cond3A_268 : i32
      scf.if %cond3A_269 {
        %broadcast_in_dim3A_306 = vector.broadcast %select_n3A_260 : f32 to vector<16xf32>
        %mul3A_307 = arith.constant 16 : i32
        %mul3A_308 = arith.muli %select_n3A_261, %mul3A_307 : i32
        %swap3A_309 = arith.index_cast %mul3A_308 : i32 to index
        %swap3A_310 = tpu.vector_load %arg12[%swap3A_309] {strides = array<i32>} : memref<8192xf32, #tpu.memory_space<vmem>>, vector<16xf32>,
        %swap3A_311 = vector.shape_cast %swap3A_310 : vector<16xf32> to vector<16xf32>
        %swap3A_312 = vector.shape_cast %broadcast_in_dim3A_306 : vector<16xf32> to vector<16xf32>
        tpu.vector_store %arg12[%swap3A_309], %swap3A_312 {strides = array<i32>} : memref<8192xf32, #tpu.memory_space<vmem>>, vector<16xf32>,
      } else {
      }
      %max3A_270 = arith.maximumf %select_n3A_260, %squeeze3A_265 : f32
      %select_n3A_271 = arith.select %ne3A_266, %squeeze3A_265, %max3A_270 : f32
      %select_n3A_272 = arith.select %ne3A_266, %squeeze3A_263, %select_n3A_261 : i32
      %slice3A_273 = vector.extract_strided_slice %get3A_129 {offsets = [13], sizes = [1], strides = [1]} : vector<16xi32> to vector<1xi32>
      %squeeze3A_274 = vector.extract %slice3A_273[0] : i32 from vector<1xi32>
      %slice3A_275 = vector.extract_strided_slice %get3A_134 {offsets = [13], sizes = [1], strides = [1]} : vector<16xf32> to vector<1xf32>
      %squeeze3A_276 = vector.extract %slice3A_275[0] : f32 from vector<1xf32>
      %ne3A_277 = arith.cmpi ne, %squeeze3A_274, %select_n3A_272 : i32
      %convert_element_type3A_278 = arith.extui %ne3A_277 : i1 to i32
      %cond3A_279 = arith.constant 0 : i32
      %cond3A_280 = arith.cmpi ne, %convert_element_type3A_278, %cond3A_279 : i32
      scf.if %cond3A_280 {
        %broadcast_in_dim3A_306 = vector.broadcast %select_n3A_271 : f32 to vector<16xf32>
        %mul3A_307 = arith.constant 16 : i32
        %mul3A_308 = arith.muli %select_n3A_272, %mul3A_307 : i32
        %swap3A_309 = arith.index_cast %mul3A_308 : i32 to index
        %swap3A_310 = tpu.vector_load %arg12[%swap3A_309] {strides = array<i32>} : memref<8192xf32, #tpu.memory_space<vmem>>, vector<16xf32>,
        %swap3A_311 = vector.shape_cast %swap3A_310 : vector<16xf32> to vector<16xf32>
        %swap3A_312 = vector.shape_cast %broadcast_in_dim3A_306 : vector<16xf32> to vector<16xf32>
        tpu.vector_store %arg12[%swap3A_309], %swap3A_312 {strides = array<i32>} : memref<8192xf32, #tpu.memory_space<vmem>>, vector<16xf32>,
      } else {
      }
      %max3A_281 = arith.maximumf %select_n3A_271, %squeeze3A_276 : f32
      %select_n3A_282 = arith.select %ne3A_277, %squeeze3A_276, %max3A_281 : f32
      %select_n3A_283 = arith.select %ne3A_277, %squeeze3A_274, %select_n3A_272 : i32
      %slice3A_284 = vector.extract_strided_slice %get3A_129 {offsets = [14], sizes = [1], strides = [1]} : vector<16xi32> to vector<1xi32>
      %squeeze3A_285 = vector.extract %slice3A_284[0] : i32 from vector<1xi32>
      %slice3A_286 = vector.extract_strided_slice %get3A_134 {offsets = [14], sizes = [1], strides = [1]} : vector<16xf32> to vector<1xf32>
      %squeeze3A_287 = vector.extract %slice3A_286[0] : f32 from vector<1xf32>
      %ne3A_288 = arith.cmpi ne, %squeeze3A_285, %select_n3A_283 : i32
      %convert_element_type3A_289 = arith.extui %ne3A_288 : i1 to i32
      %cond3A_290 = arith.constant 0 : i32
      %cond3A_291 = arith.cmpi ne, %convert_element_type3A_289, %cond3A_290 : i32
      scf.if %cond3A_291 {
        %broadcast_in_dim3A_306 = vector.broadcast %select_n3A_282 : f32 to vector<16xf32>
        %mul3A_307 = arith.constant 16 : i32
        %mul3A_308 = arith.muli %select_n3A_283, %mul3A_307 : i32
        %swap3A_309 = arith.index_cast %mul3A_308 : i32 to index
        %swap3A_310 = tpu.vector_load %arg12[%swap3A_309] {strides = array<i32>} : memref<8192xf32, #tpu.memory_space<vmem>>, vector<16xf32>,
        %swap3A_311 = vector.shape_cast %swap3A_310 : vector<16xf32> to vector<16xf32>
        %swap3A_312 = vector.shape_cast %broadcast_in_dim3A_306 : vector<16xf32> to vector<16xf32>
        tpu.vector_store %arg12[%swap3A_309], %swap3A_312 {strides = array<i32>} : memref<8192xf32, #tpu.memory_space<vmem>>, vector<16xf32>,
      } else {
      }
      %max3A_292 = arith.maximumf %select_n3A_282, %squeeze3A_287 : f32
      %select_n3A_293 = arith.select %ne3A_288, %squeeze3A_287, %max3A_292 : f32
      %select_n3A_294 = arith.select %ne3A_288, %squeeze3A_285, %select_n3A_283 : i32
      %slice3A_295 = vector.extract_strided_slice %get3A_129 {offsets = [15], sizes = [1], strides = [1]} : vector<16xi32> to vector<1xi32>
      %squeeze3A_296 = vector.extract %slice3A_295[0] : i32 from vector<1xi32>
      %slice3A_297 = vector.extract_strided_slice %get3A_134 {offsets = [15], sizes = [1], strides = [1]} : vector<16xf32> to vector<1xf32>
      %squeeze3A_298 = vector.extract %slice3A_297[0] : f32 from vector<1xf32>
      %ne3A_299 = arith.cmpi ne, %squeeze3A_296, %select_n3A_294 : i32
      %convert_element_type3A_300 = arith.extui %ne3A_299 : i1 to i32
      %cond3A_301 = arith.constant 0 : i32
      %cond3A_302 = arith.cmpi ne, %convert_element_type3A_300, %cond3A_301 : i32
      scf.if %cond3A_302 {
        %broadcast_in_dim3A_306 = vector.broadcast %select_n3A_293 : f32 to vector<16xf32>
        %mul3A_307 = arith.constant 16 : i32
        %mul3A_308 = arith.muli %select_n3A_294, %mul3A_307 : i32
        %swap3A_309 = arith.index_cast %mul3A_308 : i32 to index
        %swap3A_310 = tpu.vector_load %arg12[%swap3A_309] {strides = array<i32>} : memref<8192xf32, #tpu.memory_space<vmem>>, vector<16xf32>,
        %swap3A_311 = vector.shape_cast %swap3A_310 : vector<16xf32> to vector<16xf32>
        %swap3A_312 = vector.shape_cast %broadcast_in_dim3A_306 : vector<16xf32> to vector<16xf32>
        tpu.vector_store %arg12[%swap3A_309], %swap3A_312 {strides = array<i32>} : memref<8192xf32, #tpu.memory_space<vmem>>, vector<16xf32>,
      } else {
      }
      %max3A_303 = arith.maximumf %select_n3A_293, %squeeze3A_298 : f32
      %select_n3A_304 = arith.select %ne3A_299, %squeeze3A_298, %max3A_303 : f32
      %select_n3A_305 = arith.select %ne3A_299, %squeeze3A_296, %select_n3A_294 : i32
      scf.yield %select_n3A_305, %select_n3A_304 : i32, f32
    }
    %scan3A_10 = arith.constant 20 : i32
    %broadcast_in_dim3A = vector.broadcast %scan3A_9#1 : f32 to vector<16xf32>
    %mul3A_11 = arith.constant 16 : i32
    %mul3A_12 = arith.muli %scan3A_9#0, %mul3A_11 : i32
    %swap3A = arith.index_cast %mul3A_12 : i32 to index
    %swap3A_13 = tpu.vector_load %arg12[%swap3A] {strides = array<i32>} : memref<8192xf32, #tpu.memory_space<vmem>>, vector<16xf32>,
    %swap3A_14 = vector.shape_cast %swap3A_13 : vector<16xf32> to vector<16xf32>
    %swap3A_15 = vector.shape_cast %broadcast_in_dim3A : vector<16xf32> to vector<16xf32>
    tpu.vector_store %arg12[%swap3A], %swap3A_15 {strides = array<i32>} : memref<8192xf32, #tpu.memory_space<vmem>>, vector<16xf32>,
    "tpu.region"() ({
      %run_scoped3A_122 = tpu.sem_alloc : memref<!tpu.dma_semaphore, #tpu.memory_space<semaphore_mem>>
      %dma_start3A = arith.constant 0 : i32
      %dma_start3A_123 = tpu.memref_slice %arg22[%arg1, %dma_start3A] : memref<16x8192xf32, #tpu.memory_space<vmem_shared>> -> memref<1x8192xf32, #tpu.memory_space<vmem_shared>>
      %dma_start3A_124 = tpu.memref_squeeze %dma_start3A_123 : memref<1x8192xf32, #tpu.memory_space<vmem_shared>> -> memref<8192xf32, #tpu.memory_space<vmem_shared>>
      %dma_start3A_125 = arith.constant 0 : i32
      %dma_start3A_126 = tpu.memref_slice %arg22[%arg1, %dma_start3A_125] : memref<16x8192xf32, #tpu.memory_space<vmem_shared>> -> memref<1x8192xf32, #tpu.memory_space<vmem_shared>>
      %dma_start3A_127 = tpu.memref_squeeze %dma_start3A_126 : memref<1x8192xf32, #tpu.memory_space<vmem_shared>> -> memref<8192xf32, #tpu.memory_space<vmem_shared>>
      tpu.enqueue_dma source(%arg12 : memref<8192xf32, #tpu.memory_space<vmem>>) target(%dma_start3A_127 : memref<8192xf32, #tpu.memory_space<vmem_shared>>) target_semaphore(%run_scoped3A_122 : memref<!tpu.dma_semaphore, #tpu.memory_space<semaphore_mem>>)
      %dma_wait3A = arith.constant 0 : i32
      %dma_wait3A_128 = tpu.memref_slice %arg22[%arg1, %dma_wait3A] : memref<16x8192xf32, #tpu.memory_space<vmem_shared>> -> memref<1x8192xf32, #tpu.memory_space<vmem_shared>>
      %dma_wait3A_129 = tpu.memref_squeeze %dma_wait3A_128 : memref<1x8192xf32, #tpu.memory_space<vmem_shared>> -> memref<8192xf32, #tpu.memory_space<vmem_shared>>
      %dma_wait3A_130 = arith.constant 0 : i32
      %dma_wait3A_131 = tpu.memref_slice %arg22[%arg1, %dma_wait3A_130] : memref<16x8192xf32, #tpu.memory_space<vmem_shared>> -> memref<1x8192xf32, #tpu.memory_space<vmem_shared>>
      %dma_wait3A_132 = tpu.memref_squeeze %dma_wait3A_131 : memref<1x8192xf32, #tpu.memory_space<vmem_shared>> -> memref<8192xf32, #tpu.memory_space<vmem_shared>>
      tpu.wait_dma2 semaphore(%run_scoped3A_122 : memref<!tpu.dma_semaphore, #tpu.memory_space<semaphore_mem>>) src(%arg12 : memref<8192xf32, #tpu.memory_space<vmem>>) dst(%dma_wait3A_132 : memref<8192xf32, #tpu.memory_space<vmem_shared>>)
      tpu.yield
    }) : () -> ()
    %barrier3A = arith.constant 0 : index
    tpu.barrier barrier_id(%barrier3A)
    %mul3A_16 = arith.constant 512 : i32
    %mul3A_17 = arith.muli %arg1, %mul3A_16 : i32
    %run_scoped3A = arith.constant 0 : i32
    "tpu.region"() ({
      %run_scoped3A_122 = tpu.sem_alloc : memref<!tpu.dma_semaphore, #tpu.memory_space<semaphore_mem>>
      %dma_start3A = tpu.memref_slice %arg22[%run_scoped3A, %mul3A_17] : memref<16x8192xf32, #tpu.memory_space<vmem_shared>> -> memref<1x512xf32, #tpu.memory_space<vmem_shared>>
      %dma_start3A_123 = tpu.memref_squeeze %dma_start3A : memref<1x512xf32, #tpu.memory_space<vmem_shared>> -> memref<512xf32, #tpu.memory_space<vmem_shared>>
      %dma_start3A_124 = tpu.memref_slice %arg22[%run_scoped3A, %mul3A_17] : memref<16x8192xf32, #tpu.memory_space<vmem_shared>> -> memref<1x512xf32, #tpu.memory_space<vmem_shared>>
      %dma_start3A_125 = tpu.memref_squeeze %dma_start3A_124 : memref<1x512xf32, #tpu.memory_space<vmem_shared>> -> memref<512xf32, #tpu.memory_space<vmem_shared>>
      tpu.enqueue_dma source(%dma_start3A_125 : memref<512xf32, #tpu.memory_space<vmem_shared>>) target(%arg14 : memref<512xf32, #tpu.memory_space<vmem>>) target_semaphore(%run_scoped3A_122 : memref<!tpu.dma_semaphore, #tpu.memory_space<semaphore_mem>>)
      %dma_wait3A = tpu.memref_slice %arg22[%run_scoped3A, %mul3A_17] : memref<16x8192xf32, #tpu.memory_space<vmem_shared>> -> memref<1x512xf32, #tpu.memory_space<vmem_shared>>
      %dma_wait3A_126 = tpu.memref_squeeze %dma_wait3A : memref<1x512xf32, #tpu.memory_space<vmem_shared>> -> memref<512xf32, #tpu.memory_space<vmem_shared>>
      %dma_wait3A_127 = tpu.memref_slice %arg22[%run_scoped3A, %mul3A_17] : memref<16x8192xf32, #tpu.memory_space<vmem_shared>> -> memref<1x512xf32, #tpu.memory_space<vmem_shared>>
      %dma_wait3A_128 = tpu.memref_squeeze %dma_wait3A_127 : memref<1x512xf32, #tpu.memory_space<vmem_shared>> -> memref<512xf32, #tpu.memory_space<vmem_shared>>
      tpu.wait_dma2 semaphore(%run_scoped3A_122 : memref<!tpu.dma_semaphore, #tpu.memory_space<semaphore_mem>>) src(%dma_wait3A_128 : memref<512xf32, #tpu.memory_space<vmem_shared>>) dst(%arg14 : memref<512xf32, #tpu.memory_space<vmem>>)
      tpu.yield
    }) : () -> ()
    %scan3A_18 = arith.constant 0 : i32
    %scan3A_19 = arith.constant 1 : i32
    %scan3A_20 = arith.constant 15 : i32
    %scan3A_21 = arith.addi %scan3A_19, %scan3A_20 : i32
    %scan3A_22 = arith.constant 1 : i32
    scf.for %scan3A_122 = %scan3A_19 to %scan3A_21 step %scan3A_22  : i32 {
      %mul3A_123 = arith.constant 512 : i32
      %mul3A_124 = arith.muli %arg1, %mul3A_123 : i32
      "tpu.region"() ({
        %run_scoped3A_476 = tpu.sem_alloc : memref<!tpu.dma_semaphore, #tpu.memory_space<semaphore_mem>>
        %dma_start3A = tpu.memref_slice %arg22[%scan3A_122, %mul3A_124] : memref<16x8192xf32, #tpu.memory_space<vmem_shared>> -> memref<1x512xf32, #tpu.memory_space<vmem_shared>>
        %dma_start3A_477 = tpu.memref_squeeze %dma_start3A : memref<1x512xf32, #tpu.memory_space<vmem_shared>> -> memref<512xf32, #tpu.memory_space<vmem_shared>>
        %dma_start3A_478 = tpu.memref_slice %arg22[%scan3A_122, %mul3A_124] : memref<16x8192xf32, #tpu.memory_space<vmem_shared>> -> memref<1x512xf32, #tpu.memory_space<vmem_shared>>
        %dma_start3A_479 = tpu.memref_squeeze %dma_start3A_478 : memref<1x512xf32, #tpu.memory_space<vmem_shared>> -> memref<512xf32, #tpu.memory_space<vmem_shared>>
        tpu.enqueue_dma source(%dma_start3A_479 : memref<512xf32, #tpu.memory_space<vmem_shared>>) target(%arg13 : memref<512xf32, #tpu.memory_space<vmem>>) target_semaphore(%run_scoped3A_476 : memref<!tpu.dma_semaphore, #tpu.memory_space<semaphore_mem>>)
        %dma_wait3A = tpu.memref_slice %arg22[%scan3A_122, %mul3A_124] : memref<16x8192xf32, #tpu.memory_space<vmem_shared>> -> memref<1x512xf32, #tpu.memory_space<vmem_shared>>
        %dma_wait3A_480 = tpu.memref_squeeze %dma_wait3A : memref<1x512xf32, #tpu.memory_space<vmem_shared>> -> memref<512xf32, #tpu.memory_space<vmem_shared>>
        %dma_wait3A_481 = tpu.memref_slice %arg22[%scan3A_122, %mul3A_124] : memref<16x8192xf32, #tpu.memory_space<vmem_shared>> -> memref<1x512xf32, #tpu.memory_space<vmem_shared>>
        %dma_wait3A_482 = tpu.memref_squeeze %dma_wait3A_481 : memref<1x512xf32, #tpu.memory_space<vmem_shared>> -> memref<512xf32, #tpu.memory_space<vmem_shared>>
        tpu.wait_dma2 semaphore(%run_scoped3A_476 : memref<!tpu.dma_semaphore, #tpu.memory_space<semaphore_mem>>) src(%dma_wait3A_482 : memref<512xf32, #tpu.memory_space<vmem_shared>>) dst(%arg13 : memref<512xf32, #tpu.memory_space<vmem>>)
        tpu.yield
      }) : () -> ()
      %get3A_125 = arith.constant 0 : index
      %get3A_126 = tpu.vector_load %arg14[%get3A_125] {strides = array<i32>} : memref<512xf32, #tpu.memory_space<vmem>>, vector<16xf32>,
      %get3A_127 = vector.shape_cast %get3A_126 : vector<16xf32> to vector<16xf32>
      %get3A_128 = arith.constant 0 : index
      %get3A_129 = tpu.vector_load %arg13[%get3A_128] {strides = array<i32>} : memref<512xf32, #tpu.memory_space<vmem>>, vector<16xf32>,
      %get3A_130 = vector.shape_cast %get3A_129 : vector<16xf32> to vector<16xf32>
      %max3A = arith.maximumf %get3A_127, %get3A_130 : vector<16xf32>
      %swap3A_131 = arith.constant 0 : index
      %swap3A_132 = tpu.vector_load %arg14[%swap3A_131] {strides = array<i32>} : memref<512xf32, #tpu.memory_space<vmem>>, vector<16xf32>,
      %swap3A_133 = vector.shape_cast %swap3A_132 : vector<16xf32> to vector<16xf32>
      %swap3A_134 = vector.shape_cast %max3A : vector<16xf32> to vector<16xf32>
      tpu.vector_store %arg14[%swap3A_131], %swap3A_134 {strides = array<i32>} : memref<512xf32, #tpu.memory_space<vmem>>, vector<16xf32>,
      %get3A_135 = arith.constant 16 : index
      %get3A_136 = tpu.vector_load %arg14[%get3A_135] {strides = array<i32>} : memref<512xf32, #tpu.memory_space<vmem>>, vector<16xf32>,
      %get3A_137 = vector.shape_cast %get3A_136 : vector<16xf32> to vector<16xf32>
      %get3A_138 = arith.constant 16 : index
      %get3A_139 = tpu.vector_load %arg13[%get3A_138] {strides = array<i32>} : memref<512xf32, #tpu.memory_space<vmem>>, vector<16xf32>,
      %get3A_140 = vector.shape_cast %get3A_139 : vector<16xf32> to vector<16xf32>
      %max3A_141 = arith.maximumf %get3A_137, %get3A_140 : vector<16xf32>
      %swap3A_142 = arith.constant 16 : index
      %swap3A_143 = tpu.vector_load %arg14[%swap3A_142] {strides = array<i32>} : memref<512xf32, #tpu.memory_space<vmem>>, vector<16xf32>,
      %swap3A_144 = vector.shape_cast %swap3A_143 : vector<16xf32> to vector<16xf32>
      %swap3A_145 = vector.shape_cast %max3A_141 : vector<16xf32> to vector<16xf32>
      tpu.vector_store %arg14[%swap3A_142], %swap3A_145 {strides = array<i32>} : memref<512xf32, #tpu.memory_space<vmem>>, vector<16xf32>,
      %get3A_146 = arith.constant 32 : index
      %get3A_147 = tpu.vector_load %arg14[%get3A_146] {strides = array<i32>} : memref<512xf32, #tpu.memory_space<vmem>>, vector<16xf32>,
      %get3A_148 = vector.shape_cast %get3A_147 : vector<16xf32> to vector<16xf32>
      %get3A_149 = arith.constant 32 : index
      %get3A_150 = tpu.vector_load %arg13[%get3A_149] {strides = array<i32>} : memref<512xf32, #tpu.memory_space<vmem>>, vector<16xf32>,
      %get3A_151 = vector.shape_cast %get3A_150 : vector<16xf32> to vector<16xf32>
      %max3A_152 = arith.maximumf %get3A_148, %get3A_151 : vector<16xf32>
      %swap3A_153 = arith.constant 32 : index
      %swap3A_154 = tpu.vector_load %arg14[%swap3A_153] {strides = array<i32>} : memref<512xf32, #tpu.memory_space<vmem>>, vector<16xf32>,
      %swap3A_155 = vector.shape_cast %swap3A_154 : vector<16xf32> to vector<16xf32>
      %swap3A_156 = vector.shape_cast %max3A_152 : vector<16xf32> to vector<16xf32>
      tpu.vector_store %arg14[%swap3A_153], %swap3A_156 {strides = array<i32>} : memref<512xf32, #tpu.memory_space<vmem>>, vector<16xf32>,
      %get3A_157 = arith.constant 48 : index
      %get3A_158 = tpu.vector_load %arg14[%get3A_157] {strides = array<i32>} : memref<512xf32, #tpu.memory_space<vmem>>, vector<16xf32>,
      %get3A_159 = vector.shape_cast %get3A_158 : vector<16xf32> to vector<16xf32>
      %get3A_160 = arith.constant 48 : index
      %get3A_161 = tpu.vector_load %arg13[%get3A_160] {strides = array<i32>} : memref<512xf32, #tpu.memory_space<vmem>>, vector<16xf32>,
      %get3A_162 = vector.shape_cast %get3A_161 : vector<16xf32> to vector<16xf32>
      %max3A_163 = arith.maximumf %get3A_159, %get3A_162 : vector<16xf32>
      %swap3A_164 = arith.constant 48 : index
      %swap3A_165 = tpu.vector_load %arg14[%swap3A_164] {strides = array<i32>} : memref<512xf32, #tpu.memory_space<vmem>>, vector<16xf32>,
      %swap3A_166 = vector.shape_cast %swap3A_165 : vector<16xf32> to vector<16xf32>
      %swap3A_167 = vector.shape_cast %max3A_163 : vector<16xf32> to vector<16xf32>
      tpu.vector_store %arg14[%swap3A_164], %swap3A_167 {strides = array<i32>} : memref<512xf32, #tpu.memory_space<vmem>>, vector<16xf32>,
      %get3A_168 = arith.constant 64 : index
      %get3A_169 = tpu.vector_load %arg14[%get3A_168] {strides = array<i32>} : memref<512xf32, #tpu.memory_space<vmem>>, vector<16xf32>,
      %get3A_170 = vector.shape_cast %get3A_169 : vector<16xf32> to vector<16xf32>
      %get3A_171 = arith.constant 64 : index
      %get3A_172 = tpu.vector_load %arg13[%get3A_171] {strides = array<i32>} : memref<512xf32, #tpu.memory_space<vmem>>, vector<16xf32>,
      %get3A_173 = vector.shape_cast %get3A_172 : vector<16xf32> to vector<16xf32>
      %max3A_174 = arith.maximumf %get3A_170, %get3A_173 : vector<16xf32>
      %swap3A_175 = arith.constant 64 : index
      %swap3A_176 = tpu.vector_load %arg14[%swap3A_175] {strides = array<i32>} : memref<512xf32, #tpu.memory_space<vmem>>, vector<16xf32>,
      %swap3A_177 = vector.shape_cast %swap3A_176 : vector<16xf32> to vector<16xf32>
      %swap3A_178 = vector.shape_cast %max3A_174 : vector<16xf32> to vector<16xf32>
      tpu.vector_store %arg14[%swap3A_175], %swap3A_178 {strides = array<i32>} : memref<512xf32, #tpu.memory_space<vmem>>, vector<16xf32>,
      %get3A_179 = arith.constant 80 : index
      %get3A_180 = tpu.vector_load %arg14[%get3A_179] {strides = array<i32>} : memref<512xf32, #tpu.memory_space<vmem>>, vector<16xf32>,
      %get3A_181 = vector.shape_cast %get3A_180 : vector<16xf32> to vector<16xf32>
      %get3A_182 = arith.constant 80 : index
      %get3A_183 = tpu.vector_load %arg13[%get3A_182] {strides = array<i32>} : memref<512xf32, #tpu.memory_space<vmem>>, vector<16xf32>,
      %get3A_184 = vector.shape_cast %get3A_183 : vector<16xf32> to vector<16xf32>
      %max3A_185 = arith.maximumf %get3A_181, %get3A_184 : vector<16xf32>
      %swap3A_186 = arith.constant 80 : index
      %swap3A_187 = tpu.vector_load %arg14[%swap3A_186] {strides = array<i32>} : memref<512xf32, #tpu.memory_space<vmem>>, vector<16xf32>,
      %swap3A_188 = vector.shape_cast %swap3A_187 : vector<16xf32> to vector<16xf32>
      %swap3A_189 = vector.shape_cast %max3A_185 : vector<16xf32> to vector<16xf32>
      tpu.vector_store %arg14[%swap3A_186], %swap3A_189 {strides = array<i32>} : memref<512xf32, #tpu.memory_space<vmem>>, vector<16xf32>,
      %get3A_190 = arith.constant 96 : index
      %get3A_191 = tpu.vector_load %arg14[%get3A_190] {strides = array<i32>} : memref<512xf32, #tpu.memory_space<vmem>>, vector<16xf32>,
      %get3A_192 = vector.shape_cast %get3A_191 : vector<16xf32> to vector<16xf32>
      %get3A_193 = arith.constant 96 : index
      %get3A_194 = tpu.vector_load %arg13[%get3A_193] {strides = array<i32>} : memref<512xf32, #tpu.memory_space<vmem>>, vector<16xf32>,
      %get3A_195 = vector.shape_cast %get3A_194 : vector<16xf32> to vector<16xf32>
      %max3A_196 = arith.maximumf %get3A_192, %get3A_195 : vector<16xf32>
      %swap3A_197 = arith.constant 96 : index
      %swap3A_198 = tpu.vector_load %arg14[%swap3A_197] {strides = array<i32>} : memref<512xf32, #tpu.memory_space<vmem>>, vector<16xf32>,
      %swap3A_199 = vector.shape_cast %swap3A_198 : vector<16xf32> to vector<16xf32>
      %swap3A_200 = vector.shape_cast %max3A_196 : vector<16xf32> to vector<16xf32>
      tpu.vector_store %arg14[%swap3A_197], %swap3A_200 {strides = array<i32>} : memref<512xf32, #tpu.memory_space<vmem>>, vector<16xf32>,
      %get3A_201 = arith.constant 112 : index
      %get3A_202 = tpu.vector_load %arg14[%get3A_201] {strides = array<i32>} : memref<512xf32, #tpu.memory_space<vmem>>, vector<16xf32>,
      %get3A_203 = vector.shape_cast %get3A_202 : vector<16xf32> to vector<16xf32>
      %get3A_204 = arith.constant 112 : index
      %get3A_205 = tpu.vector_load %arg13[%get3A_204] {strides = array<i32>} : memref<512xf32, #tpu.memory_space<vmem>>, vector<16xf32>,
      %get3A_206 = vector.shape_cast %get3A_205 : vector<16xf32> to vector<16xf32>
      %max3A_207 = arith.maximumf %get3A_203, %get3A_206 : vector<16xf32>
      %swap3A_208 = arith.constant 112 : index
      %swap3A_209 = tpu.vector_load %arg14[%swap3A_208] {strides = array<i32>} : memref<512xf32, #tpu.memory_space<vmem>>, vector<16xf32>,
      %swap3A_210 = vector.shape_cast %swap3A_209 : vector<16xf32> to vector<16xf32>
      %swap3A_211 = vector.shape_cast %max3A_207 : vector<16xf32> to vector<16xf32>
      tpu.vector_store %arg14[%swap3A_208], %swap3A_211 {strides = array<i32>} : memref<512xf32, #tpu.memory_space<vmem>>, vector<16xf32>,
      %get3A_212 = arith.constant 128 : index
      %get3A_213 = tpu.vector_load %arg14[%get3A_212] {strides = array<i32>} : memref<512xf32, #tpu.memory_space<vmem>>, vector<16xf32>,
      %get3A_214 = vector.shape_cast %get3A_213 : vector<16xf32> to vector<16xf32>
      %get3A_215 = arith.constant 128 : index
      %get3A_216 = tpu.vector_load %arg13[%get3A_215] {strides = array<i32>} : memref<512xf32, #tpu.memory_space<vmem>>, vector<16xf32>,
      %get3A_217 = vector.shape_cast %get3A_216 : vector<16xf32> to vector<16xf32>
      %max3A_218 = arith.maximumf %get3A_214, %get3A_217 : vector<16xf32>
      %swap3A_219 = arith.constant 128 : index
      %swap3A_220 = tpu.vector_load %arg14[%swap3A_219] {strides = array<i32>} : memref<512xf32, #tpu.memory_space<vmem>>, vector<16xf32>,
      %swap3A_221 = vector.shape_cast %swap3A_220 : vector<16xf32> to vector<16xf32>
      %swap3A_222 = vector.shape_cast %max3A_218 : vector<16xf32> to vector<16xf32>
      tpu.vector_store %arg14[%swap3A_219], %swap3A_222 {strides = array<i32>} : memref<512xf32, #tpu.memory_space<vmem>>, vector<16xf32>,
      %get3A_223 = arith.constant 144 : index
      %get3A_224 = tpu.vector_load %arg14[%get3A_223] {strides = array<i32>} : memref<512xf32, #tpu.memory_space<vmem>>, vector<16xf32>,
      %get3A_225 = vector.shape_cast %get3A_224 : vector<16xf32> to vector<16xf32>
      %get3A_226 = arith.constant 144 : index
      %get3A_227 = tpu.vector_load %arg13[%get3A_226] {strides = array<i32>} : memref<512xf32, #tpu.memory_space<vmem>>, vector<16xf32>,
      %get3A_228 = vector.shape_cast %get3A_227 : vector<16xf32> to vector<16xf32>
      %max3A_229 = arith.maximumf %get3A_225, %get3A_228 : vector<16xf32>
      %swap3A_230 = arith.constant 144 : index
      %swap3A_231 = tpu.vector_load %arg14[%swap3A_230] {strides = array<i32>} : memref<512xf32, #tpu.memory_space<vmem>>, vector<16xf32>,
      %swap3A_232 = vector.shape_cast %swap3A_231 : vector<16xf32> to vector<16xf32>
      %swap3A_233 = vector.shape_cast %max3A_229 : vector<16xf32> to vector<16xf32>
      tpu.vector_store %arg14[%swap3A_230], %swap3A_233 {strides = array<i32>} : memref<512xf32, #tpu.memory_space<vmem>>, vector<16xf32>,
      %get3A_234 = arith.constant 160 : index
      %get3A_235 = tpu.vector_load %arg14[%get3A_234] {strides = array<i32>} : memref<512xf32, #tpu.memory_space<vmem>>, vector<16xf32>,
      %get3A_236 = vector.shape_cast %get3A_235 : vector<16xf32> to vector<16xf32>
      %get3A_237 = arith.constant 160 : index
      %get3A_238 = tpu.vector_load %arg13[%get3A_237] {strides = array<i32>} : memref<512xf32, #tpu.memory_space<vmem>>, vector<16xf32>,
      %get3A_239 = vector.shape_cast %get3A_238 : vector<16xf32> to vector<16xf32>
      %max3A_240 = arith.maximumf %get3A_236, %get3A_239 : vector<16xf32>
      %swap3A_241 = arith.constant 160 : index
      %swap3A_242 = tpu.vector_load %arg14[%swap3A_241] {strides = array<i32>} : memref<512xf32, #tpu.memory_space<vmem>>, vector<16xf32>,
      %swap3A_243 = vector.shape_cast %swap3A_242 : vector<16xf32> to vector<16xf32>
      %swap3A_244 = vector.shape_cast %max3A_240 : vector<16xf32> to vector<16xf32>
      tpu.vector_store %arg14[%swap3A_241], %swap3A_244 {strides = array<i32>} : memref<512xf32, #tpu.memory_space<vmem>>, vector<16xf32>,
      %get3A_245 = arith.constant 176 : index
      %get3A_246 = tpu.vector_load %arg14[%get3A_245] {strides = array<i32>} : memref<512xf32, #tpu.memory_space<vmem>>, vector<16xf32>,
      %get3A_247 = vector.shape_cast %get3A_246 : vector<16xf32> to vector<16xf32>
      %get3A_248 = arith.constant 176 : index
      %get3A_249 = tpu.vector_load %arg13[%get3A_248] {strides = array<i32>} : memref<512xf32, #tpu.memory_space<vmem>>, vector<16xf32>,
      %get3A_250 = vector.shape_cast %get3A_249 : vector<16xf32> to vector<16xf32>
      %max3A_251 = arith.maximumf %get3A_247, %get3A_250 : vector<16xf32>
      %swap3A_252 = arith.constant 176 : index
      %swap3A_253 = tpu.vector_load %arg14[%swap3A_252] {strides = array<i32>} : memref<512xf32, #tpu.memory_space<vmem>>, vector<16xf32>,
      %swap3A_254 = vector.shape_cast %swap3A_253 : vector<16xf32> to vector<16xf32>
      %swap3A_255 = vector.shape_cast %max3A_251 : vector<16xf32> to vector<16xf32>
      tpu.vector_store %arg14[%swap3A_252], %swap3A_255 {strides = array<i32>} : memref<512xf32, #tpu.memory_space<vmem>>, vector<16xf32>,
      %get3A_256 = arith.constant 192 : index
      %get3A_257 = tpu.vector_load %arg14[%get3A_256] {strides = array<i32>} : memref<512xf32, #tpu.memory_space<vmem>>, vector<16xf32>,
      %get3A_258 = vector.shape_cast %get3A_257 : vector<16xf32> to vector<16xf32>
      %get3A_259 = arith.constant 192 : index
      %get3A_260 = tpu.vector_load %arg13[%get3A_259] {strides = array<i32>} : memref<512xf32, #tpu.memory_space<vmem>>, vector<16xf32>,
      %get3A_261 = vector.shape_cast %get3A_260 : vector<16xf32> to vector<16xf32>
      %max3A_262 = arith.maximumf %get3A_258, %get3A_261 : vector<16xf32>
      %swap3A_263 = arith.constant 192 : index
      %swap3A_264 = tpu.vector_load %arg14[%swap3A_263] {strides = array<i32>} : memref<512xf32, #tpu.memory_space<vmem>>, vector<16xf32>,
      %swap3A_265 = vector.shape_cast %swap3A_264 : vector<16xf32> to vector<16xf32>
      %swap3A_266 = vector.shape_cast %max3A_262 : vector<16xf32> to vector<16xf32>
      tpu.vector_store %arg14[%swap3A_263], %swap3A_266 {strides = array<i32>} : memref<512xf32, #tpu.memory_space<vmem>>, vector<16xf32>,
      %get3A_267 = arith.constant 208 : index
      %get3A_268 = tpu.vector_load %arg14[%get3A_267] {strides = array<i32>} : memref<512xf32, #tpu.memory_space<vmem>>, vector<16xf32>,
      %get3A_269 = vector.shape_cast %get3A_268 : vector<16xf32> to vector<16xf32>
      %get3A_270 = arith.constant 208 : index
      %get3A_271 = tpu.vector_load %arg13[%get3A_270] {strides = array<i32>} : memref<512xf32, #tpu.memory_space<vmem>>, vector<16xf32>,
      %get3A_272 = vector.shape_cast %get3A_271 : vector<16xf32> to vector<16xf32>
      %max3A_273 = arith.maximumf %get3A_269, %get3A_272 : vector<16xf32>
      %swap3A_274 = arith.constant 208 : index
      %swap3A_275 = tpu.vector_load %arg14[%swap3A_274] {strides = array<i32>} : memref<512xf32, #tpu.memory_space<vmem>>, vector<16xf32>,
      %swap3A_276 = vector.shape_cast %swap3A_275 : vector<16xf32> to vector<16xf32>
      %swap3A_277 = vector.shape_cast %max3A_273 : vector<16xf32> to vector<16xf32>
      tpu.vector_store %arg14[%swap3A_274], %swap3A_277 {strides = array<i32>} : memref<512xf32, #tpu.memory_space<vmem>>, vector<16xf32>,
      %get3A_278 = arith.constant 224 : index
      %get3A_279 = tpu.vector_load %arg14[%get3A_278] {strides = array<i32>} : memref<512xf32, #tpu.memory_space<vmem>>, vector<16xf32>,
      %get3A_280 = vector.shape_cast %get3A_279 : vector<16xf32> to vector<16xf32>
      %get3A_281 = arith.constant 224 : index
      %get3A_282 = tpu.vector_load %arg13[%get3A_281] {strides = array<i32>} : memref<512xf32, #tpu.memory_space<vmem>>, vector<16xf32>,
      %get3A_283 = vector.shape_cast %get3A_282 : vector<16xf32> to vector<16xf32>
      %max3A_284 = arith.maximumf %get3A_280, %get3A_283 : vector<16xf32>
      %swap3A_285 = arith.constant 224 : index
      %swap3A_286 = tpu.vector_load %arg14[%swap3A_285] {strides = array<i32>} : memref<512xf32, #tpu.memory_space<vmem>>, vector<16xf32>,
      %swap3A_287 = vector.shape_cast %swap3A_286 : vector<16xf32> to vector<16xf32>
      %swap3A_288 = vector.shape_cast %max3A_284 : vector<16xf32> to vector<16xf32>
      tpu.vector_store %arg14[%swap3A_285], %swap3A_288 {strides = array<i32>} : memref<512xf32, #tpu.memory_space<vmem>>, vector<16xf32>,
      %get3A_289 = arith.constant 240 : index
      %get3A_290 = tpu.vector_load %arg14[%get3A_289] {strides = array<i32>} : memref<512xf32, #tpu.memory_space<vmem>>, vector<16xf32>,
      %get3A_291 = vector.shape_cast %get3A_290 : vector<16xf32> to vector<16xf32>
      %get3A_292 = arith.constant 240 : index
      %get3A_293 = tpu.vector_load %arg13[%get3A_292] {strides = array<i32>} : memref<512xf32, #tpu.memory_space<vmem>>, vector<16xf32>,
      %get3A_294 = vector.shape_cast %get3A_293 : vector<16xf32> to vector<16xf32>
      %max3A_295 = arith.maximumf %get3A_291, %get3A_294 : vector<16xf32>
      %swap3A_296 = arith.constant 240 : index
      %swap3A_297 = tpu.vector_load %arg14[%swap3A_296] {strides = array<i32>} : memref<512xf32, #tpu.memory_space<vmem>>, vector<16xf32>,
      %swap3A_298 = vector.shape_cast %swap3A_297 : vector<16xf32> to vector<16xf32>
      %swap3A_299 = vector.shape_cast %max3A_295 : vector<16xf32> to vector<16xf32>
      tpu.vector_store %arg14[%swap3A_296], %swap3A_299 {strides = array<i32>} : memref<512xf32, #tpu.memory_space<vmem>>, vector<16xf32>,
      %get3A_300 = arith.constant 256 : index
      %get3A_301 = tpu.vector_load %arg14[%get3A_300] {strides = array<i32>} : memref<512xf32, #tpu.memory_space<vmem>>, vector<16xf32>,
      %get3A_302 = vector.shape_cast %get3A_301 : vector<16xf32> to vector<16xf32>
      %get3A_303 = arith.constant 256 : index
      %get3A_304 = tpu.vector_load %arg13[%get3A_303] {strides = array<i32>} : memref<512xf32, #tpu.memory_space<vmem>>, vector<16xf32>,
      %get3A_305 = vector.shape_cast %get3A_304 : vector<16xf32> to vector<16xf32>
      %max3A_306 = arith.maximumf %get3A_302, %get3A_305 : vector<16xf32>
      %swap3A_307 = arith.constant 256 : index
      %swap3A_308 = tpu.vector_load %arg14[%swap3A_307] {strides = array<i32>} : memref<512xf32, #tpu.memory_space<vmem>>, vector<16xf32>,
      %swap3A_309 = vector.shape_cast %swap3A_308 : vector<16xf32> to vector<16xf32>
      %swap3A_310 = vector.shape_cast %max3A_306 : vector<16xf32> to vector<16xf32>
      tpu.vector_store %arg14[%swap3A_307], %swap3A_310 {strides = array<i32>} : memref<512xf32, #tpu.memory_space<vmem>>, vector<16xf32>,
      %get3A_311 = arith.constant 272 : index
      %get3A_312 = tpu.vector_load %arg14[%get3A_311] {strides = array<i32>} : memref<512xf32, #tpu.memory_space<vmem>>, vector<16xf32>,
      %get3A_313 = vector.shape_cast %get3A_312 : vector<16xf32> to vector<16xf32>
      %get3A_314 = arith.constant 272 : index
      %get3A_315 = tpu.vector_load %arg13[%get3A_314] {strides = array<i32>} : memref<512xf32, #tpu.memory_space<vmem>>, vector<16xf32>,
      %get3A_316 = vector.shape_cast %get3A_315 : vector<16xf32> to vector<16xf32>
      %max3A_317 = arith.maximumf %get3A_313, %get3A_316 : vector<16xf32>
      %swap3A_318 = arith.constant 272 : index
      %swap3A_319 = tpu.vector_load %arg14[%swap3A_318] {strides = array<i32>} : memref<512xf32, #tpu.memory_space<vmem>>, vector<16xf32>,
      %swap3A_320 = vector.shape_cast %swap3A_319 : vector<16xf32> to vector<16xf32>
      %swap3A_321 = vector.shape_cast %max3A_317 : vector<16xf32> to vector<16xf32>
      tpu.vector_store %arg14[%swap3A_318], %swap3A_321 {strides = array<i32>} : memref<512xf32, #tpu.memory_space<vmem>>, vector<16xf32>,
      %get3A_322 = arith.constant 288 : index
      %get3A_323 = tpu.vector_load %arg14[%get3A_322] {strides = array<i32>} : memref<512xf32, #tpu.memory_space<vmem>>, vector<16xf32>,
      %get3A_324 = vector.shape_cast %get3A_323 : vector<16xf32> to vector<16xf32>
      %get3A_325 = arith.constant 288 : index
      %get3A_326 = tpu.vector_load %arg13[%get3A_325] {strides = array<i32>} : memref<512xf32, #tpu.memory_space<vmem>>, vector<16xf32>,
      %get3A_327 = vector.shape_cast %get3A_326 : vector<16xf32> to vector<16xf32>
      %max3A_328 = arith.maximumf %get3A_324, %get3A_327 : vector<16xf32>
      %swap3A_329 = arith.constant 288 : index
      %swap3A_330 = tpu.vector_load %arg14[%swap3A_329] {strides = array<i32>} : memref<512xf32, #tpu.memory_space<vmem>>, vector<16xf32>,
      %swap3A_331 = vector.shape_cast %swap3A_330 : vector<16xf32> to vector<16xf32>
      %swap3A_332 = vector.shape_cast %max3A_328 : vector<16xf32> to vector<16xf32>
      tpu.vector_store %arg14[%swap3A_329], %swap3A_332 {strides = array<i32>} : memref<512xf32, #tpu.memory_space<vmem>>, vector<16xf32>,
      %get3A_333 = arith.constant 304 : index
      %get3A_334 = tpu.vector_load %arg14[%get3A_333] {strides = array<i32>} : memref<512xf32, #tpu.memory_space<vmem>>, vector<16xf32>,
      %get3A_335 = vector.shape_cast %get3A_334 : vector<16xf32> to vector<16xf32>
      %get3A_336 = arith.constant 304 : index
      %get3A_337 = tpu.vector_load %arg13[%get3A_336] {strides = array<i32>} : memref<512xf32, #tpu.memory_space<vmem>>, vector<16xf32>,
      %get3A_338 = vector.shape_cast %get3A_337 : vector<16xf32> to vector<16xf32>
      %max3A_339 = arith.maximumf %get3A_335, %get3A_338 : vector<16xf32>
      %swap3A_340 = arith.constant 304 : index
      %swap3A_341 = tpu.vector_load %arg14[%swap3A_340] {strides = array<i32>} : memref<512xf32, #tpu.memory_space<vmem>>, vector<16xf32>,
      %swap3A_342 = vector.shape_cast %swap3A_341 : vector<16xf32> to vector<16xf32>
      %swap3A_343 = vector.shape_cast %max3A_339 : vector<16xf32> to vector<16xf32>
      tpu.vector_store %arg14[%swap3A_340], %swap3A_343 {strides = array<i32>} : memref<512xf32, #tpu.memory_space<vmem>>, vector<16xf32>,
      %get3A_344 = arith.constant 320 : index
      %get3A_345 = tpu.vector_load %arg14[%get3A_344] {strides = array<i32>} : memref<512xf32, #tpu.memory_space<vmem>>, vector<16xf32>,
      %get3A_346 = vector.shape_cast %get3A_345 : vector<16xf32> to vector<16xf32>
      %get3A_347 = arith.constant 320 : index
      %get3A_348 = tpu.vector_load %arg13[%get3A_347] {strides = array<i32>} : memref<512xf32, #tpu.memory_space<vmem>>, vector<16xf32>,
      %get3A_349 = vector.shape_cast %get3A_348 : vector<16xf32> to vector<16xf32>
      %max3A_350 = arith.maximumf %get3A_346, %get3A_349 : vector<16xf32>
      %swap3A_351 = arith.constant 320 : index
      %swap3A_352 = tpu.vector_load %arg14[%swap3A_351] {strides = array<i32>} : memref<512xf32, #tpu.memory_space<vmem>>, vector<16xf32>,
      %swap3A_353 = vector.shape_cast %swap3A_352 : vector<16xf32> to vector<16xf32>
      %swap3A_354 = vector.shape_cast %max3A_350 : vector<16xf32> to vector<16xf32>
      tpu.vector_store %arg14[%swap3A_351], %swap3A_354 {strides = array<i32>} : memref<512xf32, #tpu.memory_space<vmem>>, vector<16xf32>,
      %get3A_355 = arith.constant 336 : index
      %get3A_356 = tpu.vector_load %arg14[%get3A_355] {strides = array<i32>} : memref<512xf32, #tpu.memory_space<vmem>>, vector<16xf32>,
      %get3A_357 = vector.shape_cast %get3A_356 : vector<16xf32> to vector<16xf32>
      %get3A_358 = arith.constant 336 : index
      %get3A_359 = tpu.vector_load %arg13[%get3A_358] {strides = array<i32>} : memref<512xf32, #tpu.memory_space<vmem>>, vector<16xf32>,
      %get3A_360 = vector.shape_cast %get3A_359 : vector<16xf32> to vector<16xf32>
      %max3A_361 = arith.maximumf %get3A_357, %get3A_360 : vector<16xf32>
      %swap3A_362 = arith.constant 336 : index
      %swap3A_363 = tpu.vector_load %arg14[%swap3A_362] {strides = array<i32>} : memref<512xf32, #tpu.memory_space<vmem>>, vector<16xf32>,
      %swap3A_364 = vector.shape_cast %swap3A_363 : vector<16xf32> to vector<16xf32>
      %swap3A_365 = vector.shape_cast %max3A_361 : vector<16xf32> to vector<16xf32>
      tpu.vector_store %arg14[%swap3A_362], %swap3A_365 {strides = array<i32>} : memref<512xf32, #tpu.memory_space<vmem>>, vector<16xf32>,
      %get3A_366 = arith.constant 352 : index
      %get3A_367 = tpu.vector_load %arg14[%get3A_366] {strides = array<i32>} : memref<512xf32, #tpu.memory_space<vmem>>, vector<16xf32>,
      %get3A_368 = vector.shape_cast %get3A_367 : vector<16xf32> to vector<16xf32>
      %get3A_369 = arith.constant 352 : index
      %get3A_370 = tpu.vector_load %arg13[%get3A_369] {strides = array<i32>} : memref<512xf32, #tpu.memory_space<vmem>>, vector<16xf32>,
      %get3A_371 = vector.shape_cast %get3A_370 : vector<16xf32> to vector<16xf32>
      %max3A_372 = arith.maximumf %get3A_368, %get3A_371 : vector<16xf32>
      %swap3A_373 = arith.constant 352 : index
      %swap3A_374 = tpu.vector_load %arg14[%swap3A_373] {strides = array<i32>} : memref<512xf32, #tpu.memory_space<vmem>>, vector<16xf32>,
      %swap3A_375 = vector.shape_cast %swap3A_374 : vector<16xf32> to vector<16xf32>
      %swap3A_376 = vector.shape_cast %max3A_372 : vector<16xf32> to vector<16xf32>
      tpu.vector_store %arg14[%swap3A_373], %swap3A_376 {strides = array<i32>} : memref<512xf32, #tpu.memory_space<vmem>>, vector<16xf32>,
      %get3A_377 = arith.constant 368 : index
      %get3A_378 = tpu.vector_load %arg14[%get3A_377] {strides = array<i32>} : memref<512xf32, #tpu.memory_space<vmem>>, vector<16xf32>,
      %get3A_379 = vector.shape_cast %get3A_378 : vector<16xf32> to vector<16xf32>
      %get3A_380 = arith.constant 368 : index
      %get3A_381 = tpu.vector_load %arg13[%get3A_380] {strides = array<i32>} : memref<512xf32, #tpu.memory_space<vmem>>, vector<16xf32>,
      %get3A_382 = vector.shape_cast %get3A_381 : vector<16xf32> to vector<16xf32>
      %max3A_383 = arith.maximumf %get3A_379, %get3A_382 : vector<16xf32>
      %swap3A_384 = arith.constant 368 : index
      %swap3A_385 = tpu.vector_load %arg14[%swap3A_384] {strides = array<i32>} : memref<512xf32, #tpu.memory_space<vmem>>, vector<16xf32>,
      %swap3A_386 = vector.shape_cast %swap3A_385 : vector<16xf32> to vector<16xf32>
      %swap3A_387 = vector.shape_cast %max3A_383 : vector<16xf32> to vector<16xf32>
      tpu.vector_store %arg14[%swap3A_384], %swap3A_387 {strides = array<i32>} : memref<512xf32, #tpu.memory_space<vmem>>, vector<16xf32>,
      %get3A_388 = arith.constant 384 : index
      %get3A_389 = tpu.vector_load %arg14[%get3A_388] {strides = array<i32>} : memref<512xf32, #tpu.memory_space<vmem>>, vector<16xf32>,
      %get3A_390 = vector.shape_cast %get3A_389 : vector<16xf32> to vector<16xf32>
      %get3A_391 = arith.constant 384 : index
      %get3A_392 = tpu.vector_load %arg13[%get3A_391] {strides = array<i32>} : memref<512xf32, #tpu.memory_space<vmem>>, vector<16xf32>,
      %get3A_393 = vector.shape_cast %get3A_392 : vector<16xf32> to vector<16xf32>
      %max3A_394 = arith.maximumf %get3A_390, %get3A_393 : vector<16xf32>
      %swap3A_395 = arith.constant 384 : index
      %swap3A_396 = tpu.vector_load %arg14[%swap3A_395] {strides = array<i32>} : memref<512xf32, #tpu.memory_space<vmem>>, vector<16xf32>,
      %swap3A_397 = vector.shape_cast %swap3A_396 : vector<16xf32> to vector<16xf32>
      %swap3A_398 = vector.shape_cast %max3A_394 : vector<16xf32> to vector<16xf32>
      tpu.vector_store %arg14[%swap3A_395], %swap3A_398 {strides = array<i32>} : memref<512xf32, #tpu.memory_space<vmem>>, vector<16xf32>,
      %get3A_399 = arith.constant 400 : index
      %get3A_400 = tpu.vector_load %arg14[%get3A_399] {strides = array<i32>} : memref<512xf32, #tpu.memory_space<vmem>>, vector<16xf32>,
      %get3A_401 = vector.shape_cast %get3A_400 : vector<16xf32> to vector<16xf32>
      %get3A_402 = arith.constant 400 : index
      %get3A_403 = tpu.vector_load %arg13[%get3A_402] {strides = array<i32>} : memref<512xf32, #tpu.memory_space<vmem>>, vector<16xf32>,
      %get3A_404 = vector.shape_cast %get3A_403 : vector<16xf32> to vector<16xf32>
      %max3A_405 = arith.maximumf %get3A_401, %get3A_404 : vector<16xf32>
      %swap3A_406 = arith.constant 400 : index
      %swap3A_407 = tpu.vector_load %arg14[%swap3A_406] {strides = array<i32>} : memref<512xf32, #tpu.memory_space<vmem>>, vector<16xf32>,
      %swap3A_408 = vector.shape_cast %swap3A_407 : vector<16xf32> to vector<16xf32>
      %swap3A_409 = vector.shape_cast %max3A_405 : vector<16xf32> to vector<16xf32>
      tpu.vector_store %arg14[%swap3A_406], %swap3A_409 {strides = array<i32>} : memref<512xf32, #tpu.memory_space<vmem>>, vector<16xf32>,
      %get3A_410 = arith.constant 416 : index
      %get3A_411 = tpu.vector_load %arg14[%get3A_410] {strides = array<i32>} : memref<512xf32, #tpu.memory_space<vmem>>, vector<16xf32>,
      %get3A_412 = vector.shape_cast %get3A_411 : vector<16xf32> to vector<16xf32>
      %get3A_413 = arith.constant 416 : index
      %get3A_414 = tpu.vector_load %arg13[%get3A_413] {strides = array<i32>} : memref<512xf32, #tpu.memory_space<vmem>>, vector<16xf32>,
      %get3A_415 = vector.shape_cast %get3A_414 : vector<16xf32> to vector<16xf32>
      %max3A_416 = arith.maximumf %get3A_412, %get3A_415 : vector<16xf32>
      %swap3A_417 = arith.constant 416 : index
      %swap3A_418 = tpu.vector_load %arg14[%swap3A_417] {strides = array<i32>} : memref<512xf32, #tpu.memory_space<vmem>>, vector<16xf32>,
      %swap3A_419 = vector.shape_cast %swap3A_418 : vector<16xf32> to vector<16xf32>
      %swap3A_420 = vector.shape_cast %max3A_416 : vector<16xf32> to vector<16xf32>
      tpu.vector_store %arg14[%swap3A_417], %swap3A_420 {strides = array<i32>} : memref<512xf32, #tpu.memory_space<vmem>>, vector<16xf32>,
      %get3A_421 = arith.constant 432 : index
      %get3A_422 = tpu.vector_load %arg14[%get3A_421] {strides = array<i32>} : memref<512xf32, #tpu.memory_space<vmem>>, vector<16xf32>,
      %get3A_423 = vector.shape_cast %get3A_422 : vector<16xf32> to vector<16xf32>
      %get3A_424 = arith.constant 432 : index
      %get3A_425 = tpu.vector_load %arg13[%get3A_424] {strides = array<i32>} : memref<512xf32, #tpu.memory_space<vmem>>, vector<16xf32>,
      %get3A_426 = vector.shape_cast %get3A_425 : vector<16xf32> to vector<16xf32>
      %max3A_427 = arith.maximumf %get3A_423, %get3A_426 : vector<16xf32>
      %swap3A_428 = arith.constant 432 : index
      %swap3A_429 = tpu.vector_load %arg14[%swap3A_428] {strides = array<i32>} : memref<512xf32, #tpu.memory_space<vmem>>, vector<16xf32>,
      %swap3A_430 = vector.shape_cast %swap3A_429 : vector<16xf32> to vector<16xf32>
      %swap3A_431 = vector.shape_cast %max3A_427 : vector<16xf32> to vector<16xf32>
      tpu.vector_store %arg14[%swap3A_428], %swap3A_431 {strides = array<i32>} : memref<512xf32, #tpu.memory_space<vmem>>, vector<16xf32>,
      %get3A_432 = arith.constant 448 : index
      %get3A_433 = tpu.vector_load %arg14[%get3A_432] {strides = array<i32>} : memref<512xf32, #tpu.memory_space<vmem>>, vector<16xf32>,
      %get3A_434 = vector.shape_cast %get3A_433 : vector<16xf32> to vector<16xf32>
      %get3A_435 = arith.constant 448 : index
      %get3A_436 = tpu.vector_load %arg13[%get3A_435] {strides = array<i32>} : memref<512xf32, #tpu.memory_space<vmem>>, vector<16xf32>,
      %get3A_437 = vector.shape_cast %get3A_436 : vector<16xf32> to vector<16xf32>
      %max3A_438 = arith.maximumf %get3A_434, %get3A_437 : vector<16xf32>
      %swap3A_439 = arith.constant 448 : index
      %swap3A_440 = tpu.vector_load %arg14[%swap3A_439] {strides = array<i32>} : memref<512xf32, #tpu.memory_space<vmem>>, vector<16xf32>,
      %swap3A_441 = vector.shape_cast %swap3A_440 : vector<16xf32> to vector<16xf32>
      %swap3A_442 = vector.shape_cast %max3A_438 : vector<16xf32> to vector<16xf32>
      tpu.vector_store %arg14[%swap3A_439], %swap3A_442 {strides = array<i32>} : memref<512xf32, #tpu.memory_space<vmem>>, vector<16xf32>,
      %get3A_443 = arith.constant 464 : index
      %get3A_444 = tpu.vector_load %arg14[%get3A_443] {strides = array<i32>} : memref<512xf32, #tpu.memory_space<vmem>>, vector<16xf32>,
      %get3A_445 = vector.shape_cast %get3A_444 : vector<16xf32> to vector<16xf32>
      %get3A_446 = arith.constant 464 : index
      %get3A_447 = tpu.vector_load %arg13[%get3A_446] {strides = array<i32>} : memref<512xf32, #tpu.memory_space<vmem>>, vector<16xf32>,
      %get3A_448 = vector.shape_cast %get3A_447 : vector<16xf32> to vector<16xf32>
      %max3A_449 = arith.maximumf %get3A_445, %get3A_448 : vector<16xf32>
      %swap3A_450 = arith.constant 464 : index
      %swap3A_451 = tpu.vector_load %arg14[%swap3A_450] {strides = array<i32>} : memref<512xf32, #tpu.memory_space<vmem>>, vector<16xf32>,
      %swap3A_452 = vector.shape_cast %swap3A_451 : vector<16xf32> to vector<16xf32>
      %swap3A_453 = vector.shape_cast %max3A_449 : vector<16xf32> to vector<16xf32>
      tpu.vector_store %arg14[%swap3A_450], %swap3A_453 {strides = array<i32>} : memref<512xf32, #tpu.memory_space<vmem>>, vector<16xf32>,
      %get3A_454 = arith.constant 480 : index
      %get3A_455 = tpu.vector_load %arg14[%get3A_454] {strides = array<i32>} : memref<512xf32, #tpu.memory_space<vmem>>, vector<16xf32>,
      %get3A_456 = vector.shape_cast %get3A_455 : vector<16xf32> to vector<16xf32>
      %get3A_457 = arith.constant 480 : index
      %get3A_458 = tpu.vector_load %arg13[%get3A_457] {strides = array<i32>} : memref<512xf32, #tpu.memory_space<vmem>>, vector<16xf32>,
      %get3A_459 = vector.shape_cast %get3A_458 : vector<16xf32> to vector<16xf32>
      %max3A_460 = arith.maximumf %get3A_456, %get3A_459 : vector<16xf32>
      %swap3A_461 = arith.constant 480 : index
      %swap3A_462 = tpu.vector_load %arg14[%swap3A_461] {strides = array<i32>} : memref<512xf32, #tpu.memory_space<vmem>>, vector<16xf32>,
      %swap3A_463 = vector.shape_cast %swap3A_462 : vector<16xf32> to vector<16xf32>
      %swap3A_464 = vector.shape_cast %max3A_460 : vector<16xf32> to vector<16xf32>
      tpu.vector_store %arg14[%swap3A_461], %swap3A_464 {strides = array<i32>} : memref<512xf32, #tpu.memory_space<vmem>>, vector<16xf32>,
      %get3A_465 = arith.constant 496 : index
      %get3A_466 = tpu.vector_load %arg14[%get3A_465] {strides = array<i32>} : memref<512xf32, #tpu.memory_space<vmem>>, vector<16xf32>,
      %get3A_467 = vector.shape_cast %get3A_466 : vector<16xf32> to vector<16xf32>
      %get3A_468 = arith.constant 496 : index
      %get3A_469 = tpu.vector_load %arg13[%get3A_468] {strides = array<i32>} : memref<512xf32, #tpu.memory_space<vmem>>, vector<16xf32>,
      %get3A_470 = vector.shape_cast %get3A_469 : vector<16xf32> to vector<16xf32>
      %max3A_471 = arith.maximumf %get3A_467, %get3A_470 : vector<16xf32>
      %swap3A_472 = arith.constant 496 : index
      %swap3A_473 = tpu.vector_load %arg14[%swap3A_472] {strides = array<i32>} : memref<512xf32, #tpu.memory_space<vmem>>, vector<16xf32>,
      %swap3A_474 = vector.shape_cast %swap3A_473 : vector<16xf32> to vector<16xf32>
      %swap3A_475 = vector.shape_cast %max3A_471 : vector<16xf32> to vector<16xf32>
      tpu.vector_store %arg14[%swap3A_472], %swap3A_475 {strides = array<i32>} : memref<512xf32, #tpu.memory_space<vmem>>, vector<16xf32>,
    }
    %scan3A_23 = arith.constant 15 : i32
    %mul3A_24 = arith.constant 512 : i32
    %mul3A_25 = arith.muli %arg1, %mul3A_24 : i32
    "tpu.region"() ({
      %run_scoped3A_122 = tpu.sem_alloc : memref<!tpu.dma_semaphore, #tpu.memory_space<semaphore_mem>>
      %dma_start3A = tpu.memref_slice %arg23[%mul3A_25] : memref<8192xf32, #tpu.memory_space<vmem_shared>> -> memref<512xf32, #tpu.memory_space<vmem_shared>>
      %dma_start3A_123 = tpu.memref_slice %arg23[%mul3A_25] : memref<8192xf32, #tpu.memory_space<vmem_shared>> -> memref<512xf32, #tpu.memory_space<vmem_shared>>
      tpu.enqueue_dma source(%arg14 : memref<512xf32, #tpu.memory_space<vmem>>) target(%dma_start3A_123 : memref<512xf32, #tpu.memory_space<vmem_shared>>) target_semaphore(%run_scoped3A_122 : memref<!tpu.dma_semaphore, #tpu.memory_space<semaphore_mem>>)
      %dma_wait3A = tpu.memref_slice %arg23[%mul3A_25] : memref<8192xf32, #tpu.memory_space<vmem_shared>> -> memref<512xf32, #tpu.memory_space<vmem_shared>>
      %dma_wait3A_124 = tpu.memref_slice %arg23[%mul3A_25] : memref<8192xf32, #tpu.memory_space<vmem_shared>> -> memref<512xf32, #tpu.memory_space<vmem_shared>>
      tpu.wait_dma2 semaphore(%run_scoped3A_122 : memref<!tpu.dma_semaphore, #tpu.memory_space<semaphore_mem>>) src(%arg14 : memref<512xf32, #tpu.memory_space<vmem>>) dst(%dma_wait3A_124 : memref<512xf32, #tpu.memory_space<vmem_shared>>)
      tpu.yield
    }) : () -> ()
    %mul3A_26 = arith.constant 8192 : i32
    %mul3A_27 = arith.muli %arg0, %mul3A_26 : i32
    %mul3A_28 = arith.constant 512 : i32
    %mul3A_29 = arith.muli %arg1, %mul3A_28 : i32
    %add3A_30 = arith.addi %mul3A_27, %mul3A_29 : i32
    "tpu.region"() ({
      %run_scoped3A_122 = tpu.sem_alloc : memref<!tpu.dma_semaphore, #tpu.memory_space<semaphore_mem>>
      %dma_start3A = tpu.memref_slice %arg9[%add3A_30] : memref<16384xf32, #tpu.memory_space<hbm>> -> memref<512xf32, #tpu.memory_space<hbm>>
      %dma_start3A_123 = tpu.memref_slice %arg9[%add3A_30] : memref<16384xf32, #tpu.memory_space<hbm>> -> memref<512xf32, #tpu.memory_space<hbm>>
      tpu.enqueue_dma source(%arg14 : memref<512xf32, #tpu.memory_space<vmem>>) target(%dma_start3A_123 : memref<512xf32, #tpu.memory_space<hbm>>) target_semaphore(%run_scoped3A_122 : memref<!tpu.dma_semaphore, #tpu.memory_space<semaphore_mem>>)
      %dma_wait3A = tpu.memref_slice %arg9[%add3A_30] : memref<16384xf32, #tpu.memory_space<hbm>> -> memref<512xf32, #tpu.memory_space<hbm>>
      %dma_wait3A_124 = tpu.memref_slice %arg9[%add3A_30] : memref<16384xf32, #tpu.memory_space<hbm>> -> memref<512xf32, #tpu.memory_space<hbm>>
      tpu.wait_dma2 semaphore(%run_scoped3A_122 : memref<!tpu.dma_semaphore, #tpu.memory_space<semaphore_mem>>) src(%arg14 : memref<512xf32, #tpu.memory_space<vmem>>) dst(%dma_wait3A_124 : memref<512xf32, #tpu.memory_space<hbm>>)
      tpu.yield
    }) : () -> ()
    %barrier3A_31 = arith.constant 0 : index
    tpu.barrier barrier_id(%barrier3A_31)
    "tpu.region"() ({
      %run_scoped3A_122 = tpu.sem_alloc : memref<!tpu.dma_semaphore, #tpu.memory_space<semaphore_mem>>
      tpu.enqueue_dma source(%arg23 : memref<8192xf32, #tpu.memory_space<vmem_shared>>) target(%arg15 : memref<8192xf32, #tpu.memory_space<vmem>>) target_semaphore(%run_scoped3A_122 : memref<!tpu.dma_semaphore, #tpu.memory_space<semaphore_mem>>)
      tpu.wait_dma2 semaphore(%run_scoped3A_122 : memref<!tpu.dma_semaphore, #tpu.memory_space<semaphore_mem>>) src(%arg23 : memref<8192xf32, #tpu.memory_space<vmem_shared>>) dst(%arg15 : memref<8192xf32, #tpu.memory_space<vmem>>)
      tpu.yield
    }) : () -> ()
    %mul3A_32 = arith.constant 320 : i32
    %mul3A_33 = arith.muli %add3A, %mul3A_32 : i32
    "tpu.region"() ({
      %run_scoped3A_122 = tpu.sem_alloc : memref<!tpu.dma_semaphore, #tpu.memory_space<semaphore_mem>>
      tpu.enqueue_dma source(%arg6 : memref<32768xf32, #tpu.memory_space<hbm>>) target(%arg19 : memref<32768xf32, #tpu.memory_space<vmem>>) target_semaphore(%run_scoped3A_122 : memref<!tpu.dma_semaphore, #tpu.memory_space<semaphore_mem>>)
      tpu.wait_dma2 semaphore(%run_scoped3A_122 : memref<!tpu.dma_semaphore, #tpu.memory_space<semaphore_mem>>) src(%arg6 : memref<32768xf32, #tpu.memory_space<hbm>>) dst(%arg19 : memref<32768xf32, #tpu.memory_space<vmem>>)
      tpu.yield
    }) : () -> ()
    "tpu.region"() ({
      %run_scoped3A_122 = tpu.sem_alloc : memref<!tpu.dma_semaphore, #tpu.memory_space<semaphore_mem>>
      %dma_start3A = tpu.memref_slice %arg4[%mul3A_33] : memref<10240xf32, #tpu.memory_space<hbm>> -> memref<320xf32, #tpu.memory_space<hbm>>
      %dma_start3A_123 = tpu.memref_slice %arg4[%mul3A_33] : memref<10240xf32, #tpu.memory_space<hbm>> -> memref<320xf32, #tpu.memory_space<hbm>>
      tpu.enqueue_dma source(%dma_start3A_123 : memref<320xf32, #tpu.memory_space<hbm>>) target(%arg16 : memref<320xf32, #tpu.memory_space<vmem>>) target_semaphore(%run_scoped3A_122 : memref<!tpu.dma_semaphore, #tpu.memory_space<semaphore_mem>>)
      %dma_wait3A = tpu.memref_slice %arg4[%mul3A_33] : memref<10240xf32, #tpu.memory_space<hbm>> -> memref<320xf32, #tpu.memory_space<hbm>>
      %dma_wait3A_124 = tpu.memref_slice %arg4[%mul3A_33] : memref<10240xf32, #tpu.memory_space<hbm>> -> memref<320xf32, #tpu.memory_space<hbm>>
      tpu.wait_dma2 semaphore(%run_scoped3A_122 : memref<!tpu.dma_semaphore, #tpu.memory_space<semaphore_mem>>) src(%dma_wait3A_124 : memref<320xf32, #tpu.memory_space<hbm>>) dst(%arg16 : memref<320xf32, #tpu.memory_space<vmem>>)
      tpu.yield
    }) : () -> ()
    %mul3A_34 = arith.constant 48 : i32
    %mul3A_35 = arith.muli %mul3A_33, %mul3A_34 : i32
    "tpu.region"() ({
      %run_scoped3A_122 = tpu.sem_alloc : memref<!tpu.dma_semaphore, #tpu.memory_space<semaphore_mem>>
      %dma_start3A = tpu.memref_slice %arg2[%mul3A_35] : memref<491520xf32, #tpu.memory_space<hbm>> -> memref<15360xf32, #tpu.memory_space<hbm>>
      %dma_start3A_123 = tpu.memref_slice %arg2[%mul3A_35] : memref<491520xf32, #tpu.memory_space<hbm>> -> memref<15360xf32, #tpu.memory_space<hbm>>
      tpu.enqueue_dma source(%dma_start3A_123 : memref<15360xf32, #tpu.memory_space<hbm>>) target(%arg17 : memref<15360xf32, #tpu.memory_space<vmem>>) target_semaphore(%run_scoped3A_122 : memref<!tpu.dma_semaphore, #tpu.memory_space<semaphore_mem>>)
      %dma_wait3A = tpu.memref_slice %arg2[%mul3A_35] : memref<491520xf32, #tpu.memory_space<hbm>> -> memref<15360xf32, #tpu.memory_space<hbm>>
      %dma_wait3A_124 = tpu.memref_slice %arg2[%mul3A_35] : memref<491520xf32, #tpu.memory_space<hbm>> -> memref<15360xf32, #tpu.memory_space<hbm>>
      tpu.wait_dma2 semaphore(%run_scoped3A_122 : memref<!tpu.dma_semaphore, #tpu.memory_space<semaphore_mem>>) src(%dma_wait3A_124 : memref<15360xf32, #tpu.memory_space<hbm>>) dst(%arg17 : memref<15360xf32, #tpu.memory_space<vmem>>)
      tpu.yield
    }) : () -> ()
    %get3A_36 = arith.constant 0 : index
    %get3A_37 = tpu.vector_load %arg10[%get3A_36] {strides = array<i32>} : memref<320xi32, #tpu.memory_space<vmem>>, vector<16xi32>,
    %get3A_38 = vector.shape_cast %get3A_37 : vector<16xi32> to vector<16xi32>
    %slice3A_39 = vector.extract_strided_slice %get3A_38 {offsets = [0], sizes = [1], strides = [1]} : vector<16xi32> to vector<1xi32>
    %squeeze3A_40 = vector.extract %slice3A_39[0] : i32 from vector<1xi32>
    %broadcast_in_dim3A_41 = arith.constant 0.000000e+00 : f32
    %broadcast_in_dim3A_42 = vector.broadcast %broadcast_in_dim3A_41 : f32 to vector<16xf32>
    %swap3A_43 = arith.constant 0 : index
    %swap3A_44 = tpu.vector_load %arg18[%swap3A_43] {strides = array<i32>} : memref<64xf32, #tpu.memory_space<vmem>>, vector<16xf32>,
    %swap3A_45 = vector.shape_cast %swap3A_44 : vector<16xf32> to vector<16xf32>
    %swap3A_46 = vector.shape_cast %broadcast_in_dim3A_42 : vector<16xf32> to vector<16xf32>
    tpu.vector_store %arg18[%swap3A_43], %swap3A_46 {strides = array<i32>} : memref<64xf32, #tpu.memory_space<vmem>>, vector<16xf32>,
    %swap3A_47 = arith.constant 16 : index
    %swap3A_48 = tpu.vector_load %arg18[%swap3A_47] {strides = array<i32>} : memref<64xf32, #tpu.memory_space<vmem>>, vector<16xf32>,
    %swap3A_49 = vector.shape_cast %swap3A_48 : vector<16xf32> to vector<16xf32>
    %swap3A_50 = vector.shape_cast %broadcast_in_dim3A_42 : vector<16xf32> to vector<16xf32>
    tpu.vector_store %arg18[%swap3A_47], %swap3A_50 {strides = array<i32>} : memref<64xf32, #tpu.memory_space<vmem>>, vector<16xf32>,
    %swap3A_51 = arith.constant 32 : index
    %swap3A_52 = tpu.vector_load %arg18[%swap3A_51] {strides = array<i32>} : memref<64xf32, #tpu.memory_space<vmem>>, vector<16xf32>,
    %swap3A_53 = vector.shape_cast %swap3A_52 : vector<16xf32> to vector<16xf32>
    %swap3A_54 = vector.shape_cast %broadcast_in_dim3A_42 : vector<16xf32> to vector<16xf32>
    tpu.vector_store %arg18[%swap3A_51], %swap3A_54 {strides = array<i32>} : memref<64xf32, #tpu.memory_space<vmem>>, vector<16xf32>,
    %swap3A_55 = arith.constant 48 : index
    %swap3A_56 = tpu.vector_load %arg18[%swap3A_55] {strides = array<i32>} : memref<64xf32, #tpu.memory_space<vmem>>, vector<16xf32>,
    %swap3A_57 = vector.shape_cast %swap3A_56 : vector<16xf32> to vector<16xf32>
    %swap3A_58 = vector.shape_cast %broadcast_in_dim3A_42 : vector<16xf32> to vector<16xf32>
    tpu.vector_store %arg18[%swap3A_55], %swap3A_58 {strides = array<i32>} : memref<64xf32, #tpu.memory_space<vmem>>, vector<16xf32>,
    %scan3A_59 = arith.constant 0 : i32
    %scan3A_60 = arith.constant 20 : i32
    %scan3A_61 = arith.addi %scan3A_59, %scan3A_60 : i32
    %scan3A_62 = arith.constant 1 : i32
    %scan3A_63 = scf.for %scan3A_122 = %scan3A_59 to %scan3A_61 step %scan3A_62 iter_args(%scan3A_123 = %squeeze3A_40) -> (i32)  : i32 {
      %mul3A_124 = arith.constant 16 : i32
      %mul3A_125 = arith.muli %scan3A_122, %mul3A_124 : i32
      %get3A_126 = arith.index_cast %mul3A_125 : i32 to index
      %get3A_127 = tpu.vector_load %arg10[%get3A_126] {strides = array<i32>} : memref<320xi32, #tpu.memory_space<vmem>>, vector<16xi32>,
      %get3A_128 = vector.shape_cast %get3A_127 : vector<16xi32> to vector<16xi32>
      %get3A_129 = arith.index_cast %mul3A_125 : i32 to index
      %get3A_130 = tpu.vector_load %arg11[%get3A_129] {strides = array<i32>} : memref<320xf32, #tpu.memory_space<vmem>>, vector<16xf32>,
      %get3A_131 = vector.shape_cast %get3A_130 : vector<16xf32> to vector<16xf32>
      %get3A_132 = arith.index_cast %mul3A_125 : i32 to index
      %get3A_133 = tpu.vector_load %arg16[%get3A_132] {strides = array<i32>} : memref<320xf32, #tpu.memory_space<vmem>>, vector<16xf32>,
      %get3A_134 = vector.shape_cast %get3A_133 : vector<16xf32> to vector<16xf32>
      %get3A_135 = arith.constant 0 : index
      %get3A_136 = tpu.vector_load %arg18[%get3A_135] {strides = array<i32>} : memref<64xf32, #tpu.memory_space<vmem>>, vector<16xf32>,
      %get3A_137 = vector.shape_cast %get3A_136 : vector<16xf32> to vector<16xf32>
      %get3A_138 = arith.constant 16 : index
      %get3A_139 = tpu.vector_load %arg18[%get3A_138] {strides = array<i32>} : memref<64xf32, #tpu.memory_space<vmem>>, vector<16xf32>,
      %get3A_140 = vector.shape_cast %get3A_139 : vector<16xf32> to vector<16xf32>
      %get3A_141 = arith.constant 32 : index
      %get3A_142 = tpu.vector_load %arg18[%get3A_141] {strides = array<i32>} : memref<64xf32, #tpu.memory_space<vmem>>, vector<16xf32>,
      %get3A_143 = vector.shape_cast %get3A_142 : vector<16xf32> to vector<16xf32>
      %get3A_144 = arith.constant 48 : index
      %get3A_145 = tpu.vector_load %arg18[%get3A_144] {strides = array<i32>} : memref<64xf32, #tpu.memory_space<vmem>>, vector<16xf32>,
      %get3A_146 = vector.shape_cast %get3A_145 : vector<16xf32> to vector<16xf32>
      %slice3A_147 = vector.extract_strided_slice %get3A_128 {offsets = [0], sizes = [1], strides = [1]} : vector<16xi32> to vector<1xi32>
      %squeeze3A_148 = vector.extract %slice3A_147[0] : i32 from vector<1xi32>
      %add3A_149 = arith.constant 0 : i32
      %add3A_150 = arith.addi %mul3A_125, %add3A_149 : i32
      %slice3A_151 = vector.extract_strided_slice %get3A_131 {offsets = [0], sizes = [1], strides = [1]} : vector<16xf32> to vector<1xf32>
      %squeeze3A_152 = vector.extract %slice3A_151[0] : f32 from vector<1xf32>
      %broadcast_in_dim3A_153 = vector.broadcast %squeeze3A_152 : f32 to vector<16xf32>
      %slice3A_154 = vector.extract_strided_slice %get3A_134 {offsets = [0], sizes = [1], strides = [1]} : vector<16xf32> to vector<1xf32>
      %squeeze3A_155 = vector.extract %slice3A_154[0] : f32 from vector<1xf32>
      %broadcast_in_dim3A_156 = vector.broadcast %squeeze3A_155 : f32 to vector<16xf32>
      %mul3A_157 = arith.constant 16 : i32
      %mul3A_158 = arith.muli %squeeze3A_148, %mul3A_157 : i32
      %get3A_159 = arith.index_cast %mul3A_158 : i32 to index
      %get3A_160 = tpu.vector_load %arg15[%get3A_159] {strides = array<i32>} : memref<8192xf32, #tpu.memory_space<vmem>>, vector<16xf32>,
      %get3A_161 = vector.shape_cast %get3A_160 : vector<16xf32> to vector<16xf32>
      %sub3A = arith.subf %broadcast_in_dim3A_153, %get3A_161 : vector<16xf32>
      %exp3A = math.exp %sub3A : vector<16xf32>
      %mul3A_162 = arith.mulf %broadcast_in_dim3A_156, %exp3A : vector<16xf32>
      %mul3A_163 = arith.constant 48 : i32
      %mul3A_164 = arith.muli %add3A_150, %mul3A_163 : i32
      %get3A_165 = arith.index_cast %mul3A_164 : i32 to index
      %get3A_166 = tpu.vector_load %arg17[%get3A_165] {strides = array<i32>} : memref<15360xf32, #tpu.memory_space<vmem>>, vector<16xf32>,
      %get3A_167 = vector.shape_cast %get3A_166 : vector<16xf32> to vector<16xf32>
      %mul3A_168 = arith.mulf %get3A_167, %mul3A_162 : vector<16xf32>
      %mul3A_169 = arith.constant 48 : i32
      %mul3A_170 = arith.muli %add3A_150, %mul3A_169 : i32
      %add3A_171 = arith.constant 16 : i32
      %add3A_172 = arith.addi %mul3A_170, %add3A_171 : i32
      %get3A_173 = arith.index_cast %add3A_172 : i32 to index
      %get3A_174 = tpu.vector_load %arg17[%get3A_173] {strides = array<i32>} : memref<15360xf32, #tpu.memory_space<vmem>>, vector<16xf32>,
      %get3A_175 = vector.shape_cast %get3A_174 : vector<16xf32> to vector<16xf32>
      %mul3A_176 = arith.mulf %get3A_175, %mul3A_162 : vector<16xf32>
      %mul3A_177 = arith.constant 48 : i32
      %mul3A_178 = arith.muli %add3A_150, %mul3A_177 : i32
      %add3A_179 = arith.constant 32 : i32
      %add3A_180 = arith.addi %mul3A_178, %add3A_179 : i32
      %get3A_181 = arith.index_cast %add3A_180 : i32 to index
      %get3A_182 = tpu.vector_load %arg17[%get3A_181] {strides = array<i32>} : memref<15360xf32, #tpu.memory_space<vmem>>, vector<16xf32>,
      %get3A_183 = vector.shape_cast %get3A_182 : vector<16xf32> to vector<16xf32>
      %mul3A_184 = arith.mulf %get3A_183, %mul3A_162 : vector<16xf32>
      %ne3A = arith.cmpi ne, %squeeze3A_148, %scan3A_123 : i32
      %convert_element_type3A = arith.extui %ne3A : i1 to i32
      %cond3A = arith.constant 0 : i32
      %cond3A_185 = arith.cmpi ne, %convert_element_type3A, %cond3A : i32
      scf.if %cond3A_185 {
        %mul3A_1116 = arith.constant 64 : i32
        %mul3A_1117 = arith.muli %scan3A_123, %mul3A_1116 : i32
        %swap3A_1118 = arith.index_cast %mul3A_1117 : i32 to index
        %swap3A_1119 = tpu.vector_load %arg19[%swap3A_1118] {strides = array<i32>} : memref<32768xf32, #tpu.memory_space<vmem>>, vector<16xf32>,
        %swap3A_1120 = vector.shape_cast %swap3A_1119 : vector<16xf32> to vector<16xf32>
        %swap3A_1121 = vector.shape_cast %get3A_137 : vector<16xf32> to vector<16xf32>
        tpu.vector_store %arg19[%swap3A_1118], %swap3A_1121 {strides = array<i32>} : memref<32768xf32, #tpu.memory_space<vmem>>, vector<16xf32>,
        %mul3A_1122 = arith.constant 64 : i32
        %mul3A_1123 = arith.muli %scan3A_123, %mul3A_1122 : i32
        %add3A_1124 = arith.constant 16 : i32
        %add3A_1125 = arith.addi %mul3A_1123, %add3A_1124 : i32
        %swap3A_1126 = arith.index_cast %add3A_1125 : i32 to index
        %swap3A_1127 = tpu.vector_load %arg19[%swap3A_1126] {strides = array<i32>} : memref<32768xf32, #tpu.memory_space<vmem>>, vector<16xf32>,
        %swap3A_1128 = vector.shape_cast %swap3A_1127 : vector<16xf32> to vector<16xf32>
        %swap3A_1129 = vector.shape_cast %get3A_140 : vector<16xf32> to vector<16xf32>
        tpu.vector_store %arg19[%swap3A_1126], %swap3A_1129 {strides = array<i32>} : memref<32768xf32, #tpu.memory_space<vmem>>, vector<16xf32>,
        %mul3A_1130 = arith.constant 64 : i32
        %mul3A_1131 = arith.muli %scan3A_123, %mul3A_1130 : i32
        %add3A_1132 = arith.constant 32 : i32
        %add3A_1133 = arith.addi %mul3A_1131, %add3A_1132 : i32
        %swap3A_1134 = arith.index_cast %add3A_1133 : i32 to index
        %swap3A_1135 = tpu.vector_load %arg19[%swap3A_1134] {strides = array<i32>} : memref<32768xf32, #tpu.memory_space<vmem>>, vector<16xf32>,
        %swap3A_1136 = vector.shape_cast %swap3A_1135 : vector<16xf32> to vector<16xf32>
        %swap3A_1137 = vector.shape_cast %get3A_143 : vector<16xf32> to vector<16xf32>
        tpu.vector_store %arg19[%swap3A_1134], %swap3A_1137 {strides = array<i32>} : memref<32768xf32, #tpu.memory_space<vmem>>, vector<16xf32>,
        %mul3A_1138 = arith.constant 64 : i32
        %mul3A_1139 = arith.muli %scan3A_123, %mul3A_1138 : i32
        %add3A_1140 = arith.constant 48 : i32
        %add3A_1141 = arith.addi %mul3A_1139, %add3A_1140 : i32
        %swap3A_1142 = arith.index_cast %add3A_1141 : i32 to index
        %swap3A_1143 = tpu.vector_load %arg19[%swap3A_1142] {strides = array<i32>} : memref<32768xf32, #tpu.memory_space<vmem>>, vector<16xf32>,
        %swap3A_1144 = vector.shape_cast %swap3A_1143 : vector<16xf32> to vector<16xf32>
        %swap3A_1145 = vector.shape_cast %get3A_146 : vector<16xf32> to vector<16xf32>
        tpu.vector_store %arg19[%swap3A_1142], %swap3A_1145 {strides = array<i32>} : memref<32768xf32, #tpu.memory_space<vmem>>, vector<16xf32>,
      } else {
      }
      %jit3A = arith.constant 0.000000e+00 : f32
      %jit3A_186 = arith.constant 1.000000e+00 : f32
      %select_n3A = arith.select %ne3A, %jit3A, %jit3A_186 : f32
      %mul3A_187 = vector.broadcast %select_n3A : f32 to vector<16xf32>
      %mul3A_188 = arith.mulf %get3A_137, %mul3A_187 : vector<16xf32>
      %add3A_189 = arith.addf %mul3A_168, %mul3A_188 : vector<16xf32>
      %mul3A_190 = vector.broadcast %select_n3A : f32 to vector<16xf32>
      %mul3A_191 = arith.mulf %get3A_140, %mul3A_190 : vector<16xf32>
      %add3A_192 = arith.addf %mul3A_176, %mul3A_191 : vector<16xf32>
      %mul3A_193 = vector.broadcast %select_n3A : f32 to vector<16xf32>
      %mul3A_194 = arith.mulf %get3A_143, %mul3A_193 : vector<16xf32>
      %add3A_195 = arith.addf %mul3A_184, %mul3A_194 : vector<16xf32>
      %mul3A_196 = vector.broadcast %select_n3A : f32 to vector<16xf32>
      %mul3A_197 = arith.mulf %get3A_146, %mul3A_196 : vector<16xf32>
      %add3A_198 = arith.addf %mul3A_162, %mul3A_197 : vector<16xf32>
      %select_n3A_199 = arith.select %ne3A, %squeeze3A_148, %scan3A_123 : i32
      %slice3A_200 = vector.extract_strided_slice %get3A_128 {offsets = [1], sizes = [1], strides = [1]} : vector<16xi32> to vector<1xi32>
      %squeeze3A_201 = vector.extract %slice3A_200[0] : i32 from vector<1xi32>
      %add3A_202 = arith.constant 1 : i32
      %add3A_203 = arith.addi %mul3A_125, %add3A_202 : i32
      %slice3A_204 = vector.extract_strided_slice %get3A_131 {offsets = [1], sizes = [1], strides = [1]} : vector<16xf32> to vector<1xf32>
      %squeeze3A_205 = vector.extract %slice3A_204[0] : f32 from vector<1xf32>
      %broadcast_in_dim3A_206 = vector.broadcast %squeeze3A_205 : f32 to vector<16xf32>
      %slice3A_207 = vector.extract_strided_slice %get3A_134 {offsets = [1], sizes = [1], strides = [1]} : vector<16xf32> to vector<1xf32>
      %squeeze3A_208 = vector.extract %slice3A_207[0] : f32 from vector<1xf32>
      %broadcast_in_dim3A_209 = vector.broadcast %squeeze3A_208 : f32 to vector<16xf32>
      %mul3A_210 = arith.constant 16 : i32
      %mul3A_211 = arith.muli %squeeze3A_201, %mul3A_210 : i32
      %get3A_212 = arith.index_cast %mul3A_211 : i32 to index
      %get3A_213 = tpu.vector_load %arg15[%get3A_212] {strides = array<i32>} : memref<8192xf32, #tpu.memory_space<vmem>>, vector<16xf32>,
      %get3A_214 = vector.shape_cast %get3A_213 : vector<16xf32> to vector<16xf32>
      %sub3A_215 = arith.subf %broadcast_in_dim3A_206, %get3A_214 : vector<16xf32>
      %exp3A_216 = math.exp %sub3A_215 : vector<16xf32>
      %mul3A_217 = arith.mulf %broadcast_in_dim3A_209, %exp3A_216 : vector<16xf32>
      %mul3A_218 = arith.constant 48 : i32
      %mul3A_219 = arith.muli %add3A_203, %mul3A_218 : i32
      %get3A_220 = arith.index_cast %mul3A_219 : i32 to index
      %get3A_221 = tpu.vector_load %arg17[%get3A_220] {strides = array<i32>} : memref<15360xf32, #tpu.memory_space<vmem>>, vector<16xf32>,
      %get3A_222 = vector.shape_cast %get3A_221 : vector<16xf32> to vector<16xf32>
      %mul3A_223 = arith.mulf %get3A_222, %mul3A_217 : vector<16xf32>
      %mul3A_224 = arith.constant 48 : i32
      %mul3A_225 = arith.muli %add3A_203, %mul3A_224 : i32
      %add3A_226 = arith.constant 16 : i32
      %add3A_227 = arith.addi %mul3A_225, %add3A_226 : i32
      %get3A_228 = arith.index_cast %add3A_227 : i32 to index
      %get3A_229 = tpu.vector_load %arg17[%get3A_228] {strides = array<i32>} : memref<15360xf32, #tpu.memory_space<vmem>>, vector<16xf32>,
      %get3A_230 = vector.shape_cast %get3A_229 : vector<16xf32> to vector<16xf32>
      %mul3A_231 = arith.mulf %get3A_230, %mul3A_217 : vector<16xf32>
      %mul3A_232 = arith.constant 48 : i32
      %mul3A_233 = arith.muli %add3A_203, %mul3A_232 : i32
      %add3A_234 = arith.constant 32 : i32
      %add3A_235 = arith.addi %mul3A_233, %add3A_234 : i32
      %get3A_236 = arith.index_cast %add3A_235 : i32 to index
      %get3A_237 = tpu.vector_load %arg17[%get3A_236] {strides = array<i32>} : memref<15360xf32, #tpu.memory_space<vmem>>, vector<16xf32>,
      %get3A_238 = vector.shape_cast %get3A_237 : vector<16xf32> to vector<16xf32>
      %mul3A_239 = arith.mulf %get3A_238, %mul3A_217 : vector<16xf32>
      %ne3A_240 = arith.cmpi ne, %squeeze3A_201, %select_n3A_199 : i32
      %convert_element_type3A_241 = arith.extui %ne3A_240 : i1 to i32
      %cond3A_242 = arith.constant 0 : i32
      %cond3A_243 = arith.cmpi ne, %convert_element_type3A_241, %cond3A_242 : i32
      scf.if %cond3A_243 {
        %mul3A_1116 = arith.constant 64 : i32
        %mul3A_1117 = arith.muli %select_n3A_199, %mul3A_1116 : i32
        %swap3A_1118 = arith.index_cast %mul3A_1117 : i32 to index
        %swap3A_1119 = tpu.vector_load %arg19[%swap3A_1118] {strides = array<i32>} : memref<32768xf32, #tpu.memory_space<vmem>>, vector<16xf32>,
        %swap3A_1120 = vector.shape_cast %swap3A_1119 : vector<16xf32> to vector<16xf32>
        %swap3A_1121 = vector.shape_cast %add3A_189 : vector<16xf32> to vector<16xf32>
        tpu.vector_store %arg19[%swap3A_1118], %swap3A_1121 {strides = array<i32>} : memref<32768xf32, #tpu.memory_space<vmem>>, vector<16xf32>,
        %mul3A_1122 = arith.constant 64 : i32
        %mul3A_1123 = arith.muli %select_n3A_199, %mul3A_1122 : i32
        %add3A_1124 = arith.constant 16 : i32
        %add3A_1125 = arith.addi %mul3A_1123, %add3A_1124 : i32
        %swap3A_1126 = arith.index_cast %add3A_1125 : i32 to index
        %swap3A_1127 = tpu.vector_load %arg19[%swap3A_1126] {strides = array<i32>} : memref<32768xf32, #tpu.memory_space<vmem>>, vector<16xf32>,
        %swap3A_1128 = vector.shape_cast %swap3A_1127 : vector<16xf32> to vector<16xf32>
        %swap3A_1129 = vector.shape_cast %add3A_192 : vector<16xf32> to vector<16xf32>
        tpu.vector_store %arg19[%swap3A_1126], %swap3A_1129 {strides = array<i32>} : memref<32768xf32, #tpu.memory_space<vmem>>, vector<16xf32>,
        %mul3A_1130 = arith.constant 64 : i32
        %mul3A_1131 = arith.muli %select_n3A_199, %mul3A_1130 : i32
        %add3A_1132 = arith.constant 32 : i32
        %add3A_1133 = arith.addi %mul3A_1131, %add3A_1132 : i32
        %swap3A_1134 = arith.index_cast %add3A_1133 : i32 to index
        %swap3A_1135 = tpu.vector_load %arg19[%swap3A_1134] {strides = array<i32>} : memref<32768xf32, #tpu.memory_space<vmem>>, vector<16xf32>,
        %swap3A_1136 = vector.shape_cast %swap3A_1135 : vector<16xf32> to vector<16xf32>
        %swap3A_1137 = vector.shape_cast %add3A_195 : vector<16xf32> to vector<16xf32>
        tpu.vector_store %arg19[%swap3A_1134], %swap3A_1137 {strides = array<i32>} : memref<32768xf32, #tpu.memory_space<vmem>>, vector<16xf32>,
        %mul3A_1138 = arith.constant 64 : i32
        %mul3A_1139 = arith.muli %select_n3A_199, %mul3A_1138 : i32
        %add3A_1140 = arith.constant 48 : i32
        %add3A_1141 = arith.addi %mul3A_1139, %add3A_1140 : i32
        %swap3A_1142 = arith.index_cast %add3A_1141 : i32 to index
        %swap3A_1143 = tpu.vector_load %arg19[%swap3A_1142] {strides = array<i32>} : memref<32768xf32, #tpu.memory_space<vmem>>, vector<16xf32>,
        %swap3A_1144 = vector.shape_cast %swap3A_1143 : vector<16xf32> to vector<16xf32>
        %swap3A_1145 = vector.shape_cast %add3A_198 : vector<16xf32> to vector<16xf32>
        tpu.vector_store %arg19[%swap3A_1142], %swap3A_1145 {strides = array<i32>} : memref<32768xf32, #tpu.memory_space<vmem>>, vector<16xf32>,
      } else {
      }
      %jit3A_244 = arith.constant 0.000000e+00 : f32
      %jit3A_245 = arith.constant 1.000000e+00 : f32
      %select_n3A_246 = arith.select %ne3A_240, %jit3A_244, %jit3A_245 : f32
      %mul3A_247 = vector.broadcast %select_n3A_246 : f32 to vector<16xf32>
      %mul3A_248 = arith.mulf %add3A_189, %mul3A_247 : vector<16xf32>
      %add3A_249 = arith.addf %mul3A_223, %mul3A_248 : vector<16xf32>
      %mul3A_250 = vector.broadcast %select_n3A_246 : f32 to vector<16xf32>
      %mul3A_251 = arith.mulf %add3A_192, %mul3A_250 : vector<16xf32>
      %add3A_252 = arith.addf %mul3A_231, %mul3A_251 : vector<16xf32>
      %mul3A_253 = vector.broadcast %select_n3A_246 : f32 to vector<16xf32>
      %mul3A_254 = arith.mulf %add3A_195, %mul3A_253 : vector<16xf32>
      %add3A_255 = arith.addf %mul3A_239, %mul3A_254 : vector<16xf32>
      %mul3A_256 = vector.broadcast %select_n3A_246 : f32 to vector<16xf32>
      %mul3A_257 = arith.mulf %add3A_198, %mul3A_256 : vector<16xf32>
      %add3A_258 = arith.addf %mul3A_217, %mul3A_257 : vector<16xf32>
      %select_n3A_259 = arith.select %ne3A_240, %squeeze3A_201, %select_n3A_199 : i32
      %slice3A_260 = vector.extract_strided_slice %get3A_128 {offsets = [2], sizes = [1], strides = [1]} : vector<16xi32> to vector<1xi32>
      %squeeze3A_261 = vector.extract %slice3A_260[0] : i32 from vector<1xi32>
      %add3A_262 = arith.constant 2 : i32
      %add3A_263 = arith.addi %mul3A_125, %add3A_262 : i32
      %slice3A_264 = vector.extract_strided_slice %get3A_131 {offsets = [2], sizes = [1], strides = [1]} : vector<16xf32> to vector<1xf32>
      %squeeze3A_265 = vector.extract %slice3A_264[0] : f32 from vector<1xf32>
      %broadcast_in_dim3A_266 = vector.broadcast %squeeze3A_265 : f32 to vector<16xf32>
      %slice3A_267 = vector.extract_strided_slice %get3A_134 {offsets = [2], sizes = [1], strides = [1]} : vector<16xf32> to vector<1xf32>
      %squeeze3A_268 = vector.extract %slice3A_267[0] : f32 from vector<1xf32>
      %broadcast_in_dim3A_269 = vector.broadcast %squeeze3A_268 : f32 to vector<16xf32>
      %mul3A_270 = arith.constant 16 : i32
      %mul3A_271 = arith.muli %squeeze3A_261, %mul3A_270 : i32
      %get3A_272 = arith.index_cast %mul3A_271 : i32 to index
      %get3A_273 = tpu.vector_load %arg15[%get3A_272] {strides = array<i32>} : memref<8192xf32, #tpu.memory_space<vmem>>, vector<16xf32>,
      %get3A_274 = vector.shape_cast %get3A_273 : vector<16xf32> to vector<16xf32>
      %sub3A_275 = arith.subf %broadcast_in_dim3A_266, %get3A_274 : vector<16xf32>
      %exp3A_276 = math.exp %sub3A_275 : vector<16xf32>
      %mul3A_277 = arith.mulf %broadcast_in_dim3A_269, %exp3A_276 : vector<16xf32>
      %mul3A_278 = arith.constant 48 : i32
      %mul3A_279 = arith.muli %add3A_263, %mul3A_278 : i32
      %get3A_280 = arith.index_cast %mul3A_279 : i32 to index
      %get3A_281 = tpu.vector_load %arg17[%get3A_280] {strides = array<i32>} : memref<15360xf32, #tpu.memory_space<vmem>>, vector<16xf32>,
      %get3A_282 = vector.shape_cast %get3A_281 : vector<16xf32> to vector<16xf32>
      %mul3A_283 = arith.mulf %get3A_282, %mul3A_277 : vector<16xf32>
      %mul3A_284 = arith.constant 48 : i32
      %mul3A_285 = arith.muli %add3A_263, %mul3A_284 : i32
      %add3A_286 = arith.constant 16 : i32
      %add3A_287 = arith.addi %mul3A_285, %add3A_286 : i32
      %get3A_288 = arith.index_cast %add3A_287 : i32 to index
      %get3A_289 = tpu.vector_load %arg17[%get3A_288] {strides = array<i32>} : memref<15360xf32, #tpu.memory_space<vmem>>, vector<16xf32>,
      %get3A_290 = vector.shape_cast %get3A_289 : vector<16xf32> to vector<16xf32>
      %mul3A_291 = arith.mulf %get3A_290, %mul3A_277 : vector<16xf32>
      %mul3A_292 = arith.constant 48 : i32
      %mul3A_293 = arith.muli %add3A_263, %mul3A_292 : i32
      %add3A_294 = arith.constant 32 : i32
      %add3A_295 = arith.addi %mul3A_293, %add3A_294 : i32
      %get3A_296 = arith.index_cast %add3A_295 : i32 to index
      %get3A_297 = tpu.vector_load %arg17[%get3A_296] {strides = array<i32>} : memref<15360xf32, #tpu.memory_space<vmem>>, vector<16xf32>,
      %get3A_298 = vector.shape_cast %get3A_297 : vector<16xf32> to vector<16xf32>
      %mul3A_299 = arith.mulf %get3A_298, %mul3A_277 : vector<16xf32>
      %ne3A_300 = arith.cmpi ne, %squeeze3A_261, %select_n3A_259 : i32
      %convert_element_type3A_301 = arith.extui %ne3A_300 : i1 to i32
      %cond3A_302 = arith.constant 0 : i32
      %cond3A_303 = arith.cmpi ne, %convert_element_type3A_301, %cond3A_302 : i32
      scf.if %cond3A_303 {
        %mul3A_1116 = arith.constant 64 : i32
        %mul3A_1117 = arith.muli %select_n3A_259, %mul3A_1116 : i32
        %swap3A_1118 = arith.index_cast %mul3A_1117 : i32 to index
        %swap3A_1119 = tpu.vector_load %arg19[%swap3A_1118] {strides = array<i32>} : memref<32768xf32, #tpu.memory_space<vmem>>, vector<16xf32>,
        %swap3A_1120 = vector.shape_cast %swap3A_1119 : vector<16xf32> to vector<16xf32>
        %swap3A_1121 = vector.shape_cast %add3A_249 : vector<16xf32> to vector<16xf32>
        tpu.vector_store %arg19[%swap3A_1118], %swap3A_1121 {strides = array<i32>} : memref<32768xf32, #tpu.memory_space<vmem>>, vector<16xf32>,
        %mul3A_1122 = arith.constant 64 : i32
        %mul3A_1123 = arith.muli %select_n3A_259, %mul3A_1122 : i32
        %add3A_1124 = arith.constant 16 : i32
        %add3A_1125 = arith.addi %mul3A_1123, %add3A_1124 : i32
        %swap3A_1126 = arith.index_cast %add3A_1125 : i32 to index
        %swap3A_1127 = tpu.vector_load %arg19[%swap3A_1126] {strides = array<i32>} : memref<32768xf32, #tpu.memory_space<vmem>>, vector<16xf32>,
        %swap3A_1128 = vector.shape_cast %swap3A_1127 : vector<16xf32> to vector<16xf32>
        %swap3A_1129 = vector.shape_cast %add3A_252 : vector<16xf32> to vector<16xf32>
        tpu.vector_store %arg19[%swap3A_1126], %swap3A_1129 {strides = array<i32>} : memref<32768xf32, #tpu.memory_space<vmem>>, vector<16xf32>,
        %mul3A_1130 = arith.constant 64 : i32
        %mul3A_1131 = arith.muli %select_n3A_259, %mul3A_1130 : i32
        %add3A_1132 = arith.constant 32 : i32
        %add3A_1133 = arith.addi %mul3A_1131, %add3A_1132 : i32
        %swap3A_1134 = arith.index_cast %add3A_1133 : i32 to index
        %swap3A_1135 = tpu.vector_load %arg19[%swap3A_1134] {strides = array<i32>} : memref<32768xf32, #tpu.memory_space<vmem>>, vector<16xf32>,
        %swap3A_1136 = vector.shape_cast %swap3A_1135 : vector<16xf32> to vector<16xf32>
        %swap3A_1137 = vector.shape_cast %add3A_255 : vector<16xf32> to vector<16xf32>
        tpu.vector_store %arg19[%swap3A_1134], %swap3A_1137 {strides = array<i32>} : memref<32768xf32, #tpu.memory_space<vmem>>, vector<16xf32>,
        %mul3A_1138 = arith.constant 64 : i32
        %mul3A_1139 = arith.muli %select_n3A_259, %mul3A_1138 : i32
        %add3A_1140 = arith.constant 48 : i32
        %add3A_1141 = arith.addi %mul3A_1139, %add3A_1140 : i32
        %swap3A_1142 = arith.index_cast %add3A_1141 : i32 to index
        %swap3A_1143 = tpu.vector_load %arg19[%swap3A_1142] {strides = array<i32>} : memref<32768xf32, #tpu.memory_space<vmem>>, vector<16xf32>,
        %swap3A_1144 = vector.shape_cast %swap3A_1143 : vector<16xf32> to vector<16xf32>
        %swap3A_1145 = vector.shape_cast %add3A_258 : vector<16xf32> to vector<16xf32>
        tpu.vector_store %arg19[%swap3A_1142], %swap3A_1145 {strides = array<i32>} : memref<32768xf32, #tpu.memory_space<vmem>>, vector<16xf32>,
      } else {
      }
      %jit3A_304 = arith.constant 0.000000e+00 : f32
      %jit3A_305 = arith.constant 1.000000e+00 : f32
      %select_n3A_306 = arith.select %ne3A_300, %jit3A_304, %jit3A_305 : f32
      %mul3A_307 = vector.broadcast %select_n3A_306 : f32 to vector<16xf32>
      %mul3A_308 = arith.mulf %add3A_249, %mul3A_307 : vector<16xf32>
      %add3A_309 = arith.addf %mul3A_283, %mul3A_308 : vector<16xf32>
      %mul3A_310 = vector.broadcast %select_n3A_306 : f32 to vector<16xf32>
      %mul3A_311 = arith.mulf %add3A_252, %mul3A_310 : vector<16xf32>
      %add3A_312 = arith.addf %mul3A_291, %mul3A_311 : vector<16xf32>
      %mul3A_313 = vector.broadcast %select_n3A_306 : f32 to vector<16xf32>
      %mul3A_314 = arith.mulf %add3A_255, %mul3A_313 : vector<16xf32>
      %add3A_315 = arith.addf %mul3A_299, %mul3A_314 : vector<16xf32>
      %mul3A_316 = vector.broadcast %select_n3A_306 : f32 to vector<16xf32>
      %mul3A_317 = arith.mulf %add3A_258, %mul3A_316 : vector<16xf32>
      %add3A_318 = arith.addf %mul3A_277, %mul3A_317 : vector<16xf32>
      %select_n3A_319 = arith.select %ne3A_300, %squeeze3A_261, %select_n3A_259 : i32
      %slice3A_320 = vector.extract_strided_slice %get3A_128 {offsets = [3], sizes = [1], strides = [1]} : vector<16xi32> to vector<1xi32>
      %squeeze3A_321 = vector.extract %slice3A_320[0] : i32 from vector<1xi32>
      %add3A_322 = arith.constant 3 : i32
      %add3A_323 = arith.addi %mul3A_125, %add3A_322 : i32
      %slice3A_324 = vector.extract_strided_slice %get3A_131 {offsets = [3], sizes = [1], strides = [1]} : vector<16xf32> to vector<1xf32>
      %squeeze3A_325 = vector.extract %slice3A_324[0] : f32 from vector<1xf32>
      %broadcast_in_dim3A_326 = vector.broadcast %squeeze3A_325 : f32 to vector<16xf32>
      %slice3A_327 = vector.extract_strided_slice %get3A_134 {offsets = [3], sizes = [1], strides = [1]} : vector<16xf32> to vector<1xf32>
      %squeeze3A_328 = vector.extract %slice3A_327[0] : f32 from vector<1xf32>
      %broadcast_in_dim3A_329 = vector.broadcast %squeeze3A_328 : f32 to vector<16xf32>
      %mul3A_330 = arith.constant 16 : i32
      %mul3A_331 = arith.muli %squeeze3A_321, %mul3A_330 : i32
      %get3A_332 = arith.index_cast %mul3A_331 : i32 to index
      %get3A_333 = tpu.vector_load %arg15[%get3A_332] {strides = array<i32>} : memref<8192xf32, #tpu.memory_space<vmem>>, vector<16xf32>,
      %get3A_334 = vector.shape_cast %get3A_333 : vector<16xf32> to vector<16xf32>
      %sub3A_335 = arith.subf %broadcast_in_dim3A_326, %get3A_334 : vector<16xf32>
      %exp3A_336 = math.exp %sub3A_335 : vector<16xf32>
      %mul3A_337 = arith.mulf %broadcast_in_dim3A_329, %exp3A_336 : vector<16xf32>
      %mul3A_338 = arith.constant 48 : i32
      %mul3A_339 = arith.muli %add3A_323, %mul3A_338 : i32
      %get3A_340 = arith.index_cast %mul3A_339 : i32 to index
      %get3A_341 = tpu.vector_load %arg17[%get3A_340] {strides = array<i32>} : memref<15360xf32, #tpu.memory_space<vmem>>, vector<16xf32>,
      %get3A_342 = vector.shape_cast %get3A_341 : vector<16xf32> to vector<16xf32>
      %mul3A_343 = arith.mulf %get3A_342, %mul3A_337 : vector<16xf32>
      %mul3A_344 = arith.constant 48 : i32
      %mul3A_345 = arith.muli %add3A_323, %mul3A_344 : i32
      %add3A_346 = arith.constant 16 : i32
      %add3A_347 = arith.addi %mul3A_345, %add3A_346 : i32
      %get3A_348 = arith.index_cast %add3A_347 : i32 to index
      %get3A_349 = tpu.vector_load %arg17[%get3A_348] {strides = array<i32>} : memref<15360xf32, #tpu.memory_space<vmem>>, vector<16xf32>,
      %get3A_350 = vector.shape_cast %get3A_349 : vector<16xf32> to vector<16xf32>
      %mul3A_351 = arith.mulf %get3A_350, %mul3A_337 : vector<16xf32>
      %mul3A_352 = arith.constant 48 : i32
      %mul3A_353 = arith.muli %add3A_323, %mul3A_352 : i32
      %add3A_354 = arith.constant 32 : i32
      %add3A_355 = arith.addi %mul3A_353, %add3A_354 : i32
      %get3A_356 = arith.index_cast %add3A_355 : i32 to index
      %get3A_357 = tpu.vector_load %arg17[%get3A_356] {strides = array<i32>} : memref<15360xf32, #tpu.memory_space<vmem>>, vector<16xf32>,
      %get3A_358 = vector.shape_cast %get3A_357 : vector<16xf32> to vector<16xf32>
      %mul3A_359 = arith.mulf %get3A_358, %mul3A_337 : vector<16xf32>
      %ne3A_360 = arith.cmpi ne, %squeeze3A_321, %select_n3A_319 : i32
      %convert_element_type3A_361 = arith.extui %ne3A_360 : i1 to i32
      %cond3A_362 = arith.constant 0 : i32
      %cond3A_363 = arith.cmpi ne, %convert_element_type3A_361, %cond3A_362 : i32
      scf.if %cond3A_363 {
        %mul3A_1116 = arith.constant 64 : i32
        %mul3A_1117 = arith.muli %select_n3A_319, %mul3A_1116 : i32
        %swap3A_1118 = arith.index_cast %mul3A_1117 : i32 to index
        %swap3A_1119 = tpu.vector_load %arg19[%swap3A_1118] {strides = array<i32>} : memref<32768xf32, #tpu.memory_space<vmem>>, vector<16xf32>,
        %swap3A_1120 = vector.shape_cast %swap3A_1119 : vector<16xf32> to vector<16xf32>
        %swap3A_1121 = vector.shape_cast %add3A_309 : vector<16xf32> to vector<16xf32>
        tpu.vector_store %arg19[%swap3A_1118], %swap3A_1121 {strides = array<i32>} : memref<32768xf32, #tpu.memory_space<vmem>>, vector<16xf32>,
        %mul3A_1122 = arith.constant 64 : i32
        %mul3A_1123 = arith.muli %select_n3A_319, %mul3A_1122 : i32
        %add3A_1124 = arith.constant 16 : i32
        %add3A_1125 = arith.addi %mul3A_1123, %add3A_1124 : i32
        %swap3A_1126 = arith.index_cast %add3A_1125 : i32 to index
        %swap3A_1127 = tpu.vector_load %arg19[%swap3A_1126] {strides = array<i32>} : memref<32768xf32, #tpu.memory_space<vmem>>, vector<16xf32>,
        %swap3A_1128 = vector.shape_cast %swap3A_1127 : vector<16xf32> to vector<16xf32>
        %swap3A_1129 = vector.shape_cast %add3A_312 : vector<16xf32> to vector<16xf32>
        tpu.vector_store %arg19[%swap3A_1126], %swap3A_1129 {strides = array<i32>} : memref<32768xf32, #tpu.memory_space<vmem>>, vector<16xf32>,
        %mul3A_1130 = arith.constant 64 : i32
        %mul3A_1131 = arith.muli %select_n3A_319, %mul3A_1130 : i32
        %add3A_1132 = arith.constant 32 : i32
        %add3A_1133 = arith.addi %mul3A_1131, %add3A_1132 : i32
        %swap3A_1134 = arith.index_cast %add3A_1133 : i32 to index
        %swap3A_1135 = tpu.vector_load %arg19[%swap3A_1134] {strides = array<i32>} : memref<32768xf32, #tpu.memory_space<vmem>>, vector<16xf32>,
        %swap3A_1136 = vector.shape_cast %swap3A_1135 : vector<16xf32> to vector<16xf32>
        %swap3A_1137 = vector.shape_cast %add3A_315 : vector<16xf32> to vector<16xf32>
        tpu.vector_store %arg19[%swap3A_1134], %swap3A_1137 {strides = array<i32>} : memref<32768xf32, #tpu.memory_space<vmem>>, vector<16xf32>,
        %mul3A_1138 = arith.constant 64 : i32
        %mul3A_1139 = arith.muli %select_n3A_319, %mul3A_1138 : i32
        %add3A_1140 = arith.constant 48 : i32
        %add3A_1141 = arith.addi %mul3A_1139, %add3A_1140 : i32
        %swap3A_1142 = arith.index_cast %add3A_1141 : i32 to index
        %swap3A_1143 = tpu.vector_load %arg19[%swap3A_1142] {strides = array<i32>} : memref<32768xf32, #tpu.memory_space<vmem>>, vector<16xf32>,
        %swap3A_1144 = vector.shape_cast %swap3A_1143 : vector<16xf32> to vector<16xf32>
        %swap3A_1145 = vector.shape_cast %add3A_318 : vector<16xf32> to vector<16xf32>
        tpu.vector_store %arg19[%swap3A_1142], %swap3A_1145 {strides = array<i32>} : memref<32768xf32, #tpu.memory_space<vmem>>, vector<16xf32>,
      } else {
      }
      %jit3A_364 = arith.constant 0.000000e+00 : f32
      %jit3A_365 = arith.constant 1.000000e+00 : f32
      %select_n3A_366 = arith.select %ne3A_360, %jit3A_364, %jit3A_365 : f32
      %mul3A_367 = vector.broadcast %select_n3A_366 : f32 to vector<16xf32>
      %mul3A_368 = arith.mulf %add3A_309, %mul3A_367 : vector<16xf32>
      %add3A_369 = arith.addf %mul3A_343, %mul3A_368 : vector<16xf32>
      %mul3A_370 = vector.broadcast %select_n3A_366 : f32 to vector<16xf32>
      %mul3A_371 = arith.mulf %add3A_312, %mul3A_370 : vector<16xf32>
      %add3A_372 = arith.addf %mul3A_351, %mul3A_371 : vector<16xf32>
      %mul3A_373 = vector.broadcast %select_n3A_366 : f32 to vector<16xf32>
      %mul3A_374 = arith.mulf %add3A_315, %mul3A_373 : vector<16xf32>
      %add3A_375 = arith.addf %mul3A_359, %mul3A_374 : vector<16xf32>
      %mul3A_376 = vector.broadcast %select_n3A_366 : f32 to vector<16xf32>
      %mul3A_377 = arith.mulf %add3A_318, %mul3A_376 : vector<16xf32>
      %add3A_378 = arith.addf %mul3A_337, %mul3A_377 : vector<16xf32>
      %select_n3A_379 = arith.select %ne3A_360, %squeeze3A_321, %select_n3A_319 : i32
      %slice3A_380 = vector.extract_strided_slice %get3A_128 {offsets = [4], sizes = [1], strides = [1]} : vector<16xi32> to vector<1xi32>
      %squeeze3A_381 = vector.extract %slice3A_380[0] : i32 from vector<1xi32>
      %add3A_382 = arith.constant 4 : i32
      %add3A_383 = arith.addi %mul3A_125, %add3A_382 : i32
      %slice3A_384 = vector.extract_strided_slice %get3A_131 {offsets = [4], sizes = [1], strides = [1]} : vector<16xf32> to vector<1xf32>
      %squeeze3A_385 = vector.extract %slice3A_384[0] : f32 from vector<1xf32>
      %broadcast_in_dim3A_386 = vector.broadcast %squeeze3A_385 : f32 to vector<16xf32>
      %slice3A_387 = vector.extract_strided_slice %get3A_134 {offsets = [4], sizes = [1], strides = [1]} : vector<16xf32> to vector<1xf32>
      %squeeze3A_388 = vector.extract %slice3A_387[0] : f32 from vector<1xf32>
      %broadcast_in_dim3A_389 = vector.broadcast %squeeze3A_388 : f32 to vector<16xf32>
      %mul3A_390 = arith.constant 16 : i32
      %mul3A_391 = arith.muli %squeeze3A_381, %mul3A_390 : i32
      %get3A_392 = arith.index_cast %mul3A_391 : i32 to index
      %get3A_393 = tpu.vector_load %arg15[%get3A_392] {strides = array<i32>} : memref<8192xf32, #tpu.memory_space<vmem>>, vector<16xf32>,
      %get3A_394 = vector.shape_cast %get3A_393 : vector<16xf32> to vector<16xf32>
      %sub3A_395 = arith.subf %broadcast_in_dim3A_386, %get3A_394 : vector<16xf32>
      %exp3A_396 = math.exp %sub3A_395 : vector<16xf32>
      %mul3A_397 = arith.mulf %broadcast_in_dim3A_389, %exp3A_396 : vector<16xf32>
      %mul3A_398 = arith.constant 48 : i32
      %mul3A_399 = arith.muli %add3A_383, %mul3A_398 : i32
      %get3A_400 = arith.index_cast %mul3A_399 : i32 to index
      %get3A_401 = tpu.vector_load %arg17[%get3A_400] {strides = array<i32>} : memref<15360xf32, #tpu.memory_space<vmem>>, vector<16xf32>,
      %get3A_402 = vector.shape_cast %get3A_401 : vector<16xf32> to vector<16xf32>
      %mul3A_403 = arith.mulf %get3A_402, %mul3A_397 : vector<16xf32>
      %mul3A_404 = arith.constant 48 : i32
      %mul3A_405 = arith.muli %add3A_383, %mul3A_404 : i32
      %add3A_406 = arith.constant 16 : i32
      %add3A_407 = arith.addi %mul3A_405, %add3A_406 : i32
      %get3A_408 = arith.index_cast %add3A_407 : i32 to index
      %get3A_409 = tpu.vector_load %arg17[%get3A_408] {strides = array<i32>} : memref<15360xf32, #tpu.memory_space<vmem>>, vector<16xf32>,
      %get3A_410 = vector.shape_cast %get3A_409 : vector<16xf32> to vector<16xf32>
      %mul3A_411 = arith.mulf %get3A_410, %mul3A_397 : vector<16xf32>
      %mul3A_412 = arith.constant 48 : i32
      %mul3A_413 = arith.muli %add3A_383, %mul3A_412 : i32
      %add3A_414 = arith.constant 32 : i32
      %add3A_415 = arith.addi %mul3A_413, %add3A_414 : i32
      %get3A_416 = arith.index_cast %add3A_415 : i32 to index
      %get3A_417 = tpu.vector_load %arg17[%get3A_416] {strides = array<i32>} : memref<15360xf32, #tpu.memory_space<vmem>>, vector<16xf32>,
      %get3A_418 = vector.shape_cast %get3A_417 : vector<16xf32> to vector<16xf32>
      %mul3A_419 = arith.mulf %get3A_418, %mul3A_397 : vector<16xf32>
      %ne3A_420 = arith.cmpi ne, %squeeze3A_381, %select_n3A_379 : i32
      %convert_element_type3A_421 = arith.extui %ne3A_420 : i1 to i32
      %cond3A_422 = arith.constant 0 : i32
      %cond3A_423 = arith.cmpi ne, %convert_element_type3A_421, %cond3A_422 : i32
      scf.if %cond3A_423 {
        %mul3A_1116 = arith.constant 64 : i32
        %mul3A_1117 = arith.muli %select_n3A_379, %mul3A_1116 : i32
        %swap3A_1118 = arith.index_cast %mul3A_1117 : i32 to index
        %swap3A_1119 = tpu.vector_load %arg19[%swap3A_1118] {strides = array<i32>} : memref<32768xf32, #tpu.memory_space<vmem>>, vector<16xf32>,
        %swap3A_1120 = vector.shape_cast %swap3A_1119 : vector<16xf32> to vector<16xf32>
        %swap3A_1121 = vector.shape_cast %add3A_369 : vector<16xf32> to vector<16xf32>
        tpu.vector_store %arg19[%swap3A_1118], %swap3A_1121 {strides = array<i32>} : memref<32768xf32, #tpu.memory_space<vmem>>, vector<16xf32>,
        %mul3A_1122 = arith.constant 64 : i32
        %mul3A_1123 = arith.muli %select_n3A_379, %mul3A_1122 : i32
        %add3A_1124 = arith.constant 16 : i32
        %add3A_1125 = arith.addi %mul3A_1123, %add3A_1124 : i32
        %swap3A_1126 = arith.index_cast %add3A_1125 : i32 to index
        %swap3A_1127 = tpu.vector_load %arg19[%swap3A_1126] {strides = array<i32>} : memref<32768xf32, #tpu.memory_space<vmem>>, vector<16xf32>,
        %swap3A_1128 = vector.shape_cast %swap3A_1127 : vector<16xf32> to vector<16xf32>
        %swap3A_1129 = vector.shape_cast %add3A_372 : vector<16xf32> to vector<16xf32>
        tpu.vector_store %arg19[%swap3A_1126], %swap3A_1129 {strides = array<i32>} : memref<32768xf32, #tpu.memory_space<vmem>>, vector<16xf32>,
        %mul3A_1130 = arith.constant 64 : i32
        %mul3A_1131 = arith.muli %select_n3A_379, %mul3A_1130 : i32
        %add3A_1132 = arith.constant 32 : i32
        %add3A_1133 = arith.addi %mul3A_1131, %add3A_1132 : i32
        %swap3A_1134 = arith.index_cast %add3A_1133 : i32 to index
        %swap3A_1135 = tpu.vector_load %arg19[%swap3A_1134] {strides = array<i32>} : memref<32768xf32, #tpu.memory_space<vmem>>, vector<16xf32>,
        %swap3A_1136 = vector.shape_cast %swap3A_1135 : vector<16xf32> to vector<16xf32>
        %swap3A_1137 = vector.shape_cast %add3A_375 : vector<16xf32> to vector<16xf32>
        tpu.vector_store %arg19[%swap3A_1134], %swap3A_1137 {strides = array<i32>} : memref<32768xf32, #tpu.memory_space<vmem>>, vector<16xf32>,
        %mul3A_1138 = arith.constant 64 : i32
        %mul3A_1139 = arith.muli %select_n3A_379, %mul3A_1138 : i32
        %add3A_1140 = arith.constant 48 : i32
        %add3A_1141 = arith.addi %mul3A_1139, %add3A_1140 : i32
        %swap3A_1142 = arith.index_cast %add3A_1141 : i32 to index
        %swap3A_1143 = tpu.vector_load %arg19[%swap3A_1142] {strides = array<i32>} : memref<32768xf32, #tpu.memory_space<vmem>>, vector<16xf32>,
        %swap3A_1144 = vector.shape_cast %swap3A_1143 : vector<16xf32> to vector<16xf32>
        %swap3A_1145 = vector.shape_cast %add3A_378 : vector<16xf32> to vector<16xf32>
        tpu.vector_store %arg19[%swap3A_1142], %swap3A_1145 {strides = array<i32>} : memref<32768xf32, #tpu.memory_space<vmem>>, vector<16xf32>,
      } else {
      }
      %jit3A_424 = arith.constant 0.000000e+00 : f32
      %jit3A_425 = arith.constant 1.000000e+00 : f32
      %select_n3A_426 = arith.select %ne3A_420, %jit3A_424, %jit3A_425 : f32
      %mul3A_427 = vector.broadcast %select_n3A_426 : f32 to vector<16xf32>
      %mul3A_428 = arith.mulf %add3A_369, %mul3A_427 : vector<16xf32>
      %add3A_429 = arith.addf %mul3A_403, %mul3A_428 : vector<16xf32>
      %mul3A_430 = vector.broadcast %select_n3A_426 : f32 to vector<16xf32>
      %mul3A_431 = arith.mulf %add3A_372, %mul3A_430 : vector<16xf32>
      %add3A_432 = arith.addf %mul3A_411, %mul3A_431 : vector<16xf32>
      %mul3A_433 = vector.broadcast %select_n3A_426 : f32 to vector<16xf32>
      %mul3A_434 = arith.mulf %add3A_375, %mul3A_433 : vector<16xf32>
      %add3A_435 = arith.addf %mul3A_419, %mul3A_434 : vector<16xf32>
      %mul3A_436 = vector.broadcast %select_n3A_426 : f32 to vector<16xf32>
      %mul3A_437 = arith.mulf %add3A_378, %mul3A_436 : vector<16xf32>
      %add3A_438 = arith.addf %mul3A_397, %mul3A_437 : vector<16xf32>
      %select_n3A_439 = arith.select %ne3A_420, %squeeze3A_381, %select_n3A_379 : i32
      %slice3A_440 = vector.extract_strided_slice %get3A_128 {offsets = [5], sizes = [1], strides = [1]} : vector<16xi32> to vector<1xi32>
      %squeeze3A_441 = vector.extract %slice3A_440[0] : i32 from vector<1xi32>
      %add3A_442 = arith.constant 5 : i32
      %add3A_443 = arith.addi %mul3A_125, %add3A_442 : i32
      %slice3A_444 = vector.extract_strided_slice %get3A_131 {offsets = [5], sizes = [1], strides = [1]} : vector<16xf32> to vector<1xf32>
      %squeeze3A_445 = vector.extract %slice3A_444[0] : f32 from vector<1xf32>
      %broadcast_in_dim3A_446 = vector.broadcast %squeeze3A_445 : f32 to vector<16xf32>
      %slice3A_447 = vector.extract_strided_slice %get3A_134 {offsets = [5], sizes = [1], strides = [1]} : vector<16xf32> to vector<1xf32>
      %squeeze3A_448 = vector.extract %slice3A_447[0] : f32 from vector<1xf32>
      %broadcast_in_dim3A_449 = vector.broadcast %squeeze3A_448 : f32 to vector<16xf32>
      %mul3A_450 = arith.constant 16 : i32
      %mul3A_451 = arith.muli %squeeze3A_441, %mul3A_450 : i32
      %get3A_452 = arith.index_cast %mul3A_451 : i32 to index
      %get3A_453 = tpu.vector_load %arg15[%get3A_452] {strides = array<i32>} : memref<8192xf32, #tpu.memory_space<vmem>>, vector<16xf32>,
      %get3A_454 = vector.shape_cast %get3A_453 : vector<16xf32> to vector<16xf32>
      %sub3A_455 = arith.subf %broadcast_in_dim3A_446, %get3A_454 : vector<16xf32>
      %exp3A_456 = math.exp %sub3A_455 : vector<16xf32>
      %mul3A_457 = arith.mulf %broadcast_in_dim3A_449, %exp3A_456 : vector<16xf32>
      %mul3A_458 = arith.constant 48 : i32
      %mul3A_459 = arith.muli %add3A_443, %mul3A_458 : i32
      %get3A_460 = arith.index_cast %mul3A_459 : i32 to index
      %get3A_461 = tpu.vector_load %arg17[%get3A_460] {strides = array<i32>} : memref<15360xf32, #tpu.memory_space<vmem>>, vector<16xf32>,
      %get3A_462 = vector.shape_cast %get3A_461 : vector<16xf32> to vector<16xf32>
      %mul3A_463 = arith.mulf %get3A_462, %mul3A_457 : vector<16xf32>
      %mul3A_464 = arith.constant 48 : i32
      %mul3A_465 = arith.muli %add3A_443, %mul3A_464 : i32
      %add3A_466 = arith.constant 16 : i32
      %add3A_467 = arith.addi %mul3A_465, %add3A_466 : i32
      %get3A_468 = arith.index_cast %add3A_467 : i32 to index
      %get3A_469 = tpu.vector_load %arg17[%get3A_468] {strides = array<i32>} : memref<15360xf32, #tpu.memory_space<vmem>>, vector<16xf32>,
      %get3A_470 = vector.shape_cast %get3A_469 : vector<16xf32> to vector<16xf32>
      %mul3A_471 = arith.mulf %get3A_470, %mul3A_457 : vector<16xf32>
      %mul3A_472 = arith.constant 48 : i32
      %mul3A_473 = arith.muli %add3A_443, %mul3A_472 : i32
      %add3A_474 = arith.constant 32 : i32
      %add3A_475 = arith.addi %mul3A_473, %add3A_474 : i32
      %get3A_476 = arith.index_cast %add3A_475 : i32 to index
      %get3A_477 = tpu.vector_load %arg17[%get3A_476] {strides = array<i32>} : memref<15360xf32, #tpu.memory_space<vmem>>, vector<16xf32>,
      %get3A_478 = vector.shape_cast %get3A_477 : vector<16xf32> to vector<16xf32>
      %mul3A_479 = arith.mulf %get3A_478, %mul3A_457 : vector<16xf32>
      %ne3A_480 = arith.cmpi ne, %squeeze3A_441, %select_n3A_439 : i32
      %convert_element_type3A_481 = arith.extui %ne3A_480 : i1 to i32
      %cond3A_482 = arith.constant 0 : i32
      %cond3A_483 = arith.cmpi ne, %convert_element_type3A_481, %cond3A_482 : i32
      scf.if %cond3A_483 {
        %mul3A_1116 = arith.constant 64 : i32
        %mul3A_1117 = arith.muli %select_n3A_439, %mul3A_1116 : i32
        %swap3A_1118 = arith.index_cast %mul3A_1117 : i32 to index
        %swap3A_1119 = tpu.vector_load %arg19[%swap3A_1118] {strides = array<i32>} : memref<32768xf32, #tpu.memory_space<vmem>>, vector<16xf32>,
        %swap3A_1120 = vector.shape_cast %swap3A_1119 : vector<16xf32> to vector<16xf32>
        %swap3A_1121 = vector.shape_cast %add3A_429 : vector<16xf32> to vector<16xf32>
        tpu.vector_store %arg19[%swap3A_1118], %swap3A_1121 {strides = array<i32>} : memref<32768xf32, #tpu.memory_space<vmem>>, vector<16xf32>,
        %mul3A_1122 = arith.constant 64 : i32
        %mul3A_1123 = arith.muli %select_n3A_439, %mul3A_1122 : i32
        %add3A_1124 = arith.constant 16 : i32
        %add3A_1125 = arith.addi %mul3A_1123, %add3A_1124 : i32
        %swap3A_1126 = arith.index_cast %add3A_1125 : i32 to index
        %swap3A_1127 = tpu.vector_load %arg19[%swap3A_1126] {strides = array<i32>} : memref<32768xf32, #tpu.memory_space<vmem>>, vector<16xf32>,
        %swap3A_1128 = vector.shape_cast %swap3A_1127 : vector<16xf32> to vector<16xf32>
        %swap3A_1129 = vector.shape_cast %add3A_432 : vector<16xf32> to vector<16xf32>
        tpu.vector_store %arg19[%swap3A_1126], %swap3A_1129 {strides = array<i32>} : memref<32768xf32, #tpu.memory_space<vmem>>, vector<16xf32>,
        %mul3A_1130 = arith.constant 64 : i32
        %mul3A_1131 = arith.muli %select_n3A_439, %mul3A_1130 : i32
        %add3A_1132 = arith.constant 32 : i32
        %add3A_1133 = arith.addi %mul3A_1131, %add3A_1132 : i32
        %swap3A_1134 = arith.index_cast %add3A_1133 : i32 to index
        %swap3A_1135 = tpu.vector_load %arg19[%swap3A_1134] {strides = array<i32>} : memref<32768xf32, #tpu.memory_space<vmem>>, vector<16xf32>,
        %swap3A_1136 = vector.shape_cast %swap3A_1135 : vector<16xf32> to vector<16xf32>
        %swap3A_1137 = vector.shape_cast %add3A_435 : vector<16xf32> to vector<16xf32>
        tpu.vector_store %arg19[%swap3A_1134], %swap3A_1137 {strides = array<i32>} : memref<32768xf32, #tpu.memory_space<vmem>>, vector<16xf32>,
        %mul3A_1138 = arith.constant 64 : i32
        %mul3A_1139 = arith.muli %select_n3A_439, %mul3A_1138 : i32
        %add3A_1140 = arith.constant 48 : i32
        %add3A_1141 = arith.addi %mul3A_1139, %add3A_1140 : i32
        %swap3A_1142 = arith.index_cast %add3A_1141 : i32 to index
        %swap3A_1143 = tpu.vector_load %arg19[%swap3A_1142] {strides = array<i32>} : memref<32768xf32, #tpu.memory_space<vmem>>, vector<16xf32>,
        %swap3A_1144 = vector.shape_cast %swap3A_1143 : vector<16xf32> to vector<16xf32>
        %swap3A_1145 = vector.shape_cast %add3A_438 : vector<16xf32> to vector<16xf32>
        tpu.vector_store %arg19[%swap3A_1142], %swap3A_1145 {strides = array<i32>} : memref<32768xf32, #tpu.memory_space<vmem>>, vector<16xf32>,
      } else {
      }
      %jit3A_484 = arith.constant 0.000000e+00 : f32
      %jit3A_485 = arith.constant 1.000000e+00 : f32
      %select_n3A_486 = arith.select %ne3A_480, %jit3A_484, %jit3A_485 : f32
      %mul3A_487 = vector.broadcast %select_n3A_486 : f32 to vector<16xf32>
      %mul3A_488 = arith.mulf %add3A_429, %mul3A_487 : vector<16xf32>
      %add3A_489 = arith.addf %mul3A_463, %mul3A_488 : vector<16xf32>
      %mul3A_490 = vector.broadcast %select_n3A_486 : f32 to vector<16xf32>
      %mul3A_491 = arith.mulf %add3A_432, %mul3A_490 : vector<16xf32>
      %add3A_492 = arith.addf %mul3A_471, %mul3A_491 : vector<16xf32>
      %mul3A_493 = vector.broadcast %select_n3A_486 : f32 to vector<16xf32>
      %mul3A_494 = arith.mulf %add3A_435, %mul3A_493 : vector<16xf32>
      %add3A_495 = arith.addf %mul3A_479, %mul3A_494 : vector<16xf32>
      %mul3A_496 = vector.broadcast %select_n3A_486 : f32 to vector<16xf32>
      %mul3A_497 = arith.mulf %add3A_438, %mul3A_496 : vector<16xf32>
      %add3A_498 = arith.addf %mul3A_457, %mul3A_497 : vector<16xf32>
      %select_n3A_499 = arith.select %ne3A_480, %squeeze3A_441, %select_n3A_439 : i32
      %slice3A_500 = vector.extract_strided_slice %get3A_128 {offsets = [6], sizes = [1], strides = [1]} : vector<16xi32> to vector<1xi32>
      %squeeze3A_501 = vector.extract %slice3A_500[0] : i32 from vector<1xi32>
      %add3A_502 = arith.constant 6 : i32
      %add3A_503 = arith.addi %mul3A_125, %add3A_502 : i32
      %slice3A_504 = vector.extract_strided_slice %get3A_131 {offsets = [6], sizes = [1], strides = [1]} : vector<16xf32> to vector<1xf32>
      %squeeze3A_505 = vector.extract %slice3A_504[0] : f32 from vector<1xf32>
      %broadcast_in_dim3A_506 = vector.broadcast %squeeze3A_505 : f32 to vector<16xf32>
      %slice3A_507 = vector.extract_strided_slice %get3A_134 {offsets = [6], sizes = [1], strides = [1]} : vector<16xf32> to vector<1xf32>
      %squeeze3A_508 = vector.extract %slice3A_507[0] : f32 from vector<1xf32>
      %broadcast_in_dim3A_509 = vector.broadcast %squeeze3A_508 : f32 to vector<16xf32>
      %mul3A_510 = arith.constant 16 : i32
      %mul3A_511 = arith.muli %squeeze3A_501, %mul3A_510 : i32
      %get3A_512 = arith.index_cast %mul3A_511 : i32 to index
      %get3A_513 = tpu.vector_load %arg15[%get3A_512] {strides = array<i32>} : memref<8192xf32, #tpu.memory_space<vmem>>, vector<16xf32>,
      %get3A_514 = vector.shape_cast %get3A_513 : vector<16xf32> to vector<16xf32>
      %sub3A_515 = arith.subf %broadcast_in_dim3A_506, %get3A_514 : vector<16xf32>
      %exp3A_516 = math.exp %sub3A_515 : vector<16xf32>
      %mul3A_517 = arith.mulf %broadcast_in_dim3A_509, %exp3A_516 : vector<16xf32>
      %mul3A_518 = arith.constant 48 : i32
      %mul3A_519 = arith.muli %add3A_503, %mul3A_518 : i32
      %get3A_520 = arith.index_cast %mul3A_519 : i32 to index
      %get3A_521 = tpu.vector_load %arg17[%get3A_520] {strides = array<i32>} : memref<15360xf32, #tpu.memory_space<vmem>>, vector<16xf32>,
      %get3A_522 = vector.shape_cast %get3A_521 : vector<16xf32> to vector<16xf32>
      %mul3A_523 = arith.mulf %get3A_522, %mul3A_517 : vector<16xf32>
      %mul3A_524 = arith.constant 48 : i32
      %mul3A_525 = arith.muli %add3A_503, %mul3A_524 : i32
      %add3A_526 = arith.constant 16 : i32
      %add3A_527 = arith.addi %mul3A_525, %add3A_526 : i32
      %get3A_528 = arith.index_cast %add3A_527 : i32 to index
      %get3A_529 = tpu.vector_load %arg17[%get3A_528] {strides = array<i32>} : memref<15360xf32, #tpu.memory_space<vmem>>, vector<16xf32>,
      %get3A_530 = vector.shape_cast %get3A_529 : vector<16xf32> to vector<16xf32>
      %mul3A_531 = arith.mulf %get3A_530, %mul3A_517 : vector<16xf32>
      %mul3A_532 = arith.constant 48 : i32
      %mul3A_533 = arith.muli %add3A_503, %mul3A_532 : i32
      %add3A_534 = arith.constant 32 : i32
      %add3A_535 = arith.addi %mul3A_533, %add3A_534 : i32
      %get3A_536 = arith.index_cast %add3A_535 : i32 to index
      %get3A_537 = tpu.vector_load %arg17[%get3A_536] {strides = array<i32>} : memref<15360xf32, #tpu.memory_space<vmem>>, vector<16xf32>,
      %get3A_538 = vector.shape_cast %get3A_537 : vector<16xf32> to vector<16xf32>
      %mul3A_539 = arith.mulf %get3A_538, %mul3A_517 : vector<16xf32>
      %ne3A_540 = arith.cmpi ne, %squeeze3A_501, %select_n3A_499 : i32
      %convert_element_type3A_541 = arith.extui %ne3A_540 : i1 to i32
      %cond3A_542 = arith.constant 0 : i32
      %cond3A_543 = arith.cmpi ne, %convert_element_type3A_541, %cond3A_542 : i32
      scf.if %cond3A_543 {
        %mul3A_1116 = arith.constant 64 : i32
        %mul3A_1117 = arith.muli %select_n3A_499, %mul3A_1116 : i32
        %swap3A_1118 = arith.index_cast %mul3A_1117 : i32 to index
        %swap3A_1119 = tpu.vector_load %arg19[%swap3A_1118] {strides = array<i32>} : memref<32768xf32, #tpu.memory_space<vmem>>, vector<16xf32>,
        %swap3A_1120 = vector.shape_cast %swap3A_1119 : vector<16xf32> to vector<16xf32>
        %swap3A_1121 = vector.shape_cast %add3A_489 : vector<16xf32> to vector<16xf32>
        tpu.vector_store %arg19[%swap3A_1118], %swap3A_1121 {strides = array<i32>} : memref<32768xf32, #tpu.memory_space<vmem>>, vector<16xf32>,
        %mul3A_1122 = arith.constant 64 : i32
        %mul3A_1123 = arith.muli %select_n3A_499, %mul3A_1122 : i32
        %add3A_1124 = arith.constant 16 : i32
        %add3A_1125 = arith.addi %mul3A_1123, %add3A_1124 : i32
        %swap3A_1126 = arith.index_cast %add3A_1125 : i32 to index
        %swap3A_1127 = tpu.vector_load %arg19[%swap3A_1126] {strides = array<i32>} : memref<32768xf32, #tpu.memory_space<vmem>>, vector<16xf32>,
        %swap3A_1128 = vector.shape_cast %swap3A_1127 : vector<16xf32> to vector<16xf32>
        %swap3A_1129 = vector.shape_cast %add3A_492 : vector<16xf32> to vector<16xf32>
        tpu.vector_store %arg19[%swap3A_1126], %swap3A_1129 {strides = array<i32>} : memref<32768xf32, #tpu.memory_space<vmem>>, vector<16xf32>,
        %mul3A_1130 = arith.constant 64 : i32
        %mul3A_1131 = arith.muli %select_n3A_499, %mul3A_1130 : i32
        %add3A_1132 = arith.constant 32 : i32
        %add3A_1133 = arith.addi %mul3A_1131, %add3A_1132 : i32
        %swap3A_1134 = arith.index_cast %add3A_1133 : i32 to index
        %swap3A_1135 = tpu.vector_load %arg19[%swap3A_1134] {strides = array<i32>} : memref<32768xf32, #tpu.memory_space<vmem>>, vector<16xf32>,
        %swap3A_1136 = vector.shape_cast %swap3A_1135 : vector<16xf32> to vector<16xf32>
        %swap3A_1137 = vector.shape_cast %add3A_495 : vector<16xf32> to vector<16xf32>
        tpu.vector_store %arg19[%swap3A_1134], %swap3A_1137 {strides = array<i32>} : memref<32768xf32, #tpu.memory_space<vmem>>, vector<16xf32>,
        %mul3A_1138 = arith.constant 64 : i32
        %mul3A_1139 = arith.muli %select_n3A_499, %mul3A_1138 : i32
        %add3A_1140 = arith.constant 48 : i32
        %add3A_1141 = arith.addi %mul3A_1139, %add3A_1140 : i32
        %swap3A_1142 = arith.index_cast %add3A_1141 : i32 to index
        %swap3A_1143 = tpu.vector_load %arg19[%swap3A_1142] {strides = array<i32>} : memref<32768xf32, #tpu.memory_space<vmem>>, vector<16xf32>,
        %swap3A_1144 = vector.shape_cast %swap3A_1143 : vector<16xf32> to vector<16xf32>
        %swap3A_1145 = vector.shape_cast %add3A_498 : vector<16xf32> to vector<16xf32>
        tpu.vector_store %arg19[%swap3A_1142], %swap3A_1145 {strides = array<i32>} : memref<32768xf32, #tpu.memory_space<vmem>>, vector<16xf32>,
      } else {
      }
      %jit3A_544 = arith.constant 0.000000e+00 : f32
      %jit3A_545 = arith.constant 1.000000e+00 : f32
      %select_n3A_546 = arith.select %ne3A_540, %jit3A_544, %jit3A_545 : f32
      %mul3A_547 = vector.broadcast %select_n3A_546 : f32 to vector<16xf32>
      %mul3A_548 = arith.mulf %add3A_489, %mul3A_547 : vector<16xf32>
      %add3A_549 = arith.addf %mul3A_523, %mul3A_548 : vector<16xf32>
      %mul3A_550 = vector.broadcast %select_n3A_546 : f32 to vector<16xf32>
      %mul3A_551 = arith.mulf %add3A_492, %mul3A_550 : vector<16xf32>
      %add3A_552 = arith.addf %mul3A_531, %mul3A_551 : vector<16xf32>
      %mul3A_553 = vector.broadcast %select_n3A_546 : f32 to vector<16xf32>
      %mul3A_554 = arith.mulf %add3A_495, %mul3A_553 : vector<16xf32>
      %add3A_555 = arith.addf %mul3A_539, %mul3A_554 : vector<16xf32>
      %mul3A_556 = vector.broadcast %select_n3A_546 : f32 to vector<16xf32>
      %mul3A_557 = arith.mulf %add3A_498, %mul3A_556 : vector<16xf32>
      %add3A_558 = arith.addf %mul3A_517, %mul3A_557 : vector<16xf32>
      %select_n3A_559 = arith.select %ne3A_540, %squeeze3A_501, %select_n3A_499 : i32
      %slice3A_560 = vector.extract_strided_slice %get3A_128 {offsets = [7], sizes = [1], strides = [1]} : vector<16xi32> to vector<1xi32>
      %squeeze3A_561 = vector.extract %slice3A_560[0] : i32 from vector<1xi32>
      %add3A_562 = arith.constant 7 : i32
      %add3A_563 = arith.addi %mul3A_125, %add3A_562 : i32
      %slice3A_564 = vector.extract_strided_slice %get3A_131 {offsets = [7], sizes = [1], strides = [1]} : vector<16xf32> to vector<1xf32>
      %squeeze3A_565 = vector.extract %slice3A_564[0] : f32 from vector<1xf32>
      %broadcast_in_dim3A_566 = vector.broadcast %squeeze3A_565 : f32 to vector<16xf32>
      %slice3A_567 = vector.extract_strided_slice %get3A_134 {offsets = [7], sizes = [1], strides = [1]} : vector<16xf32> to vector<1xf32>
      %squeeze3A_568 = vector.extract %slice3A_567[0] : f32 from vector<1xf32>
      %broadcast_in_dim3A_569 = vector.broadcast %squeeze3A_568 : f32 to vector<16xf32>
      %mul3A_570 = arith.constant 16 : i32
      %mul3A_571 = arith.muli %squeeze3A_561, %mul3A_570 : i32
      %get3A_572 = arith.index_cast %mul3A_571 : i32 to index
      %get3A_573 = tpu.vector_load %arg15[%get3A_572] {strides = array<i32>} : memref<8192xf32, #tpu.memory_space<vmem>>, vector<16xf32>,
      %get3A_574 = vector.shape_cast %get3A_573 : vector<16xf32> to vector<16xf32>
      %sub3A_575 = arith.subf %broadcast_in_dim3A_566, %get3A_574 : vector<16xf32>
      %exp3A_576 = math.exp %sub3A_575 : vector<16xf32>
      %mul3A_577 = arith.mulf %broadcast_in_dim3A_569, %exp3A_576 : vector<16xf32>
      %mul3A_578 = arith.constant 48 : i32
      %mul3A_579 = arith.muli %add3A_563, %mul3A_578 : i32
      %get3A_580 = arith.index_cast %mul3A_579 : i32 to index
      %get3A_581 = tpu.vector_load %arg17[%get3A_580] {strides = array<i32>} : memref<15360xf32, #tpu.memory_space<vmem>>, vector<16xf32>,
      %get3A_582 = vector.shape_cast %get3A_581 : vector<16xf32> to vector<16xf32>
      %mul3A_583 = arith.mulf %get3A_582, %mul3A_577 : vector<16xf32>
      %mul3A_584 = arith.constant 48 : i32
      %mul3A_585 = arith.muli %add3A_563, %mul3A_584 : i32
      %add3A_586 = arith.constant 16 : i32
      %add3A_587 = arith.addi %mul3A_585, %add3A_586 : i32
      %get3A_588 = arith.index_cast %add3A_587 : i32 to index
      %get3A_589 = tpu.vector_load %arg17[%get3A_588] {strides = array<i32>} : memref<15360xf32, #tpu.memory_space<vmem>>, vector<16xf32>,
      %get3A_590 = vector.shape_cast %get3A_589 : vector<16xf32> to vector<16xf32>
      %mul3A_591 = arith.mulf %get3A_590, %mul3A_577 : vector<16xf32>
      %mul3A_592 = arith.constant 48 : i32
      %mul3A_593 = arith.muli %add3A_563, %mul3A_592 : i32
      %add3A_594 = arith.constant 32 : i32
      %add3A_595 = arith.addi %mul3A_593, %add3A_594 : i32
      %get3A_596 = arith.index_cast %add3A_595 : i32 to index
      %get3A_597 = tpu.vector_load %arg17[%get3A_596] {strides = array<i32>} : memref<15360xf32, #tpu.memory_space<vmem>>, vector<16xf32>,
      %get3A_598 = vector.shape_cast %get3A_597 : vector<16xf32> to vector<16xf32>
      %mul3A_599 = arith.mulf %get3A_598, %mul3A_577 : vector<16xf32>
      %ne3A_600 = arith.cmpi ne, %squeeze3A_561, %select_n3A_559 : i32
      %convert_element_type3A_601 = arith.extui %ne3A_600 : i1 to i32
      %cond3A_602 = arith.constant 0 : i32
      %cond3A_603 = arith.cmpi ne, %convert_element_type3A_601, %cond3A_602 : i32
      scf.if %cond3A_603 {
        %mul3A_1116 = arith.constant 64 : i32
        %mul3A_1117 = arith.muli %select_n3A_559, %mul3A_1116 : i32
        %swap3A_1118 = arith.index_cast %mul3A_1117 : i32 to index
        %swap3A_1119 = tpu.vector_load %arg19[%swap3A_1118] {strides = array<i32>} : memref<32768xf32, #tpu.memory_space<vmem>>, vector<16xf32>,
        %swap3A_1120 = vector.shape_cast %swap3A_1119 : vector<16xf32> to vector<16xf32>
        %swap3A_1121 = vector.shape_cast %add3A_549 : vector<16xf32> to vector<16xf32>
        tpu.vector_store %arg19[%swap3A_1118], %swap3A_1121 {strides = array<i32>} : memref<32768xf32, #tpu.memory_space<vmem>>, vector<16xf32>,
        %mul3A_1122 = arith.constant 64 : i32
        %mul3A_1123 = arith.muli %select_n3A_559, %mul3A_1122 : i32
        %add3A_1124 = arith.constant 16 : i32
        %add3A_1125 = arith.addi %mul3A_1123, %add3A_1124 : i32
        %swap3A_1126 = arith.index_cast %add3A_1125 : i32 to index
        %swap3A_1127 = tpu.vector_load %arg19[%swap3A_1126] {strides = array<i32>} : memref<32768xf32, #tpu.memory_space<vmem>>, vector<16xf32>,
        %swap3A_1128 = vector.shape_cast %swap3A_1127 : vector<16xf32> to vector<16xf32>
        %swap3A_1129 = vector.shape_cast %add3A_552 : vector<16xf32> to vector<16xf32>
        tpu.vector_store %arg19[%swap3A_1126], %swap3A_1129 {strides = array<i32>} : memref<32768xf32, #tpu.memory_space<vmem>>, vector<16xf32>,
        %mul3A_1130 = arith.constant 64 : i32
        %mul3A_1131 = arith.muli %select_n3A_559, %mul3A_1130 : i32
        %add3A_1132 = arith.constant 32 : i32
        %add3A_1133 = arith.addi %mul3A_1131, %add3A_1132 : i32
        %swap3A_1134 = arith.index_cast %add3A_1133 : i32 to index
        %swap3A_1135 = tpu.vector_load %arg19[%swap3A_1134] {strides = array<i32>} : memref<32768xf32, #tpu.memory_space<vmem>>, vector<16xf32>,
        %swap3A_1136 = vector.shape_cast %swap3A_1135 : vector<16xf32> to vector<16xf32>
        %swap3A_1137 = vector.shape_cast %add3A_555 : vector<16xf32> to vector<16xf32>
        tpu.vector_store %arg19[%swap3A_1134], %swap3A_1137 {strides = array<i32>} : memref<32768xf32, #tpu.memory_space<vmem>>, vector<16xf32>,
        %mul3A_1138 = arith.constant 64 : i32
        %mul3A_1139 = arith.muli %select_n3A_559, %mul3A_1138 : i32
        %add3A_1140 = arith.constant 48 : i32
        %add3A_1141 = arith.addi %mul3A_1139, %add3A_1140 : i32
        %swap3A_1142 = arith.index_cast %add3A_1141 : i32 to index
        %swap3A_1143 = tpu.vector_load %arg19[%swap3A_1142] {strides = array<i32>} : memref<32768xf32, #tpu.memory_space<vmem>>, vector<16xf32>,
        %swap3A_1144 = vector.shape_cast %swap3A_1143 : vector<16xf32> to vector<16xf32>
        %swap3A_1145 = vector.shape_cast %add3A_558 : vector<16xf32> to vector<16xf32>
        tpu.vector_store %arg19[%swap3A_1142], %swap3A_1145 {strides = array<i32>} : memref<32768xf32, #tpu.memory_space<vmem>>, vector<16xf32>,
      } else {
      }
      %jit3A_604 = arith.constant 0.000000e+00 : f32
      %jit3A_605 = arith.constant 1.000000e+00 : f32
      %select_n3A_606 = arith.select %ne3A_600, %jit3A_604, %jit3A_605 : f32
      %mul3A_607 = vector.broadcast %select_n3A_606 : f32 to vector<16xf32>
      %mul3A_608 = arith.mulf %add3A_549, %mul3A_607 : vector<16xf32>
      %add3A_609 = arith.addf %mul3A_583, %mul3A_608 : vector<16xf32>
      %mul3A_610 = vector.broadcast %select_n3A_606 : f32 to vector<16xf32>
      %mul3A_611 = arith.mulf %add3A_552, %mul3A_610 : vector<16xf32>
      %add3A_612 = arith.addf %mul3A_591, %mul3A_611 : vector<16xf32>
      %mul3A_613 = vector.broadcast %select_n3A_606 : f32 to vector<16xf32>
      %mul3A_614 = arith.mulf %add3A_555, %mul3A_613 : vector<16xf32>
      %add3A_615 = arith.addf %mul3A_599, %mul3A_614 : vector<16xf32>
      %mul3A_616 = vector.broadcast %select_n3A_606 : f32 to vector<16xf32>
      %mul3A_617 = arith.mulf %add3A_558, %mul3A_616 : vector<16xf32>
      %add3A_618 = arith.addf %mul3A_577, %mul3A_617 : vector<16xf32>
      %select_n3A_619 = arith.select %ne3A_600, %squeeze3A_561, %select_n3A_559 : i32
      %slice3A_620 = vector.extract_strided_slice %get3A_128 {offsets = [8], sizes = [1], strides = [1]} : vector<16xi32> to vector<1xi32>
      %squeeze3A_621 = vector.extract %slice3A_620[0] : i32 from vector<1xi32>
      %add3A_622 = arith.constant 8 : i32
      %add3A_623 = arith.addi %mul3A_125, %add3A_622 : i32
      %slice3A_624 = vector.extract_strided_slice %get3A_131 {offsets = [8], sizes = [1], strides = [1]} : vector<16xf32> to vector<1xf32>
      %squeeze3A_625 = vector.extract %slice3A_624[0] : f32 from vector<1xf32>
      %broadcast_in_dim3A_626 = vector.broadcast %squeeze3A_625 : f32 to vector<16xf32>
      %slice3A_627 = vector.extract_strided_slice %get3A_134 {offsets = [8], sizes = [1], strides = [1]} : vector<16xf32> to vector<1xf32>
      %squeeze3A_628 = vector.extract %slice3A_627[0] : f32 from vector<1xf32>
      %broadcast_in_dim3A_629 = vector.broadcast %squeeze3A_628 : f32 to vector<16xf32>
      %mul3A_630 = arith.constant 16 : i32
      %mul3A_631 = arith.muli %squeeze3A_621, %mul3A_630 : i32
      %get3A_632 = arith.index_cast %mul3A_631 : i32 to index
      %get3A_633 = tpu.vector_load %arg15[%get3A_632] {strides = array<i32>} : memref<8192xf32, #tpu.memory_space<vmem>>, vector<16xf32>,
      %get3A_634 = vector.shape_cast %get3A_633 : vector<16xf32> to vector<16xf32>
      %sub3A_635 = arith.subf %broadcast_in_dim3A_626, %get3A_634 : vector<16xf32>
      %exp3A_636 = math.exp %sub3A_635 : vector<16xf32>
      %mul3A_637 = arith.mulf %broadcast_in_dim3A_629, %exp3A_636 : vector<16xf32>
      %mul3A_638 = arith.constant 48 : i32
      %mul3A_639 = arith.muli %add3A_623, %mul3A_638 : i32
      %get3A_640 = arith.index_cast %mul3A_639 : i32 to index
      %get3A_641 = tpu.vector_load %arg17[%get3A_640] {strides = array<i32>} : memref<15360xf32, #tpu.memory_space<vmem>>, vector<16xf32>,
      %get3A_642 = vector.shape_cast %get3A_641 : vector<16xf32> to vector<16xf32>
      %mul3A_643 = arith.mulf %get3A_642, %mul3A_637 : vector<16xf32>
      %mul3A_644 = arith.constant 48 : i32
      %mul3A_645 = arith.muli %add3A_623, %mul3A_644 : i32
      %add3A_646 = arith.constant 16 : i32
      %add3A_647 = arith.addi %mul3A_645, %add3A_646 : i32
      %get3A_648 = arith.index_cast %add3A_647 : i32 to index
      %get3A_649 = tpu.vector_load %arg17[%get3A_648] {strides = array<i32>} : memref<15360xf32, #tpu.memory_space<vmem>>, vector<16xf32>,
      %get3A_650 = vector.shape_cast %get3A_649 : vector<16xf32> to vector<16xf32>
      %mul3A_651 = arith.mulf %get3A_650, %mul3A_637 : vector<16xf32>
      %mul3A_652 = arith.constant 48 : i32
      %mul3A_653 = arith.muli %add3A_623, %mul3A_652 : i32
      %add3A_654 = arith.constant 32 : i32
      %add3A_655 = arith.addi %mul3A_653, %add3A_654 : i32
      %get3A_656 = arith.index_cast %add3A_655 : i32 to index
      %get3A_657 = tpu.vector_load %arg17[%get3A_656] {strides = array<i32>} : memref<15360xf32, #tpu.memory_space<vmem>>, vector<16xf32>,
      %get3A_658 = vector.shape_cast %get3A_657 : vector<16xf32> to vector<16xf32>
      %mul3A_659 = arith.mulf %get3A_658, %mul3A_637 : vector<16xf32>
      %ne3A_660 = arith.cmpi ne, %squeeze3A_621, %select_n3A_619 : i32
      %convert_element_type3A_661 = arith.extui %ne3A_660 : i1 to i32
      %cond3A_662 = arith.constant 0 : i32
      %cond3A_663 = arith.cmpi ne, %convert_element_type3A_661, %cond3A_662 : i32
      scf.if %cond3A_663 {
        %mul3A_1116 = arith.constant 64 : i32
        %mul3A_1117 = arith.muli %select_n3A_619, %mul3A_1116 : i32
        %swap3A_1118 = arith.index_cast %mul3A_1117 : i32 to index
        %swap3A_1119 = tpu.vector_load %arg19[%swap3A_1118] {strides = array<i32>} : memref<32768xf32, #tpu.memory_space<vmem>>, vector<16xf32>,
        %swap3A_1120 = vector.shape_cast %swap3A_1119 : vector<16xf32> to vector<16xf32>
        %swap3A_1121 = vector.shape_cast %add3A_609 : vector<16xf32> to vector<16xf32>
        tpu.vector_store %arg19[%swap3A_1118], %swap3A_1121 {strides = array<i32>} : memref<32768xf32, #tpu.memory_space<vmem>>, vector<16xf32>,
        %mul3A_1122 = arith.constant 64 : i32
        %mul3A_1123 = arith.muli %select_n3A_619, %mul3A_1122 : i32
        %add3A_1124 = arith.constant 16 : i32
        %add3A_1125 = arith.addi %mul3A_1123, %add3A_1124 : i32
        %swap3A_1126 = arith.index_cast %add3A_1125 : i32 to index
        %swap3A_1127 = tpu.vector_load %arg19[%swap3A_1126] {strides = array<i32>} : memref<32768xf32, #tpu.memory_space<vmem>>, vector<16xf32>,
        %swap3A_1128 = vector.shape_cast %swap3A_1127 : vector<16xf32> to vector<16xf32>
        %swap3A_1129 = vector.shape_cast %add3A_612 : vector<16xf32> to vector<16xf32>
        tpu.vector_store %arg19[%swap3A_1126], %swap3A_1129 {strides = array<i32>} : memref<32768xf32, #tpu.memory_space<vmem>>, vector<16xf32>,
        %mul3A_1130 = arith.constant 64 : i32
        %mul3A_1131 = arith.muli %select_n3A_619, %mul3A_1130 : i32
        %add3A_1132 = arith.constant 32 : i32
        %add3A_1133 = arith.addi %mul3A_1131, %add3A_1132 : i32
        %swap3A_1134 = arith.index_cast %add3A_1133 : i32 to index
        %swap3A_1135 = tpu.vector_load %arg19[%swap3A_1134] {strides = array<i32>} : memref<32768xf32, #tpu.memory_space<vmem>>, vector<16xf32>,
        %swap3A_1136 = vector.shape_cast %swap3A_1135 : vector<16xf32> to vector<16xf32>
        %swap3A_1137 = vector.shape_cast %add3A_615 : vector<16xf32> to vector<16xf32>
        tpu.vector_store %arg19[%swap3A_1134], %swap3A_1137 {strides = array<i32>} : memref<32768xf32, #tpu.memory_space<vmem>>, vector<16xf32>,
        %mul3A_1138 = arith.constant 64 : i32
        %mul3A_1139 = arith.muli %select_n3A_619, %mul3A_1138 : i32
        %add3A_1140 = arith.constant 48 : i32
        %add3A_1141 = arith.addi %mul3A_1139, %add3A_1140 : i32
        %swap3A_1142 = arith.index_cast %add3A_1141 : i32 to index
        %swap3A_1143 = tpu.vector_load %arg19[%swap3A_1142] {strides = array<i32>} : memref<32768xf32, #tpu.memory_space<vmem>>, vector<16xf32>,
        %swap3A_1144 = vector.shape_cast %swap3A_1143 : vector<16xf32> to vector<16xf32>
        %swap3A_1145 = vector.shape_cast %add3A_618 : vector<16xf32> to vector<16xf32>
        tpu.vector_store %arg19[%swap3A_1142], %swap3A_1145 {strides = array<i32>} : memref<32768xf32, #tpu.memory_space<vmem>>, vector<16xf32>,
      } else {
      }
      %jit3A_664 = arith.constant 0.000000e+00 : f32
      %jit3A_665 = arith.constant 1.000000e+00 : f32
      %select_n3A_666 = arith.select %ne3A_660, %jit3A_664, %jit3A_665 : f32
      %mul3A_667 = vector.broadcast %select_n3A_666 : f32 to vector<16xf32>
      %mul3A_668 = arith.mulf %add3A_609, %mul3A_667 : vector<16xf32>
      %add3A_669 = arith.addf %mul3A_643, %mul3A_668 : vector<16xf32>
      %mul3A_670 = vector.broadcast %select_n3A_666 : f32 to vector<16xf32>
      %mul3A_671 = arith.mulf %add3A_612, %mul3A_670 : vector<16xf32>
      %add3A_672 = arith.addf %mul3A_651, %mul3A_671 : vector<16xf32>
      %mul3A_673 = vector.broadcast %select_n3A_666 : f32 to vector<16xf32>
      %mul3A_674 = arith.mulf %add3A_615, %mul3A_673 : vector<16xf32>
      %add3A_675 = arith.addf %mul3A_659, %mul3A_674 : vector<16xf32>
      %mul3A_676 = vector.broadcast %select_n3A_666 : f32 to vector<16xf32>
      %mul3A_677 = arith.mulf %add3A_618, %mul3A_676 : vector<16xf32>
      %add3A_678 = arith.addf %mul3A_637, %mul3A_677 : vector<16xf32>
      %select_n3A_679 = arith.select %ne3A_660, %squeeze3A_621, %select_n3A_619 : i32
      %slice3A_680 = vector.extract_strided_slice %get3A_128 {offsets = [9], sizes = [1], strides = [1]} : vector<16xi32> to vector<1xi32>
      %squeeze3A_681 = vector.extract %slice3A_680[0] : i32 from vector<1xi32>
      %add3A_682 = arith.constant 9 : i32
      %add3A_683 = arith.addi %mul3A_125, %add3A_682 : i32
      %slice3A_684 = vector.extract_strided_slice %get3A_131 {offsets = [9], sizes = [1], strides = [1]} : vector<16xf32> to vector<1xf32>
      %squeeze3A_685 = vector.extract %slice3A_684[0] : f32 from vector<1xf32>
      %broadcast_in_dim3A_686 = vector.broadcast %squeeze3A_685 : f32 to vector<16xf32>
      %slice3A_687 = vector.extract_strided_slice %get3A_134 {offsets = [9], sizes = [1], strides = [1]} : vector<16xf32> to vector<1xf32>
      %squeeze3A_688 = vector.extract %slice3A_687[0] : f32 from vector<1xf32>
      %broadcast_in_dim3A_689 = vector.broadcast %squeeze3A_688 : f32 to vector<16xf32>
      %mul3A_690 = arith.constant 16 : i32
      %mul3A_691 = arith.muli %squeeze3A_681, %mul3A_690 : i32
      %get3A_692 = arith.index_cast %mul3A_691 : i32 to index
      %get3A_693 = tpu.vector_load %arg15[%get3A_692] {strides = array<i32>} : memref<8192xf32, #tpu.memory_space<vmem>>, vector<16xf32>,
      %get3A_694 = vector.shape_cast %get3A_693 : vector<16xf32> to vector<16xf32>
      %sub3A_695 = arith.subf %broadcast_in_dim3A_686, %get3A_694 : vector<16xf32>
      %exp3A_696 = math.exp %sub3A_695 : vector<16xf32>
      %mul3A_697 = arith.mulf %broadcast_in_dim3A_689, %exp3A_696 : vector<16xf32>
      %mul3A_698 = arith.constant 48 : i32
      %mul3A_699 = arith.muli %add3A_683, %mul3A_698 : i32
      %get3A_700 = arith.index_cast %mul3A_699 : i32 to index
      %get3A_701 = tpu.vector_load %arg17[%get3A_700] {strides = array<i32>} : memref<15360xf32, #tpu.memory_space<vmem>>, vector<16xf32>,
      %get3A_702 = vector.shape_cast %get3A_701 : vector<16xf32> to vector<16xf32>
      %mul3A_703 = arith.mulf %get3A_702, %mul3A_697 : vector<16xf32>
      %mul3A_704 = arith.constant 48 : i32
      %mul3A_705 = arith.muli %add3A_683, %mul3A_704 : i32
      %add3A_706 = arith.constant 16 : i32
      %add3A_707 = arith.addi %mul3A_705, %add3A_706 : i32
      %get3A_708 = arith.index_cast %add3A_707 : i32 to index
      %get3A_709 = tpu.vector_load %arg17[%get3A_708] {strides = array<i32>} : memref<15360xf32, #tpu.memory_space<vmem>>, vector<16xf32>,
      %get3A_710 = vector.shape_cast %get3A_709 : vector<16xf32> to vector<16xf32>
      %mul3A_711 = arith.mulf %get3A_710, %mul3A_697 : vector<16xf32>
      %mul3A_712 = arith.constant 48 : i32
      %mul3A_713 = arith.muli %add3A_683, %mul3A_712 : i32
      %add3A_714 = arith.constant 32 : i32
      %add3A_715 = arith.addi %mul3A_713, %add3A_714 : i32
      %get3A_716 = arith.index_cast %add3A_715 : i32 to index
      %get3A_717 = tpu.vector_load %arg17[%get3A_716] {strides = array<i32>} : memref<15360xf32, #tpu.memory_space<vmem>>, vector<16xf32>,
      %get3A_718 = vector.shape_cast %get3A_717 : vector<16xf32> to vector<16xf32>
      %mul3A_719 = arith.mulf %get3A_718, %mul3A_697 : vector<16xf32>
      %ne3A_720 = arith.cmpi ne, %squeeze3A_681, %select_n3A_679 : i32
      %convert_element_type3A_721 = arith.extui %ne3A_720 : i1 to i32
      %cond3A_722 = arith.constant 0 : i32
      %cond3A_723 = arith.cmpi ne, %convert_element_type3A_721, %cond3A_722 : i32
      scf.if %cond3A_723 {
        %mul3A_1116 = arith.constant 64 : i32
        %mul3A_1117 = arith.muli %select_n3A_679, %mul3A_1116 : i32
        %swap3A_1118 = arith.index_cast %mul3A_1117 : i32 to index
        %swap3A_1119 = tpu.vector_load %arg19[%swap3A_1118] {strides = array<i32>} : memref<32768xf32, #tpu.memory_space<vmem>>, vector<16xf32>,
        %swap3A_1120 = vector.shape_cast %swap3A_1119 : vector<16xf32> to vector<16xf32>
        %swap3A_1121 = vector.shape_cast %add3A_669 : vector<16xf32> to vector<16xf32>
        tpu.vector_store %arg19[%swap3A_1118], %swap3A_1121 {strides = array<i32>} : memref<32768xf32, #tpu.memory_space<vmem>>, vector<16xf32>,
        %mul3A_1122 = arith.constant 64 : i32
        %mul3A_1123 = arith.muli %select_n3A_679, %mul3A_1122 : i32
        %add3A_1124 = arith.constant 16 : i32
        %add3A_1125 = arith.addi %mul3A_1123, %add3A_1124 : i32
        %swap3A_1126 = arith.index_cast %add3A_1125 : i32 to index
        %swap3A_1127 = tpu.vector_load %arg19[%swap3A_1126] {strides = array<i32>} : memref<32768xf32, #tpu.memory_space<vmem>>, vector<16xf32>,
        %swap3A_1128 = vector.shape_cast %swap3A_1127 : vector<16xf32> to vector<16xf32>
        %swap3A_1129 = vector.shape_cast %add3A_672 : vector<16xf32> to vector<16xf32>
        tpu.vector_store %arg19[%swap3A_1126], %swap3A_1129 {strides = array<i32>} : memref<32768xf32, #tpu.memory_space<vmem>>, vector<16xf32>,
        %mul3A_1130 = arith.constant 64 : i32
        %mul3A_1131 = arith.muli %select_n3A_679, %mul3A_1130 : i32
        %add3A_1132 = arith.constant 32 : i32
        %add3A_1133 = arith.addi %mul3A_1131, %add3A_1132 : i32
        %swap3A_1134 = arith.index_cast %add3A_1133 : i32 to index
        %swap3A_1135 = tpu.vector_load %arg19[%swap3A_1134] {strides = array<i32>} : memref<32768xf32, #tpu.memory_space<vmem>>, vector<16xf32>,
        %swap3A_1136 = vector.shape_cast %swap3A_1135 : vector<16xf32> to vector<16xf32>
        %swap3A_1137 = vector.shape_cast %add3A_675 : vector<16xf32> to vector<16xf32>
        tpu.vector_store %arg19[%swap3A_1134], %swap3A_1137 {strides = array<i32>} : memref<32768xf32, #tpu.memory_space<vmem>>, vector<16xf32>,
        %mul3A_1138 = arith.constant 64 : i32
        %mul3A_1139 = arith.muli %select_n3A_679, %mul3A_1138 : i32
        %add3A_1140 = arith.constant 48 : i32
        %add3A_1141 = arith.addi %mul3A_1139, %add3A_1140 : i32
        %swap3A_1142 = arith.index_cast %add3A_1141 : i32 to index
        %swap3A_1143 = tpu.vector_load %arg19[%swap3A_1142] {strides = array<i32>} : memref<32768xf32, #tpu.memory_space<vmem>>, vector<16xf32>,
        %swap3A_1144 = vector.shape_cast %swap3A_1143 : vector<16xf32> to vector<16xf32>
        %swap3A_1145 = vector.shape_cast %add3A_678 : vector<16xf32> to vector<16xf32>
        tpu.vector_store %arg19[%swap3A_1142], %swap3A_1145 {strides = array<i32>} : memref<32768xf32, #tpu.memory_space<vmem>>, vector<16xf32>,
      } else {
      }
      %jit3A_724 = arith.constant 0.000000e+00 : f32
      %jit3A_725 = arith.constant 1.000000e+00 : f32
      %select_n3A_726 = arith.select %ne3A_720, %jit3A_724, %jit3A_725 : f32
      %mul3A_727 = vector.broadcast %select_n3A_726 : f32 to vector<16xf32>
      %mul3A_728 = arith.mulf %add3A_669, %mul3A_727 : vector<16xf32>
      %add3A_729 = arith.addf %mul3A_703, %mul3A_728 : vector<16xf32>
      %mul3A_730 = vector.broadcast %select_n3A_726 : f32 to vector<16xf32>
      %mul3A_731 = arith.mulf %add3A_672, %mul3A_730 : vector<16xf32>
      %add3A_732 = arith.addf %mul3A_711, %mul3A_731 : vector<16xf32>
      %mul3A_733 = vector.broadcast %select_n3A_726 : f32 to vector<16xf32>
      %mul3A_734 = arith.mulf %add3A_675, %mul3A_733 : vector<16xf32>
      %add3A_735 = arith.addf %mul3A_719, %mul3A_734 : vector<16xf32>
      %mul3A_736 = vector.broadcast %select_n3A_726 : f32 to vector<16xf32>
      %mul3A_737 = arith.mulf %add3A_678, %mul3A_736 : vector<16xf32>
      %add3A_738 = arith.addf %mul3A_697, %mul3A_737 : vector<16xf32>
      %select_n3A_739 = arith.select %ne3A_720, %squeeze3A_681, %select_n3A_679 : i32
      %slice3A_740 = vector.extract_strided_slice %get3A_128 {offsets = [10], sizes = [1], strides = [1]} : vector<16xi32> to vector<1xi32>
      %squeeze3A_741 = vector.extract %slice3A_740[0] : i32 from vector<1xi32>
      %add3A_742 = arith.constant 10 : i32
      %add3A_743 = arith.addi %mul3A_125, %add3A_742 : i32
      %slice3A_744 = vector.extract_strided_slice %get3A_131 {offsets = [10], sizes = [1], strides = [1]} : vector<16xf32> to vector<1xf32>
      %squeeze3A_745 = vector.extract %slice3A_744[0] : f32 from vector<1xf32>
      %broadcast_in_dim3A_746 = vector.broadcast %squeeze3A_745 : f32 to vector<16xf32>
      %slice3A_747 = vector.extract_strided_slice %get3A_134 {offsets = [10], sizes = [1], strides = [1]} : vector<16xf32> to vector<1xf32>
      %squeeze3A_748 = vector.extract %slice3A_747[0] : f32 from vector<1xf32>
      %broadcast_in_dim3A_749 = vector.broadcast %squeeze3A_748 : f32 to vector<16xf32>
      %mul3A_750 = arith.constant 16 : i32
      %mul3A_751 = arith.muli %squeeze3A_741, %mul3A_750 : i32
      %get3A_752 = arith.index_cast %mul3A_751 : i32 to index
      %get3A_753 = tpu.vector_load %arg15[%get3A_752] {strides = array<i32>} : memref<8192xf32, #tpu.memory_space<vmem>>, vector<16xf32>,
      %get3A_754 = vector.shape_cast %get3A_753 : vector<16xf32> to vector<16xf32>
      %sub3A_755 = arith.subf %broadcast_in_dim3A_746, %get3A_754 : vector<16xf32>
      %exp3A_756 = math.exp %sub3A_755 : vector<16xf32>
      %mul3A_757 = arith.mulf %broadcast_in_dim3A_749, %exp3A_756 : vector<16xf32>
      %mul3A_758 = arith.constant 48 : i32
      %mul3A_759 = arith.muli %add3A_743, %mul3A_758 : i32
      %get3A_760 = arith.index_cast %mul3A_759 : i32 to index
      %get3A_761 = tpu.vector_load %arg17[%get3A_760] {strides = array<i32>} : memref<15360xf32, #tpu.memory_space<vmem>>, vector<16xf32>,
      %get3A_762 = vector.shape_cast %get3A_761 : vector<16xf32> to vector<16xf32>
      %mul3A_763 = arith.mulf %get3A_762, %mul3A_757 : vector<16xf32>
      %mul3A_764 = arith.constant 48 : i32
      %mul3A_765 = arith.muli %add3A_743, %mul3A_764 : i32
      %add3A_766 = arith.constant 16 : i32
      %add3A_767 = arith.addi %mul3A_765, %add3A_766 : i32
      %get3A_768 = arith.index_cast %add3A_767 : i32 to index
      %get3A_769 = tpu.vector_load %arg17[%get3A_768] {strides = array<i32>} : memref<15360xf32, #tpu.memory_space<vmem>>, vector<16xf32>,
      %get3A_770 = vector.shape_cast %get3A_769 : vector<16xf32> to vector<16xf32>
      %mul3A_771 = arith.mulf %get3A_770, %mul3A_757 : vector<16xf32>
      %mul3A_772 = arith.constant 48 : i32
      %mul3A_773 = arith.muli %add3A_743, %mul3A_772 : i32
      %add3A_774 = arith.constant 32 : i32
      %add3A_775 = arith.addi %mul3A_773, %add3A_774 : i32
      %get3A_776 = arith.index_cast %add3A_775 : i32 to index
      %get3A_777 = tpu.vector_load %arg17[%get3A_776] {strides = array<i32>} : memref<15360xf32, #tpu.memory_space<vmem>>, vector<16xf32>,
      %get3A_778 = vector.shape_cast %get3A_777 : vector<16xf32> to vector<16xf32>
      %mul3A_779 = arith.mulf %get3A_778, %mul3A_757 : vector<16xf32>
      %ne3A_780 = arith.cmpi ne, %squeeze3A_741, %select_n3A_739 : i32
      %convert_element_type3A_781 = arith.extui %ne3A_780 : i1 to i32
      %cond3A_782 = arith.constant 0 : i32
      %cond3A_783 = arith.cmpi ne, %convert_element_type3A_781, %cond3A_782 : i32
      scf.if %cond3A_783 {
        %mul3A_1116 = arith.constant 64 : i32
        %mul3A_1117 = arith.muli %select_n3A_739, %mul3A_1116 : i32
        %swap3A_1118 = arith.index_cast %mul3A_1117 : i32 to index
        %swap3A_1119 = tpu.vector_load %arg19[%swap3A_1118] {strides = array<i32>} : memref<32768xf32, #tpu.memory_space<vmem>>, vector<16xf32>,
        %swap3A_1120 = vector.shape_cast %swap3A_1119 : vector<16xf32> to vector<16xf32>
        %swap3A_1121 = vector.shape_cast %add3A_729 : vector<16xf32> to vector<16xf32>
        tpu.vector_store %arg19[%swap3A_1118], %swap3A_1121 {strides = array<i32>} : memref<32768xf32, #tpu.memory_space<vmem>>, vector<16xf32>,
        %mul3A_1122 = arith.constant 64 : i32
        %mul3A_1123 = arith.muli %select_n3A_739, %mul3A_1122 : i32
        %add3A_1124 = arith.constant 16 : i32
        %add3A_1125 = arith.addi %mul3A_1123, %add3A_1124 : i32
        %swap3A_1126 = arith.index_cast %add3A_1125 : i32 to index
        %swap3A_1127 = tpu.vector_load %arg19[%swap3A_1126] {strides = array<i32>} : memref<32768xf32, #tpu.memory_space<vmem>>, vector<16xf32>,
        %swap3A_1128 = vector.shape_cast %swap3A_1127 : vector<16xf32> to vector<16xf32>
        %swap3A_1129 = vector.shape_cast %add3A_732 : vector<16xf32> to vector<16xf32>
        tpu.vector_store %arg19[%swap3A_1126], %swap3A_1129 {strides = array<i32>} : memref<32768xf32, #tpu.memory_space<vmem>>, vector<16xf32>,
        %mul3A_1130 = arith.constant 64 : i32
        %mul3A_1131 = arith.muli %select_n3A_739, %mul3A_1130 : i32
        %add3A_1132 = arith.constant 32 : i32
        %add3A_1133 = arith.addi %mul3A_1131, %add3A_1132 : i32
        %swap3A_1134 = arith.index_cast %add3A_1133 : i32 to index
        %swap3A_1135 = tpu.vector_load %arg19[%swap3A_1134] {strides = array<i32>} : memref<32768xf32, #tpu.memory_space<vmem>>, vector<16xf32>,
        %swap3A_1136 = vector.shape_cast %swap3A_1135 : vector<16xf32> to vector<16xf32>
        %swap3A_1137 = vector.shape_cast %add3A_735 : vector<16xf32> to vector<16xf32>
        tpu.vector_store %arg19[%swap3A_1134], %swap3A_1137 {strides = array<i32>} : memref<32768xf32, #tpu.memory_space<vmem>>, vector<16xf32>,
        %mul3A_1138 = arith.constant 64 : i32
        %mul3A_1139 = arith.muli %select_n3A_739, %mul3A_1138 : i32
        %add3A_1140 = arith.constant 48 : i32
        %add3A_1141 = arith.addi %mul3A_1139, %add3A_1140 : i32
        %swap3A_1142 = arith.index_cast %add3A_1141 : i32 to index
        %swap3A_1143 = tpu.vector_load %arg19[%swap3A_1142] {strides = array<i32>} : memref<32768xf32, #tpu.memory_space<vmem>>, vector<16xf32>,
        %swap3A_1144 = vector.shape_cast %swap3A_1143 : vector<16xf32> to vector<16xf32>
        %swap3A_1145 = vector.shape_cast %add3A_738 : vector<16xf32> to vector<16xf32>
        tpu.vector_store %arg19[%swap3A_1142], %swap3A_1145 {strides = array<i32>} : memref<32768xf32, #tpu.memory_space<vmem>>, vector<16xf32>,
      } else {
      }
      %jit3A_784 = arith.constant 0.000000e+00 : f32
      %jit3A_785 = arith.constant 1.000000e+00 : f32
      %select_n3A_786 = arith.select %ne3A_780, %jit3A_784, %jit3A_785 : f32
      %mul3A_787 = vector.broadcast %select_n3A_786 : f32 to vector<16xf32>
      %mul3A_788 = arith.mulf %add3A_729, %mul3A_787 : vector<16xf32>
      %add3A_789 = arith.addf %mul3A_763, %mul3A_788 : vector<16xf32>
      %mul3A_790 = vector.broadcast %select_n3A_786 : f32 to vector<16xf32>
      %mul3A_791 = arith.mulf %add3A_732, %mul3A_790 : vector<16xf32>
      %add3A_792 = arith.addf %mul3A_771, %mul3A_791 : vector<16xf32>
      %mul3A_793 = vector.broadcast %select_n3A_786 : f32 to vector<16xf32>
      %mul3A_794 = arith.mulf %add3A_735, %mul3A_793 : vector<16xf32>
      %add3A_795 = arith.addf %mul3A_779, %mul3A_794 : vector<16xf32>
      %mul3A_796 = vector.broadcast %select_n3A_786 : f32 to vector<16xf32>
      %mul3A_797 = arith.mulf %add3A_738, %mul3A_796 : vector<16xf32>
      %add3A_798 = arith.addf %mul3A_757, %mul3A_797 : vector<16xf32>
      %select_n3A_799 = arith.select %ne3A_780, %squeeze3A_741, %select_n3A_739 : i32
      %slice3A_800 = vector.extract_strided_slice %get3A_128 {offsets = [11], sizes = [1], strides = [1]} : vector<16xi32> to vector<1xi32>
      %squeeze3A_801 = vector.extract %slice3A_800[0] : i32 from vector<1xi32>
      %add3A_802 = arith.constant 11 : i32
      %add3A_803 = arith.addi %mul3A_125, %add3A_802 : i32
      %slice3A_804 = vector.extract_strided_slice %get3A_131 {offsets = [11], sizes = [1], strides = [1]} : vector<16xf32> to vector<1xf32>
      %squeeze3A_805 = vector.extract %slice3A_804[0] : f32 from vector<1xf32>
      %broadcast_in_dim3A_806 = vector.broadcast %squeeze3A_805 : f32 to vector<16xf32>
      %slice3A_807 = vector.extract_strided_slice %get3A_134 {offsets = [11], sizes = [1], strides = [1]} : vector<16xf32> to vector<1xf32>
      %squeeze3A_808 = vector.extract %slice3A_807[0] : f32 from vector<1xf32>
      %broadcast_in_dim3A_809 = vector.broadcast %squeeze3A_808 : f32 to vector<16xf32>
      %mul3A_810 = arith.constant 16 : i32
      %mul3A_811 = arith.muli %squeeze3A_801, %mul3A_810 : i32
      %get3A_812 = arith.index_cast %mul3A_811 : i32 to index
      %get3A_813 = tpu.vector_load %arg15[%get3A_812] {strides = array<i32>} : memref<8192xf32, #tpu.memory_space<vmem>>, vector<16xf32>,
      %get3A_814 = vector.shape_cast %get3A_813 : vector<16xf32> to vector<16xf32>
      %sub3A_815 = arith.subf %broadcast_in_dim3A_806, %get3A_814 : vector<16xf32>
      %exp3A_816 = math.exp %sub3A_815 : vector<16xf32>
      %mul3A_817 = arith.mulf %broadcast_in_dim3A_809, %exp3A_816 : vector<16xf32>
      %mul3A_818 = arith.constant 48 : i32
      %mul3A_819 = arith.muli %add3A_803, %mul3A_818 : i32
      %get3A_820 = arith.index_cast %mul3A_819 : i32 to index
      %get3A_821 = tpu.vector_load %arg17[%get3A_820] {strides = array<i32>} : memref<15360xf32, #tpu.memory_space<vmem>>, vector<16xf32>,
      %get3A_822 = vector.shape_cast %get3A_821 : vector<16xf32> to vector<16xf32>
      %mul3A_823 = arith.mulf %get3A_822, %mul3A_817 : vector<16xf32>
      %mul3A_824 = arith.constant 48 : i32
      %mul3A_825 = arith.muli %add3A_803, %mul3A_824 : i32
      %add3A_826 = arith.constant 16 : i32
      %add3A_827 = arith.addi %mul3A_825, %add3A_826 : i32
      %get3A_828 = arith.index_cast %add3A_827 : i32 to index
      %get3A_829 = tpu.vector_load %arg17[%get3A_828] {strides = array<i32>} : memref<15360xf32, #tpu.memory_space<vmem>>, vector<16xf32>,
      %get3A_830 = vector.shape_cast %get3A_829 : vector<16xf32> to vector<16xf32>
      %mul3A_831 = arith.mulf %get3A_830, %mul3A_817 : vector<16xf32>
      %mul3A_832 = arith.constant 48 : i32
      %mul3A_833 = arith.muli %add3A_803, %mul3A_832 : i32
      %add3A_834 = arith.constant 32 : i32
      %add3A_835 = arith.addi %mul3A_833, %add3A_834 : i32
      %get3A_836 = arith.index_cast %add3A_835 : i32 to index
      %get3A_837 = tpu.vector_load %arg17[%get3A_836] {strides = array<i32>} : memref<15360xf32, #tpu.memory_space<vmem>>, vector<16xf32>,
      %get3A_838 = vector.shape_cast %get3A_837 : vector<16xf32> to vector<16xf32>
      %mul3A_839 = arith.mulf %get3A_838, %mul3A_817 : vector<16xf32>
      %ne3A_840 = arith.cmpi ne, %squeeze3A_801, %select_n3A_799 : i32
      %convert_element_type3A_841 = arith.extui %ne3A_840 : i1 to i32
      %cond3A_842 = arith.constant 0 : i32
      %cond3A_843 = arith.cmpi ne, %convert_element_type3A_841, %cond3A_842 : i32
      scf.if %cond3A_843 {
        %mul3A_1116 = arith.constant 64 : i32
        %mul3A_1117 = arith.muli %select_n3A_799, %mul3A_1116 : i32
        %swap3A_1118 = arith.index_cast %mul3A_1117 : i32 to index
        %swap3A_1119 = tpu.vector_load %arg19[%swap3A_1118] {strides = array<i32>} : memref<32768xf32, #tpu.memory_space<vmem>>, vector<16xf32>,
        %swap3A_1120 = vector.shape_cast %swap3A_1119 : vector<16xf32> to vector<16xf32>
        %swap3A_1121 = vector.shape_cast %add3A_789 : vector<16xf32> to vector<16xf32>
        tpu.vector_store %arg19[%swap3A_1118], %swap3A_1121 {strides = array<i32>} : memref<32768xf32, #tpu.memory_space<vmem>>, vector<16xf32>,
        %mul3A_1122 = arith.constant 64 : i32
        %mul3A_1123 = arith.muli %select_n3A_799, %mul3A_1122 : i32
        %add3A_1124 = arith.constant 16 : i32
        %add3A_1125 = arith.addi %mul3A_1123, %add3A_1124 : i32
        %swap3A_1126 = arith.index_cast %add3A_1125 : i32 to index
        %swap3A_1127 = tpu.vector_load %arg19[%swap3A_1126] {strides = array<i32>} : memref<32768xf32, #tpu.memory_space<vmem>>, vector<16xf32>,
        %swap3A_1128 = vector.shape_cast %swap3A_1127 : vector<16xf32> to vector<16xf32>
        %swap3A_1129 = vector.shape_cast %add3A_792 : vector<16xf32> to vector<16xf32>
        tpu.vector_store %arg19[%swap3A_1126], %swap3A_1129 {strides = array<i32>} : memref<32768xf32, #tpu.memory_space<vmem>>, vector<16xf32>,
        %mul3A_1130 = arith.constant 64 : i32
        %mul3A_1131 = arith.muli %select_n3A_799, %mul3A_1130 : i32
        %add3A_1132 = arith.constant 32 : i32
        %add3A_1133 = arith.addi %mul3A_1131, %add3A_1132 : i32
        %swap3A_1134 = arith.index_cast %add3A_1133 : i32 to index
        %swap3A_1135 = tpu.vector_load %arg19[%swap3A_1134] {strides = array<i32>} : memref<32768xf32, #tpu.memory_space<vmem>>, vector<16xf32>,
        %swap3A_1136 = vector.shape_cast %swap3A_1135 : vector<16xf32> to vector<16xf32>
        %swap3A_1137 = vector.shape_cast %add3A_795 : vector<16xf32> to vector<16xf32>
        tpu.vector_store %arg19[%swap3A_1134], %swap3A_1137 {strides = array<i32>} : memref<32768xf32, #tpu.memory_space<vmem>>, vector<16xf32>,
        %mul3A_1138 = arith.constant 64 : i32
        %mul3A_1139 = arith.muli %select_n3A_799, %mul3A_1138 : i32
        %add3A_1140 = arith.constant 48 : i32
        %add3A_1141 = arith.addi %mul3A_1139, %add3A_1140 : i32
        %swap3A_1142 = arith.index_cast %add3A_1141 : i32 to index
        %swap3A_1143 = tpu.vector_load %arg19[%swap3A_1142] {strides = array<i32>} : memref<32768xf32, #tpu.memory_space<vmem>>, vector<16xf32>,
        %swap3A_1144 = vector.shape_cast %swap3A_1143 : vector<16xf32> to vector<16xf32>
        %swap3A_1145 = vector.shape_cast %add3A_798 : vector<16xf32> to vector<16xf32>
        tpu.vector_store %arg19[%swap3A_1142], %swap3A_1145 {strides = array<i32>} : memref<32768xf32, #tpu.memory_space<vmem>>, vector<16xf32>,
      } else {
      }
      %jit3A_844 = arith.constant 0.000000e+00 : f32
      %jit3A_845 = arith.constant 1.000000e+00 : f32
      %select_n3A_846 = arith.select %ne3A_840, %jit3A_844, %jit3A_845 : f32
      %mul3A_847 = vector.broadcast %select_n3A_846 : f32 to vector<16xf32>
      %mul3A_848 = arith.mulf %add3A_789, %mul3A_847 : vector<16xf32>
      %add3A_849 = arith.addf %mul3A_823, %mul3A_848 : vector<16xf32>
      %mul3A_850 = vector.broadcast %select_n3A_846 : f32 to vector<16xf32>
      %mul3A_851 = arith.mulf %add3A_792, %mul3A_850 : vector<16xf32>
      %add3A_852 = arith.addf %mul3A_831, %mul3A_851 : vector<16xf32>
      %mul3A_853 = vector.broadcast %select_n3A_846 : f32 to vector<16xf32>
      %mul3A_854 = arith.mulf %add3A_795, %mul3A_853 : vector<16xf32>
      %add3A_855 = arith.addf %mul3A_839, %mul3A_854 : vector<16xf32>
      %mul3A_856 = vector.broadcast %select_n3A_846 : f32 to vector<16xf32>
      %mul3A_857 = arith.mulf %add3A_798, %mul3A_856 : vector<16xf32>
      %add3A_858 = arith.addf %mul3A_817, %mul3A_857 : vector<16xf32>
      %select_n3A_859 = arith.select %ne3A_840, %squeeze3A_801, %select_n3A_799 : i32
      %slice3A_860 = vector.extract_strided_slice %get3A_128 {offsets = [12], sizes = [1], strides = [1]} : vector<16xi32> to vector<1xi32>
      %squeeze3A_861 = vector.extract %slice3A_860[0] : i32 from vector<1xi32>
      %add3A_862 = arith.constant 12 : i32
      %add3A_863 = arith.addi %mul3A_125, %add3A_862 : i32
      %slice3A_864 = vector.extract_strided_slice %get3A_131 {offsets = [12], sizes = [1], strides = [1]} : vector<16xf32> to vector<1xf32>
      %squeeze3A_865 = vector.extract %slice3A_864[0] : f32 from vector<1xf32>
      %broadcast_in_dim3A_866 = vector.broadcast %squeeze3A_865 : f32 to vector<16xf32>
      %slice3A_867 = vector.extract_strided_slice %get3A_134 {offsets = [12], sizes = [1], strides = [1]} : vector<16xf32> to vector<1xf32>
      %squeeze3A_868 = vector.extract %slice3A_867[0] : f32 from vector<1xf32>
      %broadcast_in_dim3A_869 = vector.broadcast %squeeze3A_868 : f32 to vector<16xf32>
      %mul3A_870 = arith.constant 16 : i32
      %mul3A_871 = arith.muli %squeeze3A_861, %mul3A_870 : i32
      %get3A_872 = arith.index_cast %mul3A_871 : i32 to index
      %get3A_873 = tpu.vector_load %arg15[%get3A_872] {strides = array<i32>} : memref<8192xf32, #tpu.memory_space<vmem>>, vector<16xf32>,
      %get3A_874 = vector.shape_cast %get3A_873 : vector<16xf32> to vector<16xf32>
      %sub3A_875 = arith.subf %broadcast_in_dim3A_866, %get3A_874 : vector<16xf32>
      %exp3A_876 = math.exp %sub3A_875 : vector<16xf32>
      %mul3A_877 = arith.mulf %broadcast_in_dim3A_869, %exp3A_876 : vector<16xf32>
      %mul3A_878 = arith.constant 48 : i32
      %mul3A_879 = arith.muli %add3A_863, %mul3A_878 : i32
      %get3A_880 = arith.index_cast %mul3A_879 : i32 to index
      %get3A_881 = tpu.vector_load %arg17[%get3A_880] {strides = array<i32>} : memref<15360xf32, #tpu.memory_space<vmem>>, vector<16xf32>,
      %get3A_882 = vector.shape_cast %get3A_881 : vector<16xf32> to vector<16xf32>
      %mul3A_883 = arith.mulf %get3A_882, %mul3A_877 : vector<16xf32>
      %mul3A_884 = arith.constant 48 : i32
      %mul3A_885 = arith.muli %add3A_863, %mul3A_884 : i32
      %add3A_886 = arith.constant 16 : i32
      %add3A_887 = arith.addi %mul3A_885, %add3A_886 : i32
      %get3A_888 = arith.index_cast %add3A_887 : i32 to index
      %get3A_889 = tpu.vector_load %arg17[%get3A_888] {strides = array<i32>} : memref<15360xf32, #tpu.memory_space<vmem>>, vector<16xf32>,
      %get3A_890 = vector.shape_cast %get3A_889 : vector<16xf32> to vector<16xf32>
      %mul3A_891 = arith.mulf %get3A_890, %mul3A_877 : vector<16xf32>
      %mul3A_892 = arith.constant 48 : i32
      %mul3A_893 = arith.muli %add3A_863, %mul3A_892 : i32
      %add3A_894 = arith.constant 32 : i32
      %add3A_895 = arith.addi %mul3A_893, %add3A_894 : i32
      %get3A_896 = arith.index_cast %add3A_895 : i32 to index
      %get3A_897 = tpu.vector_load %arg17[%get3A_896] {strides = array<i32>} : memref<15360xf32, #tpu.memory_space<vmem>>, vector<16xf32>,
      %get3A_898 = vector.shape_cast %get3A_897 : vector<16xf32> to vector<16xf32>
      %mul3A_899 = arith.mulf %get3A_898, %mul3A_877 : vector<16xf32>
      %ne3A_900 = arith.cmpi ne, %squeeze3A_861, %select_n3A_859 : i32
      %convert_element_type3A_901 = arith.extui %ne3A_900 : i1 to i32
      %cond3A_902 = arith.constant 0 : i32
      %cond3A_903 = arith.cmpi ne, %convert_element_type3A_901, %cond3A_902 : i32
      scf.if %cond3A_903 {
        %mul3A_1116 = arith.constant 64 : i32
        %mul3A_1117 = arith.muli %select_n3A_859, %mul3A_1116 : i32
        %swap3A_1118 = arith.index_cast %mul3A_1117 : i32 to index
        %swap3A_1119 = tpu.vector_load %arg19[%swap3A_1118] {strides = array<i32>} : memref<32768xf32, #tpu.memory_space<vmem>>, vector<16xf32>,
        %swap3A_1120 = vector.shape_cast %swap3A_1119 : vector<16xf32> to vector<16xf32>
        %swap3A_1121 = vector.shape_cast %add3A_849 : vector<16xf32> to vector<16xf32>
        tpu.vector_store %arg19[%swap3A_1118], %swap3A_1121 {strides = array<i32>} : memref<32768xf32, #tpu.memory_space<vmem>>, vector<16xf32>,
        %mul3A_1122 = arith.constant 64 : i32
        %mul3A_1123 = arith.muli %select_n3A_859, %mul3A_1122 : i32
        %add3A_1124 = arith.constant 16 : i32
        %add3A_1125 = arith.addi %mul3A_1123, %add3A_1124 : i32
        %swap3A_1126 = arith.index_cast %add3A_1125 : i32 to index
        %swap3A_1127 = tpu.vector_load %arg19[%swap3A_1126] {strides = array<i32>} : memref<32768xf32, #tpu.memory_space<vmem>>, vector<16xf32>,
        %swap3A_1128 = vector.shape_cast %swap3A_1127 : vector<16xf32> to vector<16xf32>
        %swap3A_1129 = vector.shape_cast %add3A_852 : vector<16xf32> to vector<16xf32>
        tpu.vector_store %arg19[%swap3A_1126], %swap3A_1129 {strides = array<i32>} : memref<32768xf32, #tpu.memory_space<vmem>>, vector<16xf32>,
        %mul3A_1130 = arith.constant 64 : i32
        %mul3A_1131 = arith.muli %select_n3A_859, %mul3A_1130 : i32
        %add3A_1132 = arith.constant 32 : i32
        %add3A_1133 = arith.addi %mul3A_1131, %add3A_1132 : i32
        %swap3A_1134 = arith.index_cast %add3A_1133 : i32 to index
        %swap3A_1135 = tpu.vector_load %arg19[%swap3A_1134] {strides = array<i32>} : memref<32768xf32, #tpu.memory_space<vmem>>, vector<16xf32>,
        %swap3A_1136 = vector.shape_cast %swap3A_1135 : vector<16xf32> to vector<16xf32>
        %swap3A_1137 = vector.shape_cast %add3A_855 : vector<16xf32> to vector<16xf32>
        tpu.vector_store %arg19[%swap3A_1134], %swap3A_1137 {strides = array<i32>} : memref<32768xf32, #tpu.memory_space<vmem>>, vector<16xf32>,
        %mul3A_1138 = arith.constant 64 : i32
        %mul3A_1139 = arith.muli %select_n3A_859, %mul3A_1138 : i32
        %add3A_1140 = arith.constant 48 : i32
        %add3A_1141 = arith.addi %mul3A_1139, %add3A_1140 : i32
        %swap3A_1142 = arith.index_cast %add3A_1141 : i32 to index
        %swap3A_1143 = tpu.vector_load %arg19[%swap3A_1142] {strides = array<i32>} : memref<32768xf32, #tpu.memory_space<vmem>>, vector<16xf32>,
        %swap3A_1144 = vector.shape_cast %swap3A_1143 : vector<16xf32> to vector<16xf32>
        %swap3A_1145 = vector.shape_cast %add3A_858 : vector<16xf32> to vector<16xf32>
        tpu.vector_store %arg19[%swap3A_1142], %swap3A_1145 {strides = array<i32>} : memref<32768xf32, #tpu.memory_space<vmem>>, vector<16xf32>,
      } else {
      }
      %jit3A_904 = arith.constant 0.000000e+00 : f32
      %jit3A_905 = arith.constant 1.000000e+00 : f32
      %select_n3A_906 = arith.select %ne3A_900, %jit3A_904, %jit3A_905 : f32
      %mul3A_907 = vector.broadcast %select_n3A_906 : f32 to vector<16xf32>
      %mul3A_908 = arith.mulf %add3A_849, %mul3A_907 : vector<16xf32>
      %add3A_909 = arith.addf %mul3A_883, %mul3A_908 : vector<16xf32>
      %mul3A_910 = vector.broadcast %select_n3A_906 : f32 to vector<16xf32>
      %mul3A_911 = arith.mulf %add3A_852, %mul3A_910 : vector<16xf32>
      %add3A_912 = arith.addf %mul3A_891, %mul3A_911 : vector<16xf32>
      %mul3A_913 = vector.broadcast %select_n3A_906 : f32 to vector<16xf32>
      %mul3A_914 = arith.mulf %add3A_855, %mul3A_913 : vector<16xf32>
      %add3A_915 = arith.addf %mul3A_899, %mul3A_914 : vector<16xf32>
      %mul3A_916 = vector.broadcast %select_n3A_906 : f32 to vector<16xf32>
      %mul3A_917 = arith.mulf %add3A_858, %mul3A_916 : vector<16xf32>
      %add3A_918 = arith.addf %mul3A_877, %mul3A_917 : vector<16xf32>
      %select_n3A_919 = arith.select %ne3A_900, %squeeze3A_861, %select_n3A_859 : i32
      %slice3A_920 = vector.extract_strided_slice %get3A_128 {offsets = [13], sizes = [1], strides = [1]} : vector<16xi32> to vector<1xi32>
      %squeeze3A_921 = vector.extract %slice3A_920[0] : i32 from vector<1xi32>
      %add3A_922 = arith.constant 13 : i32
      %add3A_923 = arith.addi %mul3A_125, %add3A_922 : i32
      %slice3A_924 = vector.extract_strided_slice %get3A_131 {offsets = [13], sizes = [1], strides = [1]} : vector<16xf32> to vector<1xf32>
      %squeeze3A_925 = vector.extract %slice3A_924[0] : f32 from vector<1xf32>
      %broadcast_in_dim3A_926 = vector.broadcast %squeeze3A_925 : f32 to vector<16xf32>
      %slice3A_927 = vector.extract_strided_slice %get3A_134 {offsets = [13], sizes = [1], strides = [1]} : vector<16xf32> to vector<1xf32>
      %squeeze3A_928 = vector.extract %slice3A_927[0] : f32 from vector<1xf32>
      %broadcast_in_dim3A_929 = vector.broadcast %squeeze3A_928 : f32 to vector<16xf32>
      %mul3A_930 = arith.constant 16 : i32
      %mul3A_931 = arith.muli %squeeze3A_921, %mul3A_930 : i32
      %get3A_932 = arith.index_cast %mul3A_931 : i32 to index
      %get3A_933 = tpu.vector_load %arg15[%get3A_932] {strides = array<i32>} : memref<8192xf32, #tpu.memory_space<vmem>>, vector<16xf32>,
      %get3A_934 = vector.shape_cast %get3A_933 : vector<16xf32> to vector<16xf32>
      %sub3A_935 = arith.subf %broadcast_in_dim3A_926, %get3A_934 : vector<16xf32>
      %exp3A_936 = math.exp %sub3A_935 : vector<16xf32>
      %mul3A_937 = arith.mulf %broadcast_in_dim3A_929, %exp3A_936 : vector<16xf32>
      %mul3A_938 = arith.constant 48 : i32
      %mul3A_939 = arith.muli %add3A_923, %mul3A_938 : i32
      %get3A_940 = arith.index_cast %mul3A_939 : i32 to index
      %get3A_941 = tpu.vector_load %arg17[%get3A_940] {strides = array<i32>} : memref<15360xf32, #tpu.memory_space<vmem>>, vector<16xf32>,
      %get3A_942 = vector.shape_cast %get3A_941 : vector<16xf32> to vector<16xf32>
      %mul3A_943 = arith.mulf %get3A_942, %mul3A_937 : vector<16xf32>
      %mul3A_944 = arith.constant 48 : i32
      %mul3A_945 = arith.muli %add3A_923, %mul3A_944 : i32
      %add3A_946 = arith.constant 16 : i32
      %add3A_947 = arith.addi %mul3A_945, %add3A_946 : i32
      %get3A_948 = arith.index_cast %add3A_947 : i32 to index
      %get3A_949 = tpu.vector_load %arg17[%get3A_948] {strides = array<i32>} : memref<15360xf32, #tpu.memory_space<vmem>>, vector<16xf32>,
      %get3A_950 = vector.shape_cast %get3A_949 : vector<16xf32> to vector<16xf32>
      %mul3A_951 = arith.mulf %get3A_950, %mul3A_937 : vector<16xf32>
      %mul3A_952 = arith.constant 48 : i32
      %mul3A_953 = arith.muli %add3A_923, %mul3A_952 : i32
      %add3A_954 = arith.constant 32 : i32
      %add3A_955 = arith.addi %mul3A_953, %add3A_954 : i32
      %get3A_956 = arith.index_cast %add3A_955 : i32 to index
      %get3A_957 = tpu.vector_load %arg17[%get3A_956] {strides = array<i32>} : memref<15360xf32, #tpu.memory_space<vmem>>, vector<16xf32>,
      %get3A_958 = vector.shape_cast %get3A_957 : vector<16xf32> to vector<16xf32>
      %mul3A_959 = arith.mulf %get3A_958, %mul3A_937 : vector<16xf32>
      %ne3A_960 = arith.cmpi ne, %squeeze3A_921, %select_n3A_919 : i32
      %convert_element_type3A_961 = arith.extui %ne3A_960 : i1 to i32
      %cond3A_962 = arith.constant 0 : i32
      %cond3A_963 = arith.cmpi ne, %convert_element_type3A_961, %cond3A_962 : i32
      scf.if %cond3A_963 {
        %mul3A_1116 = arith.constant 64 : i32
        %mul3A_1117 = arith.muli %select_n3A_919, %mul3A_1116 : i32
        %swap3A_1118 = arith.index_cast %mul3A_1117 : i32 to index
        %swap3A_1119 = tpu.vector_load %arg19[%swap3A_1118] {strides = array<i32>} : memref<32768xf32, #tpu.memory_space<vmem>>, vector<16xf32>,
        %swap3A_1120 = vector.shape_cast %swap3A_1119 : vector<16xf32> to vector<16xf32>
        %swap3A_1121 = vector.shape_cast %add3A_909 : vector<16xf32> to vector<16xf32>
        tpu.vector_store %arg19[%swap3A_1118], %swap3A_1121 {strides = array<i32>} : memref<32768xf32, #tpu.memory_space<vmem>>, vector<16xf32>,
        %mul3A_1122 = arith.constant 64 : i32
        %mul3A_1123 = arith.muli %select_n3A_919, %mul3A_1122 : i32
        %add3A_1124 = arith.constant 16 : i32
        %add3A_1125 = arith.addi %mul3A_1123, %add3A_1124 : i32
        %swap3A_1126 = arith.index_cast %add3A_1125 : i32 to index
        %swap3A_1127 = tpu.vector_load %arg19[%swap3A_1126] {strides = array<i32>} : memref<32768xf32, #tpu.memory_space<vmem>>, vector<16xf32>,
        %swap3A_1128 = vector.shape_cast %swap3A_1127 : vector<16xf32> to vector<16xf32>
        %swap3A_1129 = vector.shape_cast %add3A_912 : vector<16xf32> to vector<16xf32>
        tpu.vector_store %arg19[%swap3A_1126], %swap3A_1129 {strides = array<i32>} : memref<32768xf32, #tpu.memory_space<vmem>>, vector<16xf32>,
        %mul3A_1130 = arith.constant 64 : i32
        %mul3A_1131 = arith.muli %select_n3A_919, %mul3A_1130 : i32
        %add3A_1132 = arith.constant 32 : i32
        %add3A_1133 = arith.addi %mul3A_1131, %add3A_1132 : i32
        %swap3A_1134 = arith.index_cast %add3A_1133 : i32 to index
        %swap3A_1135 = tpu.vector_load %arg19[%swap3A_1134] {strides = array<i32>} : memref<32768xf32, #tpu.memory_space<vmem>>, vector<16xf32>,
        %swap3A_1136 = vector.shape_cast %swap3A_1135 : vector<16xf32> to vector<16xf32>
        %swap3A_1137 = vector.shape_cast %add3A_915 : vector<16xf32> to vector<16xf32>
        tpu.vector_store %arg19[%swap3A_1134], %swap3A_1137 {strides = array<i32>} : memref<32768xf32, #tpu.memory_space<vmem>>, vector<16xf32>,
        %mul3A_1138 = arith.constant 64 : i32
        %mul3A_1139 = arith.muli %select_n3A_919, %mul3A_1138 : i32
        %add3A_1140 = arith.constant 48 : i32
        %add3A_1141 = arith.addi %mul3A_1139, %add3A_1140 : i32
        %swap3A_1142 = arith.index_cast %add3A_1141 : i32 to index
        %swap3A_1143 = tpu.vector_load %arg19[%swap3A_1142] {strides = array<i32>} : memref<32768xf32, #tpu.memory_space<vmem>>, vector<16xf32>,
        %swap3A_1144 = vector.shape_cast %swap3A_1143 : vector<16xf32> to vector<16xf32>
        %swap3A_1145 = vector.shape_cast %add3A_918 : vector<16xf32> to vector<16xf32>
        tpu.vector_store %arg19[%swap3A_1142], %swap3A_1145 {strides = array<i32>} : memref<32768xf32, #tpu.memory_space<vmem>>, vector<16xf32>,
      } else {
      }
      %jit3A_964 = arith.constant 0.000000e+00 : f32
      %jit3A_965 = arith.constant 1.000000e+00 : f32
      %select_n3A_966 = arith.select %ne3A_960, %jit3A_964, %jit3A_965 : f32
      %mul3A_967 = vector.broadcast %select_n3A_966 : f32 to vector<16xf32>
      %mul3A_968 = arith.mulf %add3A_909, %mul3A_967 : vector<16xf32>
      %add3A_969 = arith.addf %mul3A_943, %mul3A_968 : vector<16xf32>
      %mul3A_970 = vector.broadcast %select_n3A_966 : f32 to vector<16xf32>
      %mul3A_971 = arith.mulf %add3A_912, %mul3A_970 : vector<16xf32>
      %add3A_972 = arith.addf %mul3A_951, %mul3A_971 : vector<16xf32>
      %mul3A_973 = vector.broadcast %select_n3A_966 : f32 to vector<16xf32>
      %mul3A_974 = arith.mulf %add3A_915, %mul3A_973 : vector<16xf32>
      %add3A_975 = arith.addf %mul3A_959, %mul3A_974 : vector<16xf32>
      %mul3A_976 = vector.broadcast %select_n3A_966 : f32 to vector<16xf32>
      %mul3A_977 = arith.mulf %add3A_918, %mul3A_976 : vector<16xf32>
      %add3A_978 = arith.addf %mul3A_937, %mul3A_977 : vector<16xf32>
      %select_n3A_979 = arith.select %ne3A_960, %squeeze3A_921, %select_n3A_919 : i32
      %slice3A_980 = vector.extract_strided_slice %get3A_128 {offsets = [14], sizes = [1], strides = [1]} : vector<16xi32> to vector<1xi32>
      %squeeze3A_981 = vector.extract %slice3A_980[0] : i32 from vector<1xi32>
      %add3A_982 = arith.constant 14 : i32
      %add3A_983 = arith.addi %mul3A_125, %add3A_982 : i32
      %slice3A_984 = vector.extract_strided_slice %get3A_131 {offsets = [14], sizes = [1], strides = [1]} : vector<16xf32> to vector<1xf32>
      %squeeze3A_985 = vector.extract %slice3A_984[0] : f32 from vector<1xf32>
      %broadcast_in_dim3A_986 = vector.broadcast %squeeze3A_985 : f32 to vector<16xf32>
      %slice3A_987 = vector.extract_strided_slice %get3A_134 {offsets = [14], sizes = [1], strides = [1]} : vector<16xf32> to vector<1xf32>
      %squeeze3A_988 = vector.extract %slice3A_987[0] : f32 from vector<1xf32>
      %broadcast_in_dim3A_989 = vector.broadcast %squeeze3A_988 : f32 to vector<16xf32>
      %mul3A_990 = arith.constant 16 : i32
      %mul3A_991 = arith.muli %squeeze3A_981, %mul3A_990 : i32
      %get3A_992 = arith.index_cast %mul3A_991 : i32 to index
      %get3A_993 = tpu.vector_load %arg15[%get3A_992] {strides = array<i32>} : memref<8192xf32, #tpu.memory_space<vmem>>, vector<16xf32>,
      %get3A_994 = vector.shape_cast %get3A_993 : vector<16xf32> to vector<16xf32>
      %sub3A_995 = arith.subf %broadcast_in_dim3A_986, %get3A_994 : vector<16xf32>
      %exp3A_996 = math.exp %sub3A_995 : vector<16xf32>
      %mul3A_997 = arith.mulf %broadcast_in_dim3A_989, %exp3A_996 : vector<16xf32>
      %mul3A_998 = arith.constant 48 : i32
      %mul3A_999 = arith.muli %add3A_983, %mul3A_998 : i32
      %get3A_1000 = arith.index_cast %mul3A_999 : i32 to index
      %get3A_1001 = tpu.vector_load %arg17[%get3A_1000] {strides = array<i32>} : memref<15360xf32, #tpu.memory_space<vmem>>, vector<16xf32>,
      %get3A_1002 = vector.shape_cast %get3A_1001 : vector<16xf32> to vector<16xf32>
      %mul3A_1003 = arith.mulf %get3A_1002, %mul3A_997 : vector<16xf32>
      %mul3A_1004 = arith.constant 48 : i32
      %mul3A_1005 = arith.muli %add3A_983, %mul3A_1004 : i32
      %add3A_1006 = arith.constant 16 : i32
      %add3A_1007 = arith.addi %mul3A_1005, %add3A_1006 : i32
      %get3A_1008 = arith.index_cast %add3A_1007 : i32 to index
      %get3A_1009 = tpu.vector_load %arg17[%get3A_1008] {strides = array<i32>} : memref<15360xf32, #tpu.memory_space<vmem>>, vector<16xf32>,
      %get3A_1010 = vector.shape_cast %get3A_1009 : vector<16xf32> to vector<16xf32>
      %mul3A_1011 = arith.mulf %get3A_1010, %mul3A_997 : vector<16xf32>
      %mul3A_1012 = arith.constant 48 : i32
      %mul3A_1013 = arith.muli %add3A_983, %mul3A_1012 : i32
      %add3A_1014 = arith.constant 32 : i32
      %add3A_1015 = arith.addi %mul3A_1013, %add3A_1014 : i32
      %get3A_1016 = arith.index_cast %add3A_1015 : i32 to index
      %get3A_1017 = tpu.vector_load %arg17[%get3A_1016] {strides = array<i32>} : memref<15360xf32, #tpu.memory_space<vmem>>, vector<16xf32>,
      %get3A_1018 = vector.shape_cast %get3A_1017 : vector<16xf32> to vector<16xf32>
      %mul3A_1019 = arith.mulf %get3A_1018, %mul3A_997 : vector<16xf32>
      %ne3A_1020 = arith.cmpi ne, %squeeze3A_981, %select_n3A_979 : i32
      %convert_element_type3A_1021 = arith.extui %ne3A_1020 : i1 to i32
      %cond3A_1022 = arith.constant 0 : i32
      %cond3A_1023 = arith.cmpi ne, %convert_element_type3A_1021, %cond3A_1022 : i32
      scf.if %cond3A_1023 {
        %mul3A_1116 = arith.constant 64 : i32
        %mul3A_1117 = arith.muli %select_n3A_979, %mul3A_1116 : i32
        %swap3A_1118 = arith.index_cast %mul3A_1117 : i32 to index
        %swap3A_1119 = tpu.vector_load %arg19[%swap3A_1118] {strides = array<i32>} : memref<32768xf32, #tpu.memory_space<vmem>>, vector<16xf32>,
        %swap3A_1120 = vector.shape_cast %swap3A_1119 : vector<16xf32> to vector<16xf32>
        %swap3A_1121 = vector.shape_cast %add3A_969 : vector<16xf32> to vector<16xf32>
        tpu.vector_store %arg19[%swap3A_1118], %swap3A_1121 {strides = array<i32>} : memref<32768xf32, #tpu.memory_space<vmem>>, vector<16xf32>,
        %mul3A_1122 = arith.constant 64 : i32
        %mul3A_1123 = arith.muli %select_n3A_979, %mul3A_1122 : i32
        %add3A_1124 = arith.constant 16 : i32
        %add3A_1125 = arith.addi %mul3A_1123, %add3A_1124 : i32
        %swap3A_1126 = arith.index_cast %add3A_1125 : i32 to index
        %swap3A_1127 = tpu.vector_load %arg19[%swap3A_1126] {strides = array<i32>} : memref<32768xf32, #tpu.memory_space<vmem>>, vector<16xf32>,
        %swap3A_1128 = vector.shape_cast %swap3A_1127 : vector<16xf32> to vector<16xf32>
        %swap3A_1129 = vector.shape_cast %add3A_972 : vector<16xf32> to vector<16xf32>
        tpu.vector_store %arg19[%swap3A_1126], %swap3A_1129 {strides = array<i32>} : memref<32768xf32, #tpu.memory_space<vmem>>, vector<16xf32>,
        %mul3A_1130 = arith.constant 64 : i32
        %mul3A_1131 = arith.muli %select_n3A_979, %mul3A_1130 : i32
        %add3A_1132 = arith.constant 32 : i32
        %add3A_1133 = arith.addi %mul3A_1131, %add3A_1132 : i32
        %swap3A_1134 = arith.index_cast %add3A_1133 : i32 to index
        %swap3A_1135 = tpu.vector_load %arg19[%swap3A_1134] {strides = array<i32>} : memref<32768xf32, #tpu.memory_space<vmem>>, vector<16xf32>,
        %swap3A_1136 = vector.shape_cast %swap3A_1135 : vector<16xf32> to vector<16xf32>
        %swap3A_1137 = vector.shape_cast %add3A_975 : vector<16xf32> to vector<16xf32>
        tpu.vector_store %arg19[%swap3A_1134], %swap3A_1137 {strides = array<i32>} : memref<32768xf32, #tpu.memory_space<vmem>>, vector<16xf32>,
        %mul3A_1138 = arith.constant 64 : i32
        %mul3A_1139 = arith.muli %select_n3A_979, %mul3A_1138 : i32
        %add3A_1140 = arith.constant 48 : i32
        %add3A_1141 = arith.addi %mul3A_1139, %add3A_1140 : i32
        %swap3A_1142 = arith.index_cast %add3A_1141 : i32 to index
        %swap3A_1143 = tpu.vector_load %arg19[%swap3A_1142] {strides = array<i32>} : memref<32768xf32, #tpu.memory_space<vmem>>, vector<16xf32>,
        %swap3A_1144 = vector.shape_cast %swap3A_1143 : vector<16xf32> to vector<16xf32>
        %swap3A_1145 = vector.shape_cast %add3A_978 : vector<16xf32> to vector<16xf32>
        tpu.vector_store %arg19[%swap3A_1142], %swap3A_1145 {strides = array<i32>} : memref<32768xf32, #tpu.memory_space<vmem>>, vector<16xf32>,
      } else {
      }
      %jit3A_1024 = arith.constant 0.000000e+00 : f32
      %jit3A_1025 = arith.constant 1.000000e+00 : f32
      %select_n3A_1026 = arith.select %ne3A_1020, %jit3A_1024, %jit3A_1025 : f32
      %mul3A_1027 = vector.broadcast %select_n3A_1026 : f32 to vector<16xf32>
      %mul3A_1028 = arith.mulf %add3A_969, %mul3A_1027 : vector<16xf32>
      %add3A_1029 = arith.addf %mul3A_1003, %mul3A_1028 : vector<16xf32>
      %mul3A_1030 = vector.broadcast %select_n3A_1026 : f32 to vector<16xf32>
      %mul3A_1031 = arith.mulf %add3A_972, %mul3A_1030 : vector<16xf32>
      %add3A_1032 = arith.addf %mul3A_1011, %mul3A_1031 : vector<16xf32>
      %mul3A_1033 = vector.broadcast %select_n3A_1026 : f32 to vector<16xf32>
      %mul3A_1034 = arith.mulf %add3A_975, %mul3A_1033 : vector<16xf32>
      %add3A_1035 = arith.addf %mul3A_1019, %mul3A_1034 : vector<16xf32>
      %mul3A_1036 = vector.broadcast %select_n3A_1026 : f32 to vector<16xf32>
      %mul3A_1037 = arith.mulf %add3A_978, %mul3A_1036 : vector<16xf32>
      %add3A_1038 = arith.addf %mul3A_997, %mul3A_1037 : vector<16xf32>
      %select_n3A_1039 = arith.select %ne3A_1020, %squeeze3A_981, %select_n3A_979 : i32
      %slice3A_1040 = vector.extract_strided_slice %get3A_128 {offsets = [15], sizes = [1], strides = [1]} : vector<16xi32> to vector<1xi32>
      %squeeze3A_1041 = vector.extract %slice3A_1040[0] : i32 from vector<1xi32>
      %add3A_1042 = arith.constant 15 : i32
      %add3A_1043 = arith.addi %mul3A_125, %add3A_1042 : i32
      %slice3A_1044 = vector.extract_strided_slice %get3A_131 {offsets = [15], sizes = [1], strides = [1]} : vector<16xf32> to vector<1xf32>
      %squeeze3A_1045 = vector.extract %slice3A_1044[0] : f32 from vector<1xf32>
      %broadcast_in_dim3A_1046 = vector.broadcast %squeeze3A_1045 : f32 to vector<16xf32>
      %slice3A_1047 = vector.extract_strided_slice %get3A_134 {offsets = [15], sizes = [1], strides = [1]} : vector<16xf32> to vector<1xf32>
      %squeeze3A_1048 = vector.extract %slice3A_1047[0] : f32 from vector<1xf32>
      %broadcast_in_dim3A_1049 = vector.broadcast %squeeze3A_1048 : f32 to vector<16xf32>
      %mul3A_1050 = arith.constant 16 : i32
      %mul3A_1051 = arith.muli %squeeze3A_1041, %mul3A_1050 : i32
      %get3A_1052 = arith.index_cast %mul3A_1051 : i32 to index
      %get3A_1053 = tpu.vector_load %arg15[%get3A_1052] {strides = array<i32>} : memref<8192xf32, #tpu.memory_space<vmem>>, vector<16xf32>,
      %get3A_1054 = vector.shape_cast %get3A_1053 : vector<16xf32> to vector<16xf32>
      %sub3A_1055 = arith.subf %broadcast_in_dim3A_1046, %get3A_1054 : vector<16xf32>
      %exp3A_1056 = math.exp %sub3A_1055 : vector<16xf32>
      %mul3A_1057 = arith.mulf %broadcast_in_dim3A_1049, %exp3A_1056 : vector<16xf32>
      %mul3A_1058 = arith.constant 48 : i32
      %mul3A_1059 = arith.muli %add3A_1043, %mul3A_1058 : i32
      %get3A_1060 = arith.index_cast %mul3A_1059 : i32 to index
      %get3A_1061 = tpu.vector_load %arg17[%get3A_1060] {strides = array<i32>} : memref<15360xf32, #tpu.memory_space<vmem>>, vector<16xf32>,
      %get3A_1062 = vector.shape_cast %get3A_1061 : vector<16xf32> to vector<16xf32>
      %mul3A_1063 = arith.mulf %get3A_1062, %mul3A_1057 : vector<16xf32>
      %mul3A_1064 = arith.constant 48 : i32
      %mul3A_1065 = arith.muli %add3A_1043, %mul3A_1064 : i32
      %add3A_1066 = arith.constant 16 : i32
      %add3A_1067 = arith.addi %mul3A_1065, %add3A_1066 : i32
      %get3A_1068 = arith.index_cast %add3A_1067 : i32 to index
      %get3A_1069 = tpu.vector_load %arg17[%get3A_1068] {strides = array<i32>} : memref<15360xf32, #tpu.memory_space<vmem>>, vector<16xf32>,
      %get3A_1070 = vector.shape_cast %get3A_1069 : vector<16xf32> to vector<16xf32>
      %mul3A_1071 = arith.mulf %get3A_1070, %mul3A_1057 : vector<16xf32>
      %mul3A_1072 = arith.constant 48 : i32
      %mul3A_1073 = arith.muli %add3A_1043, %mul3A_1072 : i32
      %add3A_1074 = arith.constant 32 : i32
      %add3A_1075 = arith.addi %mul3A_1073, %add3A_1074 : i32
      %get3A_1076 = arith.index_cast %add3A_1075 : i32 to index
      %get3A_1077 = tpu.vector_load %arg17[%get3A_1076] {strides = array<i32>} : memref<15360xf32, #tpu.memory_space<vmem>>, vector<16xf32>,
      %get3A_1078 = vector.shape_cast %get3A_1077 : vector<16xf32> to vector<16xf32>
      %mul3A_1079 = arith.mulf %get3A_1078, %mul3A_1057 : vector<16xf32>
      %ne3A_1080 = arith.cmpi ne, %squeeze3A_1041, %select_n3A_1039 : i32
      %convert_element_type3A_1081 = arith.extui %ne3A_1080 : i1 to i32
      %cond3A_1082 = arith.constant 0 : i32
      %cond3A_1083 = arith.cmpi ne, %convert_element_type3A_1081, %cond3A_1082 : i32
      scf.if %cond3A_1083 {
        %mul3A_1116 = arith.constant 64 : i32
        %mul3A_1117 = arith.muli %select_n3A_1039, %mul3A_1116 : i32
        %swap3A_1118 = arith.index_cast %mul3A_1117 : i32 to index
        %swap3A_1119 = tpu.vector_load %arg19[%swap3A_1118] {strides = array<i32>} : memref<32768xf32, #tpu.memory_space<vmem>>, vector<16xf32>,
        %swap3A_1120 = vector.shape_cast %swap3A_1119 : vector<16xf32> to vector<16xf32>
        %swap3A_1121 = vector.shape_cast %add3A_1029 : vector<16xf32> to vector<16xf32>
        tpu.vector_store %arg19[%swap3A_1118], %swap3A_1121 {strides = array<i32>} : memref<32768xf32, #tpu.memory_space<vmem>>, vector<16xf32>,
        %mul3A_1122 = arith.constant 64 : i32
        %mul3A_1123 = arith.muli %select_n3A_1039, %mul3A_1122 : i32
        %add3A_1124 = arith.constant 16 : i32
        %add3A_1125 = arith.addi %mul3A_1123, %add3A_1124 : i32
        %swap3A_1126 = arith.index_cast %add3A_1125 : i32 to index
        %swap3A_1127 = tpu.vector_load %arg19[%swap3A_1126] {strides = array<i32>} : memref<32768xf32, #tpu.memory_space<vmem>>, vector<16xf32>,
        %swap3A_1128 = vector.shape_cast %swap3A_1127 : vector<16xf32> to vector<16xf32>
        %swap3A_1129 = vector.shape_cast %add3A_1032 : vector<16xf32> to vector<16xf32>
        tpu.vector_store %arg19[%swap3A_1126], %swap3A_1129 {strides = array<i32>} : memref<32768xf32, #tpu.memory_space<vmem>>, vector<16xf32>,
        %mul3A_1130 = arith.constant 64 : i32
        %mul3A_1131 = arith.muli %select_n3A_1039, %mul3A_1130 : i32
        %add3A_1132 = arith.constant 32 : i32
        %add3A_1133 = arith.addi %mul3A_1131, %add3A_1132 : i32
        %swap3A_1134 = arith.index_cast %add3A_1133 : i32 to index
        %swap3A_1135 = tpu.vector_load %arg19[%swap3A_1134] {strides = array<i32>} : memref<32768xf32, #tpu.memory_space<vmem>>, vector<16xf32>,
        %swap3A_1136 = vector.shape_cast %swap3A_1135 : vector<16xf32> to vector<16xf32>
        %swap3A_1137 = vector.shape_cast %add3A_1035 : vector<16xf32> to vector<16xf32>
        tpu.vector_store %arg19[%swap3A_1134], %swap3A_1137 {strides = array<i32>} : memref<32768xf32, #tpu.memory_space<vmem>>, vector<16xf32>,
        %mul3A_1138 = arith.constant 64 : i32
        %mul3A_1139 = arith.muli %select_n3A_1039, %mul3A_1138 : i32
        %add3A_1140 = arith.constant 48 : i32
        %add3A_1141 = arith.addi %mul3A_1139, %add3A_1140 : i32
        %swap3A_1142 = arith.index_cast %add3A_1141 : i32 to index
        %swap3A_1143 = tpu.vector_load %arg19[%swap3A_1142] {strides = array<i32>} : memref<32768xf32, #tpu.memory_space<vmem>>, vector<16xf32>,
        %swap3A_1144 = vector.shape_cast %swap3A_1143 : vector<16xf32> to vector<16xf32>
        %swap3A_1145 = vector.shape_cast %add3A_1038 : vector<16xf32> to vector<16xf32>
        tpu.vector_store %arg19[%swap3A_1142], %swap3A_1145 {strides = array<i32>} : memref<32768xf32, #tpu.memory_space<vmem>>, vector<16xf32>,
      } else {
      }
      %jit3A_1084 = arith.constant 0.000000e+00 : f32
      %jit3A_1085 = arith.constant 1.000000e+00 : f32
      %select_n3A_1086 = arith.select %ne3A_1080, %jit3A_1084, %jit3A_1085 : f32
      %mul3A_1087 = vector.broadcast %select_n3A_1086 : f32 to vector<16xf32>
      %mul3A_1088 = arith.mulf %add3A_1029, %mul3A_1087 : vector<16xf32>
      %add3A_1089 = arith.addf %mul3A_1063, %mul3A_1088 : vector<16xf32>
      %mul3A_1090 = vector.broadcast %select_n3A_1086 : f32 to vector<16xf32>
      %mul3A_1091 = arith.mulf %add3A_1032, %mul3A_1090 : vector<16xf32>
      %add3A_1092 = arith.addf %mul3A_1071, %mul3A_1091 : vector<16xf32>
      %mul3A_1093 = vector.broadcast %select_n3A_1086 : f32 to vector<16xf32>
      %mul3A_1094 = arith.mulf %add3A_1035, %mul3A_1093 : vector<16xf32>
      %add3A_1095 = arith.addf %mul3A_1079, %mul3A_1094 : vector<16xf32>
      %mul3A_1096 = vector.broadcast %select_n3A_1086 : f32 to vector<16xf32>
      %mul3A_1097 = arith.mulf %add3A_1038, %mul3A_1096 : vector<16xf32>
      %add3A_1098 = arith.addf %mul3A_1057, %mul3A_1097 : vector<16xf32>
      %select_n3A_1099 = arith.select %ne3A_1080, %squeeze3A_1041, %select_n3A_1039 : i32
      %swap3A_1100 = arith.constant 0 : index
      %swap3A_1101 = tpu.vector_load %arg18[%swap3A_1100] {strides = array<i32>} : memref<64xf32, #tpu.memory_space<vmem>>, vector<16xf32>,
      %swap3A_1102 = vector.shape_cast %swap3A_1101 : vector<16xf32> to vector<16xf32>
      %swap3A_1103 = vector.shape_cast %add3A_1089 : vector<16xf32> to vector<16xf32>
      tpu.vector_store %arg18[%swap3A_1100], %swap3A_1103 {strides = array<i32>} : memref<64xf32, #tpu.memory_space<vmem>>, vector<16xf32>,
      %swap3A_1104 = arith.constant 16 : index
      %swap3A_1105 = tpu.vector_load %arg18[%swap3A_1104] {strides = array<i32>} : memref<64xf32, #tpu.memory_space<vmem>>, vector<16xf32>,
      %swap3A_1106 = vector.shape_cast %swap3A_1105 : vector<16xf32> to vector<16xf32>
      %swap3A_1107 = vector.shape_cast %add3A_1092 : vector<16xf32> to vector<16xf32>
      tpu.vector_store %arg18[%swap3A_1104], %swap3A_1107 {strides = array<i32>} : memref<64xf32, #tpu.memory_space<vmem>>, vector<16xf32>,
      %swap3A_1108 = arith.constant 32 : index
      %swap3A_1109 = tpu.vector_load %arg18[%swap3A_1108] {strides = array<i32>} : memref<64xf32, #tpu.memory_space<vmem>>, vector<16xf32>,
      %swap3A_1110 = vector.shape_cast %swap3A_1109 : vector<16xf32> to vector<16xf32>
      %swap3A_1111 = vector.shape_cast %add3A_1095 : vector<16xf32> to vector<16xf32>
      tpu.vector_store %arg18[%swap3A_1108], %swap3A_1111 {strides = array<i32>} : memref<64xf32, #tpu.memory_space<vmem>>, vector<16xf32>,
      %swap3A_1112 = arith.constant 48 : index
      %swap3A_1113 = tpu.vector_load %arg18[%swap3A_1112] {strides = array<i32>} : memref<64xf32, #tpu.memory_space<vmem>>, vector<16xf32>,
      %swap3A_1114 = vector.shape_cast %swap3A_1113 : vector<16xf32> to vector<16xf32>
      %swap3A_1115 = vector.shape_cast %add3A_1098 : vector<16xf32> to vector<16xf32>
      tpu.vector_store %arg18[%swap3A_1112], %swap3A_1115 {strides = array<i32>} : memref<64xf32, #tpu.memory_space<vmem>>, vector<16xf32>,
      scf.yield %select_n3A_1099 : i32
    }
    %scan3A_64 = arith.constant 20 : i32
    %get3A_65 = arith.constant 0 : index
    %get3A_66 = tpu.vector_load %arg18[%get3A_65] {strides = array<i32>} : memref<64xf32, #tpu.memory_space<vmem>>, vector<16xf32>,
    %get3A_67 = vector.shape_cast %get3A_66 : vector<16xf32> to vector<16xf32>
    %mul3A_68 = arith.constant 64 : i32
    %mul3A_69 = arith.muli %scan3A_63, %mul3A_68 : i32
    %swap3A_70 = arith.index_cast %mul3A_69 : i32 to index
    %swap3A_71 = tpu.vector_load %arg19[%swap3A_70] {strides = array<i32>} : memref<32768xf32, #tpu.memory_space<vmem>>, vector<16xf32>,
    %swap3A_72 = vector.shape_cast %swap3A_71 : vector<16xf32> to vector<16xf32>
    %swap3A_73 = vector.shape_cast %get3A_67 : vector<16xf32> to vector<16xf32>
    tpu.vector_store %arg19[%swap3A_70], %swap3A_73 {strides = array<i32>} : memref<32768xf32, #tpu.memory_space<vmem>>, vector<16xf32>,
    %get3A_74 = arith.constant 16 : index
    %get3A_75 = tpu.vector_load %arg18[%get3A_74] {strides = array<i32>} : memref<64xf32, #tpu.memory_space<vmem>>, vector<16xf32>,
    %get3A_76 = vector.shape_cast %get3A_75 : vector<16xf32> to vector<16xf32>
    %mul3A_77 = arith.constant 64 : i32
    %mul3A_78 = arith.muli %scan3A_63, %mul3A_77 : i32
    %add3A_79 = arith.constant 16 : i32
    %add3A_80 = arith.addi %mul3A_78, %add3A_79 : i32
    %swap3A_81 = arith.index_cast %add3A_80 : i32 to index
    %swap3A_82 = tpu.vector_load %arg19[%swap3A_81] {strides = array<i32>} : memref<32768xf32, #tpu.memory_space<vmem>>, vector<16xf32>,
    %swap3A_83 = vector.shape_cast %swap3A_82 : vector<16xf32> to vector<16xf32>
    %swap3A_84 = vector.shape_cast %get3A_76 : vector<16xf32> to vector<16xf32>
    tpu.vector_store %arg19[%swap3A_81], %swap3A_84 {strides = array<i32>} : memref<32768xf32, #tpu.memory_space<vmem>>, vector<16xf32>,
    %get3A_85 = arith.constant 32 : index
    %get3A_86 = tpu.vector_load %arg18[%get3A_85] {strides = array<i32>} : memref<64xf32, #tpu.memory_space<vmem>>, vector<16xf32>,
    %get3A_87 = vector.shape_cast %get3A_86 : vector<16xf32> to vector<16xf32>
    %mul3A_88 = arith.constant 64 : i32
    %mul3A_89 = arith.muli %scan3A_63, %mul3A_88 : i32
    %add3A_90 = arith.constant 32 : i32
    %add3A_91 = arith.addi %mul3A_89, %add3A_90 : i32
    %swap3A_92 = arith.index_cast %add3A_91 : i32 to index
    %swap3A_93 = tpu.vector_load %arg19[%swap3A_92] {strides = array<i32>} : memref<32768xf32, #tpu.memory_space<vmem>>, vector<16xf32>,
    %swap3A_94 = vector.shape_cast %swap3A_93 : vector<16xf32> to vector<16xf32>
    %swap3A_95 = vector.shape_cast %get3A_87 : vector<16xf32> to vector<16xf32>
    tpu.vector_store %arg19[%swap3A_92], %swap3A_95 {strides = array<i32>} : memref<32768xf32, #tpu.memory_space<vmem>>, vector<16xf32>,
    %get3A_96 = arith.constant 48 : index
    %get3A_97 = tpu.vector_load %arg18[%get3A_96] {strides = array<i32>} : memref<64xf32, #tpu.memory_space<vmem>>, vector<16xf32>,
    %get3A_98 = vector.shape_cast %get3A_97 : vector<16xf32> to vector<16xf32>
    %mul3A_99 = arith.constant 64 : i32
    %mul3A_100 = arith.muli %scan3A_63, %mul3A_99 : i32
    %add3A_101 = arith.constant 48 : i32
    %add3A_102 = arith.addi %mul3A_100, %add3A_101 : i32
    %swap3A_103 = arith.index_cast %add3A_102 : i32 to index
    %swap3A_104 = tpu.vector_load %arg19[%swap3A_103] {strides = array<i32>} : memref<32768xf32, #tpu.memory_space<vmem>>, vector<16xf32>,
    %swap3A_105 = vector.shape_cast %swap3A_104 : vector<16xf32> to vector<16xf32>
    %swap3A_106 = vector.shape_cast %get3A_98 : vector<16xf32> to vector<16xf32>
    tpu.vector_store %arg19[%swap3A_103], %swap3A_106 {strides = array<i32>} : memref<32768xf32, #tpu.memory_space<vmem>>, vector<16xf32>,
    "tpu.region"() ({
      %run_scoped3A_122 = tpu.sem_alloc : memref<!tpu.dma_semaphore, #tpu.memory_space<semaphore_mem>>
      %dma_start3A = arith.constant 0 : i32
      %dma_start3A_123 = tpu.memref_slice %arg24[%arg1, %dma_start3A] : memref<16x32768xf32, #tpu.memory_space<vmem_shared>> -> memref<1x32768xf32, #tpu.memory_space<vmem_shared>>
      %dma_start3A_124 = tpu.memref_squeeze %dma_start3A_123 : memref<1x32768xf32, #tpu.memory_space<vmem_shared>> -> memref<32768xf32, #tpu.memory_space<vmem_shared>>
      %dma_start3A_125 = arith.constant 0 : i32
      %dma_start3A_126 = tpu.memref_slice %arg24[%arg1, %dma_start3A_125] : memref<16x32768xf32, #tpu.memory_space<vmem_shared>> -> memref<1x32768xf32, #tpu.memory_space<vmem_shared>>
      %dma_start3A_127 = tpu.memref_squeeze %dma_start3A_126 : memref<1x32768xf32, #tpu.memory_space<vmem_shared>> -> memref<32768xf32, #tpu.memory_space<vmem_shared>>
      tpu.enqueue_dma source(%arg19 : memref<32768xf32, #tpu.memory_space<vmem>>) target(%dma_start3A_127 : memref<32768xf32, #tpu.memory_space<vmem_shared>>) target_semaphore(%run_scoped3A_122 : memref<!tpu.dma_semaphore, #tpu.memory_space<semaphore_mem>>)
      %dma_wait3A = arith.constant 0 : i32
      %dma_wait3A_128 = tpu.memref_slice %arg24[%arg1, %dma_wait3A] : memref<16x32768xf32, #tpu.memory_space<vmem_shared>> -> memref<1x32768xf32, #tpu.memory_space<vmem_shared>>
      %dma_wait3A_129 = tpu.memref_squeeze %dma_wait3A_128 : memref<1x32768xf32, #tpu.memory_space<vmem_shared>> -> memref<32768xf32, #tpu.memory_space<vmem_shared>>
      %dma_wait3A_130 = arith.constant 0 : i32
      %dma_wait3A_131 = tpu.memref_slice %arg24[%arg1, %dma_wait3A_130] : memref<16x32768xf32, #tpu.memory_space<vmem_shared>> -> memref<1x32768xf32, #tpu.memory_space<vmem_shared>>
      %dma_wait3A_132 = tpu.memref_squeeze %dma_wait3A_131 : memref<1x32768xf32, #tpu.memory_space<vmem_shared>> -> memref<32768xf32, #tpu.memory_space<vmem_shared>>
      tpu.wait_dma2 semaphore(%run_scoped3A_122 : memref<!tpu.dma_semaphore, #tpu.memory_space<semaphore_mem>>) src(%arg19 : memref<32768xf32, #tpu.memory_space<vmem>>) dst(%dma_wait3A_132 : memref<32768xf32, #tpu.memory_space<vmem_shared>>)
      tpu.yield
    }) : () -> ()
    %barrier3A_107 = arith.constant 0 : index
    tpu.barrier barrier_id(%barrier3A_107)
    %mul3A_108 = arith.constant 2048 : i32
    %mul3A_109 = arith.muli %arg1, %mul3A_108 : i32
    %run_scoped3A_110 = arith.constant 0 : i32
    "tpu.region"() ({
      %run_scoped3A_122 = tpu.sem_alloc : memref<!tpu.dma_semaphore, #tpu.memory_space<semaphore_mem>>
      %dma_start3A = tpu.memref_slice %arg24[%run_scoped3A_110, %mul3A_109] : memref<16x32768xf32, #tpu.memory_space<vmem_shared>> -> memref<1x2048xf32, #tpu.memory_space<vmem_shared>>
      %dma_start3A_123 = tpu.memref_squeeze %dma_start3A : memref<1x2048xf32, #tpu.memory_space<vmem_shared>> -> memref<2048xf32, #tpu.memory_space<vmem_shared>>
      %dma_start3A_124 = tpu.memref_slice %arg24[%run_scoped3A_110, %mul3A_109] : memref<16x32768xf32, #tpu.memory_space<vmem_shared>> -> memref<1x2048xf32, #tpu.memory_space<vmem_shared>>
      %dma_start3A_125 = tpu.memref_squeeze %dma_start3A_124 : memref<1x2048xf32, #tpu.memory_space<vmem_shared>> -> memref<2048xf32, #tpu.memory_space<vmem_shared>>
      tpu.enqueue_dma source(%dma_start3A_125 : memref<2048xf32, #tpu.memory_space<vmem_shared>>) target(%arg21 : memref<2048xf32, #tpu.memory_space<vmem>>) target_semaphore(%run_scoped3A_122 : memref<!tpu.dma_semaphore, #tpu.memory_space<semaphore_mem>>)
      %dma_wait3A = tpu.memref_slice %arg24[%run_scoped3A_110, %mul3A_109] : memref<16x32768xf32, #tpu.memory_space<vmem_shared>> -> memref<1x2048xf32, #tpu.memory_space<vmem_shared>>
      %dma_wait3A_126 = tpu.memref_squeeze %dma_wait3A : memref<1x2048xf32, #tpu.memory_space<vmem_shared>> -> memref<2048xf32, #tpu.memory_space<vmem_shared>>
      %dma_wait3A_127 = tpu.memref_slice %arg24[%run_scoped3A_110, %mul3A_109] : memref<16x32768xf32, #tpu.memory_space<vmem_shared>> -> memref<1x2048xf32, #tpu.memory_space<vmem_shared>>
      %dma_wait3A_128 = tpu.memref_squeeze %dma_wait3A_127 : memref<1x2048xf32, #tpu.memory_space<vmem_shared>> -> memref<2048xf32, #tpu.memory_space<vmem_shared>>
      tpu.wait_dma2 semaphore(%run_scoped3A_122 : memref<!tpu.dma_semaphore, #tpu.memory_space<semaphore_mem>>) src(%dma_wait3A_128 : memref<2048xf32, #tpu.memory_space<vmem_shared>>) dst(%arg21 : memref<2048xf32, #tpu.memory_space<vmem>>)
      tpu.yield
    }) : () -> ()
    %scan3A_111 = arith.constant 0 : i32
    %scan3A_112 = arith.constant 1 : i32
    %scan3A_113 = arith.constant 15 : i32
    %scan3A_114 = arith.addi %scan3A_112, %scan3A_113 : i32
    %scan3A_115 = arith.constant 1 : i32
    scf.for %scan3A_122 = %scan3A_112 to %scan3A_114 step %scan3A_115  : i32 {
      %mul3A_123 = arith.constant 2048 : i32
      %mul3A_124 = arith.muli %arg1, %mul3A_123 : i32
      "tpu.region"() ({
        %run_scoped3A_1533 = tpu.sem_alloc : memref<!tpu.dma_semaphore, #tpu.memory_space<semaphore_mem>>
        %dma_start3A = tpu.memref_slice %arg24[%scan3A_122, %mul3A_124] : memref<16x32768xf32, #tpu.memory_space<vmem_shared>> -> memref<1x2048xf32, #tpu.memory_space<vmem_shared>>
        %dma_start3A_1534 = tpu.memref_squeeze %dma_start3A : memref<1x2048xf32, #tpu.memory_space<vmem_shared>> -> memref<2048xf32, #tpu.memory_space<vmem_shared>>
        %dma_start3A_1535 = tpu.memref_slice %arg24[%scan3A_122, %mul3A_124] : memref<16x32768xf32, #tpu.memory_space<vmem_shared>> -> memref<1x2048xf32, #tpu.memory_space<vmem_shared>>
        %dma_start3A_1536 = tpu.memref_squeeze %dma_start3A_1535 : memref<1x2048xf32, #tpu.memory_space<vmem_shared>> -> memref<2048xf32, #tpu.memory_space<vmem_shared>>
        tpu.enqueue_dma source(%dma_start3A_1536 : memref<2048xf32, #tpu.memory_space<vmem_shared>>) target(%arg20 : memref<2048xf32, #tpu.memory_space<vmem>>) target_semaphore(%run_scoped3A_1533 : memref<!tpu.dma_semaphore, #tpu.memory_space<semaphore_mem>>)
        %dma_wait3A = tpu.memref_slice %arg24[%scan3A_122, %mul3A_124] : memref<16x32768xf32, #tpu.memory_space<vmem_shared>> -> memref<1x2048xf32, #tpu.memory_space<vmem_shared>>
        %dma_wait3A_1537 = tpu.memref_squeeze %dma_wait3A : memref<1x2048xf32, #tpu.memory_space<vmem_shared>> -> memref<2048xf32, #tpu.memory_space<vmem_shared>>
        %dma_wait3A_1538 = tpu.memref_slice %arg24[%scan3A_122, %mul3A_124] : memref<16x32768xf32, #tpu.memory_space<vmem_shared>> -> memref<1x2048xf32, #tpu.memory_space<vmem_shared>>
        %dma_wait3A_1539 = tpu.memref_squeeze %dma_wait3A_1538 : memref<1x2048xf32, #tpu.memory_space<vmem_shared>> -> memref<2048xf32, #tpu.memory_space<vmem_shared>>
        tpu.wait_dma2 semaphore(%run_scoped3A_1533 : memref<!tpu.dma_semaphore, #tpu.memory_space<semaphore_mem>>) src(%dma_wait3A_1539 : memref<2048xf32, #tpu.memory_space<vmem_shared>>) dst(%arg20 : memref<2048xf32, #tpu.memory_space<vmem>>)
        tpu.yield
      }) : () -> ()
      %get3A_125 = arith.constant 0 : index
      %get3A_126 = tpu.vector_load %arg21[%get3A_125] {strides = array<i32>} : memref<2048xf32, #tpu.memory_space<vmem>>, vector<16xf32>,
      %get3A_127 = vector.shape_cast %get3A_126 : vector<16xf32> to vector<16xf32>
      %get3A_128 = arith.constant 0 : index
      %get3A_129 = tpu.vector_load %arg20[%get3A_128] {strides = array<i32>} : memref<2048xf32, #tpu.memory_space<vmem>>, vector<16xf32>,
      %get3A_130 = vector.shape_cast %get3A_129 : vector<16xf32> to vector<16xf32>
      %add3A_131 = arith.addf %get3A_127, %get3A_130 : vector<16xf32>
      %swap3A_132 = arith.constant 0 : index
      %swap3A_133 = tpu.vector_load %arg21[%swap3A_132] {strides = array<i32>} : memref<2048xf32, #tpu.memory_space<vmem>>, vector<16xf32>,
      %swap3A_134 = vector.shape_cast %swap3A_133 : vector<16xf32> to vector<16xf32>
      %swap3A_135 = vector.shape_cast %add3A_131 : vector<16xf32> to vector<16xf32>
      tpu.vector_store %arg21[%swap3A_132], %swap3A_135 {strides = array<i32>} : memref<2048xf32, #tpu.memory_space<vmem>>, vector<16xf32>,
      %get3A_136 = arith.constant 16 : index
      %get3A_137 = tpu.vector_load %arg21[%get3A_136] {strides = array<i32>} : memref<2048xf32, #tpu.memory_space<vmem>>, vector<16xf32>,
      %get3A_138 = vector.shape_cast %get3A_137 : vector<16xf32> to vector<16xf32>
      %get3A_139 = arith.constant 16 : index
      %get3A_140 = tpu.vector_load %arg20[%get3A_139] {strides = array<i32>} : memref<2048xf32, #tpu.memory_space<vmem>>, vector<16xf32>,
      %get3A_141 = vector.shape_cast %get3A_140 : vector<16xf32> to vector<16xf32>
      %add3A_142 = arith.addf %get3A_138, %get3A_141 : vector<16xf32>
      %swap3A_143 = arith.constant 16 : index
      %swap3A_144 = tpu.vector_load %arg21[%swap3A_143] {strides = array<i32>} : memref<2048xf32, #tpu.memory_space<vmem>>, vector<16xf32>,
      %swap3A_145 = vector.shape_cast %swap3A_144 : vector<16xf32> to vector<16xf32>
      %swap3A_146 = vector.shape_cast %add3A_142 : vector<16xf32> to vector<16xf32>
      tpu.vector_store %arg21[%swap3A_143], %swap3A_146 {strides = array<i32>} : memref<2048xf32, #tpu.memory_space<vmem>>, vector<16xf32>,
      %get3A_147 = arith.constant 32 : index
      %get3A_148 = tpu.vector_load %arg21[%get3A_147] {strides = array<i32>} : memref<2048xf32, #tpu.memory_space<vmem>>, vector<16xf32>,
      %get3A_149 = vector.shape_cast %get3A_148 : vector<16xf32> to vector<16xf32>
      %get3A_150 = arith.constant 32 : index
      %get3A_151 = tpu.vector_load %arg20[%get3A_150] {strides = array<i32>} : memref<2048xf32, #tpu.memory_space<vmem>>, vector<16xf32>,
      %get3A_152 = vector.shape_cast %get3A_151 : vector<16xf32> to vector<16xf32>
      %add3A_153 = arith.addf %get3A_149, %get3A_152 : vector<16xf32>
      %swap3A_154 = arith.constant 32 : index
      %swap3A_155 = tpu.vector_load %arg21[%swap3A_154] {strides = array<i32>} : memref<2048xf32, #tpu.memory_space<vmem>>, vector<16xf32>,
      %swap3A_156 = vector.shape_cast %swap3A_155 : vector<16xf32> to vector<16xf32>
      %swap3A_157 = vector.shape_cast %add3A_153 : vector<16xf32> to vector<16xf32>
      tpu.vector_store %arg21[%swap3A_154], %swap3A_157 {strides = array<i32>} : memref<2048xf32, #tpu.memory_space<vmem>>, vector<16xf32>,
      %get3A_158 = arith.constant 48 : index
      %get3A_159 = tpu.vector_load %arg21[%get3A_158] {strides = array<i32>} : memref<2048xf32, #tpu.memory_space<vmem>>, vector<16xf32>,
      %get3A_160 = vector.shape_cast %get3A_159 : vector<16xf32> to vector<16xf32>
      %get3A_161 = arith.constant 48 : index
      %get3A_162 = tpu.vector_load %arg20[%get3A_161] {strides = array<i32>} : memref<2048xf32, #tpu.memory_space<vmem>>, vector<16xf32>,
      %get3A_163 = vector.shape_cast %get3A_162 : vector<16xf32> to vector<16xf32>
      %add3A_164 = arith.addf %get3A_160, %get3A_163 : vector<16xf32>
      %swap3A_165 = arith.constant 48 : index
      %swap3A_166 = tpu.vector_load %arg21[%swap3A_165] {strides = array<i32>} : memref<2048xf32, #tpu.memory_space<vmem>>, vector<16xf32>,
      %swap3A_167 = vector.shape_cast %swap3A_166 : vector<16xf32> to vector<16xf32>
      %swap3A_168 = vector.shape_cast %add3A_164 : vector<16xf32> to vector<16xf32>
      tpu.vector_store %arg21[%swap3A_165], %swap3A_168 {strides = array<i32>} : memref<2048xf32, #tpu.memory_space<vmem>>, vector<16xf32>,
      %get3A_169 = arith.constant 64 : index
      %get3A_170 = tpu.vector_load %arg21[%get3A_169] {strides = array<i32>} : memref<2048xf32, #tpu.memory_space<vmem>>, vector<16xf32>,
      %get3A_171 = vector.shape_cast %get3A_170 : vector<16xf32> to vector<16xf32>
      %get3A_172 = arith.constant 64 : index
      %get3A_173 = tpu.vector_load %arg20[%get3A_172] {strides = array<i32>} : memref<2048xf32, #tpu.memory_space<vmem>>, vector<16xf32>,
      %get3A_174 = vector.shape_cast %get3A_173 : vector<16xf32> to vector<16xf32>
      %add3A_175 = arith.addf %get3A_171, %get3A_174 : vector<16xf32>
      %swap3A_176 = arith.constant 64 : index
      %swap3A_177 = tpu.vector_load %arg21[%swap3A_176] {strides = array<i32>} : memref<2048xf32, #tpu.memory_space<vmem>>, vector<16xf32>,
      %swap3A_178 = vector.shape_cast %swap3A_177 : vector<16xf32> to vector<16xf32>
      %swap3A_179 = vector.shape_cast %add3A_175 : vector<16xf32> to vector<16xf32>
      tpu.vector_store %arg21[%swap3A_176], %swap3A_179 {strides = array<i32>} : memref<2048xf32, #tpu.memory_space<vmem>>, vector<16xf32>,
      %get3A_180 = arith.constant 80 : index
      %get3A_181 = tpu.vector_load %arg21[%get3A_180] {strides = array<i32>} : memref<2048xf32, #tpu.memory_space<vmem>>, vector<16xf32>,
      %get3A_182 = vector.shape_cast %get3A_181 : vector<16xf32> to vector<16xf32>
      %get3A_183 = arith.constant 80 : index
      %get3A_184 = tpu.vector_load %arg20[%get3A_183] {strides = array<i32>} : memref<2048xf32, #tpu.memory_space<vmem>>, vector<16xf32>,
      %get3A_185 = vector.shape_cast %get3A_184 : vector<16xf32> to vector<16xf32>
      %add3A_186 = arith.addf %get3A_182, %get3A_185 : vector<16xf32>
      %swap3A_187 = arith.constant 80 : index
      %swap3A_188 = tpu.vector_load %arg21[%swap3A_187] {strides = array<i32>} : memref<2048xf32, #tpu.memory_space<vmem>>, vector<16xf32>,
      %swap3A_189 = vector.shape_cast %swap3A_188 : vector<16xf32> to vector<16xf32>
      %swap3A_190 = vector.shape_cast %add3A_186 : vector<16xf32> to vector<16xf32>
      tpu.vector_store %arg21[%swap3A_187], %swap3A_190 {strides = array<i32>} : memref<2048xf32, #tpu.memory_space<vmem>>, vector<16xf32>,
      %get3A_191 = arith.constant 96 : index
      %get3A_192 = tpu.vector_load %arg21[%get3A_191] {strides = array<i32>} : memref<2048xf32, #tpu.memory_space<vmem>>, vector<16xf32>,
      %get3A_193 = vector.shape_cast %get3A_192 : vector<16xf32> to vector<16xf32>
      %get3A_194 = arith.constant 96 : index
      %get3A_195 = tpu.vector_load %arg20[%get3A_194] {strides = array<i32>} : memref<2048xf32, #tpu.memory_space<vmem>>, vector<16xf32>,
      %get3A_196 = vector.shape_cast %get3A_195 : vector<16xf32> to vector<16xf32>
      %add3A_197 = arith.addf %get3A_193, %get3A_196 : vector<16xf32>
      %swap3A_198 = arith.constant 96 : index
      %swap3A_199 = tpu.vector_load %arg21[%swap3A_198] {strides = array<i32>} : memref<2048xf32, #tpu.memory_space<vmem>>, vector<16xf32>,
      %swap3A_200 = vector.shape_cast %swap3A_199 : vector<16xf32> to vector<16xf32>
      %swap3A_201 = vector.shape_cast %add3A_197 : vector<16xf32> to vector<16xf32>
      tpu.vector_store %arg21[%swap3A_198], %swap3A_201 {strides = array<i32>} : memref<2048xf32, #tpu.memory_space<vmem>>, vector<16xf32>,
      %get3A_202 = arith.constant 112 : index
      %get3A_203 = tpu.vector_load %arg21[%get3A_202] {strides = array<i32>} : memref<2048xf32, #tpu.memory_space<vmem>>, vector<16xf32>,
      %get3A_204 = vector.shape_cast %get3A_203 : vector<16xf32> to vector<16xf32>
      %get3A_205 = arith.constant 112 : index
      %get3A_206 = tpu.vector_load %arg20[%get3A_205] {strides = array<i32>} : memref<2048xf32, #tpu.memory_space<vmem>>, vector<16xf32>,
      %get3A_207 = vector.shape_cast %get3A_206 : vector<16xf32> to vector<16xf32>
      %add3A_208 = arith.addf %get3A_204, %get3A_207 : vector<16xf32>
      %swap3A_209 = arith.constant 112 : index
      %swap3A_210 = tpu.vector_load %arg21[%swap3A_209] {strides = array<i32>} : memref<2048xf32, #tpu.memory_space<vmem>>, vector<16xf32>,
      %swap3A_211 = vector.shape_cast %swap3A_210 : vector<16xf32> to vector<16xf32>
      %swap3A_212 = vector.shape_cast %add3A_208 : vector<16xf32> to vector<16xf32>
      tpu.vector_store %arg21[%swap3A_209], %swap3A_212 {strides = array<i32>} : memref<2048xf32, #tpu.memory_space<vmem>>, vector<16xf32>,
      %get3A_213 = arith.constant 128 : index
      %get3A_214 = tpu.vector_load %arg21[%get3A_213] {strides = array<i32>} : memref<2048xf32, #tpu.memory_space<vmem>>, vector<16xf32>,
      %get3A_215 = vector.shape_cast %get3A_214 : vector<16xf32> to vector<16xf32>
      %get3A_216 = arith.constant 128 : index
      %get3A_217 = tpu.vector_load %arg20[%get3A_216] {strides = array<i32>} : memref<2048xf32, #tpu.memory_space<vmem>>, vector<16xf32>,
      %get3A_218 = vector.shape_cast %get3A_217 : vector<16xf32> to vector<16xf32>
      %add3A_219 = arith.addf %get3A_215, %get3A_218 : vector<16xf32>
      %swap3A_220 = arith.constant 128 : index
      %swap3A_221 = tpu.vector_load %arg21[%swap3A_220] {strides = array<i32>} : memref<2048xf32, #tpu.memory_space<vmem>>, vector<16xf32>,
      %swap3A_222 = vector.shape_cast %swap3A_221 : vector<16xf32> to vector<16xf32>
      %swap3A_223 = vector.shape_cast %add3A_219 : vector<16xf32> to vector<16xf32>
      tpu.vector_store %arg21[%swap3A_220], %swap3A_223 {strides = array<i32>} : memref<2048xf32, #tpu.memory_space<vmem>>, vector<16xf32>,
      %get3A_224 = arith.constant 144 : index
      %get3A_225 = tpu.vector_load %arg21[%get3A_224] {strides = array<i32>} : memref<2048xf32, #tpu.memory_space<vmem>>, vector<16xf32>,
      %get3A_226 = vector.shape_cast %get3A_225 : vector<16xf32> to vector<16xf32>
      %get3A_227 = arith.constant 144 : index
      %get3A_228 = tpu.vector_load %arg20[%get3A_227] {strides = array<i32>} : memref<2048xf32, #tpu.memory_space<vmem>>, vector<16xf32>,
      %get3A_229 = vector.shape_cast %get3A_228 : vector<16xf32> to vector<16xf32>
      %add3A_230 = arith.addf %get3A_226, %get3A_229 : vector<16xf32>
      %swap3A_231 = arith.constant 144 : index
      %swap3A_232 = tpu.vector_load %arg21[%swap3A_231] {strides = array<i32>} : memref<2048xf32, #tpu.memory_space<vmem>>, vector<16xf32>,
      %swap3A_233 = vector.shape_cast %swap3A_232 : vector<16xf32> to vector<16xf32>
      %swap3A_234 = vector.shape_cast %add3A_230 : vector<16xf32> to vector<16xf32>
      tpu.vector_store %arg21[%swap3A_231], %swap3A_234 {strides = array<i32>} : memref<2048xf32, #tpu.memory_space<vmem>>, vector<16xf32>,
      %get3A_235 = arith.constant 160 : index
      %get3A_236 = tpu.vector_load %arg21[%get3A_235] {strides = array<i32>} : memref<2048xf32, #tpu.memory_space<vmem>>, vector<16xf32>,
      %get3A_237 = vector.shape_cast %get3A_236 : vector<16xf32> to vector<16xf32>
      %get3A_238 = arith.constant 160 : index
      %get3A_239 = tpu.vector_load %arg20[%get3A_238] {strides = array<i32>} : memref<2048xf32, #tpu.memory_space<vmem>>, vector<16xf32>,
      %get3A_240 = vector.shape_cast %get3A_239 : vector<16xf32> to vector<16xf32>
      %add3A_241 = arith.addf %get3A_237, %get3A_240 : vector<16xf32>
      %swap3A_242 = arith.constant 160 : index
      %swap3A_243 = tpu.vector_load %arg21[%swap3A_242] {strides = array<i32>} : memref<2048xf32, #tpu.memory_space<vmem>>, vector<16xf32>,
      %swap3A_244 = vector.shape_cast %swap3A_243 : vector<16xf32> to vector<16xf32>
      %swap3A_245 = vector.shape_cast %add3A_241 : vector<16xf32> to vector<16xf32>
      tpu.vector_store %arg21[%swap3A_242], %swap3A_245 {strides = array<i32>} : memref<2048xf32, #tpu.memory_space<vmem>>, vector<16xf32>,
      %get3A_246 = arith.constant 176 : index
      %get3A_247 = tpu.vector_load %arg21[%get3A_246] {strides = array<i32>} : memref<2048xf32, #tpu.memory_space<vmem>>, vector<16xf32>,
      %get3A_248 = vector.shape_cast %get3A_247 : vector<16xf32> to vector<16xf32>
      %get3A_249 = arith.constant 176 : index
      %get3A_250 = tpu.vector_load %arg20[%get3A_249] {strides = array<i32>} : memref<2048xf32, #tpu.memory_space<vmem>>, vector<16xf32>,
      %get3A_251 = vector.shape_cast %get3A_250 : vector<16xf32> to vector<16xf32>
      %add3A_252 = arith.addf %get3A_248, %get3A_251 : vector<16xf32>
      %swap3A_253 = arith.constant 176 : index
      %swap3A_254 = tpu.vector_load %arg21[%swap3A_253] {strides = array<i32>} : memref<2048xf32, #tpu.memory_space<vmem>>, vector<16xf32>,
      %swap3A_255 = vector.shape_cast %swap3A_254 : vector<16xf32> to vector<16xf32>
      %swap3A_256 = vector.shape_cast %add3A_252 : vector<16xf32> to vector<16xf32>
      tpu.vector_store %arg21[%swap3A_253], %swap3A_256 {strides = array<i32>} : memref<2048xf32, #tpu.memory_space<vmem>>, vector<16xf32>,
      %get3A_257 = arith.constant 192 : index
      %get3A_258 = tpu.vector_load %arg21[%get3A_257] {strides = array<i32>} : memref<2048xf32, #tpu.memory_space<vmem>>, vector<16xf32>,
      %get3A_259 = vector.shape_cast %get3A_258 : vector<16xf32> to vector<16xf32>
      %get3A_260 = arith.constant 192 : index
      %get3A_261 = tpu.vector_load %arg20[%get3A_260] {strides = array<i32>} : memref<2048xf32, #tpu.memory_space<vmem>>, vector<16xf32>,
      %get3A_262 = vector.shape_cast %get3A_261 : vector<16xf32> to vector<16xf32>
      %add3A_263 = arith.addf %get3A_259, %get3A_262 : vector<16xf32>
      %swap3A_264 = arith.constant 192 : index
      %swap3A_265 = tpu.vector_load %arg21[%swap3A_264] {strides = array<i32>} : memref<2048xf32, #tpu.memory_space<vmem>>, vector<16xf32>,
      %swap3A_266 = vector.shape_cast %swap3A_265 : vector<16xf32> to vector<16xf32>
      %swap3A_267 = vector.shape_cast %add3A_263 : vector<16xf32> to vector<16xf32>
      tpu.vector_store %arg21[%swap3A_264], %swap3A_267 {strides = array<i32>} : memref<2048xf32, #tpu.memory_space<vmem>>, vector<16xf32>,
      %get3A_268 = arith.constant 208 : index
      %get3A_269 = tpu.vector_load %arg21[%get3A_268] {strides = array<i32>} : memref<2048xf32, #tpu.memory_space<vmem>>, vector<16xf32>,
      %get3A_270 = vector.shape_cast %get3A_269 : vector<16xf32> to vector<16xf32>
      %get3A_271 = arith.constant 208 : index
      %get3A_272 = tpu.vector_load %arg20[%get3A_271] {strides = array<i32>} : memref<2048xf32, #tpu.memory_space<vmem>>, vector<16xf32>,
      %get3A_273 = vector.shape_cast %get3A_272 : vector<16xf32> to vector<16xf32>
      %add3A_274 = arith.addf %get3A_270, %get3A_273 : vector<16xf32>
      %swap3A_275 = arith.constant 208 : index
      %swap3A_276 = tpu.vector_load %arg21[%swap3A_275] {strides = array<i32>} : memref<2048xf32, #tpu.memory_space<vmem>>, vector<16xf32>,
      %swap3A_277 = vector.shape_cast %swap3A_276 : vector<16xf32> to vector<16xf32>
      %swap3A_278 = vector.shape_cast %add3A_274 : vector<16xf32> to vector<16xf32>
      tpu.vector_store %arg21[%swap3A_275], %swap3A_278 {strides = array<i32>} : memref<2048xf32, #tpu.memory_space<vmem>>, vector<16xf32>,
      %get3A_279 = arith.constant 224 : index
      %get3A_280 = tpu.vector_load %arg21[%get3A_279] {strides = array<i32>} : memref<2048xf32, #tpu.memory_space<vmem>>, vector<16xf32>,
      %get3A_281 = vector.shape_cast %get3A_280 : vector<16xf32> to vector<16xf32>
      %get3A_282 = arith.constant 224 : index
      %get3A_283 = tpu.vector_load %arg20[%get3A_282] {strides = array<i32>} : memref<2048xf32, #tpu.memory_space<vmem>>, vector<16xf32>,
      %get3A_284 = vector.shape_cast %get3A_283 : vector<16xf32> to vector<16xf32>
      %add3A_285 = arith.addf %get3A_281, %get3A_284 : vector<16xf32>
      %swap3A_286 = arith.constant 224 : index
      %swap3A_287 = tpu.vector_load %arg21[%swap3A_286] {strides = array<i32>} : memref<2048xf32, #tpu.memory_space<vmem>>, vector<16xf32>,
      %swap3A_288 = vector.shape_cast %swap3A_287 : vector<16xf32> to vector<16xf32>
      %swap3A_289 = vector.shape_cast %add3A_285 : vector<16xf32> to vector<16xf32>
      tpu.vector_store %arg21[%swap3A_286], %swap3A_289 {strides = array<i32>} : memref<2048xf32, #tpu.memory_space<vmem>>, vector<16xf32>,
      %get3A_290 = arith.constant 240 : index
      %get3A_291 = tpu.vector_load %arg21[%get3A_290] {strides = array<i32>} : memref<2048xf32, #tpu.memory_space<vmem>>, vector<16xf32>,
      %get3A_292 = vector.shape_cast %get3A_291 : vector<16xf32> to vector<16xf32>
      %get3A_293 = arith.constant 240 : index
      %get3A_294 = tpu.vector_load %arg20[%get3A_293] {strides = array<i32>} : memref<2048xf32, #tpu.memory_space<vmem>>, vector<16xf32>,
      %get3A_295 = vector.shape_cast %get3A_294 : vector<16xf32> to vector<16xf32>
      %add3A_296 = arith.addf %get3A_292, %get3A_295 : vector<16xf32>
      %swap3A_297 = arith.constant 240 : index
      %swap3A_298 = tpu.vector_load %arg21[%swap3A_297] {strides = array<i32>} : memref<2048xf32, #tpu.memory_space<vmem>>, vector<16xf32>,
      %swap3A_299 = vector.shape_cast %swap3A_298 : vector<16xf32> to vector<16xf32>
      %swap3A_300 = vector.shape_cast %add3A_296 : vector<16xf32> to vector<16xf32>
      tpu.vector_store %arg21[%swap3A_297], %swap3A_300 {strides = array<i32>} : memref<2048xf32, #tpu.memory_space<vmem>>, vector<16xf32>,
      %get3A_301 = arith.constant 256 : index
      %get3A_302 = tpu.vector_load %arg21[%get3A_301] {strides = array<i32>} : memref<2048xf32, #tpu.memory_space<vmem>>, vector<16xf32>,
      %get3A_303 = vector.shape_cast %get3A_302 : vector<16xf32> to vector<16xf32>
      %get3A_304 = arith.constant 256 : index
      %get3A_305 = tpu.vector_load %arg20[%get3A_304] {strides = array<i32>} : memref<2048xf32, #tpu.memory_space<vmem>>, vector<16xf32>,
      %get3A_306 = vector.shape_cast %get3A_305 : vector<16xf32> to vector<16xf32>
      %add3A_307 = arith.addf %get3A_303, %get3A_306 : vector<16xf32>
      %swap3A_308 = arith.constant 256 : index
      %swap3A_309 = tpu.vector_load %arg21[%swap3A_308] {strides = array<i32>} : memref<2048xf32, #tpu.memory_space<vmem>>, vector<16xf32>,
      %swap3A_310 = vector.shape_cast %swap3A_309 : vector<16xf32> to vector<16xf32>
      %swap3A_311 = vector.shape_cast %add3A_307 : vector<16xf32> to vector<16xf32>
      tpu.vector_store %arg21[%swap3A_308], %swap3A_311 {strides = array<i32>} : memref<2048xf32, #tpu.memory_space<vmem>>, vector<16xf32>,
      %get3A_312 = arith.constant 272 : index
      %get3A_313 = tpu.vector_load %arg21[%get3A_312] {strides = array<i32>} : memref<2048xf32, #tpu.memory_space<vmem>>, vector<16xf32>,
      %get3A_314 = vector.shape_cast %get3A_313 : vector<16xf32> to vector<16xf32>
      %get3A_315 = arith.constant 272 : index
      %get3A_316 = tpu.vector_load %arg20[%get3A_315] {strides = array<i32>} : memref<2048xf32, #tpu.memory_space<vmem>>, vector<16xf32>,
      %get3A_317 = vector.shape_cast %get3A_316 : vector<16xf32> to vector<16xf32>
      %add3A_318 = arith.addf %get3A_314, %get3A_317 : vector<16xf32>
      %swap3A_319 = arith.constant 272 : index
      %swap3A_320 = tpu.vector_load %arg21[%swap3A_319] {strides = array<i32>} : memref<2048xf32, #tpu.memory_space<vmem>>, vector<16xf32>,
      %swap3A_321 = vector.shape_cast %swap3A_320 : vector<16xf32> to vector<16xf32>
      %swap3A_322 = vector.shape_cast %add3A_318 : vector<16xf32> to vector<16xf32>
      tpu.vector_store %arg21[%swap3A_319], %swap3A_322 {strides = array<i32>} : memref<2048xf32, #tpu.memory_space<vmem>>, vector<16xf32>,
      %get3A_323 = arith.constant 288 : index
      %get3A_324 = tpu.vector_load %arg21[%get3A_323] {strides = array<i32>} : memref<2048xf32, #tpu.memory_space<vmem>>, vector<16xf32>,
      %get3A_325 = vector.shape_cast %get3A_324 : vector<16xf32> to vector<16xf32>
      %get3A_326 = arith.constant 288 : index
      %get3A_327 = tpu.vector_load %arg20[%get3A_326] {strides = array<i32>} : memref<2048xf32, #tpu.memory_space<vmem>>, vector<16xf32>,
      %get3A_328 = vector.shape_cast %get3A_327 : vector<16xf32> to vector<16xf32>
      %add3A_329 = arith.addf %get3A_325, %get3A_328 : vector<16xf32>
      %swap3A_330 = arith.constant 288 : index
      %swap3A_331 = tpu.vector_load %arg21[%swap3A_330] {strides = array<i32>} : memref<2048xf32, #tpu.memory_space<vmem>>, vector<16xf32>,
      %swap3A_332 = vector.shape_cast %swap3A_331 : vector<16xf32> to vector<16xf32>
      %swap3A_333 = vector.shape_cast %add3A_329 : vector<16xf32> to vector<16xf32>
      tpu.vector_store %arg21[%swap3A_330], %swap3A_333 {strides = array<i32>} : memref<2048xf32, #tpu.memory_space<vmem>>, vector<16xf32>,
      %get3A_334 = arith.constant 304 : index
      %get3A_335 = tpu.vector_load %arg21[%get3A_334] {strides = array<i32>} : memref<2048xf32, #tpu.memory_space<vmem>>, vector<16xf32>,
      %get3A_336 = vector.shape_cast %get3A_335 : vector<16xf32> to vector<16xf32>
      %get3A_337 = arith.constant 304 : index
      %get3A_338 = tpu.vector_load %arg20[%get3A_337] {strides = array<i32>} : memref<2048xf32, #tpu.memory_space<vmem>>, vector<16xf32>,
      %get3A_339 = vector.shape_cast %get3A_338 : vector<16xf32> to vector<16xf32>
      %add3A_340 = arith.addf %get3A_336, %get3A_339 : vector<16xf32>
      %swap3A_341 = arith.constant 304 : index
      %swap3A_342 = tpu.vector_load %arg21[%swap3A_341] {strides = array<i32>} : memref<2048xf32, #tpu.memory_space<vmem>>, vector<16xf32>,
      %swap3A_343 = vector.shape_cast %swap3A_342 : vector<16xf32> to vector<16xf32>
      %swap3A_344 = vector.shape_cast %add3A_340 : vector<16xf32> to vector<16xf32>
      tpu.vector_store %arg21[%swap3A_341], %swap3A_344 {strides = array<i32>} : memref<2048xf32, #tpu.memory_space<vmem>>, vector<16xf32>,
      %get3A_345 = arith.constant 320 : index
      %get3A_346 = tpu.vector_load %arg21[%get3A_345] {strides = array<i32>} : memref<2048xf32, #tpu.memory_space<vmem>>, vector<16xf32>,
      %get3A_347 = vector.shape_cast %get3A_346 : vector<16xf32> to vector<16xf32>
      %get3A_348 = arith.constant 320 : index
      %get3A_349 = tpu.vector_load %arg20[%get3A_348] {strides = array<i32>} : memref<2048xf32, #tpu.memory_space<vmem>>, vector<16xf32>,
      %get3A_350 = vector.shape_cast %get3A_349 : vector<16xf32> to vector<16xf32>
      %add3A_351 = arith.addf %get3A_347, %get3A_350 : vector<16xf32>
      %swap3A_352 = arith.constant 320 : index
      %swap3A_353 = tpu.vector_load %arg21[%swap3A_352] {strides = array<i32>} : memref<2048xf32, #tpu.memory_space<vmem>>, vector<16xf32>,
      %swap3A_354 = vector.shape_cast %swap3A_353 : vector<16xf32> to vector<16xf32>
      %swap3A_355 = vector.shape_cast %add3A_351 : vector<16xf32> to vector<16xf32>
      tpu.vector_store %arg21[%swap3A_352], %swap3A_355 {strides = array<i32>} : memref<2048xf32, #tpu.memory_space<vmem>>, vector<16xf32>,
      %get3A_356 = arith.constant 336 : index
      %get3A_357 = tpu.vector_load %arg21[%get3A_356] {strides = array<i32>} : memref<2048xf32, #tpu.memory_space<vmem>>, vector<16xf32>,
      %get3A_358 = vector.shape_cast %get3A_357 : vector<16xf32> to vector<16xf32>
      %get3A_359 = arith.constant 336 : index
      %get3A_360 = tpu.vector_load %arg20[%get3A_359] {strides = array<i32>} : memref<2048xf32, #tpu.memory_space<vmem>>, vector<16xf32>,
      %get3A_361 = vector.shape_cast %get3A_360 : vector<16xf32> to vector<16xf32>
      %add3A_362 = arith.addf %get3A_358, %get3A_361 : vector<16xf32>
      %swap3A_363 = arith.constant 336 : index
      %swap3A_364 = tpu.vector_load %arg21[%swap3A_363] {strides = array<i32>} : memref<2048xf32, #tpu.memory_space<vmem>>, vector<16xf32>,
      %swap3A_365 = vector.shape_cast %swap3A_364 : vector<16xf32> to vector<16xf32>
      %swap3A_366 = vector.shape_cast %add3A_362 : vector<16xf32> to vector<16xf32>
      tpu.vector_store %arg21[%swap3A_363], %swap3A_366 {strides = array<i32>} : memref<2048xf32, #tpu.memory_space<vmem>>, vector<16xf32>,
      %get3A_367 = arith.constant 352 : index
      %get3A_368 = tpu.vector_load %arg21[%get3A_367] {strides = array<i32>} : memref<2048xf32, #tpu.memory_space<vmem>>, vector<16xf32>,
      %get3A_369 = vector.shape_cast %get3A_368 : vector<16xf32> to vector<16xf32>
      %get3A_370 = arith.constant 352 : index
      %get3A_371 = tpu.vector_load %arg20[%get3A_370] {strides = array<i32>} : memref<2048xf32, #tpu.memory_space<vmem>>, vector<16xf32>,
      %get3A_372 = vector.shape_cast %get3A_371 : vector<16xf32> to vector<16xf32>
      %add3A_373 = arith.addf %get3A_369, %get3A_372 : vector<16xf32>
      %swap3A_374 = arith.constant 352 : index
      %swap3A_375 = tpu.vector_load %arg21[%swap3A_374] {strides = array<i32>} : memref<2048xf32, #tpu.memory_space<vmem>>, vector<16xf32>,
      %swap3A_376 = vector.shape_cast %swap3A_375 : vector<16xf32> to vector<16xf32>
      %swap3A_377 = vector.shape_cast %add3A_373 : vector<16xf32> to vector<16xf32>
      tpu.vector_store %arg21[%swap3A_374], %swap3A_377 {strides = array<i32>} : memref<2048xf32, #tpu.memory_space<vmem>>, vector<16xf32>,
      %get3A_378 = arith.constant 368 : index
      %get3A_379 = tpu.vector_load %arg21[%get3A_378] {strides = array<i32>} : memref<2048xf32, #tpu.memory_space<vmem>>, vector<16xf32>,
      %get3A_380 = vector.shape_cast %get3A_379 : vector<16xf32> to vector<16xf32>
      %get3A_381 = arith.constant 368 : index
      %get3A_382 = tpu.vector_load %arg20[%get3A_381] {strides = array<i32>} : memref<2048xf32, #tpu.memory_space<vmem>>, vector<16xf32>,
      %get3A_383 = vector.shape_cast %get3A_382 : vector<16xf32> to vector<16xf32>
      %add3A_384 = arith.addf %get3A_380, %get3A_383 : vector<16xf32>
      %swap3A_385 = arith.constant 368 : index
      %swap3A_386 = tpu.vector_load %arg21[%swap3A_385] {strides = array<i32>} : memref<2048xf32, #tpu.memory_space<vmem>>, vector<16xf32>,
      %swap3A_387 = vector.shape_cast %swap3A_386 : vector<16xf32> to vector<16xf32>
      %swap3A_388 = vector.shape_cast %add3A_384 : vector<16xf32> to vector<16xf32>
      tpu.vector_store %arg21[%swap3A_385], %swap3A_388 {strides = array<i32>} : memref<2048xf32, #tpu.memory_space<vmem>>, vector<16xf32>,
      %get3A_389 = arith.constant 384 : index
      %get3A_390 = tpu.vector_load %arg21[%get3A_389] {strides = array<i32>} : memref<2048xf32, #tpu.memory_space<vmem>>, vector<16xf32>,
      %get3A_391 = vector.shape_cast %get3A_390 : vector<16xf32> to vector<16xf32>
      %get3A_392 = arith.constant 384 : index
      %get3A_393 = tpu.vector_load %arg20[%get3A_392] {strides = array<i32>} : memref<2048xf32, #tpu.memory_space<vmem>>, vector<16xf32>,
      %get3A_394 = vector.shape_cast %get3A_393 : vector<16xf32> to vector<16xf32>
      %add3A_395 = arith.addf %get3A_391, %get3A_394 : vector<16xf32>
      %swap3A_396 = arith.constant 384 : index
      %swap3A_397 = tpu.vector_load %arg21[%swap3A_396] {strides = array<i32>} : memref<2048xf32, #tpu.memory_space<vmem>>, vector<16xf32>,
      %swap3A_398 = vector.shape_cast %swap3A_397 : vector<16xf32> to vector<16xf32>
      %swap3A_399 = vector.shape_cast %add3A_395 : vector<16xf32> to vector<16xf32>
      tpu.vector_store %arg21[%swap3A_396], %swap3A_399 {strides = array<i32>} : memref<2048xf32, #tpu.memory_space<vmem>>, vector<16xf32>,
      %get3A_400 = arith.constant 400 : index
      %get3A_401 = tpu.vector_load %arg21[%get3A_400] {strides = array<i32>} : memref<2048xf32, #tpu.memory_space<vmem>>, vector<16xf32>,
      %get3A_402 = vector.shape_cast %get3A_401 : vector<16xf32> to vector<16xf32>
      %get3A_403 = arith.constant 400 : index
      %get3A_404 = tpu.vector_load %arg20[%get3A_403] {strides = array<i32>} : memref<2048xf32, #tpu.memory_space<vmem>>, vector<16xf32>,
      %get3A_405 = vector.shape_cast %get3A_404 : vector<16xf32> to vector<16xf32>
      %add3A_406 = arith.addf %get3A_402, %get3A_405 : vector<16xf32>
      %swap3A_407 = arith.constant 400 : index
      %swap3A_408 = tpu.vector_load %arg21[%swap3A_407] {strides = array<i32>} : memref<2048xf32, #tpu.memory_space<vmem>>, vector<16xf32>,
      %swap3A_409 = vector.shape_cast %swap3A_408 : vector<16xf32> to vector<16xf32>
      %swap3A_410 = vector.shape_cast %add3A_406 : vector<16xf32> to vector<16xf32>
      tpu.vector_store %arg21[%swap3A_407], %swap3A_410 {strides = array<i32>} : memref<2048xf32, #tpu.memory_space<vmem>>, vector<16xf32>,
      %get3A_411 = arith.constant 416 : index
      %get3A_412 = tpu.vector_load %arg21[%get3A_411] {strides = array<i32>} : memref<2048xf32, #tpu.memory_space<vmem>>, vector<16xf32>,
      %get3A_413 = vector.shape_cast %get3A_412 : vector<16xf32> to vector<16xf32>
      %get3A_414 = arith.constant 416 : index
      %get3A_415 = tpu.vector_load %arg20[%get3A_414] {strides = array<i32>} : memref<2048xf32, #tpu.memory_space<vmem>>, vector<16xf32>,
      %get3A_416 = vector.shape_cast %get3A_415 : vector<16xf32> to vector<16xf32>
      %add3A_417 = arith.addf %get3A_413, %get3A_416 : vector<16xf32>
      %swap3A_418 = arith.constant 416 : index
      %swap3A_419 = tpu.vector_load %arg21[%swap3A_418] {strides = array<i32>} : memref<2048xf32, #tpu.memory_space<vmem>>, vector<16xf32>,
      %swap3A_420 = vector.shape_cast %swap3A_419 : vector<16xf32> to vector<16xf32>
      %swap3A_421 = vector.shape_cast %add3A_417 : vector<16xf32> to vector<16xf32>
      tpu.vector_store %arg21[%swap3A_418], %swap3A_421 {strides = array<i32>} : memref<2048xf32, #tpu.memory_space<vmem>>, vector<16xf32>,
      %get3A_422 = arith.constant 432 : index
      %get3A_423 = tpu.vector_load %arg21[%get3A_422] {strides = array<i32>} : memref<2048xf32, #tpu.memory_space<vmem>>, vector<16xf32>,
      %get3A_424 = vector.shape_cast %get3A_423 : vector<16xf32> to vector<16xf32>
      %get3A_425 = arith.constant 432 : index
      %get3A_426 = tpu.vector_load %arg20[%get3A_425] {strides = array<i32>} : memref<2048xf32, #tpu.memory_space<vmem>>, vector<16xf32>,
      %get3A_427 = vector.shape_cast %get3A_426 : vector<16xf32> to vector<16xf32>
      %add3A_428 = arith.addf %get3A_424, %get3A_427 : vector<16xf32>
      %swap3A_429 = arith.constant 432 : index
      %swap3A_430 = tpu.vector_load %arg21[%swap3A_429] {strides = array<i32>} : memref<2048xf32, #tpu.memory_space<vmem>>, vector<16xf32>,
      %swap3A_431 = vector.shape_cast %swap3A_430 : vector<16xf32> to vector<16xf32>
      %swap3A_432 = vector.shape_cast %add3A_428 : vector<16xf32> to vector<16xf32>
      tpu.vector_store %arg21[%swap3A_429], %swap3A_432 {strides = array<i32>} : memref<2048xf32, #tpu.memory_space<vmem>>, vector<16xf32>,
      %get3A_433 = arith.constant 448 : index
      %get3A_434 = tpu.vector_load %arg21[%get3A_433] {strides = array<i32>} : memref<2048xf32, #tpu.memory_space<vmem>>, vector<16xf32>,
      %get3A_435 = vector.shape_cast %get3A_434 : vector<16xf32> to vector<16xf32>
      %get3A_436 = arith.constant 448 : index
      %get3A_437 = tpu.vector_load %arg20[%get3A_436] {strides = array<i32>} : memref<2048xf32, #tpu.memory_space<vmem>>, vector<16xf32>,
      %get3A_438 = vector.shape_cast %get3A_437 : vector<16xf32> to vector<16xf32>
      %add3A_439 = arith.addf %get3A_435, %get3A_438 : vector<16xf32>
      %swap3A_440 = arith.constant 448 : index
      %swap3A_441 = tpu.vector_load %arg21[%swap3A_440] {strides = array<i32>} : memref<2048xf32, #tpu.memory_space<vmem>>, vector<16xf32>,
      %swap3A_442 = vector.shape_cast %swap3A_441 : vector<16xf32> to vector<16xf32>
      %swap3A_443 = vector.shape_cast %add3A_439 : vector<16xf32> to vector<16xf32>
      tpu.vector_store %arg21[%swap3A_440], %swap3A_443 {strides = array<i32>} : memref<2048xf32, #tpu.memory_space<vmem>>, vector<16xf32>,
      %get3A_444 = arith.constant 464 : index
      %get3A_445 = tpu.vector_load %arg21[%get3A_444] {strides = array<i32>} : memref<2048xf32, #tpu.memory_space<vmem>>, vector<16xf32>,
      %get3A_446 = vector.shape_cast %get3A_445 : vector<16xf32> to vector<16xf32>
      %get3A_447 = arith.constant 464 : index
      %get3A_448 = tpu.vector_load %arg20[%get3A_447] {strides = array<i32>} : memref<2048xf32, #tpu.memory_space<vmem>>, vector<16xf32>,
      %get3A_449 = vector.shape_cast %get3A_448 : vector<16xf32> to vector<16xf32>
      %add3A_450 = arith.addf %get3A_446, %get3A_449 : vector<16xf32>
      %swap3A_451 = arith.constant 464 : index
      %swap3A_452 = tpu.vector_load %arg21[%swap3A_451] {strides = array<i32>} : memref<2048xf32, #tpu.memory_space<vmem>>, vector<16xf32>,
      %swap3A_453 = vector.shape_cast %swap3A_452 : vector<16xf32> to vector<16xf32>
      %swap3A_454 = vector.shape_cast %add3A_450 : vector<16xf32> to vector<16xf32>
      tpu.vector_store %arg21[%swap3A_451], %swap3A_454 {strides = array<i32>} : memref<2048xf32, #tpu.memory_space<vmem>>, vector<16xf32>,
      %get3A_455 = arith.constant 480 : index
      %get3A_456 = tpu.vector_load %arg21[%get3A_455] {strides = array<i32>} : memref<2048xf32, #tpu.memory_space<vmem>>, vector<16xf32>,
      %get3A_457 = vector.shape_cast %get3A_456 : vector<16xf32> to vector<16xf32>
      %get3A_458 = arith.constant 480 : index
      %get3A_459 = tpu.vector_load %arg20[%get3A_458] {strides = array<i32>} : memref<2048xf32, #tpu.memory_space<vmem>>, vector<16xf32>,
      %get3A_460 = vector.shape_cast %get3A_459 : vector<16xf32> to vector<16xf32>
      %add3A_461 = arith.addf %get3A_457, %get3A_460 : vector<16xf32>
      %swap3A_462 = arith.constant 480 : index
      %swap3A_463 = tpu.vector_load %arg21[%swap3A_462] {strides = array<i32>} : memref<2048xf32, #tpu.memory_space<vmem>>, vector<16xf32>,
      %swap3A_464 = vector.shape_cast %swap3A_463 : vector<16xf32> to vector<16xf32>
      %swap3A_465 = vector.shape_cast %add3A_461 : vector<16xf32> to vector<16xf32>
      tpu.vector_store %arg21[%swap3A_462], %swap3A_465 {strides = array<i32>} : memref<2048xf32, #tpu.memory_space<vmem>>, vector<16xf32>,
      %get3A_466 = arith.constant 496 : index
      %get3A_467 = tpu.vector_load %arg21[%get3A_466] {strides = array<i32>} : memref<2048xf32, #tpu.memory_space<vmem>>, vector<16xf32>,
      %get3A_468 = vector.shape_cast %get3A_467 : vector<16xf32> to vector<16xf32>
      %get3A_469 = arith.constant 496 : index
      %get3A_470 = tpu.vector_load %arg20[%get3A_469] {strides = array<i32>} : memref<2048xf32, #tpu.memory_space<vmem>>, vector<16xf32>,
      %get3A_471 = vector.shape_cast %get3A_470 : vector<16xf32> to vector<16xf32>
      %add3A_472 = arith.addf %get3A_468, %get3A_471 : vector<16xf32>
      %swap3A_473 = arith.constant 496 : index
      %swap3A_474 = tpu.vector_load %arg21[%swap3A_473] {strides = array<i32>} : memref<2048xf32, #tpu.memory_space<vmem>>, vector<16xf32>,
      %swap3A_475 = vector.shape_cast %swap3A_474 : vector<16xf32> to vector<16xf32>
      %swap3A_476 = vector.shape_cast %add3A_472 : vector<16xf32> to vector<16xf32>
      tpu.vector_store %arg21[%swap3A_473], %swap3A_476 {strides = array<i32>} : memref<2048xf32, #tpu.memory_space<vmem>>, vector<16xf32>,
      %get3A_477 = arith.constant 512 : index
      %get3A_478 = tpu.vector_load %arg21[%get3A_477] {strides = array<i32>} : memref<2048xf32, #tpu.memory_space<vmem>>, vector<16xf32>,
      %get3A_479 = vector.shape_cast %get3A_478 : vector<16xf32> to vector<16xf32>
      %get3A_480 = arith.constant 512 : index
      %get3A_481 = tpu.vector_load %arg20[%get3A_480] {strides = array<i32>} : memref<2048xf32, #tpu.memory_space<vmem>>, vector<16xf32>,
      %get3A_482 = vector.shape_cast %get3A_481 : vector<16xf32> to vector<16xf32>
      %add3A_483 = arith.addf %get3A_479, %get3A_482 : vector<16xf32>
      %swap3A_484 = arith.constant 512 : index
      %swap3A_485 = tpu.vector_load %arg21[%swap3A_484] {strides = array<i32>} : memref<2048xf32, #tpu.memory_space<vmem>>, vector<16xf32>,
      %swap3A_486 = vector.shape_cast %swap3A_485 : vector<16xf32> to vector<16xf32>
      %swap3A_487 = vector.shape_cast %add3A_483 : vector<16xf32> to vector<16xf32>
      tpu.vector_store %arg21[%swap3A_484], %swap3A_487 {strides = array<i32>} : memref<2048xf32, #tpu.memory_space<vmem>>, vector<16xf32>,
      %get3A_488 = arith.constant 528 : index
      %get3A_489 = tpu.vector_load %arg21[%get3A_488] {strides = array<i32>} : memref<2048xf32, #tpu.memory_space<vmem>>, vector<16xf32>,
      %get3A_490 = vector.shape_cast %get3A_489 : vector<16xf32> to vector<16xf32>
      %get3A_491 = arith.constant 528 : index
      %get3A_492 = tpu.vector_load %arg20[%get3A_491] {strides = array<i32>} : memref<2048xf32, #tpu.memory_space<vmem>>, vector<16xf32>,
      %get3A_493 = vector.shape_cast %get3A_492 : vector<16xf32> to vector<16xf32>
      %add3A_494 = arith.addf %get3A_490, %get3A_493 : vector<16xf32>
      %swap3A_495 = arith.constant 528 : index
      %swap3A_496 = tpu.vector_load %arg21[%swap3A_495] {strides = array<i32>} : memref<2048xf32, #tpu.memory_space<vmem>>, vector<16xf32>,
      %swap3A_497 = vector.shape_cast %swap3A_496 : vector<16xf32> to vector<16xf32>
      %swap3A_498 = vector.shape_cast %add3A_494 : vector<16xf32> to vector<16xf32>
      tpu.vector_store %arg21[%swap3A_495], %swap3A_498 {strides = array<i32>} : memref<2048xf32, #tpu.memory_space<vmem>>, vector<16xf32>,
      %get3A_499 = arith.constant 544 : index
      %get3A_500 = tpu.vector_load %arg21[%get3A_499] {strides = array<i32>} : memref<2048xf32, #tpu.memory_space<vmem>>, vector<16xf32>,
      %get3A_501 = vector.shape_cast %get3A_500 : vector<16xf32> to vector<16xf32>
      %get3A_502 = arith.constant 544 : index
      %get3A_503 = tpu.vector_load %arg20[%get3A_502] {strides = array<i32>} : memref<2048xf32, #tpu.memory_space<vmem>>, vector<16xf32>,
      %get3A_504 = vector.shape_cast %get3A_503 : vector<16xf32> to vector<16xf32>
      %add3A_505 = arith.addf %get3A_501, %get3A_504 : vector<16xf32>
      %swap3A_506 = arith.constant 544 : index
      %swap3A_507 = tpu.vector_load %arg21[%swap3A_506] {strides = array<i32>} : memref<2048xf32, #tpu.memory_space<vmem>>, vector<16xf32>,
      %swap3A_508 = vector.shape_cast %swap3A_507 : vector<16xf32> to vector<16xf32>
      %swap3A_509 = vector.shape_cast %add3A_505 : vector<16xf32> to vector<16xf32>
      tpu.vector_store %arg21[%swap3A_506], %swap3A_509 {strides = array<i32>} : memref<2048xf32, #tpu.memory_space<vmem>>, vector<16xf32>,
      %get3A_510 = arith.constant 560 : index
      %get3A_511 = tpu.vector_load %arg21[%get3A_510] {strides = array<i32>} : memref<2048xf32, #tpu.memory_space<vmem>>, vector<16xf32>,
      %get3A_512 = vector.shape_cast %get3A_511 : vector<16xf32> to vector<16xf32>
      %get3A_513 = arith.constant 560 : index
      %get3A_514 = tpu.vector_load %arg20[%get3A_513] {strides = array<i32>} : memref<2048xf32, #tpu.memory_space<vmem>>, vector<16xf32>,
      %get3A_515 = vector.shape_cast %get3A_514 : vector<16xf32> to vector<16xf32>
      %add3A_516 = arith.addf %get3A_512, %get3A_515 : vector<16xf32>
      %swap3A_517 = arith.constant 560 : index
      %swap3A_518 = tpu.vector_load %arg21[%swap3A_517] {strides = array<i32>} : memref<2048xf32, #tpu.memory_space<vmem>>, vector<16xf32>,
      %swap3A_519 = vector.shape_cast %swap3A_518 : vector<16xf32> to vector<16xf32>
      %swap3A_520 = vector.shape_cast %add3A_516 : vector<16xf32> to vector<16xf32>
      tpu.vector_store %arg21[%swap3A_517], %swap3A_520 {strides = array<i32>} : memref<2048xf32, #tpu.memory_space<vmem>>, vector<16xf32>,
      %get3A_521 = arith.constant 576 : index
      %get3A_522 = tpu.vector_load %arg21[%get3A_521] {strides = array<i32>} : memref<2048xf32, #tpu.memory_space<vmem>>, vector<16xf32>,
      %get3A_523 = vector.shape_cast %get3A_522 : vector<16xf32> to vector<16xf32>
      %get3A_524 = arith.constant 576 : index
      %get3A_525 = tpu.vector_load %arg20[%get3A_524] {strides = array<i32>} : memref<2048xf32, #tpu.memory_space<vmem>>, vector<16xf32>,
      %get3A_526 = vector.shape_cast %get3A_525 : vector<16xf32> to vector<16xf32>
      %add3A_527 = arith.addf %get3A_523, %get3A_526 : vector<16xf32>
      %swap3A_528 = arith.constant 576 : index
      %swap3A_529 = tpu.vector_load %arg21[%swap3A_528] {strides = array<i32>} : memref<2048xf32, #tpu.memory_space<vmem>>, vector<16xf32>,
      %swap3A_530 = vector.shape_cast %swap3A_529 : vector<16xf32> to vector<16xf32>
      %swap3A_531 = vector.shape_cast %add3A_527 : vector<16xf32> to vector<16xf32>
      tpu.vector_store %arg21[%swap3A_528], %swap3A_531 {strides = array<i32>} : memref<2048xf32, #tpu.memory_space<vmem>>, vector<16xf32>,
      %get3A_532 = arith.constant 592 : index
      %get3A_533 = tpu.vector_load %arg21[%get3A_532] {strides = array<i32>} : memref<2048xf32, #tpu.memory_space<vmem>>, vector<16xf32>,
      %get3A_534 = vector.shape_cast %get3A_533 : vector<16xf32> to vector<16xf32>
      %get3A_535 = arith.constant 592 : index
      %get3A_536 = tpu.vector_load %arg20[%get3A_535] {strides = array<i32>} : memref<2048xf32, #tpu.memory_space<vmem>>, vector<16xf32>,
      %get3A_537 = vector.shape_cast %get3A_536 : vector<16xf32> to vector<16xf32>
      %add3A_538 = arith.addf %get3A_534, %get3A_537 : vector<16xf32>
      %swap3A_539 = arith.constant 592 : index
      %swap3A_540 = tpu.vector_load %arg21[%swap3A_539] {strides = array<i32>} : memref<2048xf32, #tpu.memory_space<vmem>>, vector<16xf32>,
      %swap3A_541 = vector.shape_cast %swap3A_540 : vector<16xf32> to vector<16xf32>
      %swap3A_542 = vector.shape_cast %add3A_538 : vector<16xf32> to vector<16xf32>
      tpu.vector_store %arg21[%swap3A_539], %swap3A_542 {strides = array<i32>} : memref<2048xf32, #tpu.memory_space<vmem>>, vector<16xf32>,
      %get3A_543 = arith.constant 608 : index
      %get3A_544 = tpu.vector_load %arg21[%get3A_543] {strides = array<i32>} : memref<2048xf32, #tpu.memory_space<vmem>>, vector<16xf32>,
      %get3A_545 = vector.shape_cast %get3A_544 : vector<16xf32> to vector<16xf32>
      %get3A_546 = arith.constant 608 : index
      %get3A_547 = tpu.vector_load %arg20[%get3A_546] {strides = array<i32>} : memref<2048xf32, #tpu.memory_space<vmem>>, vector<16xf32>,
      %get3A_548 = vector.shape_cast %get3A_547 : vector<16xf32> to vector<16xf32>
      %add3A_549 = arith.addf %get3A_545, %get3A_548 : vector<16xf32>
      %swap3A_550 = arith.constant 608 : index
      %swap3A_551 = tpu.vector_load %arg21[%swap3A_550] {strides = array<i32>} : memref<2048xf32, #tpu.memory_space<vmem>>, vector<16xf32>,
      %swap3A_552 = vector.shape_cast %swap3A_551 : vector<16xf32> to vector<16xf32>
      %swap3A_553 = vector.shape_cast %add3A_549 : vector<16xf32> to vector<16xf32>
      tpu.vector_store %arg21[%swap3A_550], %swap3A_553 {strides = array<i32>} : memref<2048xf32, #tpu.memory_space<vmem>>, vector<16xf32>,
      %get3A_554 = arith.constant 624 : index
      %get3A_555 = tpu.vector_load %arg21[%get3A_554] {strides = array<i32>} : memref<2048xf32, #tpu.memory_space<vmem>>, vector<16xf32>,
      %get3A_556 = vector.shape_cast %get3A_555 : vector<16xf32> to vector<16xf32>
      %get3A_557 = arith.constant 624 : index
      %get3A_558 = tpu.vector_load %arg20[%get3A_557] {strides = array<i32>} : memref<2048xf32, #tpu.memory_space<vmem>>, vector<16xf32>,
      %get3A_559 = vector.shape_cast %get3A_558 : vector<16xf32> to vector<16xf32>
      %add3A_560 = arith.addf %get3A_556, %get3A_559 : vector<16xf32>
      %swap3A_561 = arith.constant 624 : index
      %swap3A_562 = tpu.vector_load %arg21[%swap3A_561] {strides = array<i32>} : memref<2048xf32, #tpu.memory_space<vmem>>, vector<16xf32>,
      %swap3A_563 = vector.shape_cast %swap3A_562 : vector<16xf32> to vector<16xf32>
      %swap3A_564 = vector.shape_cast %add3A_560 : vector<16xf32> to vector<16xf32>
      tpu.vector_store %arg21[%swap3A_561], %swap3A_564 {strides = array<i32>} : memref<2048xf32, #tpu.memory_space<vmem>>, vector<16xf32>,
      %get3A_565 = arith.constant 640 : index
      %get3A_566 = tpu.vector_load %arg21[%get3A_565] {strides = array<i32>} : memref<2048xf32, #tpu.memory_space<vmem>>, vector<16xf32>,
      %get3A_567 = vector.shape_cast %get3A_566 : vector<16xf32> to vector<16xf32>
      %get3A_568 = arith.constant 640 : index
      %get3A_569 = tpu.vector_load %arg20[%get3A_568] {strides = array<i32>} : memref<2048xf32, #tpu.memory_space<vmem>>, vector<16xf32>,
      %get3A_570 = vector.shape_cast %get3A_569 : vector<16xf32> to vector<16xf32>
      %add3A_571 = arith.addf %get3A_567, %get3A_570 : vector<16xf32>
      %swap3A_572 = arith.constant 640 : index
      %swap3A_573 = tpu.vector_load %arg21[%swap3A_572] {strides = array<i32>} : memref<2048xf32, #tpu.memory_space<vmem>>, vector<16xf32>,
      %swap3A_574 = vector.shape_cast %swap3A_573 : vector<16xf32> to vector<16xf32>
      %swap3A_575 = vector.shape_cast %add3A_571 : vector<16xf32> to vector<16xf32>
      tpu.vector_store %arg21[%swap3A_572], %swap3A_575 {strides = array<i32>} : memref<2048xf32, #tpu.memory_space<vmem>>, vector<16xf32>,
      %get3A_576 = arith.constant 656 : index
      %get3A_577 = tpu.vector_load %arg21[%get3A_576] {strides = array<i32>} : memref<2048xf32, #tpu.memory_space<vmem>>, vector<16xf32>,
      %get3A_578 = vector.shape_cast %get3A_577 : vector<16xf32> to vector<16xf32>
      %get3A_579 = arith.constant 656 : index
      %get3A_580 = tpu.vector_load %arg20[%get3A_579] {strides = array<i32>} : memref<2048xf32, #tpu.memory_space<vmem>>, vector<16xf32>,
      %get3A_581 = vector.shape_cast %get3A_580 : vector<16xf32> to vector<16xf32>
      %add3A_582 = arith.addf %get3A_578, %get3A_581 : vector<16xf32>
      %swap3A_583 = arith.constant 656 : index
      %swap3A_584 = tpu.vector_load %arg21[%swap3A_583] {strides = array<i32>} : memref<2048xf32, #tpu.memory_space<vmem>>, vector<16xf32>,
      %swap3A_585 = vector.shape_cast %swap3A_584 : vector<16xf32> to vector<16xf32>
      %swap3A_586 = vector.shape_cast %add3A_582 : vector<16xf32> to vector<16xf32>
      tpu.vector_store %arg21[%swap3A_583], %swap3A_586 {strides = array<i32>} : memref<2048xf32, #tpu.memory_space<vmem>>, vector<16xf32>,
      %get3A_587 = arith.constant 672 : index
      %get3A_588 = tpu.vector_load %arg21[%get3A_587] {strides = array<i32>} : memref<2048xf32, #tpu.memory_space<vmem>>, vector<16xf32>,
      %get3A_589 = vector.shape_cast %get3A_588 : vector<16xf32> to vector<16xf32>
      %get3A_590 = arith.constant 672 : index
      %get3A_591 = tpu.vector_load %arg20[%get3A_590] {strides = array<i32>} : memref<2048xf32, #tpu.memory_space<vmem>>, vector<16xf32>,
      %get3A_592 = vector.shape_cast %get3A_591 : vector<16xf32> to vector<16xf32>
      %add3A_593 = arith.addf %get3A_589, %get3A_592 : vector<16xf32>
      %swap3A_594 = arith.constant 672 : index
      %swap3A_595 = tpu.vector_load %arg21[%swap3A_594] {strides = array<i32>} : memref<2048xf32, #tpu.memory_space<vmem>>, vector<16xf32>,
      %swap3A_596 = vector.shape_cast %swap3A_595 : vector<16xf32> to vector<16xf32>
      %swap3A_597 = vector.shape_cast %add3A_593 : vector<16xf32> to vector<16xf32>
      tpu.vector_store %arg21[%swap3A_594], %swap3A_597 {strides = array<i32>} : memref<2048xf32, #tpu.memory_space<vmem>>, vector<16xf32>,
      %get3A_598 = arith.constant 688 : index
      %get3A_599 = tpu.vector_load %arg21[%get3A_598] {strides = array<i32>} : memref<2048xf32, #tpu.memory_space<vmem>>, vector<16xf32>,
      %get3A_600 = vector.shape_cast %get3A_599 : vector<16xf32> to vector<16xf32>
      %get3A_601 = arith.constant 688 : index
      %get3A_602 = tpu.vector_load %arg20[%get3A_601] {strides = array<i32>} : memref<2048xf32, #tpu.memory_space<vmem>>, vector<16xf32>,
      %get3A_603 = vector.shape_cast %get3A_602 : vector<16xf32> to vector<16xf32>
      %add3A_604 = arith.addf %get3A_600, %get3A_603 : vector<16xf32>
      %swap3A_605 = arith.constant 688 : index
      %swap3A_606 = tpu.vector_load %arg21[%swap3A_605] {strides = array<i32>} : memref<2048xf32, #tpu.memory_space<vmem>>, vector<16xf32>,
      %swap3A_607 = vector.shape_cast %swap3A_606 : vector<16xf32> to vector<16xf32>
      %swap3A_608 = vector.shape_cast %add3A_604 : vector<16xf32> to vector<16xf32>
      tpu.vector_store %arg21[%swap3A_605], %swap3A_608 {strides = array<i32>} : memref<2048xf32, #tpu.memory_space<vmem>>, vector<16xf32>,
      %get3A_609 = arith.constant 704 : index
      %get3A_610 = tpu.vector_load %arg21[%get3A_609] {strides = array<i32>} : memref<2048xf32, #tpu.memory_space<vmem>>, vector<16xf32>,
      %get3A_611 = vector.shape_cast %get3A_610 : vector<16xf32> to vector<16xf32>
      %get3A_612 = arith.constant 704 : index
      %get3A_613 = tpu.vector_load %arg20[%get3A_612] {strides = array<i32>} : memref<2048xf32, #tpu.memory_space<vmem>>, vector<16xf32>,
      %get3A_614 = vector.shape_cast %get3A_613 : vector<16xf32> to vector<16xf32>
      %add3A_615 = arith.addf %get3A_611, %get3A_614 : vector<16xf32>
      %swap3A_616 = arith.constant 704 : index
      %swap3A_617 = tpu.vector_load %arg21[%swap3A_616] {strides = array<i32>} : memref<2048xf32, #tpu.memory_space<vmem>>, vector<16xf32>,
      %swap3A_618 = vector.shape_cast %swap3A_617 : vector<16xf32> to vector<16xf32>
      %swap3A_619 = vector.shape_cast %add3A_615 : vector<16xf32> to vector<16xf32>
      tpu.vector_store %arg21[%swap3A_616], %swap3A_619 {strides = array<i32>} : memref<2048xf32, #tpu.memory_space<vmem>>, vector<16xf32>,
      %get3A_620 = arith.constant 720 : index
      %get3A_621 = tpu.vector_load %arg21[%get3A_620] {strides = array<i32>} : memref<2048xf32, #tpu.memory_space<vmem>>, vector<16xf32>,
      %get3A_622 = vector.shape_cast %get3A_621 : vector<16xf32> to vector<16xf32>
      %get3A_623 = arith.constant 720 : index
      %get3A_624 = tpu.vector_load %arg20[%get3A_623] {strides = array<i32>} : memref<2048xf32, #tpu.memory_space<vmem>>, vector<16xf32>,
      %get3A_625 = vector.shape_cast %get3A_624 : vector<16xf32> to vector<16xf32>
      %add3A_626 = arith.addf %get3A_622, %get3A_625 : vector<16xf32>
      %swap3A_627 = arith.constant 720 : index
      %swap3A_628 = tpu.vector_load %arg21[%swap3A_627] {strides = array<i32>} : memref<2048xf32, #tpu.memory_space<vmem>>, vector<16xf32>,
      %swap3A_629 = vector.shape_cast %swap3A_628 : vector<16xf32> to vector<16xf32>
      %swap3A_630 = vector.shape_cast %add3A_626 : vector<16xf32> to vector<16xf32>
      tpu.vector_store %arg21[%swap3A_627], %swap3A_630 {strides = array<i32>} : memref<2048xf32, #tpu.memory_space<vmem>>, vector<16xf32>,
      %get3A_631 = arith.constant 736 : index
      %get3A_632 = tpu.vector_load %arg21[%get3A_631] {strides = array<i32>} : memref<2048xf32, #tpu.memory_space<vmem>>, vector<16xf32>,
      %get3A_633 = vector.shape_cast %get3A_632 : vector<16xf32> to vector<16xf32>
      %get3A_634 = arith.constant 736 : index
      %get3A_635 = tpu.vector_load %arg20[%get3A_634] {strides = array<i32>} : memref<2048xf32, #tpu.memory_space<vmem>>, vector<16xf32>,
      %get3A_636 = vector.shape_cast %get3A_635 : vector<16xf32> to vector<16xf32>
      %add3A_637 = arith.addf %get3A_633, %get3A_636 : vector<16xf32>
      %swap3A_638 = arith.constant 736 : index
      %swap3A_639 = tpu.vector_load %arg21[%swap3A_638] {strides = array<i32>} : memref<2048xf32, #tpu.memory_space<vmem>>, vector<16xf32>,
      %swap3A_640 = vector.shape_cast %swap3A_639 : vector<16xf32> to vector<16xf32>
      %swap3A_641 = vector.shape_cast %add3A_637 : vector<16xf32> to vector<16xf32>
      tpu.vector_store %arg21[%swap3A_638], %swap3A_641 {strides = array<i32>} : memref<2048xf32, #tpu.memory_space<vmem>>, vector<16xf32>,
      %get3A_642 = arith.constant 752 : index
      %get3A_643 = tpu.vector_load %arg21[%get3A_642] {strides = array<i32>} : memref<2048xf32, #tpu.memory_space<vmem>>, vector<16xf32>,
      %get3A_644 = vector.shape_cast %get3A_643 : vector<16xf32> to vector<16xf32>
      %get3A_645 = arith.constant 752 : index
      %get3A_646 = tpu.vector_load %arg20[%get3A_645] {strides = array<i32>} : memref<2048xf32, #tpu.memory_space<vmem>>, vector<16xf32>,
      %get3A_647 = vector.shape_cast %get3A_646 : vector<16xf32> to vector<16xf32>
      %add3A_648 = arith.addf %get3A_644, %get3A_647 : vector<16xf32>
      %swap3A_649 = arith.constant 752 : index
      %swap3A_650 = tpu.vector_load %arg21[%swap3A_649] {strides = array<i32>} : memref<2048xf32, #tpu.memory_space<vmem>>, vector<16xf32>,
      %swap3A_651 = vector.shape_cast %swap3A_650 : vector<16xf32> to vector<16xf32>
      %swap3A_652 = vector.shape_cast %add3A_648 : vector<16xf32> to vector<16xf32>
      tpu.vector_store %arg21[%swap3A_649], %swap3A_652 {strides = array<i32>} : memref<2048xf32, #tpu.memory_space<vmem>>, vector<16xf32>,
      %get3A_653 = arith.constant 768 : index
      %get3A_654 = tpu.vector_load %arg21[%get3A_653] {strides = array<i32>} : memref<2048xf32, #tpu.memory_space<vmem>>, vector<16xf32>,
      %get3A_655 = vector.shape_cast %get3A_654 : vector<16xf32> to vector<16xf32>
      %get3A_656 = arith.constant 768 : index
      %get3A_657 = tpu.vector_load %arg20[%get3A_656] {strides = array<i32>} : memref<2048xf32, #tpu.memory_space<vmem>>, vector<16xf32>,
      %get3A_658 = vector.shape_cast %get3A_657 : vector<16xf32> to vector<16xf32>
      %add3A_659 = arith.addf %get3A_655, %get3A_658 : vector<16xf32>
      %swap3A_660 = arith.constant 768 : index
      %swap3A_661 = tpu.vector_load %arg21[%swap3A_660] {strides = array<i32>} : memref<2048xf32, #tpu.memory_space<vmem>>, vector<16xf32>,
      %swap3A_662 = vector.shape_cast %swap3A_661 : vector<16xf32> to vector<16xf32>
      %swap3A_663 = vector.shape_cast %add3A_659 : vector<16xf32> to vector<16xf32>
      tpu.vector_store %arg21[%swap3A_660], %swap3A_663 {strides = array<i32>} : memref<2048xf32, #tpu.memory_space<vmem>>, vector<16xf32>,
      %get3A_664 = arith.constant 784 : index
      %get3A_665 = tpu.vector_load %arg21[%get3A_664] {strides = array<i32>} : memref<2048xf32, #tpu.memory_space<vmem>>, vector<16xf32>,
      %get3A_666 = vector.shape_cast %get3A_665 : vector<16xf32> to vector<16xf32>
      %get3A_667 = arith.constant 784 : index
      %get3A_668 = tpu.vector_load %arg20[%get3A_667] {strides = array<i32>} : memref<2048xf32, #tpu.memory_space<vmem>>, vector<16xf32>,
      %get3A_669 = vector.shape_cast %get3A_668 : vector<16xf32> to vector<16xf32>
      %add3A_670 = arith.addf %get3A_666, %get3A_669 : vector<16xf32>
      %swap3A_671 = arith.constant 784 : index
      %swap3A_672 = tpu.vector_load %arg21[%swap3A_671] {strides = array<i32>} : memref<2048xf32, #tpu.memory_space<vmem>>, vector<16xf32>,
      %swap3A_673 = vector.shape_cast %swap3A_672 : vector<16xf32> to vector<16xf32>
      %swap3A_674 = vector.shape_cast %add3A_670 : vector<16xf32> to vector<16xf32>
      tpu.vector_store %arg21[%swap3A_671], %swap3A_674 {strides = array<i32>} : memref<2048xf32, #tpu.memory_space<vmem>>, vector<16xf32>,
      %get3A_675 = arith.constant 800 : index
      %get3A_676 = tpu.vector_load %arg21[%get3A_675] {strides = array<i32>} : memref<2048xf32, #tpu.memory_space<vmem>>, vector<16xf32>,
      %get3A_677 = vector.shape_cast %get3A_676 : vector<16xf32> to vector<16xf32>
      %get3A_678 = arith.constant 800 : index
      %get3A_679 = tpu.vector_load %arg20[%get3A_678] {strides = array<i32>} : memref<2048xf32, #tpu.memory_space<vmem>>, vector<16xf32>,
      %get3A_680 = vector.shape_cast %get3A_679 : vector<16xf32> to vector<16xf32>
      %add3A_681 = arith.addf %get3A_677, %get3A_680 : vector<16xf32>
      %swap3A_682 = arith.constant 800 : index
      %swap3A_683 = tpu.vector_load %arg21[%swap3A_682] {strides = array<i32>} : memref<2048xf32, #tpu.memory_space<vmem>>, vector<16xf32>,
      %swap3A_684 = vector.shape_cast %swap3A_683 : vector<16xf32> to vector<16xf32>
      %swap3A_685 = vector.shape_cast %add3A_681 : vector<16xf32> to vector<16xf32>
      tpu.vector_store %arg21[%swap3A_682], %swap3A_685 {strides = array<i32>} : memref<2048xf32, #tpu.memory_space<vmem>>, vector<16xf32>,
      %get3A_686 = arith.constant 816 : index
      %get3A_687 = tpu.vector_load %arg21[%get3A_686] {strides = array<i32>} : memref<2048xf32, #tpu.memory_space<vmem>>, vector<16xf32>,
      %get3A_688 = vector.shape_cast %get3A_687 : vector<16xf32> to vector<16xf32>
      %get3A_689 = arith.constant 816 : index
      %get3A_690 = tpu.vector_load %arg20[%get3A_689] {strides = array<i32>} : memref<2048xf32, #tpu.memory_space<vmem>>, vector<16xf32>,
      %get3A_691 = vector.shape_cast %get3A_690 : vector<16xf32> to vector<16xf32>
      %add3A_692 = arith.addf %get3A_688, %get3A_691 : vector<16xf32>
      %swap3A_693 = arith.constant 816 : index
      %swap3A_694 = tpu.vector_load %arg21[%swap3A_693] {strides = array<i32>} : memref<2048xf32, #tpu.memory_space<vmem>>, vector<16xf32>,
      %swap3A_695 = vector.shape_cast %swap3A_694 : vector<16xf32> to vector<16xf32>
      %swap3A_696 = vector.shape_cast %add3A_692 : vector<16xf32> to vector<16xf32>
      tpu.vector_store %arg21[%swap3A_693], %swap3A_696 {strides = array<i32>} : memref<2048xf32, #tpu.memory_space<vmem>>, vector<16xf32>,
      %get3A_697 = arith.constant 832 : index
      %get3A_698 = tpu.vector_load %arg21[%get3A_697] {strides = array<i32>} : memref<2048xf32, #tpu.memory_space<vmem>>, vector<16xf32>,
      %get3A_699 = vector.shape_cast %get3A_698 : vector<16xf32> to vector<16xf32>
      %get3A_700 = arith.constant 832 : index
      %get3A_701 = tpu.vector_load %arg20[%get3A_700] {strides = array<i32>} : memref<2048xf32, #tpu.memory_space<vmem>>, vector<16xf32>,
      %get3A_702 = vector.shape_cast %get3A_701 : vector<16xf32> to vector<16xf32>
      %add3A_703 = arith.addf %get3A_699, %get3A_702 : vector<16xf32>
      %swap3A_704 = arith.constant 832 : index
      %swap3A_705 = tpu.vector_load %arg21[%swap3A_704] {strides = array<i32>} : memref<2048xf32, #tpu.memory_space<vmem>>, vector<16xf32>,
      %swap3A_706 = vector.shape_cast %swap3A_705 : vector<16xf32> to vector<16xf32>
      %swap3A_707 = vector.shape_cast %add3A_703 : vector<16xf32> to vector<16xf32>
      tpu.vector_store %arg21[%swap3A_704], %swap3A_707 {strides = array<i32>} : memref<2048xf32, #tpu.memory_space<vmem>>, vector<16xf32>,
      %get3A_708 = arith.constant 848 : index
      %get3A_709 = tpu.vector_load %arg21[%get3A_708] {strides = array<i32>} : memref<2048xf32, #tpu.memory_space<vmem>>, vector<16xf32>,
      %get3A_710 = vector.shape_cast %get3A_709 : vector<16xf32> to vector<16xf32>
      %get3A_711 = arith.constant 848 : index
      %get3A_712 = tpu.vector_load %arg20[%get3A_711] {strides = array<i32>} : memref<2048xf32, #tpu.memory_space<vmem>>, vector<16xf32>,
      %get3A_713 = vector.shape_cast %get3A_712 : vector<16xf32> to vector<16xf32>
      %add3A_714 = arith.addf %get3A_710, %get3A_713 : vector<16xf32>
      %swap3A_715 = arith.constant 848 : index
      %swap3A_716 = tpu.vector_load %arg21[%swap3A_715] {strides = array<i32>} : memref<2048xf32, #tpu.memory_space<vmem>>, vector<16xf32>,
      %swap3A_717 = vector.shape_cast %swap3A_716 : vector<16xf32> to vector<16xf32>
      %swap3A_718 = vector.shape_cast %add3A_714 : vector<16xf32> to vector<16xf32>
      tpu.vector_store %arg21[%swap3A_715], %swap3A_718 {strides = array<i32>} : memref<2048xf32, #tpu.memory_space<vmem>>, vector<16xf32>,
      %get3A_719 = arith.constant 864 : index
      %get3A_720 = tpu.vector_load %arg21[%get3A_719] {strides = array<i32>} : memref<2048xf32, #tpu.memory_space<vmem>>, vector<16xf32>,
      %get3A_721 = vector.shape_cast %get3A_720 : vector<16xf32> to vector<16xf32>
      %get3A_722 = arith.constant 864 : index
      %get3A_723 = tpu.vector_load %arg20[%get3A_722] {strides = array<i32>} : memref<2048xf32, #tpu.memory_space<vmem>>, vector<16xf32>,
      %get3A_724 = vector.shape_cast %get3A_723 : vector<16xf32> to vector<16xf32>
      %add3A_725 = arith.addf %get3A_721, %get3A_724 : vector<16xf32>
      %swap3A_726 = arith.constant 864 : index
      %swap3A_727 = tpu.vector_load %arg21[%swap3A_726] {strides = array<i32>} : memref<2048xf32, #tpu.memory_space<vmem>>, vector<16xf32>,
      %swap3A_728 = vector.shape_cast %swap3A_727 : vector<16xf32> to vector<16xf32>
      %swap3A_729 = vector.shape_cast %add3A_725 : vector<16xf32> to vector<16xf32>
      tpu.vector_store %arg21[%swap3A_726], %swap3A_729 {strides = array<i32>} : memref<2048xf32, #tpu.memory_space<vmem>>, vector<16xf32>,
      %get3A_730 = arith.constant 880 : index
      %get3A_731 = tpu.vector_load %arg21[%get3A_730] {strides = array<i32>} : memref<2048xf32, #tpu.memory_space<vmem>>, vector<16xf32>,
      %get3A_732 = vector.shape_cast %get3A_731 : vector<16xf32> to vector<16xf32>
      %get3A_733 = arith.constant 880 : index
      %get3A_734 = tpu.vector_load %arg20[%get3A_733] {strides = array<i32>} : memref<2048xf32, #tpu.memory_space<vmem>>, vector<16xf32>,
      %get3A_735 = vector.shape_cast %get3A_734 : vector<16xf32> to vector<16xf32>
      %add3A_736 = arith.addf %get3A_732, %get3A_735 : vector<16xf32>
      %swap3A_737 = arith.constant 880 : index
      %swap3A_738 = tpu.vector_load %arg21[%swap3A_737] {strides = array<i32>} : memref<2048xf32, #tpu.memory_space<vmem>>, vector<16xf32>,
      %swap3A_739 = vector.shape_cast %swap3A_738 : vector<16xf32> to vector<16xf32>
      %swap3A_740 = vector.shape_cast %add3A_736 : vector<16xf32> to vector<16xf32>
      tpu.vector_store %arg21[%swap3A_737], %swap3A_740 {strides = array<i32>} : memref<2048xf32, #tpu.memory_space<vmem>>, vector<16xf32>,
      %get3A_741 = arith.constant 896 : index
      %get3A_742 = tpu.vector_load %arg21[%get3A_741] {strides = array<i32>} : memref<2048xf32, #tpu.memory_space<vmem>>, vector<16xf32>,
      %get3A_743 = vector.shape_cast %get3A_742 : vector<16xf32> to vector<16xf32>
      %get3A_744 = arith.constant 896 : index
      %get3A_745 = tpu.vector_load %arg20[%get3A_744] {strides = array<i32>} : memref<2048xf32, #tpu.memory_space<vmem>>, vector<16xf32>,
      %get3A_746 = vector.shape_cast %get3A_745 : vector<16xf32> to vector<16xf32>
      %add3A_747 = arith.addf %get3A_743, %get3A_746 : vector<16xf32>
      %swap3A_748 = arith.constant 896 : index
      %swap3A_749 = tpu.vector_load %arg21[%swap3A_748] {strides = array<i32>} : memref<2048xf32, #tpu.memory_space<vmem>>, vector<16xf32>,
      %swap3A_750 = vector.shape_cast %swap3A_749 : vector<16xf32> to vector<16xf32>
      %swap3A_751 = vector.shape_cast %add3A_747 : vector<16xf32> to vector<16xf32>
      tpu.vector_store %arg21[%swap3A_748], %swap3A_751 {strides = array<i32>} : memref<2048xf32, #tpu.memory_space<vmem>>, vector<16xf32>,
      %get3A_752 = arith.constant 912 : index
      %get3A_753 = tpu.vector_load %arg21[%get3A_752] {strides = array<i32>} : memref<2048xf32, #tpu.memory_space<vmem>>, vector<16xf32>,
      %get3A_754 = vector.shape_cast %get3A_753 : vector<16xf32> to vector<16xf32>
      %get3A_755 = arith.constant 912 : index
      %get3A_756 = tpu.vector_load %arg20[%get3A_755] {strides = array<i32>} : memref<2048xf32, #tpu.memory_space<vmem>>, vector<16xf32>,
      %get3A_757 = vector.shape_cast %get3A_756 : vector<16xf32> to vector<16xf32>
      %add3A_758 = arith.addf %get3A_754, %get3A_757 : vector<16xf32>
      %swap3A_759 = arith.constant 912 : index
      %swap3A_760 = tpu.vector_load %arg21[%swap3A_759] {strides = array<i32>} : memref<2048xf32, #tpu.memory_space<vmem>>, vector<16xf32>,
      %swap3A_761 = vector.shape_cast %swap3A_760 : vector<16xf32> to vector<16xf32>
      %swap3A_762 = vector.shape_cast %add3A_758 : vector<16xf32> to vector<16xf32>
      tpu.vector_store %arg21[%swap3A_759], %swap3A_762 {strides = array<i32>} : memref<2048xf32, #tpu.memory_space<vmem>>, vector<16xf32>,
      %get3A_763 = arith.constant 928 : index
      %get3A_764 = tpu.vector_load %arg21[%get3A_763] {strides = array<i32>} : memref<2048xf32, #tpu.memory_space<vmem>>, vector<16xf32>,
      %get3A_765 = vector.shape_cast %get3A_764 : vector<16xf32> to vector<16xf32>
      %get3A_766 = arith.constant 928 : index
      %get3A_767 = tpu.vector_load %arg20[%get3A_766] {strides = array<i32>} : memref<2048xf32, #tpu.memory_space<vmem>>, vector<16xf32>,
      %get3A_768 = vector.shape_cast %get3A_767 : vector<16xf32> to vector<16xf32>
      %add3A_769 = arith.addf %get3A_765, %get3A_768 : vector<16xf32>
      %swap3A_770 = arith.constant 928 : index
      %swap3A_771 = tpu.vector_load %arg21[%swap3A_770] {strides = array<i32>} : memref<2048xf32, #tpu.memory_space<vmem>>, vector<16xf32>,
      %swap3A_772 = vector.shape_cast %swap3A_771 : vector<16xf32> to vector<16xf32>
      %swap3A_773 = vector.shape_cast %add3A_769 : vector<16xf32> to vector<16xf32>
      tpu.vector_store %arg21[%swap3A_770], %swap3A_773 {strides = array<i32>} : memref<2048xf32, #tpu.memory_space<vmem>>, vector<16xf32>,
      %get3A_774 = arith.constant 944 : index
      %get3A_775 = tpu.vector_load %arg21[%get3A_774] {strides = array<i32>} : memref<2048xf32, #tpu.memory_space<vmem>>, vector<16xf32>,
      %get3A_776 = vector.shape_cast %get3A_775 : vector<16xf32> to vector<16xf32>
      %get3A_777 = arith.constant 944 : index
      %get3A_778 = tpu.vector_load %arg20[%get3A_777] {strides = array<i32>} : memref<2048xf32, #tpu.memory_space<vmem>>, vector<16xf32>,
      %get3A_779 = vector.shape_cast %get3A_778 : vector<16xf32> to vector<16xf32>
      %add3A_780 = arith.addf %get3A_776, %get3A_779 : vector<16xf32>
      %swap3A_781 = arith.constant 944 : index
      %swap3A_782 = tpu.vector_load %arg21[%swap3A_781] {strides = array<i32>} : memref<2048xf32, #tpu.memory_space<vmem>>, vector<16xf32>,
      %swap3A_783 = vector.shape_cast %swap3A_782 : vector<16xf32> to vector<16xf32>
      %swap3A_784 = vector.shape_cast %add3A_780 : vector<16xf32> to vector<16xf32>
      tpu.vector_store %arg21[%swap3A_781], %swap3A_784 {strides = array<i32>} : memref<2048xf32, #tpu.memory_space<vmem>>, vector<16xf32>,
      %get3A_785 = arith.constant 960 : index
      %get3A_786 = tpu.vector_load %arg21[%get3A_785] {strides = array<i32>} : memref<2048xf32, #tpu.memory_space<vmem>>, vector<16xf32>,
      %get3A_787 = vector.shape_cast %get3A_786 : vector<16xf32> to vector<16xf32>
      %get3A_788 = arith.constant 960 : index
      %get3A_789 = tpu.vector_load %arg20[%get3A_788] {strides = array<i32>} : memref<2048xf32, #tpu.memory_space<vmem>>, vector<16xf32>,
      %get3A_790 = vector.shape_cast %get3A_789 : vector<16xf32> to vector<16xf32>
      %add3A_791 = arith.addf %get3A_787, %get3A_790 : vector<16xf32>
      %swap3A_792 = arith.constant 960 : index
      %swap3A_793 = tpu.vector_load %arg21[%swap3A_792] {strides = array<i32>} : memref<2048xf32, #tpu.memory_space<vmem>>, vector<16xf32>,
      %swap3A_794 = vector.shape_cast %swap3A_793 : vector<16xf32> to vector<16xf32>
      %swap3A_795 = vector.shape_cast %add3A_791 : vector<16xf32> to vector<16xf32>
      tpu.vector_store %arg21[%swap3A_792], %swap3A_795 {strides = array<i32>} : memref<2048xf32, #tpu.memory_space<vmem>>, vector<16xf32>,
      %get3A_796 = arith.constant 976 : index
      %get3A_797 = tpu.vector_load %arg21[%get3A_796] {strides = array<i32>} : memref<2048xf32, #tpu.memory_space<vmem>>, vector<16xf32>,
      %get3A_798 = vector.shape_cast %get3A_797 : vector<16xf32> to vector<16xf32>
      %get3A_799 = arith.constant 976 : index
      %get3A_800 = tpu.vector_load %arg20[%get3A_799] {strides = array<i32>} : memref<2048xf32, #tpu.memory_space<vmem>>, vector<16xf32>,
      %get3A_801 = vector.shape_cast %get3A_800 : vector<16xf32> to vector<16xf32>
      %add3A_802 = arith.addf %get3A_798, %get3A_801 : vector<16xf32>
      %swap3A_803 = arith.constant 976 : index
      %swap3A_804 = tpu.vector_load %arg21[%swap3A_803] {strides = array<i32>} : memref<2048xf32, #tpu.memory_space<vmem>>, vector<16xf32>,
      %swap3A_805 = vector.shape_cast %swap3A_804 : vector<16xf32> to vector<16xf32>
      %swap3A_806 = vector.shape_cast %add3A_802 : vector<16xf32> to vector<16xf32>
      tpu.vector_store %arg21[%swap3A_803], %swap3A_806 {strides = array<i32>} : memref<2048xf32, #tpu.memory_space<vmem>>, vector<16xf32>,
      %get3A_807 = arith.constant 992 : index
      %get3A_808 = tpu.vector_load %arg21[%get3A_807] {strides = array<i32>} : memref<2048xf32, #tpu.memory_space<vmem>>, vector<16xf32>,
      %get3A_809 = vector.shape_cast %get3A_808 : vector<16xf32> to vector<16xf32>
      %get3A_810 = arith.constant 992 : index
      %get3A_811 = tpu.vector_load %arg20[%get3A_810] {strides = array<i32>} : memref<2048xf32, #tpu.memory_space<vmem>>, vector<16xf32>,
      %get3A_812 = vector.shape_cast %get3A_811 : vector<16xf32> to vector<16xf32>
      %add3A_813 = arith.addf %get3A_809, %get3A_812 : vector<16xf32>
      %swap3A_814 = arith.constant 992 : index
      %swap3A_815 = tpu.vector_load %arg21[%swap3A_814] {strides = array<i32>} : memref<2048xf32, #tpu.memory_space<vmem>>, vector<16xf32>,
      %swap3A_816 = vector.shape_cast %swap3A_815 : vector<16xf32> to vector<16xf32>
      %swap3A_817 = vector.shape_cast %add3A_813 : vector<16xf32> to vector<16xf32>
      tpu.vector_store %arg21[%swap3A_814], %swap3A_817 {strides = array<i32>} : memref<2048xf32, #tpu.memory_space<vmem>>, vector<16xf32>,
      %get3A_818 = arith.constant 1008 : index
      %get3A_819 = tpu.vector_load %arg21[%get3A_818] {strides = array<i32>} : memref<2048xf32, #tpu.memory_space<vmem>>, vector<16xf32>,
      %get3A_820 = vector.shape_cast %get3A_819 : vector<16xf32> to vector<16xf32>
      %get3A_821 = arith.constant 1008 : index
      %get3A_822 = tpu.vector_load %arg20[%get3A_821] {strides = array<i32>} : memref<2048xf32, #tpu.memory_space<vmem>>, vector<16xf32>,
      %get3A_823 = vector.shape_cast %get3A_822 : vector<16xf32> to vector<16xf32>
      %add3A_824 = arith.addf %get3A_820, %get3A_823 : vector<16xf32>
      %swap3A_825 = arith.constant 1008 : index
      %swap3A_826 = tpu.vector_load %arg21[%swap3A_825] {strides = array<i32>} : memref<2048xf32, #tpu.memory_space<vmem>>, vector<16xf32>,
      %swap3A_827 = vector.shape_cast %swap3A_826 : vector<16xf32> to vector<16xf32>
      %swap3A_828 = vector.shape_cast %add3A_824 : vector<16xf32> to vector<16xf32>
      tpu.vector_store %arg21[%swap3A_825], %swap3A_828 {strides = array<i32>} : memref<2048xf32, #tpu.memory_space<vmem>>, vector<16xf32>,
      %get3A_829 = arith.constant 1024 : index
      %get3A_830 = tpu.vector_load %arg21[%get3A_829] {strides = array<i32>} : memref<2048xf32, #tpu.memory_space<vmem>>, vector<16xf32>,
      %get3A_831 = vector.shape_cast %get3A_830 : vector<16xf32> to vector<16xf32>
      %get3A_832 = arith.constant 1024 : index
      %get3A_833 = tpu.vector_load %arg20[%get3A_832] {strides = array<i32>} : memref<2048xf32, #tpu.memory_space<vmem>>, vector<16xf32>,
      %get3A_834 = vector.shape_cast %get3A_833 : vector<16xf32> to vector<16xf32>
      %add3A_835 = arith.addf %get3A_831, %get3A_834 : vector<16xf32>
      %swap3A_836 = arith.constant 1024 : index
      %swap3A_837 = tpu.vector_load %arg21[%swap3A_836] {strides = array<i32>} : memref<2048xf32, #tpu.memory_space<vmem>>, vector<16xf32>,
      %swap3A_838 = vector.shape_cast %swap3A_837 : vector<16xf32> to vector<16xf32>
      %swap3A_839 = vector.shape_cast %add3A_835 : vector<16xf32> to vector<16xf32>
      tpu.vector_store %arg21[%swap3A_836], %swap3A_839 {strides = array<i32>} : memref<2048xf32, #tpu.memory_space<vmem>>, vector<16xf32>,
      %get3A_840 = arith.constant 1040 : index
      %get3A_841 = tpu.vector_load %arg21[%get3A_840] {strides = array<i32>} : memref<2048xf32, #tpu.memory_space<vmem>>, vector<16xf32>,
      %get3A_842 = vector.shape_cast %get3A_841 : vector<16xf32> to vector<16xf32>
      %get3A_843 = arith.constant 1040 : index
      %get3A_844 = tpu.vector_load %arg20[%get3A_843] {strides = array<i32>} : memref<2048xf32, #tpu.memory_space<vmem>>, vector<16xf32>,
      %get3A_845 = vector.shape_cast %get3A_844 : vector<16xf32> to vector<16xf32>
      %add3A_846 = arith.addf %get3A_842, %get3A_845 : vector<16xf32>
      %swap3A_847 = arith.constant 1040 : index
      %swap3A_848 = tpu.vector_load %arg21[%swap3A_847] {strides = array<i32>} : memref<2048xf32, #tpu.memory_space<vmem>>, vector<16xf32>,
      %swap3A_849 = vector.shape_cast %swap3A_848 : vector<16xf32> to vector<16xf32>
      %swap3A_850 = vector.shape_cast %add3A_846 : vector<16xf32> to vector<16xf32>
      tpu.vector_store %arg21[%swap3A_847], %swap3A_850 {strides = array<i32>} : memref<2048xf32, #tpu.memory_space<vmem>>, vector<16xf32>,
      %get3A_851 = arith.constant 1056 : index
      %get3A_852 = tpu.vector_load %arg21[%get3A_851] {strides = array<i32>} : memref<2048xf32, #tpu.memory_space<vmem>>, vector<16xf32>,
      %get3A_853 = vector.shape_cast %get3A_852 : vector<16xf32> to vector<16xf32>
      %get3A_854 = arith.constant 1056 : index
      %get3A_855 = tpu.vector_load %arg20[%get3A_854] {strides = array<i32>} : memref<2048xf32, #tpu.memory_space<vmem>>, vector<16xf32>,
      %get3A_856 = vector.shape_cast %get3A_855 : vector<16xf32> to vector<16xf32>
      %add3A_857 = arith.addf %get3A_853, %get3A_856 : vector<16xf32>
      %swap3A_858 = arith.constant 1056 : index
      %swap3A_859 = tpu.vector_load %arg21[%swap3A_858] {strides = array<i32>} : memref<2048xf32, #tpu.memory_space<vmem>>, vector<16xf32>,
      %swap3A_860 = vector.shape_cast %swap3A_859 : vector<16xf32> to vector<16xf32>
      %swap3A_861 = vector.shape_cast %add3A_857 : vector<16xf32> to vector<16xf32>
      tpu.vector_store %arg21[%swap3A_858], %swap3A_861 {strides = array<i32>} : memref<2048xf32, #tpu.memory_space<vmem>>, vector<16xf32>,
      %get3A_862 = arith.constant 1072 : index
      %get3A_863 = tpu.vector_load %arg21[%get3A_862] {strides = array<i32>} : memref<2048xf32, #tpu.memory_space<vmem>>, vector<16xf32>,
      %get3A_864 = vector.shape_cast %get3A_863 : vector<16xf32> to vector<16xf32>
      %get3A_865 = arith.constant 1072 : index
      %get3A_866 = tpu.vector_load %arg20[%get3A_865] {strides = array<i32>} : memref<2048xf32, #tpu.memory_space<vmem>>, vector<16xf32>,
      %get3A_867 = vector.shape_cast %get3A_866 : vector<16xf32> to vector<16xf32>
      %add3A_868 = arith.addf %get3A_864, %get3A_867 : vector<16xf32>
      %swap3A_869 = arith.constant 1072 : index
      %swap3A_870 = tpu.vector_load %arg21[%swap3A_869] {strides = array<i32>} : memref<2048xf32, #tpu.memory_space<vmem>>, vector<16xf32>,
      %swap3A_871 = vector.shape_cast %swap3A_870 : vector<16xf32> to vector<16xf32>
      %swap3A_872 = vector.shape_cast %add3A_868 : vector<16xf32> to vector<16xf32>
      tpu.vector_store %arg21[%swap3A_869], %swap3A_872 {strides = array<i32>} : memref<2048xf32, #tpu.memory_space<vmem>>, vector<16xf32>,
      %get3A_873 = arith.constant 1088 : index
      %get3A_874 = tpu.vector_load %arg21[%get3A_873] {strides = array<i32>} : memref<2048xf32, #tpu.memory_space<vmem>>, vector<16xf32>,
      %get3A_875 = vector.shape_cast %get3A_874 : vector<16xf32> to vector<16xf32>
      %get3A_876 = arith.constant 1088 : index
      %get3A_877 = tpu.vector_load %arg20[%get3A_876] {strides = array<i32>} : memref<2048xf32, #tpu.memory_space<vmem>>, vector<16xf32>,
      %get3A_878 = vector.shape_cast %get3A_877 : vector<16xf32> to vector<16xf32>
      %add3A_879 = arith.addf %get3A_875, %get3A_878 : vector<16xf32>
      %swap3A_880 = arith.constant 1088 : index
      %swap3A_881 = tpu.vector_load %arg21[%swap3A_880] {strides = array<i32>} : memref<2048xf32, #tpu.memory_space<vmem>>, vector<16xf32>,
      %swap3A_882 = vector.shape_cast %swap3A_881 : vector<16xf32> to vector<16xf32>
      %swap3A_883 = vector.shape_cast %add3A_879 : vector<16xf32> to vector<16xf32>
      tpu.vector_store %arg21[%swap3A_880], %swap3A_883 {strides = array<i32>} : memref<2048xf32, #tpu.memory_space<vmem>>, vector<16xf32>,
      %get3A_884 = arith.constant 1104 : index
      %get3A_885 = tpu.vector_load %arg21[%get3A_884] {strides = array<i32>} : memref<2048xf32, #tpu.memory_space<vmem>>, vector<16xf32>,
      %get3A_886 = vector.shape_cast %get3A_885 : vector<16xf32> to vector<16xf32>
      %get3A_887 = arith.constant 1104 : index
      %get3A_888 = tpu.vector_load %arg20[%get3A_887] {strides = array<i32>} : memref<2048xf32, #tpu.memory_space<vmem>>, vector<16xf32>,
      %get3A_889 = vector.shape_cast %get3A_888 : vector<16xf32> to vector<16xf32>
      %add3A_890 = arith.addf %get3A_886, %get3A_889 : vector<16xf32>
      %swap3A_891 = arith.constant 1104 : index
      %swap3A_892 = tpu.vector_load %arg21[%swap3A_891] {strides = array<i32>} : memref<2048xf32, #tpu.memory_space<vmem>>, vector<16xf32>,
      %swap3A_893 = vector.shape_cast %swap3A_892 : vector<16xf32> to vector<16xf32>
      %swap3A_894 = vector.shape_cast %add3A_890 : vector<16xf32> to vector<16xf32>
      tpu.vector_store %arg21[%swap3A_891], %swap3A_894 {strides = array<i32>} : memref<2048xf32, #tpu.memory_space<vmem>>, vector<16xf32>,
      %get3A_895 = arith.constant 1120 : index
      %get3A_896 = tpu.vector_load %arg21[%get3A_895] {strides = array<i32>} : memref<2048xf32, #tpu.memory_space<vmem>>, vector<16xf32>,
      %get3A_897 = vector.shape_cast %get3A_896 : vector<16xf32> to vector<16xf32>
      %get3A_898 = arith.constant 1120 : index
      %get3A_899 = tpu.vector_load %arg20[%get3A_898] {strides = array<i32>} : memref<2048xf32, #tpu.memory_space<vmem>>, vector<16xf32>,
      %get3A_900 = vector.shape_cast %get3A_899 : vector<16xf32> to vector<16xf32>
      %add3A_901 = arith.addf %get3A_897, %get3A_900 : vector<16xf32>
      %swap3A_902 = arith.constant 1120 : index
      %swap3A_903 = tpu.vector_load %arg21[%swap3A_902] {strides = array<i32>} : memref<2048xf32, #tpu.memory_space<vmem>>, vector<16xf32>,
      %swap3A_904 = vector.shape_cast %swap3A_903 : vector<16xf32> to vector<16xf32>
      %swap3A_905 = vector.shape_cast %add3A_901 : vector<16xf32> to vector<16xf32>
      tpu.vector_store %arg21[%swap3A_902], %swap3A_905 {strides = array<i32>} : memref<2048xf32, #tpu.memory_space<vmem>>, vector<16xf32>,
      %get3A_906 = arith.constant 1136 : index
      %get3A_907 = tpu.vector_load %arg21[%get3A_906] {strides = array<i32>} : memref<2048xf32, #tpu.memory_space<vmem>>, vector<16xf32>,
      %get3A_908 = vector.shape_cast %get3A_907 : vector<16xf32> to vector<16xf32>
      %get3A_909 = arith.constant 1136 : index
      %get3A_910 = tpu.vector_load %arg20[%get3A_909] {strides = array<i32>} : memref<2048xf32, #tpu.memory_space<vmem>>, vector<16xf32>,
      %get3A_911 = vector.shape_cast %get3A_910 : vector<16xf32> to vector<16xf32>
      %add3A_912 = arith.addf %get3A_908, %get3A_911 : vector<16xf32>
      %swap3A_913 = arith.constant 1136 : index
      %swap3A_914 = tpu.vector_load %arg21[%swap3A_913] {strides = array<i32>} : memref<2048xf32, #tpu.memory_space<vmem>>, vector<16xf32>,
      %swap3A_915 = vector.shape_cast %swap3A_914 : vector<16xf32> to vector<16xf32>
      %swap3A_916 = vector.shape_cast %add3A_912 : vector<16xf32> to vector<16xf32>
      tpu.vector_store %arg21[%swap3A_913], %swap3A_916 {strides = array<i32>} : memref<2048xf32, #tpu.memory_space<vmem>>, vector<16xf32>,
      %get3A_917 = arith.constant 1152 : index
      %get3A_918 = tpu.vector_load %arg21[%get3A_917] {strides = array<i32>} : memref<2048xf32, #tpu.memory_space<vmem>>, vector<16xf32>,
      %get3A_919 = vector.shape_cast %get3A_918 : vector<16xf32> to vector<16xf32>
      %get3A_920 = arith.constant 1152 : index
      %get3A_921 = tpu.vector_load %arg20[%get3A_920] {strides = array<i32>} : memref<2048xf32, #tpu.memory_space<vmem>>, vector<16xf32>,
      %get3A_922 = vector.shape_cast %get3A_921 : vector<16xf32> to vector<16xf32>
      %add3A_923 = arith.addf %get3A_919, %get3A_922 : vector<16xf32>
      %swap3A_924 = arith.constant 1152 : index
      %swap3A_925 = tpu.vector_load %arg21[%swap3A_924] {strides = array<i32>} : memref<2048xf32, #tpu.memory_space<vmem>>, vector<16xf32>,
      %swap3A_926 = vector.shape_cast %swap3A_925 : vector<16xf32> to vector<16xf32>
      %swap3A_927 = vector.shape_cast %add3A_923 : vector<16xf32> to vector<16xf32>
      tpu.vector_store %arg21[%swap3A_924], %swap3A_927 {strides = array<i32>} : memref<2048xf32, #tpu.memory_space<vmem>>, vector<16xf32>,
      %get3A_928 = arith.constant 1168 : index
      %get3A_929 = tpu.vector_load %arg21[%get3A_928] {strides = array<i32>} : memref<2048xf32, #tpu.memory_space<vmem>>, vector<16xf32>,
      %get3A_930 = vector.shape_cast %get3A_929 : vector<16xf32> to vector<16xf32>
      %get3A_931 = arith.constant 1168 : index
      %get3A_932 = tpu.vector_load %arg20[%get3A_931] {strides = array<i32>} : memref<2048xf32, #tpu.memory_space<vmem>>, vector<16xf32>,
      %get3A_933 = vector.shape_cast %get3A_932 : vector<16xf32> to vector<16xf32>
      %add3A_934 = arith.addf %get3A_930, %get3A_933 : vector<16xf32>
      %swap3A_935 = arith.constant 1168 : index
      %swap3A_936 = tpu.vector_load %arg21[%swap3A_935] {strides = array<i32>} : memref<2048xf32, #tpu.memory_space<vmem>>, vector<16xf32>,
      %swap3A_937 = vector.shape_cast %swap3A_936 : vector<16xf32> to vector<16xf32>
      %swap3A_938 = vector.shape_cast %add3A_934 : vector<16xf32> to vector<16xf32>
      tpu.vector_store %arg21[%swap3A_935], %swap3A_938 {strides = array<i32>} : memref<2048xf32, #tpu.memory_space<vmem>>, vector<16xf32>,
      %get3A_939 = arith.constant 1184 : index
      %get3A_940 = tpu.vector_load %arg21[%get3A_939] {strides = array<i32>} : memref<2048xf32, #tpu.memory_space<vmem>>, vector<16xf32>,
      %get3A_941 = vector.shape_cast %get3A_940 : vector<16xf32> to vector<16xf32>
      %get3A_942 = arith.constant 1184 : index
      %get3A_943 = tpu.vector_load %arg20[%get3A_942] {strides = array<i32>} : memref<2048xf32, #tpu.memory_space<vmem>>, vector<16xf32>,
      %get3A_944 = vector.shape_cast %get3A_943 : vector<16xf32> to vector<16xf32>
      %add3A_945 = arith.addf %get3A_941, %get3A_944 : vector<16xf32>
      %swap3A_946 = arith.constant 1184 : index
      %swap3A_947 = tpu.vector_load %arg21[%swap3A_946] {strides = array<i32>} : memref<2048xf32, #tpu.memory_space<vmem>>, vector<16xf32>,
      %swap3A_948 = vector.shape_cast %swap3A_947 : vector<16xf32> to vector<16xf32>
      %swap3A_949 = vector.shape_cast %add3A_945 : vector<16xf32> to vector<16xf32>
      tpu.vector_store %arg21[%swap3A_946], %swap3A_949 {strides = array<i32>} : memref<2048xf32, #tpu.memory_space<vmem>>, vector<16xf32>,
      %get3A_950 = arith.constant 1200 : index
      %get3A_951 = tpu.vector_load %arg21[%get3A_950] {strides = array<i32>} : memref<2048xf32, #tpu.memory_space<vmem>>, vector<16xf32>,
      %get3A_952 = vector.shape_cast %get3A_951 : vector<16xf32> to vector<16xf32>
      %get3A_953 = arith.constant 1200 : index
      %get3A_954 = tpu.vector_load %arg20[%get3A_953] {strides = array<i32>} : memref<2048xf32, #tpu.memory_space<vmem>>, vector<16xf32>,
      %get3A_955 = vector.shape_cast %get3A_954 : vector<16xf32> to vector<16xf32>
      %add3A_956 = arith.addf %get3A_952, %get3A_955 : vector<16xf32>
      %swap3A_957 = arith.constant 1200 : index
      %swap3A_958 = tpu.vector_load %arg21[%swap3A_957] {strides = array<i32>} : memref<2048xf32, #tpu.memory_space<vmem>>, vector<16xf32>,
      %swap3A_959 = vector.shape_cast %swap3A_958 : vector<16xf32> to vector<16xf32>
      %swap3A_960 = vector.shape_cast %add3A_956 : vector<16xf32> to vector<16xf32>
      tpu.vector_store %arg21[%swap3A_957], %swap3A_960 {strides = array<i32>} : memref<2048xf32, #tpu.memory_space<vmem>>, vector<16xf32>,
      %get3A_961 = arith.constant 1216 : index
      %get3A_962 = tpu.vector_load %arg21[%get3A_961] {strides = array<i32>} : memref<2048xf32, #tpu.memory_space<vmem>>, vector<16xf32>,
      %get3A_963 = vector.shape_cast %get3A_962 : vector<16xf32> to vector<16xf32>
      %get3A_964 = arith.constant 1216 : index
      %get3A_965 = tpu.vector_load %arg20[%get3A_964] {strides = array<i32>} : memref<2048xf32, #tpu.memory_space<vmem>>, vector<16xf32>,
      %get3A_966 = vector.shape_cast %get3A_965 : vector<16xf32> to vector<16xf32>
      %add3A_967 = arith.addf %get3A_963, %get3A_966 : vector<16xf32>
      %swap3A_968 = arith.constant 1216 : index
      %swap3A_969 = tpu.vector_load %arg21[%swap3A_968] {strides = array<i32>} : memref<2048xf32, #tpu.memory_space<vmem>>, vector<16xf32>,
      %swap3A_970 = vector.shape_cast %swap3A_969 : vector<16xf32> to vector<16xf32>
      %swap3A_971 = vector.shape_cast %add3A_967 : vector<16xf32> to vector<16xf32>
      tpu.vector_store %arg21[%swap3A_968], %swap3A_971 {strides = array<i32>} : memref<2048xf32, #tpu.memory_space<vmem>>, vector<16xf32>,
      %get3A_972 = arith.constant 1232 : index
      %get3A_973 = tpu.vector_load %arg21[%get3A_972] {strides = array<i32>} : memref<2048xf32, #tpu.memory_space<vmem>>, vector<16xf32>,
      %get3A_974 = vector.shape_cast %get3A_973 : vector<16xf32> to vector<16xf32>
      %get3A_975 = arith.constant 1232 : index
      %get3A_976 = tpu.vector_load %arg20[%get3A_975] {strides = array<i32>} : memref<2048xf32, #tpu.memory_space<vmem>>, vector<16xf32>,
      %get3A_977 = vector.shape_cast %get3A_976 : vector<16xf32> to vector<16xf32>
      %add3A_978 = arith.addf %get3A_974, %get3A_977 : vector<16xf32>
      %swap3A_979 = arith.constant 1232 : index
      %swap3A_980 = tpu.vector_load %arg21[%swap3A_979] {strides = array<i32>} : memref<2048xf32, #tpu.memory_space<vmem>>, vector<16xf32>,
      %swap3A_981 = vector.shape_cast %swap3A_980 : vector<16xf32> to vector<16xf32>
      %swap3A_982 = vector.shape_cast %add3A_978 : vector<16xf32> to vector<16xf32>
      tpu.vector_store %arg21[%swap3A_979], %swap3A_982 {strides = array<i32>} : memref<2048xf32, #tpu.memory_space<vmem>>, vector<16xf32>,
      %get3A_983 = arith.constant 1248 : index
      %get3A_984 = tpu.vector_load %arg21[%get3A_983] {strides = array<i32>} : memref<2048xf32, #tpu.memory_space<vmem>>, vector<16xf32>,
      %get3A_985 = vector.shape_cast %get3A_984 : vector<16xf32> to vector<16xf32>
      %get3A_986 = arith.constant 1248 : index
      %get3A_987 = tpu.vector_load %arg20[%get3A_986] {strides = array<i32>} : memref<2048xf32, #tpu.memory_space<vmem>>, vector<16xf32>,
      %get3A_988 = vector.shape_cast %get3A_987 : vector<16xf32> to vector<16xf32>
      %add3A_989 = arith.addf %get3A_985, %get3A_988 : vector<16xf32>
      %swap3A_990 = arith.constant 1248 : index
      %swap3A_991 = tpu.vector_load %arg21[%swap3A_990] {strides = array<i32>} : memref<2048xf32, #tpu.memory_space<vmem>>, vector<16xf32>,
      %swap3A_992 = vector.shape_cast %swap3A_991 : vector<16xf32> to vector<16xf32>
      %swap3A_993 = vector.shape_cast %add3A_989 : vector<16xf32> to vector<16xf32>
      tpu.vector_store %arg21[%swap3A_990], %swap3A_993 {strides = array<i32>} : memref<2048xf32, #tpu.memory_space<vmem>>, vector<16xf32>,
      %get3A_994 = arith.constant 1264 : index
      %get3A_995 = tpu.vector_load %arg21[%get3A_994] {strides = array<i32>} : memref<2048xf32, #tpu.memory_space<vmem>>, vector<16xf32>,
      %get3A_996 = vector.shape_cast %get3A_995 : vector<16xf32> to vector<16xf32>
      %get3A_997 = arith.constant 1264 : index
      %get3A_998 = tpu.vector_load %arg20[%get3A_997] {strides = array<i32>} : memref<2048xf32, #tpu.memory_space<vmem>>, vector<16xf32>,
      %get3A_999 = vector.shape_cast %get3A_998 : vector<16xf32> to vector<16xf32>
      %add3A_1000 = arith.addf %get3A_996, %get3A_999 : vector<16xf32>
      %swap3A_1001 = arith.constant 1264 : index
      %swap3A_1002 = tpu.vector_load %arg21[%swap3A_1001] {strides = array<i32>} : memref<2048xf32, #tpu.memory_space<vmem>>, vector<16xf32>,
      %swap3A_1003 = vector.shape_cast %swap3A_1002 : vector<16xf32> to vector<16xf32>
      %swap3A_1004 = vector.shape_cast %add3A_1000 : vector<16xf32> to vector<16xf32>
      tpu.vector_store %arg21[%swap3A_1001], %swap3A_1004 {strides = array<i32>} : memref<2048xf32, #tpu.memory_space<vmem>>, vector<16xf32>,
      %get3A_1005 = arith.constant 1280 : index
      %get3A_1006 = tpu.vector_load %arg21[%get3A_1005] {strides = array<i32>} : memref<2048xf32, #tpu.memory_space<vmem>>, vector<16xf32>,
      %get3A_1007 = vector.shape_cast %get3A_1006 : vector<16xf32> to vector<16xf32>
      %get3A_1008 = arith.constant 1280 : index
      %get3A_1009 = tpu.vector_load %arg20[%get3A_1008] {strides = array<i32>} : memref<2048xf32, #tpu.memory_space<vmem>>, vector<16xf32>,
      %get3A_1010 = vector.shape_cast %get3A_1009 : vector<16xf32> to vector<16xf32>
      %add3A_1011 = arith.addf %get3A_1007, %get3A_1010 : vector<16xf32>
      %swap3A_1012 = arith.constant 1280 : index
      %swap3A_1013 = tpu.vector_load %arg21[%swap3A_1012] {strides = array<i32>} : memref<2048xf32, #tpu.memory_space<vmem>>, vector<16xf32>,
      %swap3A_1014 = vector.shape_cast %swap3A_1013 : vector<16xf32> to vector<16xf32>
      %swap3A_1015 = vector.shape_cast %add3A_1011 : vector<16xf32> to vector<16xf32>
      tpu.vector_store %arg21[%swap3A_1012], %swap3A_1015 {strides = array<i32>} : memref<2048xf32, #tpu.memory_space<vmem>>, vector<16xf32>,
      %get3A_1016 = arith.constant 1296 : index
      %get3A_1017 = tpu.vector_load %arg21[%get3A_1016] {strides = array<i32>} : memref<2048xf32, #tpu.memory_space<vmem>>, vector<16xf32>,
      %get3A_1018 = vector.shape_cast %get3A_1017 : vector<16xf32> to vector<16xf32>
      %get3A_1019 = arith.constant 1296 : index
      %get3A_1020 = tpu.vector_load %arg20[%get3A_1019] {strides = array<i32>} : memref<2048xf32, #tpu.memory_space<vmem>>, vector<16xf32>,
      %get3A_1021 = vector.shape_cast %get3A_1020 : vector<16xf32> to vector<16xf32>
      %add3A_1022 = arith.addf %get3A_1018, %get3A_1021 : vector<16xf32>
      %swap3A_1023 = arith.constant 1296 : index
      %swap3A_1024 = tpu.vector_load %arg21[%swap3A_1023] {strides = array<i32>} : memref<2048xf32, #tpu.memory_space<vmem>>, vector<16xf32>,
      %swap3A_1025 = vector.shape_cast %swap3A_1024 : vector<16xf32> to vector<16xf32>
      %swap3A_1026 = vector.shape_cast %add3A_1022 : vector<16xf32> to vector<16xf32>
      tpu.vector_store %arg21[%swap3A_1023], %swap3A_1026 {strides = array<i32>} : memref<2048xf32, #tpu.memory_space<vmem>>, vector<16xf32>,
      %get3A_1027 = arith.constant 1312 : index
      %get3A_1028 = tpu.vector_load %arg21[%get3A_1027] {strides = array<i32>} : memref<2048xf32, #tpu.memory_space<vmem>>, vector<16xf32>,
      %get3A_1029 = vector.shape_cast %get3A_1028 : vector<16xf32> to vector<16xf32>
      %get3A_1030 = arith.constant 1312 : index
      %get3A_1031 = tpu.vector_load %arg20[%get3A_1030] {strides = array<i32>} : memref<2048xf32, #tpu.memory_space<vmem>>, vector<16xf32>,
      %get3A_1032 = vector.shape_cast %get3A_1031 : vector<16xf32> to vector<16xf32>
      %add3A_1033 = arith.addf %get3A_1029, %get3A_1032 : vector<16xf32>
      %swap3A_1034 = arith.constant 1312 : index
      %swap3A_1035 = tpu.vector_load %arg21[%swap3A_1034] {strides = array<i32>} : memref<2048xf32, #tpu.memory_space<vmem>>, vector<16xf32>,
      %swap3A_1036 = vector.shape_cast %swap3A_1035 : vector<16xf32> to vector<16xf32>
      %swap3A_1037 = vector.shape_cast %add3A_1033 : vector<16xf32> to vector<16xf32>
      tpu.vector_store %arg21[%swap3A_1034], %swap3A_1037 {strides = array<i32>} : memref<2048xf32, #tpu.memory_space<vmem>>, vector<16xf32>,
      %get3A_1038 = arith.constant 1328 : index
      %get3A_1039 = tpu.vector_load %arg21[%get3A_1038] {strides = array<i32>} : memref<2048xf32, #tpu.memory_space<vmem>>, vector<16xf32>,
      %get3A_1040 = vector.shape_cast %get3A_1039 : vector<16xf32> to vector<16xf32>
      %get3A_1041 = arith.constant 1328 : index
      %get3A_1042 = tpu.vector_load %arg20[%get3A_1041] {strides = array<i32>} : memref<2048xf32, #tpu.memory_space<vmem>>, vector<16xf32>,
      %get3A_1043 = vector.shape_cast %get3A_1042 : vector<16xf32> to vector<16xf32>
      %add3A_1044 = arith.addf %get3A_1040, %get3A_1043 : vector<16xf32>
      %swap3A_1045 = arith.constant 1328 : index
      %swap3A_1046 = tpu.vector_load %arg21[%swap3A_1045] {strides = array<i32>} : memref<2048xf32, #tpu.memory_space<vmem>>, vector<16xf32>,
      %swap3A_1047 = vector.shape_cast %swap3A_1046 : vector<16xf32> to vector<16xf32>
      %swap3A_1048 = vector.shape_cast %add3A_1044 : vector<16xf32> to vector<16xf32>
      tpu.vector_store %arg21[%swap3A_1045], %swap3A_1048 {strides = array<i32>} : memref<2048xf32, #tpu.memory_space<vmem>>, vector<16xf32>,
      %get3A_1049 = arith.constant 1344 : index
      %get3A_1050 = tpu.vector_load %arg21[%get3A_1049] {strides = array<i32>} : memref<2048xf32, #tpu.memory_space<vmem>>, vector<16xf32>,
      %get3A_1051 = vector.shape_cast %get3A_1050 : vector<16xf32> to vector<16xf32>
      %get3A_1052 = arith.constant 1344 : index
      %get3A_1053 = tpu.vector_load %arg20[%get3A_1052] {strides = array<i32>} : memref<2048xf32, #tpu.memory_space<vmem>>, vector<16xf32>,
      %get3A_1054 = vector.shape_cast %get3A_1053 : vector<16xf32> to vector<16xf32>
      %add3A_1055 = arith.addf %get3A_1051, %get3A_1054 : vector<16xf32>
      %swap3A_1056 = arith.constant 1344 : index
      %swap3A_1057 = tpu.vector_load %arg21[%swap3A_1056] {strides = array<i32>} : memref<2048xf32, #tpu.memory_space<vmem>>, vector<16xf32>,
      %swap3A_1058 = vector.shape_cast %swap3A_1057 : vector<16xf32> to vector<16xf32>
      %swap3A_1059 = vector.shape_cast %add3A_1055 : vector<16xf32> to vector<16xf32>
      tpu.vector_store %arg21[%swap3A_1056], %swap3A_1059 {strides = array<i32>} : memref<2048xf32, #tpu.memory_space<vmem>>, vector<16xf32>,
      %get3A_1060 = arith.constant 1360 : index
      %get3A_1061 = tpu.vector_load %arg21[%get3A_1060] {strides = array<i32>} : memref<2048xf32, #tpu.memory_space<vmem>>, vector<16xf32>,
      %get3A_1062 = vector.shape_cast %get3A_1061 : vector<16xf32> to vector<16xf32>
      %get3A_1063 = arith.constant 1360 : index
      %get3A_1064 = tpu.vector_load %arg20[%get3A_1063] {strides = array<i32>} : memref<2048xf32, #tpu.memory_space<vmem>>, vector<16xf32>,
      %get3A_1065 = vector.shape_cast %get3A_1064 : vector<16xf32> to vector<16xf32>
      %add3A_1066 = arith.addf %get3A_1062, %get3A_1065 : vector<16xf32>
      %swap3A_1067 = arith.constant 1360 : index
      %swap3A_1068 = tpu.vector_load %arg21[%swap3A_1067] {strides = array<i32>} : memref<2048xf32, #tpu.memory_space<vmem>>, vector<16xf32>,
      %swap3A_1069 = vector.shape_cast %swap3A_1068 : vector<16xf32> to vector<16xf32>
      %swap3A_1070 = vector.shape_cast %add3A_1066 : vector<16xf32> to vector<16xf32>
      tpu.vector_store %arg21[%swap3A_1067], %swap3A_1070 {strides = array<i32>} : memref<2048xf32, #tpu.memory_space<vmem>>, vector<16xf32>,
      %get3A_1071 = arith.constant 1376 : index
      %get3A_1072 = tpu.vector_load %arg21[%get3A_1071] {strides = array<i32>} : memref<2048xf32, #tpu.memory_space<vmem>>, vector<16xf32>,
      %get3A_1073 = vector.shape_cast %get3A_1072 : vector<16xf32> to vector<16xf32>
      %get3A_1074 = arith.constant 1376 : index
      %get3A_1075 = tpu.vector_load %arg20[%get3A_1074] {strides = array<i32>} : memref<2048xf32, #tpu.memory_space<vmem>>, vector<16xf32>,
      %get3A_1076 = vector.shape_cast %get3A_1075 : vector<16xf32> to vector<16xf32>
      %add3A_1077 = arith.addf %get3A_1073, %get3A_1076 : vector<16xf32>
      %swap3A_1078 = arith.constant 1376 : index
      %swap3A_1079 = tpu.vector_load %arg21[%swap3A_1078] {strides = array<i32>} : memref<2048xf32, #tpu.memory_space<vmem>>, vector<16xf32>,
      %swap3A_1080 = vector.shape_cast %swap3A_1079 : vector<16xf32> to vector<16xf32>
      %swap3A_1081 = vector.shape_cast %add3A_1077 : vector<16xf32> to vector<16xf32>
      tpu.vector_store %arg21[%swap3A_1078], %swap3A_1081 {strides = array<i32>} : memref<2048xf32, #tpu.memory_space<vmem>>, vector<16xf32>,
      %get3A_1082 = arith.constant 1392 : index
      %get3A_1083 = tpu.vector_load %arg21[%get3A_1082] {strides = array<i32>} : memref<2048xf32, #tpu.memory_space<vmem>>, vector<16xf32>,
      %get3A_1084 = vector.shape_cast %get3A_1083 : vector<16xf32> to vector<16xf32>
      %get3A_1085 = arith.constant 1392 : index
      %get3A_1086 = tpu.vector_load %arg20[%get3A_1085] {strides = array<i32>} : memref<2048xf32, #tpu.memory_space<vmem>>, vector<16xf32>,
      %get3A_1087 = vector.shape_cast %get3A_1086 : vector<16xf32> to vector<16xf32>
      %add3A_1088 = arith.addf %get3A_1084, %get3A_1087 : vector<16xf32>
      %swap3A_1089 = arith.constant 1392 : index
      %swap3A_1090 = tpu.vector_load %arg21[%swap3A_1089] {strides = array<i32>} : memref<2048xf32, #tpu.memory_space<vmem>>, vector<16xf32>,
      %swap3A_1091 = vector.shape_cast %swap3A_1090 : vector<16xf32> to vector<16xf32>
      %swap3A_1092 = vector.shape_cast %add3A_1088 : vector<16xf32> to vector<16xf32>
      tpu.vector_store %arg21[%swap3A_1089], %swap3A_1092 {strides = array<i32>} : memref<2048xf32, #tpu.memory_space<vmem>>, vector<16xf32>,
      %get3A_1093 = arith.constant 1408 : index
      %get3A_1094 = tpu.vector_load %arg21[%get3A_1093] {strides = array<i32>} : memref<2048xf32, #tpu.memory_space<vmem>>, vector<16xf32>,
      %get3A_1095 = vector.shape_cast %get3A_1094 : vector<16xf32> to vector<16xf32>
      %get3A_1096 = arith.constant 1408 : index
      %get3A_1097 = tpu.vector_load %arg20[%get3A_1096] {strides = array<i32>} : memref<2048xf32, #tpu.memory_space<vmem>>, vector<16xf32>,
      %get3A_1098 = vector.shape_cast %get3A_1097 : vector<16xf32> to vector<16xf32>
      %add3A_1099 = arith.addf %get3A_1095, %get3A_1098 : vector<16xf32>
      %swap3A_1100 = arith.constant 1408 : index
      %swap3A_1101 = tpu.vector_load %arg21[%swap3A_1100] {strides = array<i32>} : memref<2048xf32, #tpu.memory_space<vmem>>, vector<16xf32>,
      %swap3A_1102 = vector.shape_cast %swap3A_1101 : vector<16xf32> to vector<16xf32>
      %swap3A_1103 = vector.shape_cast %add3A_1099 : vector<16xf32> to vector<16xf32>
      tpu.vector_store %arg21[%swap3A_1100], %swap3A_1103 {strides = array<i32>} : memref<2048xf32, #tpu.memory_space<vmem>>, vector<16xf32>,
      %get3A_1104 = arith.constant 1424 : index
      %get3A_1105 = tpu.vector_load %arg21[%get3A_1104] {strides = array<i32>} : memref<2048xf32, #tpu.memory_space<vmem>>, vector<16xf32>,
      %get3A_1106 = vector.shape_cast %get3A_1105 : vector<16xf32> to vector<16xf32>
      %get3A_1107 = arith.constant 1424 : index
      %get3A_1108 = tpu.vector_load %arg20[%get3A_1107] {strides = array<i32>} : memref<2048xf32, #tpu.memory_space<vmem>>, vector<16xf32>,
      %get3A_1109 = vector.shape_cast %get3A_1108 : vector<16xf32> to vector<16xf32>
      %add3A_1110 = arith.addf %get3A_1106, %get3A_1109 : vector<16xf32>
      %swap3A_1111 = arith.constant 1424 : index
      %swap3A_1112 = tpu.vector_load %arg21[%swap3A_1111] {strides = array<i32>} : memref<2048xf32, #tpu.memory_space<vmem>>, vector<16xf32>,
      %swap3A_1113 = vector.shape_cast %swap3A_1112 : vector<16xf32> to vector<16xf32>
      %swap3A_1114 = vector.shape_cast %add3A_1110 : vector<16xf32> to vector<16xf32>
      tpu.vector_store %arg21[%swap3A_1111], %swap3A_1114 {strides = array<i32>} : memref<2048xf32, #tpu.memory_space<vmem>>, vector<16xf32>,
      %get3A_1115 = arith.constant 1440 : index
      %get3A_1116 = tpu.vector_load %arg21[%get3A_1115] {strides = array<i32>} : memref<2048xf32, #tpu.memory_space<vmem>>, vector<16xf32>,
      %get3A_1117 = vector.shape_cast %get3A_1116 : vector<16xf32> to vector<16xf32>
      %get3A_1118 = arith.constant 1440 : index
      %get3A_1119 = tpu.vector_load %arg20[%get3A_1118] {strides = array<i32>} : memref<2048xf32, #tpu.memory_space<vmem>>, vector<16xf32>,
      %get3A_1120 = vector.shape_cast %get3A_1119 : vector<16xf32> to vector<16xf32>
      %add3A_1121 = arith.addf %get3A_1117, %get3A_1120 : vector<16xf32>
      %swap3A_1122 = arith.constant 1440 : index
      %swap3A_1123 = tpu.vector_load %arg21[%swap3A_1122] {strides = array<i32>} : memref<2048xf32, #tpu.memory_space<vmem>>, vector<16xf32>,
      %swap3A_1124 = vector.shape_cast %swap3A_1123 : vector<16xf32> to vector<16xf32>
      %swap3A_1125 = vector.shape_cast %add3A_1121 : vector<16xf32> to vector<16xf32>
      tpu.vector_store %arg21[%swap3A_1122], %swap3A_1125 {strides = array<i32>} : memref<2048xf32, #tpu.memory_space<vmem>>, vector<16xf32>,
      %get3A_1126 = arith.constant 1456 : index
      %get3A_1127 = tpu.vector_load %arg21[%get3A_1126] {strides = array<i32>} : memref<2048xf32, #tpu.memory_space<vmem>>, vector<16xf32>,
      %get3A_1128 = vector.shape_cast %get3A_1127 : vector<16xf32> to vector<16xf32>
      %get3A_1129 = arith.constant 1456 : index
      %get3A_1130 = tpu.vector_load %arg20[%get3A_1129] {strides = array<i32>} : memref<2048xf32, #tpu.memory_space<vmem>>, vector<16xf32>,
      %get3A_1131 = vector.shape_cast %get3A_1130 : vector<16xf32> to vector<16xf32>
      %add3A_1132 = arith.addf %get3A_1128, %get3A_1131 : vector<16xf32>
      %swap3A_1133 = arith.constant 1456 : index
      %swap3A_1134 = tpu.vector_load %arg21[%swap3A_1133] {strides = array<i32>} : memref<2048xf32, #tpu.memory_space<vmem>>, vector<16xf32>,
      %swap3A_1135 = vector.shape_cast %swap3A_1134 : vector<16xf32> to vector<16xf32>
      %swap3A_1136 = vector.shape_cast %add3A_1132 : vector<16xf32> to vector<16xf32>
      tpu.vector_store %arg21[%swap3A_1133], %swap3A_1136 {strides = array<i32>} : memref<2048xf32, #tpu.memory_space<vmem>>, vector<16xf32>,
      %get3A_1137 = arith.constant 1472 : index
      %get3A_1138 = tpu.vector_load %arg21[%get3A_1137] {strides = array<i32>} : memref<2048xf32, #tpu.memory_space<vmem>>, vector<16xf32>,
      %get3A_1139 = vector.shape_cast %get3A_1138 : vector<16xf32> to vector<16xf32>
      %get3A_1140 = arith.constant 1472 : index
      %get3A_1141 = tpu.vector_load %arg20[%get3A_1140] {strides = array<i32>} : memref<2048xf32, #tpu.memory_space<vmem>>, vector<16xf32>,
      %get3A_1142 = vector.shape_cast %get3A_1141 : vector<16xf32> to vector<16xf32>
      %add3A_1143 = arith.addf %get3A_1139, %get3A_1142 : vector<16xf32>
      %swap3A_1144 = arith.constant 1472 : index
      %swap3A_1145 = tpu.vector_load %arg21[%swap3A_1144] {strides = array<i32>} : memref<2048xf32, #tpu.memory_space<vmem>>, vector<16xf32>,
      %swap3A_1146 = vector.shape_cast %swap3A_1145 : vector<16xf32> to vector<16xf32>
      %swap3A_1147 = vector.shape_cast %add3A_1143 : vector<16xf32> to vector<16xf32>
      tpu.vector_store %arg21[%swap3A_1144], %swap3A_1147 {strides = array<i32>} : memref<2048xf32, #tpu.memory_space<vmem>>, vector<16xf32>,
      %get3A_1148 = arith.constant 1488 : index
      %get3A_1149 = tpu.vector_load %arg21[%get3A_1148] {strides = array<i32>} : memref<2048xf32, #tpu.memory_space<vmem>>, vector<16xf32>,
      %get3A_1150 = vector.shape_cast %get3A_1149 : vector<16xf32> to vector<16xf32>
      %get3A_1151 = arith.constant 1488 : index
      %get3A_1152 = tpu.vector_load %arg20[%get3A_1151] {strides = array<i32>} : memref<2048xf32, #tpu.memory_space<vmem>>, vector<16xf32>,
      %get3A_1153 = vector.shape_cast %get3A_1152 : vector<16xf32> to vector<16xf32>
      %add3A_1154 = arith.addf %get3A_1150, %get3A_1153 : vector<16xf32>
      %swap3A_1155 = arith.constant 1488 : index
      %swap3A_1156 = tpu.vector_load %arg21[%swap3A_1155] {strides = array<i32>} : memref<2048xf32, #tpu.memory_space<vmem>>, vector<16xf32>,
      %swap3A_1157 = vector.shape_cast %swap3A_1156 : vector<16xf32> to vector<16xf32>
      %swap3A_1158 = vector.shape_cast %add3A_1154 : vector<16xf32> to vector<16xf32>
      tpu.vector_store %arg21[%swap3A_1155], %swap3A_1158 {strides = array<i32>} : memref<2048xf32, #tpu.memory_space<vmem>>, vector<16xf32>,
      %get3A_1159 = arith.constant 1504 : index
      %get3A_1160 = tpu.vector_load %arg21[%get3A_1159] {strides = array<i32>} : memref<2048xf32, #tpu.memory_space<vmem>>, vector<16xf32>,
      %get3A_1161 = vector.shape_cast %get3A_1160 : vector<16xf32> to vector<16xf32>
      %get3A_1162 = arith.constant 1504 : index
      %get3A_1163 = tpu.vector_load %arg20[%get3A_1162] {strides = array<i32>} : memref<2048xf32, #tpu.memory_space<vmem>>, vector<16xf32>,
      %get3A_1164 = vector.shape_cast %get3A_1163 : vector<16xf32> to vector<16xf32>
      %add3A_1165 = arith.addf %get3A_1161, %get3A_1164 : vector<16xf32>
      %swap3A_1166 = arith.constant 1504 : index
      %swap3A_1167 = tpu.vector_load %arg21[%swap3A_1166] {strides = array<i32>} : memref<2048xf32, #tpu.memory_space<vmem>>, vector<16xf32>,
      %swap3A_1168 = vector.shape_cast %swap3A_1167 : vector<16xf32> to vector<16xf32>
      %swap3A_1169 = vector.shape_cast %add3A_1165 : vector<16xf32> to vector<16xf32>
      tpu.vector_store %arg21[%swap3A_1166], %swap3A_1169 {strides = array<i32>} : memref<2048xf32, #tpu.memory_space<vmem>>, vector<16xf32>,
      %get3A_1170 = arith.constant 1520 : index
      %get3A_1171 = tpu.vector_load %arg21[%get3A_1170] {strides = array<i32>} : memref<2048xf32, #tpu.memory_space<vmem>>, vector<16xf32>,
      %get3A_1172 = vector.shape_cast %get3A_1171 : vector<16xf32> to vector<16xf32>
      %get3A_1173 = arith.constant 1520 : index
      %get3A_1174 = tpu.vector_load %arg20[%get3A_1173] {strides = array<i32>} : memref<2048xf32, #tpu.memory_space<vmem>>, vector<16xf32>,
      %get3A_1175 = vector.shape_cast %get3A_1174 : vector<16xf32> to vector<16xf32>
      %add3A_1176 = arith.addf %get3A_1172, %get3A_1175 : vector<16xf32>
      %swap3A_1177 = arith.constant 1520 : index
      %swap3A_1178 = tpu.vector_load %arg21[%swap3A_1177] {strides = array<i32>} : memref<2048xf32, #tpu.memory_space<vmem>>, vector<16xf32>,
      %swap3A_1179 = vector.shape_cast %swap3A_1178 : vector<16xf32> to vector<16xf32>
      %swap3A_1180 = vector.shape_cast %add3A_1176 : vector<16xf32> to vector<16xf32>
      tpu.vector_store %arg21[%swap3A_1177], %swap3A_1180 {strides = array<i32>} : memref<2048xf32, #tpu.memory_space<vmem>>, vector<16xf32>,
      %get3A_1181 = arith.constant 1536 : index
      %get3A_1182 = tpu.vector_load %arg21[%get3A_1181] {strides = array<i32>} : memref<2048xf32, #tpu.memory_space<vmem>>, vector<16xf32>,
      %get3A_1183 = vector.shape_cast %get3A_1182 : vector<16xf32> to vector<16xf32>
      %get3A_1184 = arith.constant 1536 : index
      %get3A_1185 = tpu.vector_load %arg20[%get3A_1184] {strides = array<i32>} : memref<2048xf32, #tpu.memory_space<vmem>>, vector<16xf32>,
      %get3A_1186 = vector.shape_cast %get3A_1185 : vector<16xf32> to vector<16xf32>
      %add3A_1187 = arith.addf %get3A_1183, %get3A_1186 : vector<16xf32>
      %swap3A_1188 = arith.constant 1536 : index
      %swap3A_1189 = tpu.vector_load %arg21[%swap3A_1188] {strides = array<i32>} : memref<2048xf32, #tpu.memory_space<vmem>>, vector<16xf32>,
      %swap3A_1190 = vector.shape_cast %swap3A_1189 : vector<16xf32> to vector<16xf32>
      %swap3A_1191 = vector.shape_cast %add3A_1187 : vector<16xf32> to vector<16xf32>
      tpu.vector_store %arg21[%swap3A_1188], %swap3A_1191 {strides = array<i32>} : memref<2048xf32, #tpu.memory_space<vmem>>, vector<16xf32>,
      %get3A_1192 = arith.constant 1552 : index
      %get3A_1193 = tpu.vector_load %arg21[%get3A_1192] {strides = array<i32>} : memref<2048xf32, #tpu.memory_space<vmem>>, vector<16xf32>,
      %get3A_1194 = vector.shape_cast %get3A_1193 : vector<16xf32> to vector<16xf32>
      %get3A_1195 = arith.constant 1552 : index
      %get3A_1196 = tpu.vector_load %arg20[%get3A_1195] {strides = array<i32>} : memref<2048xf32, #tpu.memory_space<vmem>>, vector<16xf32>,
      %get3A_1197 = vector.shape_cast %get3A_1196 : vector<16xf32> to vector<16xf32>
      %add3A_1198 = arith.addf %get3A_1194, %get3A_1197 : vector<16xf32>
      %swap3A_1199 = arith.constant 1552 : index
      %swap3A_1200 = tpu.vector_load %arg21[%swap3A_1199] {strides = array<i32>} : memref<2048xf32, #tpu.memory_space<vmem>>, vector<16xf32>,
      %swap3A_1201 = vector.shape_cast %swap3A_1200 : vector<16xf32> to vector<16xf32>
      %swap3A_1202 = vector.shape_cast %add3A_1198 : vector<16xf32> to vector<16xf32>
      tpu.vector_store %arg21[%swap3A_1199], %swap3A_1202 {strides = array<i32>} : memref<2048xf32, #tpu.memory_space<vmem>>, vector<16xf32>,
      %get3A_1203 = arith.constant 1568 : index
      %get3A_1204 = tpu.vector_load %arg21[%get3A_1203] {strides = array<i32>} : memref<2048xf32, #tpu.memory_space<vmem>>, vector<16xf32>,
      %get3A_1205 = vector.shape_cast %get3A_1204 : vector<16xf32> to vector<16xf32>
      %get3A_1206 = arith.constant 1568 : index
      %get3A_1207 = tpu.vector_load %arg20[%get3A_1206] {strides = array<i32>} : memref<2048xf32, #tpu.memory_space<vmem>>, vector<16xf32>,
      %get3A_1208 = vector.shape_cast %get3A_1207 : vector<16xf32> to vector<16xf32>
      %add3A_1209 = arith.addf %get3A_1205, %get3A_1208 : vector<16xf32>
      %swap3A_1210 = arith.constant 1568 : index
      %swap3A_1211 = tpu.vector_load %arg21[%swap3A_1210] {strides = array<i32>} : memref<2048xf32, #tpu.memory_space<vmem>>, vector<16xf32>,
      %swap3A_1212 = vector.shape_cast %swap3A_1211 : vector<16xf32> to vector<16xf32>
      %swap3A_1213 = vector.shape_cast %add3A_1209 : vector<16xf32> to vector<16xf32>
      tpu.vector_store %arg21[%swap3A_1210], %swap3A_1213 {strides = array<i32>} : memref<2048xf32, #tpu.memory_space<vmem>>, vector<16xf32>,
      %get3A_1214 = arith.constant 1584 : index
      %get3A_1215 = tpu.vector_load %arg21[%get3A_1214] {strides = array<i32>} : memref<2048xf32, #tpu.memory_space<vmem>>, vector<16xf32>,
      %get3A_1216 = vector.shape_cast %get3A_1215 : vector<16xf32> to vector<16xf32>
      %get3A_1217 = arith.constant 1584 : index
      %get3A_1218 = tpu.vector_load %arg20[%get3A_1217] {strides = array<i32>} : memref<2048xf32, #tpu.memory_space<vmem>>, vector<16xf32>,
      %get3A_1219 = vector.shape_cast %get3A_1218 : vector<16xf32> to vector<16xf32>
      %add3A_1220 = arith.addf %get3A_1216, %get3A_1219 : vector<16xf32>
      %swap3A_1221 = arith.constant 1584 : index
      %swap3A_1222 = tpu.vector_load %arg21[%swap3A_1221] {strides = array<i32>} : memref<2048xf32, #tpu.memory_space<vmem>>, vector<16xf32>,
      %swap3A_1223 = vector.shape_cast %swap3A_1222 : vector<16xf32> to vector<16xf32>
      %swap3A_1224 = vector.shape_cast %add3A_1220 : vector<16xf32> to vector<16xf32>
      tpu.vector_store %arg21[%swap3A_1221], %swap3A_1224 {strides = array<i32>} : memref<2048xf32, #tpu.memory_space<vmem>>, vector<16xf32>,
      %get3A_1225 = arith.constant 1600 : index
      %get3A_1226 = tpu.vector_load %arg21[%get3A_1225] {strides = array<i32>} : memref<2048xf32, #tpu.memory_space<vmem>>, vector<16xf32>,
      %get3A_1227 = vector.shape_cast %get3A_1226 : vector<16xf32> to vector<16xf32>
      %get3A_1228 = arith.constant 1600 : index
      %get3A_1229 = tpu.vector_load %arg20[%get3A_1228] {strides = array<i32>} : memref<2048xf32, #tpu.memory_space<vmem>>, vector<16xf32>,
      %get3A_1230 = vector.shape_cast %get3A_1229 : vector<16xf32> to vector<16xf32>
      %add3A_1231 = arith.addf %get3A_1227, %get3A_1230 : vector<16xf32>
      %swap3A_1232 = arith.constant 1600 : index
      %swap3A_1233 = tpu.vector_load %arg21[%swap3A_1232] {strides = array<i32>} : memref<2048xf32, #tpu.memory_space<vmem>>, vector<16xf32>,
      %swap3A_1234 = vector.shape_cast %swap3A_1233 : vector<16xf32> to vector<16xf32>
      %swap3A_1235 = vector.shape_cast %add3A_1231 : vector<16xf32> to vector<16xf32>
      tpu.vector_store %arg21[%swap3A_1232], %swap3A_1235 {strides = array<i32>} : memref<2048xf32, #tpu.memory_space<vmem>>, vector<16xf32>,
      %get3A_1236 = arith.constant 1616 : index
      %get3A_1237 = tpu.vector_load %arg21[%get3A_1236] {strides = array<i32>} : memref<2048xf32, #tpu.memory_space<vmem>>, vector<16xf32>,
      %get3A_1238 = vector.shape_cast %get3A_1237 : vector<16xf32> to vector<16xf32>
      %get3A_1239 = arith.constant 1616 : index
      %get3A_1240 = tpu.vector_load %arg20[%get3A_1239] {strides = array<i32>} : memref<2048xf32, #tpu.memory_space<vmem>>, vector<16xf32>,
      %get3A_1241 = vector.shape_cast %get3A_1240 : vector<16xf32> to vector<16xf32>
      %add3A_1242 = arith.addf %get3A_1238, %get3A_1241 : vector<16xf32>
      %swap3A_1243 = arith.constant 1616 : index
      %swap3A_1244 = tpu.vector_load %arg21[%swap3A_1243] {strides = array<i32>} : memref<2048xf32, #tpu.memory_space<vmem>>, vector<16xf32>,
      %swap3A_1245 = vector.shape_cast %swap3A_1244 : vector<16xf32> to vector<16xf32>
      %swap3A_1246 = vector.shape_cast %add3A_1242 : vector<16xf32> to vector<16xf32>
      tpu.vector_store %arg21[%swap3A_1243], %swap3A_1246 {strides = array<i32>} : memref<2048xf32, #tpu.memory_space<vmem>>, vector<16xf32>,
      %get3A_1247 = arith.constant 1632 : index
      %get3A_1248 = tpu.vector_load %arg21[%get3A_1247] {strides = array<i32>} : memref<2048xf32, #tpu.memory_space<vmem>>, vector<16xf32>,
      %get3A_1249 = vector.shape_cast %get3A_1248 : vector<16xf32> to vector<16xf32>
      %get3A_1250 = arith.constant 1632 : index
      %get3A_1251 = tpu.vector_load %arg20[%get3A_1250] {strides = array<i32>} : memref<2048xf32, #tpu.memory_space<vmem>>, vector<16xf32>,
      %get3A_1252 = vector.shape_cast %get3A_1251 : vector<16xf32> to vector<16xf32>
      %add3A_1253 = arith.addf %get3A_1249, %get3A_1252 : vector<16xf32>
      %swap3A_1254 = arith.constant 1632 : index
      %swap3A_1255 = tpu.vector_load %arg21[%swap3A_1254] {strides = array<i32>} : memref<2048xf32, #tpu.memory_space<vmem>>, vector<16xf32>,
      %swap3A_1256 = vector.shape_cast %swap3A_1255 : vector<16xf32> to vector<16xf32>
      %swap3A_1257 = vector.shape_cast %add3A_1253 : vector<16xf32> to vector<16xf32>
      tpu.vector_store %arg21[%swap3A_1254], %swap3A_1257 {strides = array<i32>} : memref<2048xf32, #tpu.memory_space<vmem>>, vector<16xf32>,
      %get3A_1258 = arith.constant 1648 : index
      %get3A_1259 = tpu.vector_load %arg21[%get3A_1258] {strides = array<i32>} : memref<2048xf32, #tpu.memory_space<vmem>>, vector<16xf32>,
      %get3A_1260 = vector.shape_cast %get3A_1259 : vector<16xf32> to vector<16xf32>
      %get3A_1261 = arith.constant 1648 : index
      %get3A_1262 = tpu.vector_load %arg20[%get3A_1261] {strides = array<i32>} : memref<2048xf32, #tpu.memory_space<vmem>>, vector<16xf32>,
      %get3A_1263 = vector.shape_cast %get3A_1262 : vector<16xf32> to vector<16xf32>
      %add3A_1264 = arith.addf %get3A_1260, %get3A_1263 : vector<16xf32>
      %swap3A_1265 = arith.constant 1648 : index
      %swap3A_1266 = tpu.vector_load %arg21[%swap3A_1265] {strides = array<i32>} : memref<2048xf32, #tpu.memory_space<vmem>>, vector<16xf32>,
      %swap3A_1267 = vector.shape_cast %swap3A_1266 : vector<16xf32> to vector<16xf32>
      %swap3A_1268 = vector.shape_cast %add3A_1264 : vector<16xf32> to vector<16xf32>
      tpu.vector_store %arg21[%swap3A_1265], %swap3A_1268 {strides = array<i32>} : memref<2048xf32, #tpu.memory_space<vmem>>, vector<16xf32>,
      %get3A_1269 = arith.constant 1664 : index
      %get3A_1270 = tpu.vector_load %arg21[%get3A_1269] {strides = array<i32>} : memref<2048xf32, #tpu.memory_space<vmem>>, vector<16xf32>,
      %get3A_1271 = vector.shape_cast %get3A_1270 : vector<16xf32> to vector<16xf32>
      %get3A_1272 = arith.constant 1664 : index
      %get3A_1273 = tpu.vector_load %arg20[%get3A_1272] {strides = array<i32>} : memref<2048xf32, #tpu.memory_space<vmem>>, vector<16xf32>,
      %get3A_1274 = vector.shape_cast %get3A_1273 : vector<16xf32> to vector<16xf32>
      %add3A_1275 = arith.addf %get3A_1271, %get3A_1274 : vector<16xf32>
      %swap3A_1276 = arith.constant 1664 : index
      %swap3A_1277 = tpu.vector_load %arg21[%swap3A_1276] {strides = array<i32>} : memref<2048xf32, #tpu.memory_space<vmem>>, vector<16xf32>,
      %swap3A_1278 = vector.shape_cast %swap3A_1277 : vector<16xf32> to vector<16xf32>
      %swap3A_1279 = vector.shape_cast %add3A_1275 : vector<16xf32> to vector<16xf32>
      tpu.vector_store %arg21[%swap3A_1276], %swap3A_1279 {strides = array<i32>} : memref<2048xf32, #tpu.memory_space<vmem>>, vector<16xf32>,
      %get3A_1280 = arith.constant 1680 : index
      %get3A_1281 = tpu.vector_load %arg21[%get3A_1280] {strides = array<i32>} : memref<2048xf32, #tpu.memory_space<vmem>>, vector<16xf32>,
      %get3A_1282 = vector.shape_cast %get3A_1281 : vector<16xf32> to vector<16xf32>
      %get3A_1283 = arith.constant 1680 : index
      %get3A_1284 = tpu.vector_load %arg20[%get3A_1283] {strides = array<i32>} : memref<2048xf32, #tpu.memory_space<vmem>>, vector<16xf32>,
      %get3A_1285 = vector.shape_cast %get3A_1284 : vector<16xf32> to vector<16xf32>
      %add3A_1286 = arith.addf %get3A_1282, %get3A_1285 : vector<16xf32>
      %swap3A_1287 = arith.constant 1680 : index
      %swap3A_1288 = tpu.vector_load %arg21[%swap3A_1287] {strides = array<i32>} : memref<2048xf32, #tpu.memory_space<vmem>>, vector<16xf32>,
      %swap3A_1289 = vector.shape_cast %swap3A_1288 : vector<16xf32> to vector<16xf32>
      %swap3A_1290 = vector.shape_cast %add3A_1286 : vector<16xf32> to vector<16xf32>
      tpu.vector_store %arg21[%swap3A_1287], %swap3A_1290 {strides = array<i32>} : memref<2048xf32, #tpu.memory_space<vmem>>, vector<16xf32>,
      %get3A_1291 = arith.constant 1696 : index
      %get3A_1292 = tpu.vector_load %arg21[%get3A_1291] {strides = array<i32>} : memref<2048xf32, #tpu.memory_space<vmem>>, vector<16xf32>,
      %get3A_1293 = vector.shape_cast %get3A_1292 : vector<16xf32> to vector<16xf32>
      %get3A_1294 = arith.constant 1696 : index
      %get3A_1295 = tpu.vector_load %arg20[%get3A_1294] {strides = array<i32>} : memref<2048xf32, #tpu.memory_space<vmem>>, vector<16xf32>,
      %get3A_1296 = vector.shape_cast %get3A_1295 : vector<16xf32> to vector<16xf32>
      %add3A_1297 = arith.addf %get3A_1293, %get3A_1296 : vector<16xf32>
      %swap3A_1298 = arith.constant 1696 : index
      %swap3A_1299 = tpu.vector_load %arg21[%swap3A_1298] {strides = array<i32>} : memref<2048xf32, #tpu.memory_space<vmem>>, vector<16xf32>,
      %swap3A_1300 = vector.shape_cast %swap3A_1299 : vector<16xf32> to vector<16xf32>
      %swap3A_1301 = vector.shape_cast %add3A_1297 : vector<16xf32> to vector<16xf32>
      tpu.vector_store %arg21[%swap3A_1298], %swap3A_1301 {strides = array<i32>} : memref<2048xf32, #tpu.memory_space<vmem>>, vector<16xf32>,
      %get3A_1302 = arith.constant 1712 : index
      %get3A_1303 = tpu.vector_load %arg21[%get3A_1302] {strides = array<i32>} : memref<2048xf32, #tpu.memory_space<vmem>>, vector<16xf32>,
      %get3A_1304 = vector.shape_cast %get3A_1303 : vector<16xf32> to vector<16xf32>
      %get3A_1305 = arith.constant 1712 : index
      %get3A_1306 = tpu.vector_load %arg20[%get3A_1305] {strides = array<i32>} : memref<2048xf32, #tpu.memory_space<vmem>>, vector<16xf32>,
      %get3A_1307 = vector.shape_cast %get3A_1306 : vector<16xf32> to vector<16xf32>
      %add3A_1308 = arith.addf %get3A_1304, %get3A_1307 : vector<16xf32>
      %swap3A_1309 = arith.constant 1712 : index
      %swap3A_1310 = tpu.vector_load %arg21[%swap3A_1309] {strides = array<i32>} : memref<2048xf32, #tpu.memory_space<vmem>>, vector<16xf32>,
      %swap3A_1311 = vector.shape_cast %swap3A_1310 : vector<16xf32> to vector<16xf32>
      %swap3A_1312 = vector.shape_cast %add3A_1308 : vector<16xf32> to vector<16xf32>
      tpu.vector_store %arg21[%swap3A_1309], %swap3A_1312 {strides = array<i32>} : memref<2048xf32, #tpu.memory_space<vmem>>, vector<16xf32>,
      %get3A_1313 = arith.constant 1728 : index
      %get3A_1314 = tpu.vector_load %arg21[%get3A_1313] {strides = array<i32>} : memref<2048xf32, #tpu.memory_space<vmem>>, vector<16xf32>,
      %get3A_1315 = vector.shape_cast %get3A_1314 : vector<16xf32> to vector<16xf32>
      %get3A_1316 = arith.constant 1728 : index
      %get3A_1317 = tpu.vector_load %arg20[%get3A_1316] {strides = array<i32>} : memref<2048xf32, #tpu.memory_space<vmem>>, vector<16xf32>,
      %get3A_1318 = vector.shape_cast %get3A_1317 : vector<16xf32> to vector<16xf32>
      %add3A_1319 = arith.addf %get3A_1315, %get3A_1318 : vector<16xf32>
      %swap3A_1320 = arith.constant 1728 : index
      %swap3A_1321 = tpu.vector_load %arg21[%swap3A_1320] {strides = array<i32>} : memref<2048xf32, #tpu.memory_space<vmem>>, vector<16xf32>,
      %swap3A_1322 = vector.shape_cast %swap3A_1321 : vector<16xf32> to vector<16xf32>
      %swap3A_1323 = vector.shape_cast %add3A_1319 : vector<16xf32> to vector<16xf32>
      tpu.vector_store %arg21[%swap3A_1320], %swap3A_1323 {strides = array<i32>} : memref<2048xf32, #tpu.memory_space<vmem>>, vector<16xf32>,
      %get3A_1324 = arith.constant 1744 : index
      %get3A_1325 = tpu.vector_load %arg21[%get3A_1324] {strides = array<i32>} : memref<2048xf32, #tpu.memory_space<vmem>>, vector<16xf32>,
      %get3A_1326 = vector.shape_cast %get3A_1325 : vector<16xf32> to vector<16xf32>
      %get3A_1327 = arith.constant 1744 : index
      %get3A_1328 = tpu.vector_load %arg20[%get3A_1327] {strides = array<i32>} : memref<2048xf32, #tpu.memory_space<vmem>>, vector<16xf32>,
      %get3A_1329 = vector.shape_cast %get3A_1328 : vector<16xf32> to vector<16xf32>
      %add3A_1330 = arith.addf %get3A_1326, %get3A_1329 : vector<16xf32>
      %swap3A_1331 = arith.constant 1744 : index
      %swap3A_1332 = tpu.vector_load %arg21[%swap3A_1331] {strides = array<i32>} : memref<2048xf32, #tpu.memory_space<vmem>>, vector<16xf32>,
      %swap3A_1333 = vector.shape_cast %swap3A_1332 : vector<16xf32> to vector<16xf32>
      %swap3A_1334 = vector.shape_cast %add3A_1330 : vector<16xf32> to vector<16xf32>
      tpu.vector_store %arg21[%swap3A_1331], %swap3A_1334 {strides = array<i32>} : memref<2048xf32, #tpu.memory_space<vmem>>, vector<16xf32>,
      %get3A_1335 = arith.constant 1760 : index
      %get3A_1336 = tpu.vector_load %arg21[%get3A_1335] {strides = array<i32>} : memref<2048xf32, #tpu.memory_space<vmem>>, vector<16xf32>,
      %get3A_1337 = vector.shape_cast %get3A_1336 : vector<16xf32> to vector<16xf32>
      %get3A_1338 = arith.constant 1760 : index
      %get3A_1339 = tpu.vector_load %arg20[%get3A_1338] {strides = array<i32>} : memref<2048xf32, #tpu.memory_space<vmem>>, vector<16xf32>,
      %get3A_1340 = vector.shape_cast %get3A_1339 : vector<16xf32> to vector<16xf32>
      %add3A_1341 = arith.addf %get3A_1337, %get3A_1340 : vector<16xf32>
      %swap3A_1342 = arith.constant 1760 : index
      %swap3A_1343 = tpu.vector_load %arg21[%swap3A_1342] {strides = array<i32>} : memref<2048xf32, #tpu.memory_space<vmem>>, vector<16xf32>,
      %swap3A_1344 = vector.shape_cast %swap3A_1343 : vector<16xf32> to vector<16xf32>
      %swap3A_1345 = vector.shape_cast %add3A_1341 : vector<16xf32> to vector<16xf32>
      tpu.vector_store %arg21[%swap3A_1342], %swap3A_1345 {strides = array<i32>} : memref<2048xf32, #tpu.memory_space<vmem>>, vector<16xf32>,
      %get3A_1346 = arith.constant 1776 : index
      %get3A_1347 = tpu.vector_load %arg21[%get3A_1346] {strides = array<i32>} : memref<2048xf32, #tpu.memory_space<vmem>>, vector<16xf32>,
      %get3A_1348 = vector.shape_cast %get3A_1347 : vector<16xf32> to vector<16xf32>
      %get3A_1349 = arith.constant 1776 : index
      %get3A_1350 = tpu.vector_load %arg20[%get3A_1349] {strides = array<i32>} : memref<2048xf32, #tpu.memory_space<vmem>>, vector<16xf32>,
      %get3A_1351 = vector.shape_cast %get3A_1350 : vector<16xf32> to vector<16xf32>
      %add3A_1352 = arith.addf %get3A_1348, %get3A_1351 : vector<16xf32>
      %swap3A_1353 = arith.constant 1776 : index
      %swap3A_1354 = tpu.vector_load %arg21[%swap3A_1353] {strides = array<i32>} : memref<2048xf32, #tpu.memory_space<vmem>>, vector<16xf32>,
      %swap3A_1355 = vector.shape_cast %swap3A_1354 : vector<16xf32> to vector<16xf32>
      %swap3A_1356 = vector.shape_cast %add3A_1352 : vector<16xf32> to vector<16xf32>
      tpu.vector_store %arg21[%swap3A_1353], %swap3A_1356 {strides = array<i32>} : memref<2048xf32, #tpu.memory_space<vmem>>, vector<16xf32>,
      %get3A_1357 = arith.constant 1792 : index
      %get3A_1358 = tpu.vector_load %arg21[%get3A_1357] {strides = array<i32>} : memref<2048xf32, #tpu.memory_space<vmem>>, vector<16xf32>,
      %get3A_1359 = vector.shape_cast %get3A_1358 : vector<16xf32> to vector<16xf32>
      %get3A_1360 = arith.constant 1792 : index
      %get3A_1361 = tpu.vector_load %arg20[%get3A_1360] {strides = array<i32>} : memref<2048xf32, #tpu.memory_space<vmem>>, vector<16xf32>,
      %get3A_1362 = vector.shape_cast %get3A_1361 : vector<16xf32> to vector<16xf32>
      %add3A_1363 = arith.addf %get3A_1359, %get3A_1362 : vector<16xf32>
      %swap3A_1364 = arith.constant 1792 : index
      %swap3A_1365 = tpu.vector_load %arg21[%swap3A_1364] {strides = array<i32>} : memref<2048xf32, #tpu.memory_space<vmem>>, vector<16xf32>,
      %swap3A_1366 = vector.shape_cast %swap3A_1365 : vector<16xf32> to vector<16xf32>
      %swap3A_1367 = vector.shape_cast %add3A_1363 : vector<16xf32> to vector<16xf32>
      tpu.vector_store %arg21[%swap3A_1364], %swap3A_1367 {strides = array<i32>} : memref<2048xf32, #tpu.memory_space<vmem>>, vector<16xf32>,
      %get3A_1368 = arith.constant 1808 : index
      %get3A_1369 = tpu.vector_load %arg21[%get3A_1368] {strides = array<i32>} : memref<2048xf32, #tpu.memory_space<vmem>>, vector<16xf32>,
      %get3A_1370 = vector.shape_cast %get3A_1369 : vector<16xf32> to vector<16xf32>
      %get3A_1371 = arith.constant 1808 : index
      %get3A_1372 = tpu.vector_load %arg20[%get3A_1371] {strides = array<i32>} : memref<2048xf32, #tpu.memory_space<vmem>>, vector<16xf32>,
      %get3A_1373 = vector.shape_cast %get3A_1372 : vector<16xf32> to vector<16xf32>
      %add3A_1374 = arith.addf %get3A_1370, %get3A_1373 : vector<16xf32>
      %swap3A_1375 = arith.constant 1808 : index
      %swap3A_1376 = tpu.vector_load %arg21[%swap3A_1375] {strides = array<i32>} : memref<2048xf32, #tpu.memory_space<vmem>>, vector<16xf32>,
      %swap3A_1377 = vector.shape_cast %swap3A_1376 : vector<16xf32> to vector<16xf32>
      %swap3A_1378 = vector.shape_cast %add3A_1374 : vector<16xf32> to vector<16xf32>
      tpu.vector_store %arg21[%swap3A_1375], %swap3A_1378 {strides = array<i32>} : memref<2048xf32, #tpu.memory_space<vmem>>, vector<16xf32>,
      %get3A_1379 = arith.constant 1824 : index
      %get3A_1380 = tpu.vector_load %arg21[%get3A_1379] {strides = array<i32>} : memref<2048xf32, #tpu.memory_space<vmem>>, vector<16xf32>,
      %get3A_1381 = vector.shape_cast %get3A_1380 : vector<16xf32> to vector<16xf32>
      %get3A_1382 = arith.constant 1824 : index
      %get3A_1383 = tpu.vector_load %arg20[%get3A_1382] {strides = array<i32>} : memref<2048xf32, #tpu.memory_space<vmem>>, vector<16xf32>,
      %get3A_1384 = vector.shape_cast %get3A_1383 : vector<16xf32> to vector<16xf32>
      %add3A_1385 = arith.addf %get3A_1381, %get3A_1384 : vector<16xf32>
      %swap3A_1386 = arith.constant 1824 : index
      %swap3A_1387 = tpu.vector_load %arg21[%swap3A_1386] {strides = array<i32>} : memref<2048xf32, #tpu.memory_space<vmem>>, vector<16xf32>,
      %swap3A_1388 = vector.shape_cast %swap3A_1387 : vector<16xf32> to vector<16xf32>
      %swap3A_1389 = vector.shape_cast %add3A_1385 : vector<16xf32> to vector<16xf32>
      tpu.vector_store %arg21[%swap3A_1386], %swap3A_1389 {strides = array<i32>} : memref<2048xf32, #tpu.memory_space<vmem>>, vector<16xf32>,
      %get3A_1390 = arith.constant 1840 : index
      %get3A_1391 = tpu.vector_load %arg21[%get3A_1390] {strides = array<i32>} : memref<2048xf32, #tpu.memory_space<vmem>>, vector<16xf32>,
      %get3A_1392 = vector.shape_cast %get3A_1391 : vector<16xf32> to vector<16xf32>
      %get3A_1393 = arith.constant 1840 : index
      %get3A_1394 = tpu.vector_load %arg20[%get3A_1393] {strides = array<i32>} : memref<2048xf32, #tpu.memory_space<vmem>>, vector<16xf32>,
      %get3A_1395 = vector.shape_cast %get3A_1394 : vector<16xf32> to vector<16xf32>
      %add3A_1396 = arith.addf %get3A_1392, %get3A_1395 : vector<16xf32>
      %swap3A_1397 = arith.constant 1840 : index
      %swap3A_1398 = tpu.vector_load %arg21[%swap3A_1397] {strides = array<i32>} : memref<2048xf32, #tpu.memory_space<vmem>>, vector<16xf32>,
      %swap3A_1399 = vector.shape_cast %swap3A_1398 : vector<16xf32> to vector<16xf32>
      %swap3A_1400 = vector.shape_cast %add3A_1396 : vector<16xf32> to vector<16xf32>
      tpu.vector_store %arg21[%swap3A_1397], %swap3A_1400 {strides = array<i32>} : memref<2048xf32, #tpu.memory_space<vmem>>, vector<16xf32>,
      %get3A_1401 = arith.constant 1856 : index
      %get3A_1402 = tpu.vector_load %arg21[%get3A_1401] {strides = array<i32>} : memref<2048xf32, #tpu.memory_space<vmem>>, vector<16xf32>,
      %get3A_1403 = vector.shape_cast %get3A_1402 : vector<16xf32> to vector<16xf32>
      %get3A_1404 = arith.constant 1856 : index
      %get3A_1405 = tpu.vector_load %arg20[%get3A_1404] {strides = array<i32>} : memref<2048xf32, #tpu.memory_space<vmem>>, vector<16xf32>,
      %get3A_1406 = vector.shape_cast %get3A_1405 : vector<16xf32> to vector<16xf32>
      %add3A_1407 = arith.addf %get3A_1403, %get3A_1406 : vector<16xf32>
      %swap3A_1408 = arith.constant 1856 : index
      %swap3A_1409 = tpu.vector_load %arg21[%swap3A_1408] {strides = array<i32>} : memref<2048xf32, #tpu.memory_space<vmem>>, vector<16xf32>,
      %swap3A_1410 = vector.shape_cast %swap3A_1409 : vector<16xf32> to vector<16xf32>
      %swap3A_1411 = vector.shape_cast %add3A_1407 : vector<16xf32> to vector<16xf32>
      tpu.vector_store %arg21[%swap3A_1408], %swap3A_1411 {strides = array<i32>} : memref<2048xf32, #tpu.memory_space<vmem>>, vector<16xf32>,
      %get3A_1412 = arith.constant 1872 : index
      %get3A_1413 = tpu.vector_load %arg21[%get3A_1412] {strides = array<i32>} : memref<2048xf32, #tpu.memory_space<vmem>>, vector<16xf32>,
      %get3A_1414 = vector.shape_cast %get3A_1413 : vector<16xf32> to vector<16xf32>
      %get3A_1415 = arith.constant 1872 : index
      %get3A_1416 = tpu.vector_load %arg20[%get3A_1415] {strides = array<i32>} : memref<2048xf32, #tpu.memory_space<vmem>>, vector<16xf32>,
      %get3A_1417 = vector.shape_cast %get3A_1416 : vector<16xf32> to vector<16xf32>
      %add3A_1418 = arith.addf %get3A_1414, %get3A_1417 : vector<16xf32>
      %swap3A_1419 = arith.constant 1872 : index
      %swap3A_1420 = tpu.vector_load %arg21[%swap3A_1419] {strides = array<i32>} : memref<2048xf32, #tpu.memory_space<vmem>>, vector<16xf32>,
      %swap3A_1421 = vector.shape_cast %swap3A_1420 : vector<16xf32> to vector<16xf32>
      %swap3A_1422 = vector.shape_cast %add3A_1418 : vector<16xf32> to vector<16xf32>
      tpu.vector_store %arg21[%swap3A_1419], %swap3A_1422 {strides = array<i32>} : memref<2048xf32, #tpu.memory_space<vmem>>, vector<16xf32>,
      %get3A_1423 = arith.constant 1888 : index
      %get3A_1424 = tpu.vector_load %arg21[%get3A_1423] {strides = array<i32>} : memref<2048xf32, #tpu.memory_space<vmem>>, vector<16xf32>,
      %get3A_1425 = vector.shape_cast %get3A_1424 : vector<16xf32> to vector<16xf32>
      %get3A_1426 = arith.constant 1888 : index
      %get3A_1427 = tpu.vector_load %arg20[%get3A_1426] {strides = array<i32>} : memref<2048xf32, #tpu.memory_space<vmem>>, vector<16xf32>,
      %get3A_1428 = vector.shape_cast %get3A_1427 : vector<16xf32> to vector<16xf32>
      %add3A_1429 = arith.addf %get3A_1425, %get3A_1428 : vector<16xf32>
      %swap3A_1430 = arith.constant 1888 : index
      %swap3A_1431 = tpu.vector_load %arg21[%swap3A_1430] {strides = array<i32>} : memref<2048xf32, #tpu.memory_space<vmem>>, vector<16xf32>,
      %swap3A_1432 = vector.shape_cast %swap3A_1431 : vector<16xf32> to vector<16xf32>
      %swap3A_1433 = vector.shape_cast %add3A_1429 : vector<16xf32> to vector<16xf32>
      tpu.vector_store %arg21[%swap3A_1430], %swap3A_1433 {strides = array<i32>} : memref<2048xf32, #tpu.memory_space<vmem>>, vector<16xf32>,
      %get3A_1434 = arith.constant 1904 : index
      %get3A_1435 = tpu.vector_load %arg21[%get3A_1434] {strides = array<i32>} : memref<2048xf32, #tpu.memory_space<vmem>>, vector<16xf32>,
      %get3A_1436 = vector.shape_cast %get3A_1435 : vector<16xf32> to vector<16xf32>
      %get3A_1437 = arith.constant 1904 : index
      %get3A_1438 = tpu.vector_load %arg20[%get3A_1437] {strides = array<i32>} : memref<2048xf32, #tpu.memory_space<vmem>>, vector<16xf32>,
      %get3A_1439 = vector.shape_cast %get3A_1438 : vector<16xf32> to vector<16xf32>
      %add3A_1440 = arith.addf %get3A_1436, %get3A_1439 : vector<16xf32>
      %swap3A_1441 = arith.constant 1904 : index
      %swap3A_1442 = tpu.vector_load %arg21[%swap3A_1441] {strides = array<i32>} : memref<2048xf32, #tpu.memory_space<vmem>>, vector<16xf32>,
      %swap3A_1443 = vector.shape_cast %swap3A_1442 : vector<16xf32> to vector<16xf32>
      %swap3A_1444 = vector.shape_cast %add3A_1440 : vector<16xf32> to vector<16xf32>
      tpu.vector_store %arg21[%swap3A_1441], %swap3A_1444 {strides = array<i32>} : memref<2048xf32, #tpu.memory_space<vmem>>, vector<16xf32>,
      %get3A_1445 = arith.constant 1920 : index
      %get3A_1446 = tpu.vector_load %arg21[%get3A_1445] {strides = array<i32>} : memref<2048xf32, #tpu.memory_space<vmem>>, vector<16xf32>,
      %get3A_1447 = vector.shape_cast %get3A_1446 : vector<16xf32> to vector<16xf32>
      %get3A_1448 = arith.constant 1920 : index
      %get3A_1449 = tpu.vector_load %arg20[%get3A_1448] {strides = array<i32>} : memref<2048xf32, #tpu.memory_space<vmem>>, vector<16xf32>,
      %get3A_1450 = vector.shape_cast %get3A_1449 : vector<16xf32> to vector<16xf32>
      %add3A_1451 = arith.addf %get3A_1447, %get3A_1450 : vector<16xf32>
      %swap3A_1452 = arith.constant 1920 : index
      %swap3A_1453 = tpu.vector_load %arg21[%swap3A_1452] {strides = array<i32>} : memref<2048xf32, #tpu.memory_space<vmem>>, vector<16xf32>,
      %swap3A_1454 = vector.shape_cast %swap3A_1453 : vector<16xf32> to vector<16xf32>
      %swap3A_1455 = vector.shape_cast %add3A_1451 : vector<16xf32> to vector<16xf32>
      tpu.vector_store %arg21[%swap3A_1452], %swap3A_1455 {strides = array<i32>} : memref<2048xf32, #tpu.memory_space<vmem>>, vector<16xf32>,
      %get3A_1456 = arith.constant 1936 : index
      %get3A_1457 = tpu.vector_load %arg21[%get3A_1456] {strides = array<i32>} : memref<2048xf32, #tpu.memory_space<vmem>>, vector<16xf32>,
      %get3A_1458 = vector.shape_cast %get3A_1457 : vector<16xf32> to vector<16xf32>
      %get3A_1459 = arith.constant 1936 : index
      %get3A_1460 = tpu.vector_load %arg20[%get3A_1459] {strides = array<i32>} : memref<2048xf32, #tpu.memory_space<vmem>>, vector<16xf32>,
      %get3A_1461 = vector.shape_cast %get3A_1460 : vector<16xf32> to vector<16xf32>
      %add3A_1462 = arith.addf %get3A_1458, %get3A_1461 : vector<16xf32>
      %swap3A_1463 = arith.constant 1936 : index
      %swap3A_1464 = tpu.vector_load %arg21[%swap3A_1463] {strides = array<i32>} : memref<2048xf32, #tpu.memory_space<vmem>>, vector<16xf32>,
      %swap3A_1465 = vector.shape_cast %swap3A_1464 : vector<16xf32> to vector<16xf32>
      %swap3A_1466 = vector.shape_cast %add3A_1462 : vector<16xf32> to vector<16xf32>
      tpu.vector_store %arg21[%swap3A_1463], %swap3A_1466 {strides = array<i32>} : memref<2048xf32, #tpu.memory_space<vmem>>, vector<16xf32>,
      %get3A_1467 = arith.constant 1952 : index
      %get3A_1468 = tpu.vector_load %arg21[%get3A_1467] {strides = array<i32>} : memref<2048xf32, #tpu.memory_space<vmem>>, vector<16xf32>,
      %get3A_1469 = vector.shape_cast %get3A_1468 : vector<16xf32> to vector<16xf32>
      %get3A_1470 = arith.constant 1952 : index
      %get3A_1471 = tpu.vector_load %arg20[%get3A_1470] {strides = array<i32>} : memref<2048xf32, #tpu.memory_space<vmem>>, vector<16xf32>,
      %get3A_1472 = vector.shape_cast %get3A_1471 : vector<16xf32> to vector<16xf32>
      %add3A_1473 = arith.addf %get3A_1469, %get3A_1472 : vector<16xf32>
      %swap3A_1474 = arith.constant 1952 : index
      %swap3A_1475 = tpu.vector_load %arg21[%swap3A_1474] {strides = array<i32>} : memref<2048xf32, #tpu.memory_space<vmem>>, vector<16xf32>,
      %swap3A_1476 = vector.shape_cast %swap3A_1475 : vector<16xf32> to vector<16xf32>
      %swap3A_1477 = vector.shape_cast %add3A_1473 : vector<16xf32> to vector<16xf32>
      tpu.vector_store %arg21[%swap3A_1474], %swap3A_1477 {strides = array<i32>} : memref<2048xf32, #tpu.memory_space<vmem>>, vector<16xf32>,
      %get3A_1478 = arith.constant 1968 : index
      %get3A_1479 = tpu.vector_load %arg21[%get3A_1478] {strides = array<i32>} : memref<2048xf32, #tpu.memory_space<vmem>>, vector<16xf32>,
      %get3A_1480 = vector.shape_cast %get3A_1479 : vector<16xf32> to vector<16xf32>
      %get3A_1481 = arith.constant 1968 : index
      %get3A_1482 = tpu.vector_load %arg20[%get3A_1481] {strides = array<i32>} : memref<2048xf32, #tpu.memory_space<vmem>>, vector<16xf32>,
      %get3A_1483 = vector.shape_cast %get3A_1482 : vector<16xf32> to vector<16xf32>
      %add3A_1484 = arith.addf %get3A_1480, %get3A_1483 : vector<16xf32>
      %swap3A_1485 = arith.constant 1968 : index
      %swap3A_1486 = tpu.vector_load %arg21[%swap3A_1485] {strides = array<i32>} : memref<2048xf32, #tpu.memory_space<vmem>>, vector<16xf32>,
      %swap3A_1487 = vector.shape_cast %swap3A_1486 : vector<16xf32> to vector<16xf32>
      %swap3A_1488 = vector.shape_cast %add3A_1484 : vector<16xf32> to vector<16xf32>
      tpu.vector_store %arg21[%swap3A_1485], %swap3A_1488 {strides = array<i32>} : memref<2048xf32, #tpu.memory_space<vmem>>, vector<16xf32>,
      %get3A_1489 = arith.constant 1984 : index
      %get3A_1490 = tpu.vector_load %arg21[%get3A_1489] {strides = array<i32>} : memref<2048xf32, #tpu.memory_space<vmem>>, vector<16xf32>,
      %get3A_1491 = vector.shape_cast %get3A_1490 : vector<16xf32> to vector<16xf32>
      %get3A_1492 = arith.constant 1984 : index
      %get3A_1493 = tpu.vector_load %arg20[%get3A_1492] {strides = array<i32>} : memref<2048xf32, #tpu.memory_space<vmem>>, vector<16xf32>,
      %get3A_1494 = vector.shape_cast %get3A_1493 : vector<16xf32> to vector<16xf32>
      %add3A_1495 = arith.addf %get3A_1491, %get3A_1494 : vector<16xf32>
      %swap3A_1496 = arith.constant 1984 : index
      %swap3A_1497 = tpu.vector_load %arg21[%swap3A_1496] {strides = array<i32>} : memref<2048xf32, #tpu.memory_space<vmem>>, vector<16xf32>,
      %swap3A_1498 = vector.shape_cast %swap3A_1497 : vector<16xf32> to vector<16xf32>
      %swap3A_1499 = vector.shape_cast %add3A_1495 : vector<16xf32> to vector<16xf32>
      tpu.vector_store %arg21[%swap3A_1496], %swap3A_1499 {strides = array<i32>} : memref<2048xf32, #tpu.memory_space<vmem>>, vector<16xf32>,
      %get3A_1500 = arith.constant 2000 : index
      %get3A_1501 = tpu.vector_load %arg21[%get3A_1500] {strides = array<i32>} : memref<2048xf32, #tpu.memory_space<vmem>>, vector<16xf32>,
      %get3A_1502 = vector.shape_cast %get3A_1501 : vector<16xf32> to vector<16xf32>
      %get3A_1503 = arith.constant 2000 : index
      %get3A_1504 = tpu.vector_load %arg20[%get3A_1503] {strides = array<i32>} : memref<2048xf32, #tpu.memory_space<vmem>>, vector<16xf32>,
      %get3A_1505 = vector.shape_cast %get3A_1504 : vector<16xf32> to vector<16xf32>
      %add3A_1506 = arith.addf %get3A_1502, %get3A_1505 : vector<16xf32>
      %swap3A_1507 = arith.constant 2000 : index
      %swap3A_1508 = tpu.vector_load %arg21[%swap3A_1507] {strides = array<i32>} : memref<2048xf32, #tpu.memory_space<vmem>>, vector<16xf32>,
      %swap3A_1509 = vector.shape_cast %swap3A_1508 : vector<16xf32> to vector<16xf32>
      %swap3A_1510 = vector.shape_cast %add3A_1506 : vector<16xf32> to vector<16xf32>
      tpu.vector_store %arg21[%swap3A_1507], %swap3A_1510 {strides = array<i32>} : memref<2048xf32, #tpu.memory_space<vmem>>, vector<16xf32>,
      %get3A_1511 = arith.constant 2016 : index
      %get3A_1512 = tpu.vector_load %arg21[%get3A_1511] {strides = array<i32>} : memref<2048xf32, #tpu.memory_space<vmem>>, vector<16xf32>,
      %get3A_1513 = vector.shape_cast %get3A_1512 : vector<16xf32> to vector<16xf32>
      %get3A_1514 = arith.constant 2016 : index
      %get3A_1515 = tpu.vector_load %arg20[%get3A_1514] {strides = array<i32>} : memref<2048xf32, #tpu.memory_space<vmem>>, vector<16xf32>,
      %get3A_1516 = vector.shape_cast %get3A_1515 : vector<16xf32> to vector<16xf32>
      %add3A_1517 = arith.addf %get3A_1513, %get3A_1516 : vector<16xf32>
      %swap3A_1518 = arith.constant 2016 : index
      %swap3A_1519 = tpu.vector_load %arg21[%swap3A_1518] {strides = array<i32>} : memref<2048xf32, #tpu.memory_space<vmem>>, vector<16xf32>,
      %swap3A_1520 = vector.shape_cast %swap3A_1519 : vector<16xf32> to vector<16xf32>
      %swap3A_1521 = vector.shape_cast %add3A_1517 : vector<16xf32> to vector<16xf32>
      tpu.vector_store %arg21[%swap3A_1518], %swap3A_1521 {strides = array<i32>} : memref<2048xf32, #tpu.memory_space<vmem>>, vector<16xf32>,
      %get3A_1522 = arith.constant 2032 : index
      %get3A_1523 = tpu.vector_load %arg21[%get3A_1522] {strides = array<i32>} : memref<2048xf32, #tpu.memory_space<vmem>>, vector<16xf32>,
      %get3A_1524 = vector.shape_cast %get3A_1523 : vector<16xf32> to vector<16xf32>
      %get3A_1525 = arith.constant 2032 : index
      %get3A_1526 = tpu.vector_load %arg20[%get3A_1525] {strides = array<i32>} : memref<2048xf32, #tpu.memory_space<vmem>>, vector<16xf32>,
      %get3A_1527 = vector.shape_cast %get3A_1526 : vector<16xf32> to vector<16xf32>
      %add3A_1528 = arith.addf %get3A_1524, %get3A_1527 : vector<16xf32>
      %swap3A_1529 = arith.constant 2032 : index
      %swap3A_1530 = tpu.vector_load %arg21[%swap3A_1529] {strides = array<i32>} : memref<2048xf32, #tpu.memory_space<vmem>>, vector<16xf32>,
      %swap3A_1531 = vector.shape_cast %swap3A_1530 : vector<16xf32> to vector<16xf32>
      %swap3A_1532 = vector.shape_cast %add3A_1528 : vector<16xf32> to vector<16xf32>
      tpu.vector_store %arg21[%swap3A_1529], %swap3A_1532 {strides = array<i32>} : memref<2048xf32, #tpu.memory_space<vmem>>, vector<16xf32>,
    }
    %scan3A_116 = arith.constant 15 : i32
    %mul3A_117 = arith.constant 32768 : i32
    %mul3A_118 = arith.muli %arg0, %mul3A_117 : i32
    %mul3A_119 = arith.constant 2048 : i32
    %mul3A_120 = arith.muli %arg1, %mul3A_119 : i32
    %add3A_121 = arith.addi %mul3A_118, %mul3A_120 : i32
    "tpu.region"() ({
      %run_scoped3A_122 = tpu.sem_alloc : memref<!tpu.dma_semaphore, #tpu.memory_space<semaphore_mem>>
      %dma_start3A = tpu.memref_slice %arg8[%add3A_121] : memref<65536xf32, #tpu.memory_space<hbm>> -> memref<2048xf32, #tpu.memory_space<hbm>>
      %dma_start3A_123 = tpu.memref_slice %arg8[%add3A_121] : memref<65536xf32, #tpu.memory_space<hbm>> -> memref<2048xf32, #tpu.memory_space<hbm>>
      tpu.enqueue_dma source(%arg21 : memref<2048xf32, #tpu.memory_space<vmem>>) target(%dma_start3A_123 : memref<2048xf32, #tpu.memory_space<hbm>>) target_semaphore(%run_scoped3A_122 : memref<!tpu.dma_semaphore, #tpu.memory_space<semaphore_mem>>)
      %dma_wait3A = tpu.memref_slice %arg8[%add3A_121] : memref<65536xf32, #tpu.memory_space<hbm>> -> memref<2048xf32, #tpu.memory_space<hbm>>
      %dma_wait3A_124 = tpu.memref_slice %arg8[%add3A_121] : memref<65536xf32, #tpu.memory_space<hbm>> -> memref<2048xf32, #tpu.memory_space<hbm>>
      tpu.wait_dma2 semaphore(%run_scoped3A_122 : memref<!tpu.dma_semaphore, #tpu.memory_space<semaphore_mem>>) src(%arg21 : memref<2048xf32, #tpu.memory_space<vmem>>) dst(%dma_wait3A_124 : memref<2048xf32, #tpu.memory_space<hbm>>)
      tpu.yield
    }) : () -> ()
    return
  }
}

module attributes {stable_mosaic.version = 14 : i64} {
  func.func @_tc1_body(%arg0: memref<10240x128xf32, #tpu.memory_space<vmem>>, %arg1: memref<128x48xf32, #tpu.memory_space<vmem>>, %arg2: memref<1x48xf32, #tpu.memory_space<vmem>>, %arg3: memref<48x16xf32, #tpu.memory_space<vmem>>, %arg4: memref<1x16xf32, #tpu.memory_space<vmem>>, %arg5: memref<1x16xf32, #tpu.memory_space<vmem>>, %arg6: memref<1x16xf32, #tpu.memory_space<vmem>>, %arg7: memref<16x1xf32, #tpu.memory_space<vmem>>, %arg8: memref<1x1xf32, #tpu.memory_space<vmem>>, %arg9: memref<10240x48xf32, #tpu.memory_space<vmem>>, %arg10: memref<10240x1xf32, #tpu.memory_space<vmem>>) attributes {dimension_semantics = [], scalar_prefetch = 0 : i64, scratch_operands = 0 : i64, tpu.core_type = #tpu.core_type<tc>} {
    %get3A = arith.constant 0 : index
    %get3A_0 = arith.constant 0 : index
    %get3A_1 = vector.load %arg1[%get3A, %get3A_0] : memref<128x48xf32, #tpu.memory_space<vmem>>, vector<128x48xf32>
    %get3A_2 = arith.constant 0 : index
    %get3A_3 = arith.constant 0 : index
    %get3A_4 = vector.load %arg2[%get3A_2, %get3A_3] : memref<1x48xf32, #tpu.memory_space<vmem>>, vector<1x48xf32>
    %get3A_5 = arith.constant 0 : index
    %get3A_6 = arith.constant 0 : index
    %get3A_7 = vector.load %arg3[%get3A_5, %get3A_6] : memref<48x16xf32, #tpu.memory_space<vmem>>, vector<48x16xf32>
    %get3A_8 = arith.constant 0 : index
    %get3A_9 = arith.constant 0 : index
    %get3A_10 = vector.load %arg4[%get3A_8, %get3A_9] : memref<1x16xf32, #tpu.memory_space<vmem>>, vector<1x16xf32>
    %broadcast_in_dim3A = arith.constant 0.000000e+00 : f32
    %broadcast_in_dim3A_11 = vector.broadcast %broadcast_in_dim3A : f32 to vector<1x16xf32>
    %broadcast_in_dim3A_12 = arith.constant 0.000000e+00 : f32
    %broadcast_in_dim3A_13 = vector.broadcast %broadcast_in_dim3A_12 : f32 to vector<1x16xf32>
    %scan3A = arith.constant 0 : i32
    %scan3A_14 = arith.constant 10 : i32
    %scan3A_15 = arith.addi %scan3A, %scan3A_14 : i32
    %scan3A_16 = arith.constant 1 : i32
    %scan3A_17:2 = scf.for %scan3A_40 = %scan3A to %scan3A_15 step %scan3A_16 iter_args(%scan3A_41 = %broadcast_in_dim3A_11, %scan3A_42 = %broadcast_in_dim3A_13) -> (vector<1x16xf32>, vector<1x16xf32>)  : i32 {
      %mul3A_43 = arith.constant 1024 : i32
      %mul3A_44 = arith.muli %scan3A_40, %mul3A_43 : i32
      %get3A_45 = arith.index_cast %mul3A_44 : i32 to index
      %get3A_46 = arith.constant 0 : index
      %get3A_47 = vector.load %arg0[%get3A_45, %get3A_46] : memref<10240x128xf32, #tpu.memory_space<vmem>>, vector<1024x128xf32>
      %dot_general3A = arith.constant dense<0.000000e+00> : vector<1024x48xf32>
      %dot_general3A_48 = tpu.matmul %get3A_47, %get3A_1, %dot_general3A {dimension_numbers = #tpu.dot_dimension_numbers<[1], [0], [0], [1], [0, 0, 1, 1], [], []>, transpose_lhs_hint = false} : vector<1024x128xf32>, vector<128x48xf32>, vector<1024x48xf32> -> vector<1024x48xf32>
      %add3A_49 = vector.broadcast %get3A_4 : vector<1x48xf32> to vector<1024x48xf32>
      %add3A_50 = arith.addf %dot_general3A_48, %add3A_49 : vector<1024x48xf32>
      %mul3A_51 = arith.constant 1024 : i32
      %mul3A_52 = arith.muli %scan3A_40, %mul3A_51 : i32
      %swap3A = arith.index_cast %mul3A_52 : i32 to index
      %swap3A_53 = arith.constant 0 : index
      %swap3A_54 = vector.load %arg9[%swap3A, %swap3A_53] : memref<10240x48xf32, #tpu.memory_space<vmem>>, vector<1024x48xf32>
      tpu.vector_store %arg9[%swap3A, %swap3A_53], %add3A_50 {strides = array<i32>} : memref<10240x48xf32, #tpu.memory_space<vmem>>, vector<1024x48xf32>,
      %dot_general3A_55 = arith.constant dense<0.000000e+00> : vector<1024x16xf32>
      %dot_general3A_56 = tpu.matmul %add3A_50, %get3A_7, %dot_general3A_55 {dimension_numbers = #tpu.dot_dimension_numbers<[1], [0], [0], [1], [0, 0, 1, 1], [], []>, transpose_lhs_hint = false} : vector<1024x48xf32>, vector<48x16xf32>, vector<1024x16xf32> -> vector<1024x16xf32>
      %add3A_57 = vector.broadcast %get3A_10 : vector<1x16xf32> to vector<1024x16xf32>
      %add3A_58 = arith.addf %dot_general3A_56, %add3A_57 : vector<1024x16xf32>
      %iota3A = tpu.iota {dimensions = array<i32: 0>} : vector<1024x1xi32>
      %mul3A_59 = arith.constant 1024 : i32
      %mul3A_60 = arith.muli %scan3A_40, %mul3A_59 : i32
      %add3A_61 = vector.broadcast %mul3A_60 : i32 to vector<1024x1xi32>
      %add3A_62 = arith.addi %iota3A, %add3A_61 : vector<1024x1xi32>
      %lt3A = arith.constant 10000 : i32
      %lt3A_63 = vector.broadcast %lt3A : i32 to vector<1024x1xi32>
      %lt3A_64 = arith.cmpi slt, %add3A_62, %lt3A_63 : vector<1024x1xi32>
      %convert_element_type3A = arith.extui %lt3A_64 : vector<1024x1xi1> to vector<1024x1xi32>
      %convert_element_type3A_65 = arith.sitofp %convert_element_type3A : vector<1024x1xi32> to vector<1024x1xf32>
      %mul3A_66 = vector.broadcast %convert_element_type3A_65 : vector<1024x1xf32> to vector<1024x16xf32>
      %mul3A_67 = arith.mulf %add3A_58, %mul3A_66 : vector<1024x16xf32>
      %reduce_sum3A = arith.constant dense<0.000000e+00> : vector<16xf32>
      %reduce_sum3A_68 = vector.multi_reduction <add>, %mul3A_67, %reduce_sum3A [0] : vector<1024x16xf32> to vector<16xf32>
      %broadcast_in_dim3A_69 = vector.shape_cast %reduce_sum3A_68 : vector<16xf32> to vector<1x16xf32>
      %add3A_70 = arith.addf %scan3A_41, %broadcast_in_dim3A_69 : vector<1x16xf32>
      %mul3A_71 = arith.mulf %mul3A_67, %add3A_58 : vector<1024x16xf32>
      %reduce_sum3A_72 = arith.constant dense<0.000000e+00> : vector<16xf32>
      %reduce_sum3A_73 = vector.multi_reduction <add>, %mul3A_71, %reduce_sum3A_72 [0] : vector<1024x16xf32> to vector<16xf32>
      %broadcast_in_dim3A_74 = vector.shape_cast %reduce_sum3A_73 : vector<16xf32> to vector<1x16xf32>
      %add3A_75 = arith.addf %scan3A_42, %broadcast_in_dim3A_74 : vector<1x16xf32>
      scf.yield %add3A_70, %add3A_75 : vector<1x16xf32>, vector<1x16xf32>
    }
    %scan3A_18 = arith.constant 10 : i32
    %div3A = arith.constant 1.000000e+04 : f32
    %div3A_19 = vector.broadcast %div3A : f32 to vector<1x16xf32>
    %div3A_20 = arith.divf %scan3A_17#0, %div3A_19 : vector<1x16xf32>
    %div3A_21 = arith.constant 1.000000e+04 : f32
    %div3A_22 = vector.broadcast %div3A_21 : f32 to vector<1x16xf32>
    %div3A_23 = arith.divf %scan3A_17#1, %div3A_22 : vector<1x16xf32>
    %mul3A = arith.mulf %div3A_20, %div3A_20 : vector<1x16xf32>
    %sub3A = arith.subf %div3A_23, %mul3A : vector<1x16xf32>
    %get3A_24 = arith.constant 0 : index
    %get3A_25 = arith.constant 0 : index
    %get3A_26 = vector.load %arg5[%get3A_24, %get3A_25] : memref<1x16xf32, #tpu.memory_space<vmem>>, vector<1x16xf32>
    %add3A = arith.constant 9.99999974E-6 : f32
    %add3A_27 = vector.broadcast %add3A : f32 to vector<1x16xf32>
    %add3A_28 = arith.addf %sub3A, %add3A_27 : vector<1x16xf32>
    %rsqrt3A = math.rsqrt %add3A_28 : vector<1x16xf32>
    %mul3A_29 = arith.mulf %get3A_26, %rsqrt3A : vector<1x16xf32>
    %get3A_30 = arith.constant 0 : index
    %get3A_31 = arith.constant 0 : index
    %get3A_32 = vector.load %arg6[%get3A_30, %get3A_31] : memref<1x16xf32, #tpu.memory_space<vmem>>, vector<1x16xf32>
    %mul3A_33 = arith.mulf %div3A_20, %mul3A_29 : vector<1x16xf32>
    %sub3A_34 = arith.subf %get3A_32, %mul3A_33 : vector<1x16xf32>
    %scan3A_35 = arith.constant 0 : i32
    %scan3A_36 = arith.constant 10 : i32
    %scan3A_37 = arith.addi %scan3A_35, %scan3A_36 : i32
    %scan3A_38 = arith.constant 1 : i32
    scf.for %scan3A_40 = %scan3A_35 to %scan3A_37 step %scan3A_38  : i32 {
      %mul3A_41 = arith.constant 1024 : i32
      %mul3A_42 = arith.muli %scan3A_40, %mul3A_41 : i32
      %get3A_43 = arith.index_cast %mul3A_42 : i32 to index
      %get3A_44 = arith.constant 0 : index
      %get3A_45 = vector.load %arg9[%get3A_43, %get3A_44] : memref<10240x48xf32, #tpu.memory_space<vmem>>, vector<1024x48xf32>
      %dot_general3A = arith.constant dense<0.000000e+00> : vector<1024x16xf32>
      %dot_general3A_46 = tpu.matmul %get3A_45, %get3A_7, %dot_general3A {dimension_numbers = #tpu.dot_dimension_numbers<[1], [0], [0], [1], [0, 0, 1, 1], [], []>, transpose_lhs_hint = false} : vector<1024x48xf32>, vector<48x16xf32>, vector<1024x16xf32> -> vector<1024x16xf32>
      %add3A_47 = vector.broadcast %get3A_10 : vector<1x16xf32> to vector<1024x16xf32>
      %add3A_48 = arith.addf %dot_general3A_46, %add3A_47 : vector<1024x16xf32>
      %mul3A_49 = vector.broadcast %mul3A_29 : vector<1x16xf32> to vector<1024x16xf32>
      %mul3A_50 = arith.mulf %add3A_48, %mul3A_49 : vector<1024x16xf32>
      %add3A_51 = vector.broadcast %sub3A_34 : vector<1x16xf32> to vector<1024x16xf32>
      %add3A_52 = arith.addf %mul3A_50, %add3A_51 : vector<1024x16xf32>
      %max3A = arith.constant 0.000000e+00 : f32
      %max3A_53 = vector.broadcast %max3A : f32 to vector<1024x16xf32>
      %max3A_54 = arith.maximumf %add3A_52, %max3A_53 : vector<1024x16xf32>
      %get3A_55 = arith.constant 0 : index
      %get3A_56 = arith.constant 0 : index
      %get3A_57 = vector.load %arg7[%get3A_55, %get3A_56] : memref<16x1xf32, #tpu.memory_space<vmem>>, vector<16x1xf32>
      %dot_general3A_58 = arith.constant dense<0.000000e+00> : vector<1024x1xf32>
      %dot_general3A_59 = tpu.matmul %max3A_54, %get3A_57, %dot_general3A_58 {dimension_numbers = #tpu.dot_dimension_numbers<[1], [0], [0], [1], [0, 0, 1, 1], [], []>, transpose_lhs_hint = false} : vector<1024x16xf32>, vector<16x1xf32>, vector<1024x1xf32> -> vector<1024x1xf32>
      %get3A_60 = arith.constant 0 : index
      %get3A_61 = arith.constant 0 : index
      %get3A_62 = vector.load %arg8[%get3A_60, %get3A_61] : memref<1x1xf32, #tpu.memory_space<vmem>>, vector<1x1xf32>
      %add3A_63 = vector.broadcast %get3A_62 : vector<1x1xf32> to vector<1024x1xf32>
      %add3A_64 = arith.addf %dot_general3A_59, %add3A_63 : vector<1024x1xf32>
      %mul3A_65 = arith.constant 1024 : i32
      %mul3A_66 = arith.muli %scan3A_40, %mul3A_65 : i32
      %swap3A = arith.index_cast %mul3A_66 : i32 to index
      %swap3A_67 = arith.constant 0 : index
      %swap3A_68 = vector.load %arg10[%swap3A, %swap3A_67] : memref<10240x1xf32, #tpu.memory_space<vmem>>, vector<1024x1xf32>
      tpu.vector_store %arg10[%swap3A, %swap3A_67], %add3A_64 {strides = array<i32>} : memref<10240x1xf32, #tpu.memory_space<vmem>>, vector<1024x1xf32>,
    }
    %scan3A_39 = arith.constant 10 : i32
    return
  }
}

module attributes {stable_mosaic.version = 14 : i64} {
  func.func @_tc2_body(%arg0: memref<1024x64xf32, #tpu.memory_space<vmem>>, %arg1: memref<1024x16xf32, #tpu.memory_space<vmem>>, %arg2: memref<48x128xf32, #tpu.memory_space<vmem>>, %arg3: memref<1x128xf32, #tpu.memory_space<vmem>>, %arg4: memref<1x128xf32, #tpu.memory_space<vmem>>, %arg5: memref<1x128xf32, #tpu.memory_space<vmem>>, %arg6: memref<128x1xf32, #tpu.memory_space<vmem>>, %arg7: memref<1x1xf32, #tpu.memory_space<vmem>>, %arg8: memref<512x1xf32, #tpu.memory_space<vmem>>) attributes {dimension_semantics = [], scalar_prefetch = 0 : i64, scratch_operands = 0 : i64, tpu.core_type = #tpu.core_type<tc>} {
    %get3A = arith.constant 0 : index
    %get3A_0 = arith.constant 0 : index
    %get3A_1 = vector.load %arg1[%get3A, %get3A_0] : memref<1024x16xf32, #tpu.memory_space<vmem>>, vector<512x1xf32>
    %get3A_2 = arith.constant 512 : index
    %get3A_3 = arith.constant 0 : index
    %get3A_4 = vector.load %arg1[%get3A_2, %get3A_3] : memref<1024x16xf32, #tpu.memory_space<vmem>>, vector<512x1xf32>
    %max3A = arith.maximumf %get3A_1, %get3A_4 : vector<512x1xf32>
    %max3A_5 = arith.constant -1.000000e+30 : f32
    %max3A_6 = vector.broadcast %max3A_5 : f32 to vector<512x1xf32>
    %max3A_7 = arith.maximumf %max3A, %max3A_6 : vector<512x1xf32>
    %sub3A = arith.subf %get3A_1, %max3A_7 : vector<512x1xf32>
    %exp3A = math.exp %sub3A : vector<512x1xf32>
    %sub3A_8 = arith.subf %get3A_4, %max3A_7 : vector<512x1xf32>
    %exp3A_9 = math.exp %sub3A_8 : vector<512x1xf32>
    %get3A_10 = arith.constant 0 : index
    %get3A_11 = arith.constant 0 : index
    %get3A_12 = vector.load %arg0[%get3A_10, %get3A_11] : memref<1024x64xf32, #tpu.memory_space<vmem>>, vector<512x64xf32>
    %mul3A = vector.broadcast %exp3A : vector<512x1xf32> to vector<512x64xf32>
    %mul3A_13 = arith.mulf %get3A_12, %mul3A : vector<512x64xf32>
    %get3A_14 = arith.constant 512 : index
    %get3A_15 = arith.constant 0 : index
    %get3A_16 = vector.load %arg0[%get3A_14, %get3A_15] : memref<1024x64xf32, #tpu.memory_space<vmem>>, vector<512x64xf32>
    %mul3A_17 = vector.broadcast %exp3A_9 : vector<512x1xf32> to vector<512x64xf32>
    %mul3A_18 = arith.mulf %get3A_16, %mul3A_17 : vector<512x64xf32>
    %add3A = arith.addf %mul3A_13, %mul3A_18 : vector<512x64xf32>
    %slice3A = vector.extract_strided_slice %add3A {offsets = [0, 0], sizes = [512, 48], strides = [1, 1]} : vector<512x64xf32> to vector<512x48xf32>
    %slice3A_19 = vector.extract_strided_slice %add3A {offsets = [0, 48], sizes = [512, 1], strides = [1, 1]} : vector<512x64xf32> to vector<512x1xf32>
    %add3A_20 = arith.constant 9.99999982E-14 : f32
    %add3A_21 = vector.broadcast %add3A_20 : f32 to vector<512x1xf32>
    %add3A_22 = arith.addf %slice3A_19, %add3A_21 : vector<512x1xf32>
    %div3A = vector.broadcast %add3A_22 : vector<512x1xf32> to vector<512x48xf32>
    %div3A_23 = arith.divf %slice3A, %div3A : vector<512x48xf32>
    %get3A_24 = arith.constant 0 : index
    %get3A_25 = arith.constant 0 : index
    %get3A_26 = vector.load %arg2[%get3A_24, %get3A_25] : memref<48x128xf32, #tpu.memory_space<vmem>>, vector<48x128xf32>
    %dot_general3A = arith.constant dense<0.000000e+00> : vector<512x128xf32>
    %dot_general3A_27 = tpu.matmul %div3A_23, %get3A_26, %dot_general3A {dimension_numbers = #tpu.dot_dimension_numbers<[1], [0], [0], [1], [0, 0, 1, 1], [], []>, transpose_lhs_hint = false} : vector<512x48xf32>, vector<48x128xf32>, vector<512x128xf32> -> vector<512x128xf32>
    %get3A_28 = arith.constant 0 : index
    %get3A_29 = arith.constant 0 : index
    %get3A_30 = vector.load %arg3[%get3A_28, %get3A_29] : memref<1x128xf32, #tpu.memory_space<vmem>>, vector<1x128xf32>
    %add3A_31 = vector.broadcast %get3A_30 : vector<1x128xf32> to vector<512x128xf32>
    %add3A_32 = arith.addf %dot_general3A_27, %add3A_31 : vector<512x128xf32>
    %iota3A = tpu.iota {dimensions = array<i32: 0>} : vector<512x1xi32>
    %lt3A = arith.constant 500 : i32
    %lt3A_33 = vector.broadcast %lt3A : i32 to vector<512x1xi32>
    %lt3A_34 = arith.cmpi slt, %iota3A, %lt3A_33 : vector<512x1xi32>
    %convert_element_type3A = arith.extui %lt3A_34 : vector<512x1xi1> to vector<512x1xi32>
    %convert_element_type3A_35 = arith.sitofp %convert_element_type3A : vector<512x1xi32> to vector<512x1xf32>
    %mul3A_36 = vector.broadcast %convert_element_type3A_35 : vector<512x1xf32> to vector<512x128xf32>
    %mul3A_37 = arith.mulf %add3A_32, %mul3A_36 : vector<512x128xf32>
    %reduce_sum3A = arith.constant dense<0.000000e+00> : vector<128xf32>
    %reduce_sum3A_38 = vector.multi_reduction <add>, %mul3A_37, %reduce_sum3A [0] : vector<512x128xf32> to vector<128xf32>
    %broadcast_in_dim3A = vector.shape_cast %reduce_sum3A_38 : vector<128xf32> to vector<1x128xf32>
    %div3A_39 = arith.constant 5.000000e+02 : f32
    %div3A_40 = vector.broadcast %div3A_39 : f32 to vector<1x128xf32>
    %div3A_41 = arith.divf %broadcast_in_dim3A, %div3A_40 : vector<1x128xf32>
    %mul3A_42 = arith.mulf %mul3A_37, %add3A_32 : vector<512x128xf32>
    %reduce_sum3A_43 = arith.constant dense<0.000000e+00> : vector<128xf32>
    %reduce_sum3A_44 = vector.multi_reduction <add>, %mul3A_42, %reduce_sum3A_43 [0] : vector<512x128xf32> to vector<128xf32>
    %broadcast_in_dim3A_45 = vector.shape_cast %reduce_sum3A_44 : vector<128xf32> to vector<1x128xf32>
    %div3A_46 = arith.constant 5.000000e+02 : f32
    %div3A_47 = vector.broadcast %div3A_46 : f32 to vector<1x128xf32>
    %div3A_48 = arith.divf %broadcast_in_dim3A_45, %div3A_47 : vector<1x128xf32>
    %mul3A_49 = arith.mulf %div3A_41, %div3A_41 : vector<1x128xf32>
    %sub3A_50 = arith.subf %div3A_48, %mul3A_49 : vector<1x128xf32>
    %sub3A_51 = vector.broadcast %div3A_41 : vector<1x128xf32> to vector<512x128xf32>
    %sub3A_52 = arith.subf %add3A_32, %sub3A_51 : vector<512x128xf32>
    %get3A_53 = arith.constant 0 : index
    %get3A_54 = arith.constant 0 : index
    %get3A_55 = vector.load %arg4[%get3A_53, %get3A_54] : memref<1x128xf32, #tpu.memory_space<vmem>>, vector<1x128xf32>
    %add3A_56 = arith.constant 9.99999974E-6 : f32
    %add3A_57 = vector.broadcast %add3A_56 : f32 to vector<1x128xf32>
    %add3A_58 = arith.addf %sub3A_50, %add3A_57 : vector<1x128xf32>
    %rsqrt3A = math.rsqrt %add3A_58 : vector<1x128xf32>
    %mul3A_59 = arith.mulf %get3A_55, %rsqrt3A : vector<1x128xf32>
    %mul3A_60 = vector.broadcast %mul3A_59 : vector<1x128xf32> to vector<512x128xf32>
    %mul3A_61 = arith.mulf %sub3A_52, %mul3A_60 : vector<512x128xf32>
    %get3A_62 = arith.constant 0 : index
    %get3A_63 = arith.constant 0 : index
    %get3A_64 = vector.load %arg5[%get3A_62, %get3A_63] : memref<1x128xf32, #tpu.memory_space<vmem>>, vector<1x128xf32>
    %add3A_65 = vector.broadcast %get3A_64 : vector<1x128xf32> to vector<512x128xf32>
    %add3A_66 = arith.addf %mul3A_61, %add3A_65 : vector<512x128xf32>
    %max3A_67 = arith.constant 0.000000e+00 : f32
    %max3A_68 = vector.broadcast %max3A_67 : f32 to vector<512x128xf32>
    %max3A_69 = arith.maximumf %add3A_66, %max3A_68 : vector<512x128xf32>
    %abs3A = math.absf %add3A_66 : vector<512x128xf32>
    %neg3A = arith.constant 0.000000e+00 : f32
    %neg3A_70 = vector.broadcast %neg3A : f32 to vector<512x128xf32>
    %neg3A_71 = arith.subf %neg3A_70, %abs3A : vector<512x128xf32>
    %exp3A_72 = math.exp %neg3A_71 : vector<512x128xf32>
    %log1p3A = math.log1p %exp3A_72 : vector<512x128xf32>
    %add3A_73 = arith.addf %max3A_69, %log1p3A : vector<512x128xf32>
    %get3A_74 = arith.constant 0 : index
    %get3A_75 = arith.constant 0 : index
    %get3A_76 = vector.load %arg6[%get3A_74, %get3A_75] : memref<128x1xf32, #tpu.memory_space<vmem>>, vector<128x1xf32>
    %dot_general3A_77 = arith.constant dense<0.000000e+00> : vector<512x1xf32>
    %dot_general3A_78 = tpu.matmul %add3A_73, %get3A_76, %dot_general3A_77 {dimension_numbers = #tpu.dot_dimension_numbers<[1], [0], [0], [1], [0, 0, 1, 1], [], []>, transpose_lhs_hint = false} : vector<512x128xf32>, vector<128x1xf32>, vector<512x1xf32> -> vector<512x1xf32>
    %get3A_79 = arith.constant 0 : index
    %get3A_80 = arith.constant 0 : index
    %get3A_81 = vector.load %arg7[%get3A_79, %get3A_80] : memref<1x1xf32, #tpu.memory_space<vmem>>, vector<1x1xf32>
    %add3A_82 = vector.broadcast %get3A_81 : vector<1x1xf32> to vector<512x1xf32>
    %add3A_83 = arith.addf %dot_general3A_78, %add3A_82 : vector<512x1xf32>
    %swap3A = arith.constant 0 : index
    %swap3A_84 = arith.constant 0 : index
    %swap3A_85 = vector.load %arg8[%swap3A, %swap3A_84] : memref<512x1xf32, #tpu.memory_space<vmem>>, vector<512x1xf32>
    tpu.vector_store %arg8[%swap3A, %swap3A_84], %add3A_83 {strides = array<i32>} : memref<512x1xf32, #tpu.memory_space<vmem>>, vector<512x1xf32>,
    return
  }
}

</mosaic_0001>

<sc_bundles>
// kernel: kernel.5.cloned.1.call-start
scs
__scs_entry_jumppad:
0x0: {  	(pc) =	sbr.rel $0x88, $3  }
0x1: {  	(tag) =	ssettag $0x0;
	lr =	simm.s32 $0x1  }
0x2: {  	[smem:$0x3F90] =	sst lr;
	_ =	strace $0xD0000000  }
0x3: {  	_ = 	snop  }
0x4: {  	_ = 	snop  }
0x5: {  	_ = 	snop  }
0x6: {  	_ = 	snop  }
0x7: {  	_ = 	snop  }
__scs_overlays_trampoline_lowered:
0x8: {  	[smem:$0x3F9F] =	sst s0  }
0x9: {  	[smem:$0x3FA0] =	sst s1  }
0xa: {  	[smem:$0x3FA1] =	sst s2  }
0xb: {  	[smem:$0x3FA2] =	sst s3  }
0xc: {  	[smem:$0x3FA3] =	sst s4  }
0xd: {  	[smem:$0x3FA4] =	sst s5  }
0xe: {  	[smem:$0x3FA5] =	sst s6  }
0xf: {  	[smem:$0x3FA6] =	sst s7  }
0x10: {  	[smem:$0x3FA7] =	sst s8  }
0x11: {  	[smem:$0x3FA8] =	sst s9;
	s0 =	simm.s32 @!p0 $0x0  }
0x12: {  	s1 =	sld [smem:$0x3F8E];
	s0 =	simm.s32 @p0 $0x1  }
0x13: {  	[smem:$0x3FA9] =	sst s0;
	s0 =	simm.s32 @!p1 $0x0  }
0x14: {  	s2 =	sld [smem:$0x3F8D];
	s0 =	simm.s32 @p1 $0x1  }
0x15: {  	[smem:$0x3FAA] =	sst s0;
	s0 =	simm.s32 @!p2 $0x0  }
0x16: {  	s3 =	sld [smem:$0x3FDB];
	s0 =	simm.s32 @p2 $0x1  }
0x17: {  	s4 =	simm.s32 $0x1BF5;
	[smem:$0x3FAC] =	sst s0  }
0x18: {  	s0 =	sld [smem:$0x3F8F];
	_ =	swait.ge [sflag:s4], $0x0  }
0x19: {  	s7 =	sld [smem:$0x3F90]  }
0x1a: {  	s8 =	sadd.s32 $0xFFFFE003, lr  }
0x1b: {  	s9 =	sadd.s32 $0xFFFFFEF7, lr;
	s5 =	simm.s32 $0xFFFFFFFF;
	p2 =	slt.u32 s8, $0xFFFFF086  }
0x1c: {  	p1 =	slt.u32 s9, $0xF7A;
	s5 =	simm.s32 @!p2 $0x0  }
0x1d: {  	s5 =	simm.s32 @p1 $0x1;
	p0 =	seq.s32 s7, s2  }
0x1e: {  	s7 =	smul.u32 @!p0 $0xF7A, s2;
	p2 =	seq.s32 @!p0 s5, $0x0  }
0x1f: {  	s9 =	smul.u32 $0xF7A, s1;
	s8 =	simm.s32 @!p0 $0x1BF5;
	p2 =	por !p2, p0  }
0x20: {  	[sflag:s8] =	ssyncset.s32 @!p0 $0xFFFFF086;
	s6 =	sadd.s32 @!p0 s3, s7;
	s7 =	simm.s32 @!p0 $0x108  }
0x21: {  	s3 =	sadd.s32 s3, s9;
	s6 =	sadd.s32 @!p0 $0x88, s6;
	s7 =	simm.s32 @p2 $0x1082  }
0x22: {  	[simem:s7], [sflag:s8] =	dma.local @!p0 [hbm:s6], $0xF7A  }
0x23: {  	s9 =	sor.u32 $0xD0000000, s2;
	s6 =	simm.s32 $0x108;
	_ =	swait.ge @!p0 [sflag:s8], $0x0  }
0x24: {  	s3 =	sadd.s32 $0x88, s3;
	s6 =	simm.s32 @!p1 $0x1082;
	[sflag:s4] =	ssyncset.s32 $0xFFFFF086  }
0x25: {  	[simem:s6], [sflag:s4] =	dma.local [hbm:s3], $0xF7A  }
0x26: {  	[smem:$0x3F90] =	sst s1;
	(tag) =	ssettag s2;
	_ =	strace s9  }
0x27: {  	s1 =	sld [smem:$0x3FA0]  }
0x28: {  	s2 =	sld [smem:$0x3FA1]  }
0x29: {  	s4 =	sld [smem:$0x3FA3]  }
0x2a: {  	p0 =	seq.s32 s5, $0x0;
	s5 =	sld [smem:$0x3FA4]  }
0x2b: {  	s6 =	sld [smem:$0x3FA5]  }
0x2c: {  	s7 =	sld [smem:$0x3FA6]  }
0x2d: {  	s3 =	simm.s32 $0x108;
	s8 =	sld [smem:$0x3FA7]  }
0x2e: {  	s3 =	simm.s32 @!p0 $0x1082;
	s9 =	sld [smem:$0x3FA8]  }
0x2f: {  	lr =	sadd.s32 s0, s3;
	s0 =	sld [smem:$0x3F9F]  }
0x30: {  	s3 =	sld [smem:$0x3FA2]  }
0x31: {  	[smem:$0x3FAB] =	sst s10  }
0x32: {  	s10 =	sld [smem:$0x3FA9];
	_ =	sdelay $0x3  }
0x33: {  	p0 =	seq.s32 s10, $0x1;
	s10 =	sld [smem:$0x3FAB];
	_ =	sdelay $0x3  }
0x34: {  	[smem:$0x3FAB] =	sst s10  }
0x35: {  	s10 =	sld [smem:$0x3FAA];
	_ =	sdelay $0x3  }
0x36: {  	p1 =	seq.s32 s10, $0x1;
	s10 =	sld [smem:$0x3FAB];
	_ =	sdelay $0x3  }
0x37: {  	[smem:$0x3FAB] =	sst s10  }
0x38: {  	s10 =	sld [smem:$0x3FAC]  }
0x39: {  	_ = 	snop;
	(pc) =	sbr.ind lr, $3  }
0x3a: {  	_ = 	snop  }
0x3b: {  	_ = 	snop  }
0x3c: {  	p2 =	seq.s32 s10, $0x1;
	s10 =	sld [smem:$0x3FAB]  }
0x3d: {  	_ =	shalt  }
0x3e: {  	_ =	shalt  }
0x3f: {  	_ =	shalt  }
0x40: {  	_ =	shalt  }
0x41: {  	_ =	shalt  }
0x42: {  	_ =	shalt  }
0x43: {  	_ =	shalt  }
0x44: {  	_ =	shalt  }
0x45: {  	_ =	shalt  }
0x46: {  	_ =	shalt  }
0x47: {  	_ =	shalt  }
0x48: {  	_ =	shalt  }
0x49: {  	_ =	shalt  }
0x4a: {  	_ =	shalt  }
0x4b: {  	_ =	shalt  }
0x4c: {  	_ =	shalt  }
0x4d: {  	_ =	shalt  }
0x4e: {  	_ =	shalt  }
0x4f: {  	_ =	shalt  }
0x50: {  	_ =	shalt  }
0x51: {  	_ =	shalt  }
0x52: {  	_ =	shalt  }
0x53: {  	_ =	shalt  }
0x54: {  	_ =	shalt  }
0x55: {  	_ =	shalt  }
0x56: {  	_ =	shalt  }
0x57: {  	_ =	shalt  }
0x58: {  	_ =	shalt  }
0x59: {  	_ =	shalt  }
0x5a: {  	_ =	shalt  }
0x5b: {  	_ =	shalt  }
0x5c: {  	_ =	shalt  }
0x5d: {  	_ =	shalt  }
0x5e: {  	_ =	shalt  }
0x5f: {  	_ =	shalt  }
0x60: {  	_ =	shalt  }
0x61: {  	_ =	shalt  }
0x62: {  	_ =	shalt  }
0x63: {  	_ =	shalt  }
0x64: {  	_ =	shalt  }
0x65: {  	_ =	shalt  }
0x66: {  	_ =	shalt  }
0x67: {  	_ =	shalt  }
0x68: {  	_ =	shalt  }
0x69: {  	_ =	shalt  }
0x6a: {  	_ =	shalt  }
0x6b: {  	_ =	shalt  }
0x6c: {  	_ =	shalt  }
0x6d: {  	_ =	shalt  }
0x6e: {  	_ =	shalt  }
0x6f: {  	_ =	shalt  }
0x70: {  	_ =	shalt  }
0x71: {  	_ =	shalt  }
0x72: {  	_ =	shalt  }
0x73: {  	_ =	shalt  }
0x74: {  	_ =	shalt  }
0x75: {  	_ =	shalt  }
0x76: {  	_ =	shalt  }
0x77: {  	_ =	shalt  }
0x78: {  	_ =	shalt  }
0x79: {  	_ =	shalt  }
0x7a: {  	_ =	shalt  }
0x7b: {  	_ =	shalt  }
0x7c: {  	_ =	shalt  }
0x7d: {  	_ =	shalt  }
0x7e: {  	_ =	shalt  }
0x7f: {  	_ =	shalt  }
0x80: {  	_ =	shalt  }
0x81: {  	_ =	shalt  }
0x82: {  	_ =	shalt  }
0x83: {  	_ =	shalt  }
0x84: {  	_ =	shalt  }
0x85: {  	_ =	shalt  }
0x86: {  	_ =	shalt  }
0x87: {  	_ =	shalt  }
.Lfunc_end0:
.L_simem_size_0:
called_computation_lowered:
.L_overlay_start_0:
0x88: {  	s2 =	sld [smem:$0x3FD9]  }
0x89: {  	s3 =	sld [smem:$0x3FFE];
	_ =	sdelay $0x1  }
0x8a: {  	s1 =	srdreg.scid  }
0x8b: {  	s0 =	sand.u32 $0x1, s1  }
0x8c: {  	s16 =	sshll.u32 s0, $0xA;
	s2 =	sadd.s32 s3, s2  }
0x8d: {  	s2 =	sadd.s32 s2, s16  }
0x8e: {  	[smem:$0x3FB7] =	sst s2  }
0x8f: {  	_ = 	snop  }
0x90: {  	(tm) =	ssettm $0x1  }
0x91: {  	s17 =	sld [smem:$0x3FFB];
	_ =	sdelay $0x3  }
0x92: {  	_ =	strace s17  }
0x93: {  	s2 =	sld [smem:$0x3FFC];
	_ =	sdelay $0x3  }
0x94: {  	_ =	strace s2  }
0x95: {  	s2 =	sld [smem:$0x3FFD];
	_ =	sdelay $0x3  }
0x96: {  	_ =	strace s2  }
0x97: {  	_ =	strace $0x8FFFFFFF  }
0x98: {  	s18 =	sld [smem:$0x3FDB];
	_ =	sdelay $0x1  }
0x99: {  	s19 =	simm.s32 $_scs_section_size  }
0x9a: {  	s4 =	simm.s32 $_size__tile_overlayer_lowered;
	s5 =	simm.s32 $_tile_overlayer_lowered  }
0x9b: {  	s22 =	simm.s32 $0x1BFF;
	s21 =	sshll.u32 s5, $0x1;
	s2 =	sadd.s32 s19, s18  }
0x9c: {  	s6 =	simm.s32 $0x0;
	s20 =	sshll.u32 s4, $0x1;
	s4 =	sadd.s32 s21, s2  }
0x9d: {  	[timem:s6], [sflag:s22] =	dma.local [hbm:s4], s20  }
0x9e: {  	_ =	swait.ge [sflag:s22], s20  }
0x9f: {  	s3 =	ssub.s32 $0x0, s20;
	[sflag:s22] =	ssyncset.done $0x0  }
0xa0: {  	[sflag:s22] =	ssyncadd.s32 s3;
	_ =	sdelay $0x1  }
0xa1: {  	s23 =	simm.s32 $0x1B8B  }
0xa2: {  	_ =	swait.ge [sflag:s23], $0x1  }
0xa3: {  	[sflag:s23] =	ssyncset.done $0x0  }
0xa4: {  	s25 =	simm.s32 $0x1B8E;
	s24 =	sld [smem:$0x3FFE];
	[sflag:s23] =	ssyncadd.s32 $0xFFFFFFFF  }
0xa5: {  	s26 =	simm.s32 $execute0_lowered;
	[smem:$0x3FD2] =	sst s25  }
0xa6: {  	s4 =	sshll.u32 s26, $0x1;
	_ =	strace $0x80000046;
	[dreg:$0x1] =	wrdreg $0xFFFFFFFF  }
0xa7: {  	s28 =	simm.s32 $_size_execute0_lowered;
	s2 =	sadd.s32 s2, s4;
	[dreg:$0x0] =	wrdreg $0x0  }
0xa8: {  	s4 =	sshll.u32 s28, $0x1;
	[dreg:$0x2] =	wrdreg s2  }
0xa9: {  	[dreg:$0x3] =	wrdreg s4  }
0xaa: {  	[dreg:$0x4] =	wrdreg $0xC0  }
0xab: {  	_ =	task [dreg:s6], $0x5FFFF  }
0xac: {  	[dreg:$0x1] =	wrdreg $0xFFFFFFFF  }
0xad: {  	[dreg:$0x0] =	wrdreg $0x60  }
0xae: {  	[dreg:$0x2] =	wrdreg s24  }
0xaf: {  	[dreg:$0x3] =	wrdreg $0x115000  }
0xb0: {  	[dreg:$0x4] =	wrdreg $0x135000  }
0xb1: {  	[dreg:$0x5] =	wrdreg $0x137000  }
0xb2: {  	[dreg:$0x6] =	wrdreg $0x9  }
0xb3: {  	_ =	task.clear_ibuf [dreg:s6], $0x7FFFF;
	_ =	strace $0x90000046  }
0xb4: {  	s29 =	simm.s32 $0x9;
	_ =	strace $0x80000048  }
0xb5: {  	_ =	swait.ge [sflag:s29], $0x1  }
0xb6: {  	[sflag:s29] =	ssyncadd.s32 $0xFFFFFFFF  }
0xb7: {  	_ =	strace $0x90000048  }
0xb8: {  	_ =	sfence  }
0xb9: {  	s30 =	sld [smem:$0x0];
	_ =	sdelay $0x2  }
0xba: {  	s31 =	sshll.u32 s1, $0xD;
	s1 =	sshrl.u32 s1, $0x2  }
0xbb: {  	s3 =	sand.u32 $0x4000, s31;
	s1 =	sadd.s32 s1, s30  }
0xbc: {  	s0 =	sor.u32 s3, s0;
	s1 =	sshll.u32 s1, $0x11  }
0xbd: {  	s0 =	sor.u32 s1, s0  }
0xbe: {  	s0 =	sadd.s32 $0x8F2B, s0  }
0xbf: {  	[sflag:s0] =	ssyncadd.remote.s32 $0x1  }
0xc0: {  	_ =	sfence.sel $0xFFFF  }
0xc1: {  	[dreg:$0x0] =	wrdreg $0xFFFFFFFF;
	(pc) =	sbr.abs _section_cstart, $3  }
0xc2: {  	[dreg:$0x1] =	wrdreg $0xFFFFFFFF  }
0xc3: {  	_ =	task.clear_ibuf [dreg:s6], $0x2FFFF;
	_ =	strace $0x9FFFFFFF  }
0xc4: {  	(tm) =	ssettm $0x7FFFFFFF  }
0xc5: {  	_ =	shalt  }
tec
execute0_lowered:
.L_overlay_start_1:
0x0: {  	(tag) =	ssettag $0x1  }
0x1: {  	s0 =	rddreg [dreg:$0x0]  }
0x2: {  	s2 =	rddreg [dreg:$0x1]  }
0x3: {  	s1 =	srdreg.scid;
	s15 =	rddreg [dreg:$0x2]  }
0x4: {  	s13 =	stileid.u32;
	s4 =	rddreg [dreg:$0x3]  }
0x5: {  	s31 =	simm.s32 $0x10500;
	s1 =	sand.u32 $0x1, s1;
	s7 =	sadd.s32 $0x11E00, s0  }
0x6: {  	s29 =	sadd.s32 $0x12E00, s0;
	s30 =	sshll.u32 s13, $0x9;
	s9 =	sshll.u32 s13, $0x8  }
0x7: {  	s17 =	sshll.u32 s13, $0xF;
	s21 =	sshll.u32 s13, $0x7;
	s3 =	sshll.u32 s1, $0x4  }
0x8: {  	s8 =	sshll.u32 s1, $0xD;
	s10 =	ssub.s32 $0x2, s1;
	s11 =	sadd.s32 s9, s0  }
0x9: {  	s20 =	sand.u32 $0x40000, s17;
	s24 =	sadd.s32 s30, s15;
	s26 =	sshll.u32 s1, $0xC  }
0xa: {  	s5 =	sor.u32 s13, s3;
	s3 =	simm.s32 $0x0;
	s8 =	sor.u32 s30, s8  }
0xb: {  	s14 =	sshrl.u32 s10, $0x1;
	s12 =	sshrl.u32 s20, $0x2;
	s6 =	smul.u32 $0x780, s5  }
0xc: {  	s13 =	sshll.u32 s13, $0xE;
	[smem:$0x7FF] =	sst s3;
	s5 =	smul.u32 $0x28, s5  }
0xd: {  	s8 =	sshrl.u32 s8, $0x3;
	s16 =	ssub.s32 s10, s14;
	s14 =	sand.u32 $0x380, s21  }
0xe: {  	s22 =	sadd.s32 s12, s2;
	_ =	strace $0x80000047;
	[dreg:$0x5] =	wrdreg s7  }
0xf: {  	s23 =	sshrl.u32 s13, $0x2;
	s15 =	sadd.s32 s13, s4;
	[dreg:$0x6] =	wrdreg s29  }
0x10: {  	s21 =	simm.s32 $0x400;
	s9 =	sadd.s32 s14, s22;
	[dreg:$0xa] =	wrdreg s24  }
0x11: {  	s29 =	sadd.s32 s20, s4;
	s30 =	smax.u32 s16, $0x1;
	[dreg:$0x9] =	wrdreg s9  }
0x12: {  	s5 =	sadd.s32 s5, s0;
	s1 =	sadd.s32 s14, s29;
	[dreg:$0x10] =	wrdreg s30  }
0x13: {  	s6 =	sadd.s32 s6, s0;
	s18 =	sadd.s32 $0x11800, s5;
	[dreg:$0xe] =	wrdreg s1  }
0x14: {  	s0 =	sadd.s32 s8, s0;
	s19 =	sadd.s32 $0x11200, s5;
	[dreg:$0x7] =	wrdreg s18  }
0x15: {  	s7 =	simm.s32 $0x300;
	s0 =	sadd.s32 $0x15200, s0;
	[dreg:$0x8] =	wrdreg s19  }
0x16: {  	s9 =	sadd.s32 s23, s2;
	s25 =	sadd.s32 $0x10C00, s5;
	[dreg:$0xb] =	wrdreg s0  }
0x17: {  	s28 =	sadd.s32 $0x1C00, s6;
	[dreg:$0xc] =	wrdreg s25;
	s0 =	sadd.s32 s26, s11  }
0x18: {  	s23 =	simm.s32 $0x80;
	[dreg:$0xd] =	wrdreg s28;
	s0 =	sadd.s32 $0x13200, s0  }
0x19: {  	s1 =	simm.s32 $0x0;
	s19 =	simm.s32 $0x1;
	[dreg:$0xf] =	wrdreg s0  }
.LBB2_1:
0x1a: {  	[dreg:$0x11] =	wrdreg s1  }
0x1b: {  	s0 =	rddreg [dreg:$0x6]  }
0x1c: {  	[tilespmem:s7], [sflag:$0x1] =	stream.linear.gather [hbm4b:s0+s3], $0x2000, $0x38;
	[tilespmem:$0x1B700] =	vst v63  }
0x1d: {  	_ =	swait.ge [sflag:s19], $0x2000  }
0x1e: {  	[sflag:s19] =	ssyncset.done $0x0  }
0x1f: {  	s22 =	rddreg [dreg:$0x7];
	[sflag:s19] =	ssyncadd.s32 $0xFFFFE000  }
0x20: {  	[tilespmem:s3], [sflag:$0x1] =	stream.linear.gather [hbm4b:s22+s3], $0x140, $0x38;
	[tilespmem:$0x1B700] =	vst v63  }
0x21: {  	_ =	swait.ge [sflag:s19], $0x140  }
0x22: {  	[sflag:s19] =	ssyncset.done $0x0  }
0x23: {  	s25 =	simm.s32 $0x180;
	s24 =	rddreg [dreg:$0x8];
	[sflag:s19] =	ssyncadd.s32 $0xFFFFFEC0  }
0x24: {  	[tilespmem:s25], [sflag:$0x1] =	stream.linear.gather [hbm4b:s24+s3], $0x140, $0x38;
	[tilespmem:$0x1B700] =	vst v63  }
0x25: {  	_ =	swait.ge [sflag:s19], $0x140  }
0x26: {  	[sflag:s19] =	ssyncset.done $0x0  }
0x27: {  	[sflag:s19] =	ssyncadd.s32 $0xFFFFFEC0  }
0x28: {  	s26 =	simm.s32 $0x0;
	v1 =	vld [tilespmem:$0x0]  }
0x29: {  	v0 =	vld [tilespmem:s26+$0x180];
	_ =	sdelay $0x3  }
0x2a: {  	(v2sf) =	vpush v1, $0x0  }
0x2b: {  	v6 =	vld [tilespmem:s26+$0x0];
	(v2sf) =	vpush v0, $0xE  }
0x2c: {  	(v2sf) =	vpush v0, $0x6  }
0x2d: {  	(v2sf) =	vpush v0, $0x5  }
0x2e: {  	(v2sf) =	vpush v0, $0x3  }
0x2f: {  	(v2sf) =	vpush v0, $0x2  }
0x30: {  	(v2sf) =	vpush v6, $0x4  }
0x31: {  	(v2sf) =	vpush v6, $0x3  }
0x32: {  	(v2sf) =	vpush v6, $0x2  }
0x33: {  	(v2sf) =	vpush v6, $0x0  }
0x34: {  	(v2sf) =	vpush v6, $0x1;
	_ =	sdelay $0x1  }
0x35: {  	(v2sf) =	vpush v0, $0x0  }
0x36: {  	(v2sf) =	vpush v0, $0x1  }
0x37: {  	(v2sf) =	vpush v0, $0x4  }
0x38: {  	s2 =	spop (v2sf);
	(v2sf) =	vpush v0, $0x8  }
0x39: {  	(v2sf) =	vpush v6, $0x8;
	s0 =	spop (v2sf)  }
0x3a: {  	s25 =	spop (v2sf);
	(v2sf) =	vpush v6, $0x9  }
0x3b: {  	s14 =	spop (v2sf);
	(v2sf) =	vpush v0, $0x9  }
0x3c: {  	s17 =	spop (v2sf);
	(v2sf) =	vpush v6, $0x5  }
0x3d: {  	s16 =	spop (v2sf);
	(v2sf) =	vpush v6, $0x6  }
0x3e: {  	s7 =	spop (v2sf)  }
0x3f: {  	s6 =	spop (v2sf)  }
0x40: {  	s4 =	spop (v2sf)  }
0x41: {  	(v2sf) =	vpush v6, $0xB;
	s8 =	spop (v2sf)  }
0x42: {  	s28 =	simm.f32 $-Inf;
	(v2sf) =	vpush v6, $0xA;
	p0 =	seq.s32 s6, s4;
	s11 =	spop (v2sf)  }
0x43: {  	(v2sf) =	vpush v0, $0xA;
	s10 =	sshll.u32 @!p0 s4, $0x6;
	p4 =	seq.s32 s8, s2;
	p5 =	seq.s32 s11, s8  }
0x44: {  	(v2sf) =	vpush v0, $0x7;
	p2 =	seq.s32 s4, s11;
	s22 =	spop (v2sf);
	s2 =	sshll.u32 @!p4 s2, $0x6  }
0x45: {  	(v2sf) =	vpush v6, $0x7;
	s4 =	smax.f32 s28, s22;
	s3 =	spop (v2sf);
	s5 =	sshra.s32 @!p4 s2, $0x2  }
0x46: {  	s2 =	sshll.u32 @!p5 s8, $0x6;
	s22 =	smov.u32 @p4 s4;
	s18 =	spop (v2sf)  }
0x47: {  	s8 =	sshra.s32 @!p5 s2, $0x2;
	s4 =	smax.f32 s22, s3;
	s29 =	spop (v2sf)  }
0x48: {  	(v2sf) =	vpush v0, $0xB;
	s3 =	smov.u32 @p5 s4;
	s4 =	sshll.u32 @!p2 s11, $0x6;
	s2 =	spop (v2sf)  }
0x49: {  	s11 =	sshra.s32 @!p2 s4, $0x2;
	s4 =	spop (v2sf)  }
0x4a: {  	s20 =	simm.s32 $0x40;
	(v2sf) =	vpush v0, $0xC;
	s12 =	smax.f32 s3, s16;
	s26 =	spop (v2sf)  }
0x4b: {  	p1 =	seq.s32 s7, s6;
	s16 =	smov.u32 @p2 s12;
	s1 =	spop (v2sf);
	(v2sf) =	vpush v6, $0xF  }
0x4c: {  	v2 =	vmov @!p2 s3;
	s3 =	simm.s32 @!p0 $0x0;
	s12 =	smax.f32 s16, s17;
	s13 =	spop (v2sf);
	(v2sf) =	vpush v0, $0xD  }
0x4d: {  	s6 =	sshll.u32 @!p1 s6, $0x6;
	s3 =	simm.s32 @p0 $0x1;
	s17 =	smov.u32 @p0 s12;
	(v2sf) =	vpush v6, $0xC  }
0x4e: {  	s10 =	sshra.s32 @!p0 s10, $0x2;
	[smem:$0x7FC] =	sst s3;
	s30 =	smax.f32 s17, s18;
	(v2sf) =	vpush v6, $0xD  }
0x4f: {  	s12 =	sshra.s32 @!p1 s6, $0x2;
	p6 =	seq.s32 s1, s7;
	s18 =	smov.u32 @p1 s30  }
0x50: {  	v1 =	vmov @!p5 s22;
	s30 =	spop (v2sf);
	s22 =	sshll.u32 @!p6 s7, $0x6;
	p3 =	seq.s32 s13, s1;
	(v2sf) =	vpush v6, $0xE  }
0x51: {  	v4 =	vmov @!p1 s17;
	s24 =	smax.f32 s18, s14;
	s6 =	spop (v2sf);
	s17 =	sshll.u32 @!p3 s1, $0x6  }
0x52: {  	s14 =	smov.u32 @p6 s24;
	s7 =	spop (v2sf);
	s24 =	simm.s32 @!p1 $0x0  }
0x53: {  	v3 =	vmov @!p0 s16;
	s3 =	smax.f32 s14, s25;
	s16 =	spop (v2sf);
	s24 =	simm.s32 @p1 $0x1  }
0x54: {  	v5 =	vmov @!p3 s14;
	[smem:$0x7FD] =	sst s24;
	s25 =	smov.u32 @p3 s3;
	s14 =	spop (v2sf)  }
.LBB2_2:
0x55: {  	s1 =	sshra.s32 @!p6 s22, $0x2;
	s3 =	sshra.s32 @!p3 s17, $0x2;
	v6 =	vmov @!p4 s28;
	p1 =	seq.s32 s4, s2  }
0x56: {  	s22 =	smax.f32 s25, s16;
	s24 =	sld [smem:$0x7FC];
	[tilespmem:s5+$0x300] =	vst @!p4 v6;
	p4 =	seq.s32 s14, s13  }
0x57: {  	s17 =	spop (v2sf);
	[tilespmem:s8+$0x300] =	vst @!p5 v1;
	s16 =	smov.u32 @p4 s22;
	p5 =	seq.s32 s2, s14  }
0x58: {  	p0 =	seq.s32 s6, s4;
	[tilespmem:s11+$0x300] =	vst @!p2 v2;
	s11 =	smax.f32 s16, s29;
	v1 =	vmov @!p5 s16;
	s16 =	sld [smem:$0x7FD]  }
0x59: {  	s13 =	sshll.u32 @!p4 s13, $0x6;
	s2 =	sshll.u32 @!p1 s2, $0x6;
	s28 =	spop (v2sf)  }
0x5a: {  	p2 =	seq.s32 s24, $0x1;
	s2 =	sshra.s32 @!p1 s2, $0x2;
	s5 =	spop (v2sf)  }
0x5b: {  	[tilespmem:s10+$0x300] =	vst @!p2 v3;
	s29 =	smov.u32 @p5 s11;
	s8 =	spop (v2sf);
	p2 =	seq.s32 s16, $0x1  }
0x5c: {  	v2 =	vmov @!p6 s18;
	s10 =	sshra.s32 @!p4 s13, $0x2;
	s13 =	smax.f32 s29, s26;
	s22 =	spop (v2sf);
	[tilespmem:s12+$0x300] =	vst @!p2 v4  }
0x5d: {  	s26 =	smov.u32 @p1 s13;
	s11 =	spop (v2sf);
	s12 =	sshll.u32 @!p5 s14, $0x6;
	[tilespmem:s1+$0x300] =	vst @!p6 v2  }
0x5e: {  	(v2sf) =	vpush v0, $0xF;
	v0 =	vmov @!p4 s25;
	p2 =	seq.s32 s11, s22;
	[tilespmem:s3+$0x300] =	vst @!p3 v5;
	s3 =	sshll.u32 @!p0 s4, $0x6;
	s4 =	smax.f32 s26, s7  }
0x5f: {  	s1 =	sshra.s32 @!p5 s12, $0x2;
	s12 =	spop (v2sf);
	[tilespmem:s10+$0x300] =	vst @!p4 v0;
	s7 =	smov.u32 @p0 s4  }
0x60: {  	v3 =	vmov @!p1 s29;
	p3 =	seq.s32 s30, s6;
	[tilespmem:s1+$0x300] =	vst @!p5 v1;
	s1 =	sshra.s32 @!p0 s3, $0x2;
	s4 =	smax.f32 s7, s17  }
0x61: {  	v2 =	vmov @!p0 s26;
	s3 =	sshll.u32 @!p3 s6, $0x6;
	[tilespmem:s2+$0x300] =	vst @!p1 v3;
	s17 =	smov.u32 @p3 s4;
	p1 =	seq.s32 s22, s30  }
0x62: {  	v0 =	vmov @!p3 s7;
	s2 =	sshra.s32 @!p3 s3, $0x2;
	[tilespmem:s1+$0x300] =	vst @!p0 v2;
	s1 =	sshll.u32 @!p1 s30, $0x6;
	s4 =	smax.f32 s17, s28  }
0x63: {  	v1 =	vmov @!p1 s17;
	[tilespmem:s2+$0x300] =	vst @!p3 v0;
	s1 =	sshra.s32 @!p1 s1, $0x2;
	s28 =	smov.u32 @p1 s4;
	s2 =	sshll.u32 @!p2 s22, $0x6  }
0x64: {  	p0 =	seq.s32 s12, s11;
	[tilespmem:s1+$0x300] =	vst @!p1 v1;
	v0 =	vmov @!p2 s28;
	s1 =	sshra.s32 @!p2 s2, $0x2;
	s2 =	smax.f32 s28, s8  }
0x65: {  	[tilespmem:s1+$0x300] =	vst @!p2 v0;
	s8 =	smov.u32 @p2 s2;
	s1 =	sshll.u32 @!p0 s11, $0x6  }
0x66: {  	p1 =	seq.s32 s5, s12;
	v0 =	vmov @!p0 s8;
	s1 =	sshra.s32 @!p0 s1, $0x2;
	s2 =	smax.f32 s8, s0  }
0x67: {  	[tilespmem:s1+$0x300] =	vst @!p0 v0;
	s0 =	smov.u32 @p0 s2;
	s1 =	sshll.u32 @!p1 s12, $0x6  }
0x68: {  	v0 =	vmov @!p1 s0;
	s1 =	sshra.s32 @!p1 s1, $0x2  }
0x69: {  	s18 =	sshra.s32 s20, $0x2;
	[tilespmem:s1+$0x300] =	vst @!p1 v0  }
0x6a: {  	v0 =	vld [tilespmem:s18+$0x180];
	_ =	sdelay $0x4  }
0x6b: {  	s28 =	spop (v2sf);
	v4 =	vld [tilespmem:s18+$0x0];
	(v2sf) =	vpush v0, $0xE  }
0x6c: {  	(v2sf) =	vpush v0, $0x6  }
0x6d: {  	(v2sf) =	vpush v0, $0x5  }
0x6e: {  	(v2sf) =	vpush v0, $0x3  }
0x6f: {  	(v2sf) =	vpush v0, $0x2  }
0x70: {  	(v2sf) =	vpush v4, $0x4  }
0x71: {  	(v2sf) =	vpush v4, $0x3  }
0x72: {  	(v2sf) =	vpush v4, $0x2  }
0x73: {  	(v2sf) =	vpush v4, $0x0  }
0x74: {  	(v2sf) =	vpush v4, $0x1  }
0x75: {  	(v2sf) =	vpush v0, $0x0;
	_ =	sdelay $0x1  }
0x76: {  	(v2sf) =	vpush v0, $0x1  }
0x77: {  	(v2sf) =	vpush v0, $0x4  }
0x78: {  	s0 =	smax.f32 s0, s28  }
0x79: {  	s28 =	smov.u32 @p1 s0;
	(v2sf) =	vpush v0, $0x8;
	s0 =	spop (v2sf)  }
0x7a: {  	(v2sf) =	vpush v4, $0x8;
	s25 =	spop (v2sf)  }
0x7b: {  	(v2sf) =	vpush v4, $0x9;
	s14 =	spop (v2sf)  }
0x7c: {  	s20 =	sadd.s32 $0x40, s20;
	(v2sf) =	vpush v0, $0x9;
	s6 =	spop (v2sf)  }
0x7d: {  	p0 =	sne.s32 s20, $0x500;
	(v2sf) =	vpush v4, $0x5;
	s1 =	spop (v2sf)  }
0x7e: {  	s2 =	simm.s32 @!p0 $0x0;
	(v2sf) =	vpush v4, $0x6;
	s7 =	spop (v2sf)  }
0x7f: {  	s2 =	simm.s32 @p0 $0x1;
	s3 =	spop (v2sf)  }
0x80: {  	[smem:$0x7FB] =	sst s2;
	(v2sf) =	vpush v4, $0xB;
	s2 =	spop (v2sf)  }
0x81: {  	(v2sf) =	vpush v4, $0xA;
	s4 =	spop (v2sf)  }
0x82: {  	s24 =	sld [smem:$0x7FB];
	p0 =	seq.s32 s3, s2;
	s11 =	spop (v2sf)  }
0x83: {  	(v2sf) =	vpush v0, $0xA;
	s10 =	sshll.u32 @!p0 s2, $0x6;
	p2 =	seq.s32 s2, s11;
	s2 =	spop (v2sf)  }
0x84: {  	(v2sf) =	vpush v0, $0x7;
	p4 =	seq.s32 s4, s5;
	p5 =	seq.s32 s11, s4;
	s8 =	smax.f32 s28, s2  }
0x85: {  	(v2sf) =	vpush v4, $0x7;
	s5 =	sshll.u32 @!p4 s5, $0x6;
	s12 =	spop (v2sf);
	s2 =	smov.u32 @p4 s8  }
0x86: {  	s4 =	sshll.u32 @!p5 s4, $0x6;
	s18 =	spop (v2sf);
	v1 =	vmov @!p5 s2;
	s2 =	smax.f32 s2, s12  }
0x87: {  	(v2sf) =	vpush v0, $0xB;
	s8 =	sshra.s32 @!p5 s4, $0x2;
	s4 =	sshll.u32 @!p2 s11, $0x6;
	s12 =	smov.u32 @p5 s2  }
0x88: {  	(v2sf) =	vpush v0, $0xC;
	s29 =	spop (v2sf);
	s11 =	sshra.s32 @!p2 s4, $0x2;
	v2 =	vmov @!p2 s12;
	s12 =	smax.f32 s12, s1  }
0x89: {  	(v2sf) =	vpush v4, $0xF;
	s2 =	spop (v2sf);
	s1 =	smov.u32 @p2 s12;
	s12 =	simm.s32 @!p0 $0x0  }
0x8a: {  	(v2sf) =	vpush v0, $0xD;
	s4 =	spop (v2sf);
	v3 =	vmov @!p0 s1;
	s1 =	smax.f32 s1, s6;
	s12 =	simm.s32 @p0 $0x1  }
0x8b: {  	s10 =	sshra.s32 @!p0 s10, $0x2;
	(v2sf) =	vpush v4, $0xC;
	s26 =	spop (v2sf);
	[smem:$0x7FC] =	sst s12  }
0x8c: {  	(v2sf) =	vpush v4, $0xD;
	s6 =	smov.u32 @p0 s1;
	p0 =	seq.s32 s7, s3;
	s1 =	spop (v2sf)  }
0x8d: {  	(v2sf) =	vpush v4, $0xE;
	v4 =	vmov @!p0 s6;
	s3 =	sshll.u32 @!p0 s3, $0x6;
	s6 =	smax.f32 s6, s18;
	s13 =	spop (v2sf)  }
0x8e: {  	s12 =	sshra.s32 @!p0 s3, $0x2;
	s3 =	simm.s32 @!p0 $0x0;
	s18 =	smov.u32 @p0 s6  }
0x8f: {  	s30 =	spop (v2sf);
	s3 =	simm.s32 @p0 $0x1;
	p0 =	seq.s32 s24, $0x1  }
.Ltmp0:
0x90: {  	s5 =	sshra.s32 @!p4 s5, $0x2;
	s6 =	spop (v2sf);
	(pc) =	sbr.rel @p0 .LBB2_2-.Ltmp0, $4  }
0x91: {  	p6 =	seq.s32 s1, s7;
	[smem:$0x7FD] =	sst s3;
	s3 =	smax.f32 s18, s14  }
0x92: {  	s22 =	sshll.u32 @!p6 s7, $0x6;
	s7 =	spop (v2sf);
	s14 =	smov.u32 @p6 s3  }
0x93: {  	p3 =	seq.s32 s13, s1;
	s16 =	spop (v2sf);
	s3 =	smax.f32 s14, s25  }
0x94: {  	s17 =	sshll.u32 @!p3 s1, $0x6;
	v5 =	vmov @!p3 s14;
	s14 =	spop (v2sf);
	s25 =	smov.u32 @p3 s3  }
0x95: {  	s1 =	smax.f32 s25, s16;
	p1 =	seq.s32 s14, s13  }
0x96: {  	p0 =	seq.s32 s2, s14;
	s16 =	smov.u32 @p1 s1  }
0x97: {  	(v2sf) =	vpush v0, $0xF;
	v0 =	vmov @!p4 s28;
	s20 =	sshra.s32 @!p6 s22, $0x2;
	s28 =	sld [smem:$0x7FC];
	s1 =	smax.f32 s16, s29  }
0x98: {  	s3 =	simm.s32 @!p0 $0x0;
	[tilespmem:s5+$0x300] =	vst @!p4 v0;
	p4 =	seq.s32 s6, s4;
	s29 =	smov.u32 @p0 s1  }
0x99: {  	s3 =	simm.s32 @p0 $0x1;
	p0 =	seq.s32 s4, s2;
	s1 =	smax.f32 s29, s26  }
0x9a: {  	[tilespmem:s8+$0x300] =	vst @!p5 v1;
	s8 =	sshra.s32 @!p3 s17, $0x2;
	[smem:$0x7F9] =	sst s3;
	s26 =	smov.u32 @p0 s1  }
0x9b: {  	p5 =	seq.s32 s28, $0x1;
	s3 =	simm.s32 @!p0 $0x0;
	s22 =	smax.f32 s26, s7  }
0x9c: {  	s3 =	simm.s32 @p0 $0x1;
	s7 =	smov.u32 @p4 s22;
	s22 =	sld [smem:$0x7FD]  }
0x9d: {  	[tilespmem:s11+$0x300] =	vst @!p2 v2;
	s4 =	sshll.u32 @!p4 s4, $0x6;
	[smem:$0x7FA] =	sst s3;
	s3 =	spop (v2sf)  }
0x9e: {  	[tilespmem:s10+$0x300] =	vst @!p5 v3;
	s10 =	sshll.u32 @!p1 s13, $0x6;
	s24 =	sld [smem:$0x7F9];
	s1 =	spop (v2sf)  }
0x9f: {  	p0 =	seq.s32 s30, s6;
	s5 =	spop (v2sf);
	p2 =	seq.s32 s22, $0x1  }
0xa0: {  	v0 =	vmov @!p6 s18;
	s10 =	sshra.s32 @!p1 s10, $0x2;
	s17 =	smax.f32 s7, s3;
	s11 =	spop (v2sf);
	[tilespmem:s12+$0x300] =	vst @!p2 v4  }
0xa1: {  	s3 =	smov.u32 @p0 s17;
	s13 =	spop (v2sf);
	[tilespmem:s20+$0x300] =	vst @!p6 v0;
	v0 =	vmov @!p1 s25;
	s25 =	sld [smem:$0x7FA]  }
0xa2: {  	s6 =	sshll.u32 @!p0 s6, $0x6;
	s12 =	smax.f32 s3, s1;
	p5 =	seq.s32 s13, s30  }
0xa3: {  	s1 =	smov.u32 @p5 s12;
	s12 =	spop (v2sf);
	p6 =	seq.s32 s24, $0x1;
	[tilespmem:s8+$0x300] =	vst @!p3 v5  }
0xa4: {  	s14 =	sshll.u32 @!p6 s14, $0x6;
	p2 =	seq.s32 s12, s13;
	[tilespmem:s10+$0x300] =	vst @!p1 v0;
	p1 =	seq.s32 s25, $0x1  }
0xa5: {  	v1 =	vmov @!p6 s16;
	s8 =	sshra.s32 @!p6 s14, $0x2;
	s14 =	smax.f32 s1, s11;
	s2 =	sshll.u32 @!p1 s2, $0x6  }
0xa6: {  	s10 =	spop (v2sf);
	s11 =	smov.u32 @p2 s14;
	[tilespmem:s8+$0x300] =	vst @!p6 v1;
	v0 =	vmov @!p1 s29;
	s2 =	sshra.s32 @!p1 s2, $0x2  }
0xa7: {  	v1 =	vmov @!p4 s26;
	[tilespmem:s2+$0x300] =	vst @!p1 v0;
	s2 =	sshra.s32 @!p4 s4, $0x2;
	s4 =	sshra.s32 @!p0 s6, $0x2;
	s6 =	sshll.u32 @!p5 s30, $0x6  }
0xa8: {  	v0 =	vmov @!p0 s7;
	p1 =	seq.s32 s10, s12;
	[tilespmem:s2+$0x300] =	vst @!p4 v1;
	s2 =	sshra.s32 @!p5 s6, $0x2;
	s6 =	sshll.u32 @!p2 s13, $0x6  }
0xa9: {  	[tilespmem:s4+$0x300] =	vst @!p0 v0;
	v0 =	vmov @!p5 s3;
	s3 =	sshra.s32 @!p2 s6, $0x2;
	s4 =	sshll.u32 @!p1 s12, $0x6;
	s6 =	smax.f32 s11, s0  }
0xaa: {  	p0 =	seq.s32 s5, s10;
	[tilespmem:s2+$0x300] =	vst @!p5 v0;
	v0 =	vmov @!p2 s1;
	s0 =	smov.u32 @p1 s6;
	s1 =	spop (v2sf)  }
0xab: {  	s2 =	sshra.s32 @!p1 s4, $0x2;
	[tilespmem:s3+$0x300] =	vst @!p2 v0;
	v0 =	vmov @!p1 s11;
	s3 =	sshll.u32 @!p0 s10, $0x6;
	s4 =	smax.f32 s0, s1  }
0xac: {  	s28 =	sshll.u32 s5, $0x6;
	[tilespmem:s2+$0x300] =	vst @!p1 v0;
	v0 =	vmov @!p0 s0;
	s1 =	smov.u32 @p0 s4;
	s0 =	sshra.s32 @!p0 s3, $0x2  }
0xad: {  	s29 =	sshra.s32 s28, $0x2;
	[tilespmem:s0+$0x300] =	vst @!p0 v0;
	v63 =	vmov s1  }
0xae: {  	s30 =	rddreg [dreg:$0x9];
	s7 =	simm.s32 $0x300;
	s0 =	simm.s32 $0x80;
	[tilespmem:s29+$0x300] =	vst v63  }
0xaf: {  	[spmem:s30] =	stream.strided.scatter [tilespmem:s7], [sflag:$0x1], $0x2000, s21, s0, $0x38;
	[tilespmem:$0x1B700] =	vst v63  }
0xb0: {  	_ =	swait.ge [sflag:s19], $0x2000  }
0xb1: {  	[sflag:s19] =	ssyncset.done $0x0  }
0xb2: {  	[sflag:s19] =	ssyncadd.s32 $0xFFFFE000  }
0xb3: {  	s4 =	simm.s32 $0x2500;
	[bflag:$0x0] =	sbarrier.arrive $0xFFFF  }
0xb4: {  	[tilespmem:s4], [sflag:$0x1] =	stream.strided.gather [spmem:s9], $0x200, s21, s0, $0x38;
	[tilespmem:$0x1B700] =	vst v63  }
0xb5: {  	_ =	swait.ge [sflag:s19], $0x200  }
0xb6: {  	[sflag:s19] =	ssyncset.done $0x0  }
0xb7: {  	s5 =	simm.s32 $0x2300;
	s2 =	simm.s32 $0x2000;
	[sflag:s19] =	ssyncadd.s32 $0xFFFFFE00  }
.LBB2_4:
0xb8: {  	s1 =	sand.u32 $0x10000, s2  }
0xb9: {  	s3 =	sand.u32 $0x380, s0;
	s1 =	sadd.s32 s1, s9  }
0xba: {  	s1 =	sadd.s32 s3, s1  }
0xbb: {  	[tilespmem:s5], [sflag:$0x1] =	stream.strided.gather [spmem:s1], $0x200, s21, s23, $0x38;
	[tilespmem:$0x1B700] =	vst v63  }
0xbc: {  	_ =	swait.ge [sflag:s19], $0x200  }
0xbd: {  	[sflag:s19] =	ssyncset.done $0x0  }
0xbe: {  	[sflag:s19] =	ssyncadd.s32 $0xFFFFFE00  }
0xbf: {  	v0 =	vld [tilespmem:$0x2500]  }
0xc0: {  	v1 =	vld [tilespmem:$0x2300]  }
0xc1: {  	v2 =	vld [tilespmem:$0x2510]  }
0xc2: {  	v3 =	vld [tilespmem:$0x2310]  }
0xc3: {  	v4 =	vld [tilespmem:$0x2520]  }
0xc4: {  	v5 =	vld [tilespmem:$0x2320]  }
0xc5: {  	v6 =	vld [tilespmem:$0x2530]  }
0xc6: {  	v7 =	vld [tilespmem:$0x2330]  }
0xc7: {  	v8 =	vld [tilespmem:$0x2540]  }
0xc8: {  	v9 =	vld [tilespmem:$0x2340]  }
0xc9: {  	v10 =	vld [tilespmem:$0x2550]  }
0xca: {  	v11 =	vld [tilespmem:$0x2350]  }
0xcb: {  	v12 =	vld [tilespmem:$0x2560]  }
0xcc: {  	v13 =	vld [tilespmem:$0x2360]  }
0xcd: {  	v14 =	vld [tilespmem:$0x2570]  }
0xce: {  	v15 =	vld [tilespmem:$0x2370]  }
0xcf: {  	v16 =	vld [tilespmem:$0x2580]  }
0xd0: {  	v17 =	vld [tilespmem:$0x2380]  }
0xd1: {  	v18 =	vld [tilespmem:$0x2590]  }
0xd2: {  	v19 =	vld [tilespmem:$0x2390]  }
0xd3: {  	v20 =	vld [tilespmem:$0x25A0]  }
0xd4: {  	v21 =	vld [tilespmem:$0x23A0]  }
0xd5: {  	v22 =	vld [tilespmem:$0x25B0]  }
0xd6: {  	v23 =	vld [tilespmem:$0x23B0]  }
0xd7: {  	v24 =	vld [tilespmem:$0x25C0]  }
0xd8: {  	v25 =	vld [tilespmem:$0x23C0]  }
0xd9: {  	v26 =	vld [tilespmem:$0x25D0]  }
0xda: {  	v27 =	vld [tilespmem:$0x23D0]  }
0xdb: {  	v28 =	vld [tilespmem:$0x25E0]  }
0xdc: {  	v29 =	vld [tilespmem:$0x23E0]  }
0xdd: {  	v30 =	vld [tilespmem:$0x25F0]  }
0xde: {  	v31 =	vld [tilespmem:$0x23F0]  }
0xdf: {  	v32 =	vld [tilespmem:$0x2600]  }
0xe0: {  	v33 =	vld [tilespmem:$0x2400]  }
0xe1: {  	v34 =	vld [tilespmem:$0x2610]  }
0xe2: {  	v35 =	vld [tilespmem:$0x2410]  }
0xe3: {  	v36 =	vld [tilespmem:$0x2620]  }
0xe4: {  	v45 =	vld [tilespmem:$0x2420];
	v0 =	vmax.f32 v0, v1  }
0xe5: {  	v47 =	vld [tilespmem:$0x2630];
	v46 =	vmax.f32 v2, v3;
	[tilespmem:$0x2500] =	vst v0  }
0xe6: {  	v49 =	vld [tilespmem:$0x2430];
	v48 =	vmax.f32 v4, v5;
	[tilespmem:$0x2510] =	vst v46  }
0xe7: {  	v51 =	vld [tilespmem:$0x2640];
	v50 =	vmax.f32 v6, v7;
	[tilespmem:$0x2520] =	vst v48  }
0xe8: {  	v53 =	vld [tilespmem:$0x2440];
	v52 =	vmax.f32 v8, v9;
	[tilespmem:$0x2530] =	vst v50  }
0xe9: {  	v55 =	vld [tilespmem:$0x2650];
	v54 =	vmax.f32 v10, v11;
	[tilespmem:$0x2540] =	vst v52  }
0xea: {  	v57 =	vld [tilespmem:$0x2450];
	v56 =	vmax.f32 v12, v13;
	[tilespmem:$0x2550] =	vst v54  }
0xeb: {  	v59 =	vld [tilespmem:$0x2660];
	v58 =	vmax.f32 v14, v15;
	[tilespmem:$0x2560] =	vst v56  }
0xec: {  	v61 =	vld [tilespmem:$0x2460];
	v60 =	vmax.f32 v16, v17;
	[tilespmem:$0x2570] =	vst v58  }
0xed: {  	v63 =	vld [tilespmem:$0x2670];
	v62 =	vmax.f32 v18, v19;
	[tilespmem:$0x2580] =	vst v60  }
0xee: {  	v38 =	vld [tilespmem:$0x24A0];
	v20 =	vmax.f32 v20, v21;
	[tilespmem:$0x2590] =	vst v62  }
0xef: {  	v40 =	vld [tilespmem:$0x26B0];
	v22 =	vmax.f32 v22, v23;
	[tilespmem:$0x25A0] =	vst v20  }
0xf0: {  	v42 =	vld [tilespmem:$0x24B0];
	v24 =	vmax.f32 v24, v25;
	[tilespmem:$0x25B0] =	vst v22  }
0xf1: {  	v44 =	vld [tilespmem:$0x26C0];
	v26 =	vmax.f32 v26, v27;
	[tilespmem:$0x25C0] =	vst v24  }
0xf2: {  	v21 =	vld [tilespmem:$0x2470];
	v28 =	vmax.f32 v28, v29;
	[tilespmem:$0x25D0] =	vst v26  }
0xf3: {  	v23 =	vld [tilespmem:$0x2680];
	v30 =	vmax.f32 v30, v31;
	[tilespmem:$0x25E0] =	vst v28  }
0xf4: {  	v25 =	vld [tilespmem:$0x2480];
	v37 =	vmax.f32 v32, v33;
	[tilespmem:$0x25F0] =	vst v30  }
0xf5: {  	v27 =	vld [tilespmem:$0x2690];
	v39 =	vmax.f32 v34, v35;
	[tilespmem:$0x2600] =	vst v37  }
0xf6: {  	v29 =	vld [tilespmem:$0x2490];
	v41 =	vmax.f32 v36, v45;
	[tilespmem:$0x2610] =	vst v39  }
0xf7: {  	v31 =	vld [tilespmem:$0x26A0];
	v43 =	vmax.f32 v47, v49;
	[tilespmem:$0x2620] =	vst v41  }
0xf8: {  	v45 =	vmax.f32 v51, v53;
	[tilespmem:$0x2630] =	vst v43;
	v46 =	vld [tilespmem:$0x24C0]  }
0xf9: {  	v47 =	vmax.f32 v55, v57;
	[tilespmem:$0x2640] =	vst v45;
	v48 =	vld [tilespmem:$0x26D0]  }
0xfa: {  	v49 =	vmax.f32 v59, v61;
	[tilespmem:$0x2650] =	vst v47;
	v50 =	vld [tilespmem:$0x24D0]  }
0xfb: {  	v59 =	vmax.f32 v40, v42;
	[tilespmem:$0x2660] =	vst v49;
	v52 =	vld [tilespmem:$0x26E0]  }
0xfc: {  	v54 =	vld [tilespmem:$0x24E0];
	[tilespmem:$0x26B0] =	vst v59;
	v51 =	vmax.f32 v63, v21  }
0xfd: {  	v56 =	vld [tilespmem:$0x26F0];
	v53 =	vmax.f32 v23, v25;
	[tilespmem:$0x2670] =	vst v51  }
0xfe: {  	v58 =	vld [tilespmem:$0x24F0];
	v55 =	vmax.f32 v27, v29;
	[tilespmem:$0x2680] =	vst v53  }
0xff: {  	p0 =	sne.s32 s2, $0x1E000;
	v57 =	vmax.f32 v31, v38;
	[tilespmem:$0x2690] =	vst v55  }
.Ltmp1:
0x100: {  	[tilespmem:$0x26A0] =	vst v57;
	v60 =	vmax.f32 v44, v46;
	(pc) =	sbr.rel @p0 .LBB2_4-.Ltmp1, $4  }
0x101: {  	v61 =	vmax.f32 v48, v50;
	[tilespmem:$0x26C0] =	vst v60  }
0x102: {  	v62 =	vmax.f32 v52, v54;
	[tilespmem:$0x26D0] =	vst v61  }
0x103: {  	v63 =	vmax.f32 v56, v58;
	[tilespmem:$0x26E0] =	vst v62  }
0x104: {  	s0 =	sadd.s32 $0x80, s0;
	s2 =	sadd.s32 $0x2000, s2;
	[tilespmem:$0x26F0] =	vst v63  }
0x105: {  	s0 =	rddreg [dreg:$0xa]  }
0x106: {  	[spmem:s0] =	stream.linear.scatter [tilespmem:s4], [sflag:$0x1], $0x200, $0x38;
	[tilespmem:$0x1B700] =	vst v63  }
0x107: {  	_ =	swait.ge [sflag:s19], $0x200  }
0x108: {  	[sflag:s19] =	ssyncset.done $0x0  }
0x109: {  	s0 =	simm.s32 $0x0;
	s1 =	rddreg [dreg:$0xb];
	[sflag:s19] =	ssyncadd.s32 $0xFFFFFE00  }
0x10a: {  	[hbm4b:s1+s0] =	stream.linear.scatter [tilespmem:s4], [sflag:$0x1], $0x200, $0x38;
	[tilespmem:$0x1B700] =	vst v63  }
0x10b: {  	_ =	swait.ge [sflag:s19], $0x200  }
0x10c: {  	[sflag:s19] =	ssyncset.done $0x0  }
0x10d: {  	[sflag:s19] =	ssyncadd.s32 $0xFFFFFE00  }
0x10e: {  	[bflag:$0x0] =	sbarrier.arrive $0xFFFF  }
0x10f: {  	s2 =	simm.s32 $0x2700;
	s24 =	rddreg [dreg:$0x2]  }
0x110: {  	[tilespmem:s2], [sflag:$0x1] =	stream.linear.gather [spmem:s24], $0x2000, $0x38;
	[tilespmem:$0x1B700] =	vst v63  }
0x111: {  	_ =	swait.ge [sflag:s19], $0x2000  }
0x112: {  	[sflag:s19] =	ssyncset.done $0x0  }
0x113: {  	s8 =	simm.s32 $0x8500;
	s25 =	rddreg [dreg:$0x5];
	[sflag:s19] =	ssyncadd.s32 $0xFFFFE000  }
0x114: {  	[tilespmem:s8], [sflag:$0x1] =	stream.linear.gather [hbm4b:s25+s0], $0x8000, $0x38;
	[tilespmem:$0x1B700] =	vst v63  }
0x115: {  	_ =	swait.ge [sflag:s19], $0x8000  }
0x116: {  	[sflag:s19] =	ssyncset.done $0x0  }
0x117: {  	s28 =	simm.s32 $0x4700;
	s26 =	rddreg [dreg:$0xc];
	[sflag:s19] =	ssyncadd.s32 $0xFFFF8000  }
0x118: {  	[tilespmem:s28], [sflag:$0x1] =	stream.linear.gather [hbm4b:s26+s0], $0x140, $0x38;
	[tilespmem:$0x1B700] =	vst v63  }
0x119: {  	_ =	swait.ge [sflag:s19], $0x140  }
0x11a: {  	[sflag:s19] =	ssyncset.done $0x0  }
0x11b: {  	s30 =	simm.s32 $0x4880;
	s29 =	rddreg [dreg:$0xd];
	[sflag:s19] =	ssyncadd.s32 $0xFFFFFEC0  }
0x11c: {  	[tilespmem:s30], [sflag:$0x1] =	stream.linear.gather [hbm4b:s29+s0], $0x3C00, $0x38;
	[tilespmem:$0x1B700] =	vst v63  }
0x11d: {  	_ =	swait.ge [sflag:s19], $0x3C00  }
0x11e: {  	[sflag:s19] =	ssyncset.done $0x0  }
0x11f: {  	[sflag:s19] =	ssyncadd.s32 $0xFFFFC400  }
0x120: {  	v0 =	vld [tilespmem:$0x0];
	_ =	sdelay $0x4  }
0x121: {  	(v2sf) =	vpush v0, $0x0;
	_ =	sdelay $0xa  }
0x122: {  	v3 =	vimm.f32 $0.0e+00  }
0x123: {  	[tilespmem:$0x8480] =	vst v3  }
0x124: {  	[tilespmem:$0x8490] =	vst v3  }
0x125: {  	[tilespmem:$0x84A0] =	vst v3  }
0x126: {  	s20 =	simm.s32 $0x4A00;
	v5 =	vimm.f32 $0.0e+00;
	v6 =	vimm.f32 $0.0e+00;
	v4 =	vimm.f32 $0.0e+00;
	[tilespmem:$0x84B0] =	vst v3;
	s2 =	spop (v2sf)  }
.LBB2_6:
0x127: {  	s1 =	sshra.s32 s0, $0x2  }
0x128: {  	v2 =	vld [tilespmem:s1+$0x0];
	_ =	sdelay $0x4  }
0x129: {  	(v2sf) =	vpush v2, $0x0;
	_ =	sdelay $0x6  }
0x12a: {  	(v2sf) =	vpush v2, $0x1;
	_ =	sdelay $0x7  }
0x12b: {  	s3 =	spop (v2sf)  }
0x12c: {  	v1 =	vld [tilespmem:s1+$0x180];
	s4 =	sshll.u32 s3, $0x6  }
0x12d: {  	v8 =	vld [tilespmem:s20+$0xFFFFFE80];
	s12 =	sshra.s32 s4, $0x2  }
0x12e: {  	p0 =	seq.s32 s3, s2;
	v7 =	vld [tilespmem:s12+$0x2700]  }
0x12f: {  	v0 =	vld [tilespmem:s1+$0x4700];
	s1 =	sshll.u32 @!p0 s2, $0x8  }
0x130: {  	v9 =	vld [tilespmem:s20+$0xFFFFFE90];
	s1 =	sshra.s32 @!p0 s1, $0x2  }
0x131: {  	v11 =	vld [tilespmem:s20+$0xFFFFFEA0];
	v10 =	vbroadcast v1, $0x0;
	[tilespmem:s1+$0x8500] =	vst @!p0 v4  }
0x132: {  	s6 =	spop (v2sf);
	[tilespmem:s1+$0x8510] =	vst @!p0 v6  }
0x133: {  	s2 =	sshll.u32 s6, $0x6;
	[tilespmem:s1+$0x8520] =	vst @!p0 v5;
	v7 =	vsub.f32 v10, v7  }
0x134: {  	s13 =	sshra.s32 s2, $0x2;
	[tilespmem:s1+$0x8530] =	vst @!p0 v3  }
0x135: {  	v51 =	vld [tilespmem:s13+$0x2700];
	v7 =	vmul.f32 $1.442695020e+00, v7;
	_ =	sdelay $0x1  }
0x136: {  	(erf) = vpow2.f32 v7  }
0x137: {  	(v2sf) =	vpush v2, $0x2;
	v7 =	vbroadcast v1, $0x1;
	_ =	sdelay $0x1  }
0x138: {  	v7 =	vsub.f32 v7, v51;
	_ =	sdelay $0x1  }
0x139: {  	v7 =	vmul.f32 $1.442695020e+00, v7;
	_ =	sdelay $0x1  }
0x13a: {  	(erf) = vpow2.f32 v7  }
0x13b: {  	v52 =	vbroadcast v0, $0x0;
	(v2sf) =	vpush v2, $0x3  }
0x13c: {  	s1 =	simm.f32 @!p0 $0.0e+00;
	v7 =	vpop (erf)  }
0x13d: {  	s1 =	simm.f32 @p0 $1.000000000e+00;
	v7 =	vmul.f32 v7, v52  }
0x13e: {  	v3 =	vmul.f32 s1, v3  }
0x13f: {  	v4 =	vmul.f32 s1, v4;
	v8 =	vmul.f32 v7, v8  }
0x140: {  	v53 =	vld [tilespmem:s20+$0xFFFFFEB0];
	v6 =	vmul.f32 s1, v6;
	v9 =	vmul.f32 v7, v9;
	v3 =	vadd.f32 v3, v7  }
0x141: {  	v54 =	vld [tilespmem:s20+$0xFFFFFED0];
	p0 =	seq.s32 s6, s3;
	v5 =	vmul.f32 s1, v5;
	v11 =	vmul.f32 v7, v11;
	v4 =	vadd.f32 v4, v8  }
0x142: {  	v55 =	vbroadcast v0, $0x1;
	s3 =	simm.f32 @!p0 $0.0e+00;
	v8 =	vld [tilespmem:s20+$0xFFFFFEC0];
	v6 =	vadd.f32 v6, v9;
	[tilespmem:s4+$0x8530] =	vst @!p0 v3  }
0x143: {  	s3 =	simm.f32 @p0 $1.000000000e+00;
	s14 =	spop (v2sf);
	v5 =	vadd.f32 v5, v11;
	v7 =	vpop (erf);
	[tilespmem:s4+$0x8500] =	vst @!p0 v4  }
0x144: {  	s5 =	sshll.u32 s14, $0x6;
	v3 =	vmul.f32 s3, v3;
	[tilespmem:s4+$0x8510] =	vst @!p0 v6;
	v7 =	vmul.f32 v7, v55  }
0x145: {  	s16 =	sshra.s32 s5, $0x2;
	[tilespmem:s4+$0x8520] =	vst @!p0 v5;
	v4 =	vmul.f32 s3, v4;
	v6 =	vmul.f32 s3, v6  }
0x146: {  	v5 =	vmul.f32 s3, v5;
	v56 =	vld [tilespmem:s16+$0x2700];
	v10 =	vmul.f32 v7, v53  }
0x147: {  	v12 =	vld [tilespmem:s20+$0xFFFFFEE0];
	v9 =	vmul.f32 v7, v54;
	v3 =	vadd.f32 v3, v7;
	v8 =	vmul.f32 v7, v8  }
0x148: {  	p0 =	seq.s32 s14, s6;
	v57 =	vld [tilespmem:s20+$0xFFFFFEF0];
	v4 =	vadd.f32 v4, v10  }
0x149: {  	v13 =	vld [tilespmem:s20+$0xFFFFFF00];
	v5 =	vadd.f32 v5, v9;
	[tilespmem:s2+$0x8530] =	vst @!p0 v3;
	v6 =	vadd.f32 v6, v8;
	v8 =	vbroadcast v1, $0x2  }
0x14a: {  	s17 =	spop (v2sf);
	[tilespmem:s2+$0x8500] =	vst @!p0 v4  }
0x14b: {  	s4 =	sshll.u32 s17, $0x6;
	[tilespmem:s2+$0x8520] =	vst @!p0 v5;
	v7 =	vsub.f32 v8, v56  }
0x14c: {  	s18 =	sshra.s32 s4, $0x2;
	[tilespmem:s2+$0x8510] =	vst @!p0 v6  }
0x14d: {  	v8 =	vld [tilespmem:s18+$0x2700];
	v7 =	vmul.f32 $1.442695020e+00, v7;
	_ =	sdelay $0x1  }
0x14e: {  	(erf) = vpow2.f32 v7  }
0x14f: {  	(v2sf) =	vpush v2, $0x4;
	v7 =	vbroadcast v1, $0x3;
	_ =	sdelay $0x1  }
0x150: {  	v7 =	vsub.f32 v7, v8;
	_ =	sdelay $0x1  }
0x151: {  	v7 =	vmul.f32 $1.442695020e+00, v7;
	_ =	sdelay $0x1  }
0x152: {  	(erf) = vpow2.f32 v7  }
0x153: {  	(v2sf) =	vpush v2, $0x5;
	v8 =	vbroadcast v0, $0x2  }
0x154: {  	s2 =	simm.f32 @!p0 $0.0e+00;
	v7 =	vpop (erf)  }
0x155: {  	s2 =	simm.f32 @p0 $1.000000000e+00;
	v7 =	vmul.f32 v7, v8  }
0x156: {  	v3 =	vmul.f32 s2, v3  }
0x157: {  	v4 =	vmul.f32 s2, v4;
	v8 =	vmul.f32 v7, v12  }
0x158: {  	v59 =	vld [tilespmem:s20+$0xFFFFFF10];
	v6 =	vmul.f32 s2, v6;
	v58 =	vmul.f32 v7, v57;
	v3 =	vadd.f32 v3, v7  }
0x159: {  	v61 =	vld [tilespmem:s20+$0xFFFFFF30];
	p0 =	seq.s32 s17, s14;
	v5 =	vmul.f32 s2, v5;
	v60 =	vmul.f32 v7, v13;
	v4 =	vadd.f32 v4, v8  }
0x15a: {  	v62 =	vbroadcast v0, $0x3;
	s2 =	simm.f32 @!p0 $0.0e+00;
	v8 =	vld [tilespmem:s20+$0xFFFFFF20];
	v6 =	vadd.f32 v6, v58;
	[tilespmem:s5+$0x8530] =	vst @!p0 v3  }
0x15b: {  	s22 =	spop (v2sf);
	s2 =	simm.f32 @p0 $1.000000000e+00;
	v5 =	vadd.f32 v5, v60;
	v7 =	vpop (erf);
	[tilespmem:s5+$0x8500] =	vst @!p0 v4  }
0x15c: {  	s6 =	sshll.u32 s22, $0x6;
	v3 =	vmul.f32 s2, v3;
	[tilespmem:s5+$0x8510] =	vst @!p0 v6;
	v7 =	vmul.f32 v7, v62  }
0x15d: {  	s24 =	sshra.s32 s6, $0x2;
	[tilespmem:s5+$0x8520] =	vst @!p0 v5;
	v4 =	vmul.f32 s2, v4;
	v6 =	vmul.f32 s2, v6  }
0x15e: {  	v5 =	vmul.f32 s2, v5;
	v63 =	vld [tilespmem:s24+$0x2700];
	v10 =	vmul.f32 v7, v59  }
0x15f: {  	v16 =	vld [tilespmem:s20+$0xFFFFFF40];
	v9 =	vmul.f32 v7, v61;
	v3 =	vadd.f32 v3, v7;
	v8 =	vmul.f32 v7, v8  }
0x160: {  	p0 =	seq.s32 s22, s17;
	v17 =	vld [tilespmem:s20+$0xFFFFFF50];
	v4 =	vadd.f32 v4, v10  }
0x161: {  	v18 =	vld [tilespmem:s20+$0xFFFFFF60];
	v5 =	vadd.f32 v5, v9;
	[tilespmem:s4+$0x8530] =	vst @!p0 v3;
	v6 =	vadd.f32 v6, v8;
	v8 =	vbroadcast v1, $0x4  }
0x162: {  	s25 =	spop (v2sf);
	[tilespmem:s4+$0x8500] =	vst @!p0 v4  }
0x163: {  	s2 =	sshll.u32 s25, $0x6;
	[tilespmem:s4+$0x8520] =	vst @!p0 v5;
	v7 =	vsub.f32 v8, v63  }
0x164: {  	s26 =	sshra.s32 s2, $0x2;
	[tilespmem:s4+$0x8510] =	vst @!p0 v6  }
0x165: {  	v8 =	vld [tilespmem:s26+$0x2700];
	v7 =	vmul.f32 $1.442695020e+00, v7;
	_ =	sdelay $0x1  }
0x166: {  	(erf) = vpow2.f32 v7  }
0x167: {  	(v2sf) =	vpush v2, $0x6;
	v7 =	vbroadcast v1, $0x5;
	_ =	sdelay $0x1  }
0x168: {  	v7 =	vsub.f32 v7, v8;
	_ =	sdelay $0x1  }
0x169: {  	v7 =	vmul.f32 $1.442695020e+00, v7;
	_ =	sdelay $0x1  }
0x16a: {  	(erf) = vpow2.f32 v7  }
0x16b: {  	(v2sf) =	vpush v2, $0x7;
	v8 =	vbroadcast v0, $0x4  }
0x16c: {  	s4 =	simm.f32 @!p0 $0.0e+00;
	v7 =	vpop (erf)  }
0x16d: {  	s4 =	simm.f32 @p0 $1.000000000e+00;
	v7 =	vmul.f32 v7, v8  }
0x16e: {  	v3 =	vmul.f32 s4, v3  }
0x16f: {  	v4 =	vmul.f32 s4, v4;
	v8 =	vmul.f32 v7, v16  }
0x170: {  	v20 =	vld [tilespmem:s20+$0xFFFFFF70];
	v6 =	vmul.f32 s4, v6;
	v19 =	vmul.f32 v7, v17;
	v3 =	vadd.f32 v3, v7  }
0x171: {  	v22 =	vld [tilespmem:s20+$0xFFFFFF90];
	p0 =	seq.s32 s25, s22;
	v5 =	vmul.f32 s4, v5;
	v21 =	vmul.f32 v7, v18;
	v4 =	vadd.f32 v4, v8  }
0x172: {  	v23 =	vbroadcast v0, $0x5;
	s4 =	simm.f32 @!p0 $0.0e+00;
	v8 =	vld [tilespmem:s20+$0xFFFFFF80];
	v6 =	vadd.f32 v6, v19;
	[tilespmem:s6+$0x8530] =	vst @!p0 v3  }
0x173: {  	s28 =	spop (v2sf);
	s4 =	simm.f32 @p0 $1.000000000e+00;
	v5 =	vadd.f32 v5, v21;
	v7 =	vpop (erf);
	[tilespmem:s6+$0x8500] =	vst @!p0 v4  }
0x174: {  	s5 =	sshll.u32 s28, $0x6;
	v3 =	vmul.f32 s4, v3;
	[tilespmem:s6+$0x8510] =	vst @!p0 v6;
	v7 =	vmul.f32 v7, v23  }
0x175: {  	s29 =	sshra.s32 s5, $0x2;
	[tilespmem:s6+$0x8520] =	vst @!p0 v5;
	v4 =	vmul.f32 s4, v4;
	v6 =	vmul.f32 s4, v6  }
0x176: {  	v5 =	vmul.f32 s4, v5;
	v24 =	vld [tilespmem:s29+$0x2700];
	v10 =	vmul.f32 v7, v20  }
0x177: {  	v25 =	vld [tilespmem:s20+$0xFFFFFFA0];
	v9 =	vmul.f32 v7, v22;
	v3 =	vadd.f32 v3, v7;
	v8 =	vmul.f32 v7, v8  }
0x178: {  	p0 =	seq.s32 s28, s25;
	v26 =	vld [tilespmem:s20+$0xFFFFFFB0];
	v4 =	vadd.f32 v4, v10  }
0x179: {  	v27 =	vld [tilespmem:s20+$0xFFFFFFC0];
	v5 =	vadd.f32 v5, v9;
	[tilespmem:s2+$0x8530] =	vst @!p0 v3;
	v6 =	vadd.f32 v6, v8;
	v8 =	vbroadcast v1, $0x6  }
0x17a: {  	s30 =	spop (v2sf);
	[tilespmem:s2+$0x8500] =	vst @!p0 v4  }
0x17b: {  	s4 =	sshll.u32 s30, $0x6;
	[tilespmem:s2+$0x8520] =	vst @!p0 v5;
	v7 =	vsub.f32 v8, v24  }
0x17c: {  	s6 =	sshra.s32 s4, $0x2;
	[tilespmem:s2+$0x8510] =	vst @!p0 v6  }
0x17d: {  	v8 =	vld [tilespmem:s6+$0x2700];
	v7 =	vmul.f32 $1.442695020e+00, v7;
	_ =	sdelay $0x1  }
0x17e: {  	(erf) = vpow2.f32 v7  }
0x17f: {  	(v2sf) =	vpush v2, $0x8;
	v7 =	vbroadcast v1, $0x7;
	_ =	sdelay $0x1  }
0x180: {  	v7 =	vsub.f32 v7, v8;
	_ =	sdelay $0x1  }
0x181: {  	v7 =	vmul.f32 $1.442695020e+00, v7;
	_ =	sdelay $0x1  }
0x182: {  	(erf) = vpow2.f32 v7  }
0x183: {  	(v2sf) =	vpush v2, $0x9;
	v8 =	vbroadcast v0, $0x6  }
0x184: {  	s2 =	simm.f32 @!p0 $0.0e+00;
	v7 =	vpop (erf)  }
0x185: {  	s2 =	simm.f32 @p0 $1.000000000e+00;
	v7 =	vmul.f32 v7, v8  }
0x186: {  	v3 =	vmul.f32 s2, v3  }
0x187: {  	v4 =	vmul.f32 s2, v4;
	v8 =	vmul.f32 v7, v25  }
0x188: {  	v29 =	vld [tilespmem:s20+$0xFFFFFFD0];
	v6 =	vmul.f32 s2, v6;
	v28 =	vmul.f32 v7, v26;
	v3 =	vadd.f32 v3, v7  }
0x189: {  	v31 =	vld [tilespmem:s20+$0xFFFFFFF0];
	p0 =	seq.s32 s30, s28;
	v5 =	vmul.f32 s2, v5;
	v30 =	vmul.f32 v7, v27;
	v4 =	vadd.f32 v4, v8  }
0x18a: {  	v32 =	vbroadcast v0, $0x7;
	s2 =	simm.f32 @!p0 $0.0e+00;
	v8 =	vld [tilespmem:s20+$0xFFFFFFE0];
	v6 =	vadd.f32 v6, v28;
	[tilespmem:s5+$0x8530] =	vst @!p0 v3  }
0x18b: {  	s10 =	spop (v2sf);
	s2 =	simm.f32 @p0 $1.000000000e+00;
	v5 =	vadd.f32 v5, v30;
	v7 =	vpop (erf);
	[tilespmem:s5+$0x8500] =	vst @!p0 v4  }
0x18c: {  	s6 =	sshll.u32 s10, $0x6;
	v3 =	vmul.f32 s2, v3;
	[tilespmem:s5+$0x8510] =	vst @!p0 v6;
	v7 =	vmul.f32 v7, v32  }
0x18d: {  	s11 =	sshra.s32 s6, $0x2;
	[tilespmem:s5+$0x8520] =	vst @!p0 v5;
	v4 =	vmul.f32 s2, v4;
	v6 =	vmul.f32 s2, v6  }
0x18e: {  	v5 =	vmul.f32 s2, v5;
	v33 =	vld [tilespmem:s11+$0x2700];
	v10 =	vmul.f32 v7, v29  }
0x18f: {  	v34 =	vld [tilespmem:s20+$0x0];
	v9 =	vmul.f32 v7, v31;
	v3 =	vadd.f32 v3, v7;
	v8 =	vmul.f32 v7, v8  }
0x190: {  	p0 =	seq.s32 s10, s30;
	v35 =	vld [tilespmem:s20+$0x10];
	v4 =	vadd.f32 v4, v10  }
0x191: {  	v36 =	vld [tilespmem:s20+$0x20];
	v5 =	vadd.f32 v5, v9;
	[tilespmem:s4+$0x8530] =	vst @!p0 v3;
	v6 =	vadd.f32 v6, v8;
	v8 =	vbroadcast v1, $0x8  }
0x192: {  	s12 =	spop (v2sf);
	[tilespmem:s4+$0x8500] =	vst @!p0 v4  }
0x193: {  	s2 =	sshll.u32 s12, $0x6;
	[tilespmem:s4+$0x8520] =	vst @!p0 v5;
	v7 =	vsub.f32 v8, v33  }
0x194: {  	s13 =	sshra.s32 s2, $0x2;
	[tilespmem:s4+$0x8510] =	vst @!p0 v6  }
0x195: {  	v8 =	vld [tilespmem:s13+$0x2700];
	v7 =	vmul.f32 $1.442695020e+00, v7;
	_ =	sdelay $0x1  }
0x196: {  	(erf) = vpow2.f32 v7  }
0x197: {  	(v2sf) =	vpush v2, $0xA;
	v7 =	vbroadcast v1, $0x9;
	_ =	sdelay $0x1  }
0x198: {  	v7 =	vsub.f32 v7, v8;
	_ =	sdelay $0x1  }
0x199: {  	v7 =	vmul.f32 $1.442695020e+00, v7;
	_ =	sdelay $0x1  }
0x19a: {  	(erf) = vpow2.f32 v7  }
0x19b: {  	(v2sf) =	vpush v2, $0xB;
	v8 =	vbroadcast v0, $0x8  }
0x19c: {  	s4 =	simm.f32 @!p0 $0.0e+00;
	v7 =	vpop (erf)  }
0x19d: {  	s4 =	simm.f32 @p0 $1.000000000e+00;
	v7 =	vmul.f32 v7, v8  }
0x19e: {  	v3 =	vmul.f32 s4, v3  }
0x19f: {  	v4 =	vmul.f32 s4, v4;
	v8 =	vmul.f32 v7, v34  }
0x1a0: {  	v38 =	vld [tilespmem:s20+$0x30];
	v6 =	vmul.f32 s4, v6;
	v37 =	vmul.f32 v7, v35;
	v3 =	vadd.f32 v3, v7  }
0x1a1: {  	v40 =	vld [tilespmem:s20+$0x50];
	p0 =	seq.s32 s12, s10;
	v5 =	vmul.f32 s4, v5;
	v39 =	vmul.f32 v7, v36;
	v4 =	vadd.f32 v4, v8  }
0x1a2: {  	v41 =	vbroadcast v0, $0x9;
	s4 =	simm.f32 @!p0 $0.0e+00;
	v8 =	vld [tilespmem:s20+$0x40];
	v6 =	vadd.f32 v6, v37;
	[tilespmem:s6+$0x8530] =	vst @!p0 v3  }
0x1a3: {  	s14 =	spop (v2sf);
	s4 =	simm.f32 @p0 $1.000000000e+00;
	v5 =	vadd.f32 v5, v39;
	v7 =	vpop (erf);
	[tilespmem:s6+$0x8500] =	vst @!p0 v4  }
0x1a4: {  	s5 =	sshll.u32 s14, $0x6;
	v3 =	vmul.f32 s4, v3;
	[tilespmem:s6+$0x8510] =	vst @!p0 v6;
	v7 =	vmul.f32 v7, v41  }
0x1a5: {  	s16 =	sshra.s32 s5, $0x2;
	[tilespmem:s6+$0x8520] =	vst @!p0 v5;
	v4 =	vmul.f32 s4, v4;
	v6 =	vmul.f32 s4, v6  }
0x1a6: {  	v5 =	vmul.f32 s4, v5;
	v42 =	vld [tilespmem:s16+$0x2700];
	v10 =	vmul.f32 v7, v38  }
0x1a7: {  	v43 =	vld [tilespmem:s20+$0x60];
	v9 =	vmul.f32 v7, v40;
	v3 =	vadd.f32 v3, v7;
	v8 =	vmul.f32 v7, v8  }
0x1a8: {  	p0 =	seq.s32 s14, s12;
	v44 =	vld [tilespmem:s20+$0x70];
	v4 =	vadd.f32 v4, v10  }
0x1a9: {  	v45 =	vld [tilespmem:s20+$0x80];
	v5 =	vadd.f32 v5, v9;
	[tilespmem:s2+$0x8530] =	vst @!p0 v3;
	v6 =	vadd.f32 v6, v8;
	v8 =	vbroadcast v1, $0xA  }
0x1aa: {  	s17 =	spop (v2sf);
	[tilespmem:s2+$0x8500] =	vst @!p0 v4  }
0x1ab: {  	s4 =	sshll.u32 s17, $0x6;
	[tilespmem:s2+$0x8520] =	vst @!p0 v5;
	v7 =	vsub.f32 v8, v42  }
0x1ac: {  	s18 =	sshra.s32 s4, $0x2;
	[tilespmem:s2+$0x8510] =	vst @!p0 v6  }
0x1ad: {  	v8 =	vld [tilespmem:s18+$0x2700];
	v7 =	vmul.f32 $1.442695020e+00, v7;
	_ =	sdelay $0x1  }
0x1ae: {  	(erf) = vpow2.f32 v7  }
0x1af: {  	(v2sf) =	vpush v2, $0xC;
	v7 =	vbroadcast v1, $0xB;
	_ =	sdelay $0x1  }
0x1b0: {  	v7 =	vsub.f32 v7, v8;
	_ =	sdelay $0x1  }
0x1b1: {  	v7 =	vmul.f32 $1.442695020e+00, v7;
	_ =	sdelay $0x1  }
0x1b2: {  	(erf) = vpow2.f32 v7  }
0x1b3: {  	(v2sf) =	vpush v2, $0xD;
	v8 =	vbroadcast v0, $0xA  }
0x1b4: {  	s2 =	simm.f32 @!p0 $0.0e+00;
	v7 =	vpop (erf)  }
0x1b5: {  	s2 =	simm.f32 @p0 $1.000000000e+00;
	v7 =	vmul.f32 v7, v8  }
0x1b6: {  	v3 =	vmul.f32 s2, v3  }
0x1b7: {  	v4 =	vmul.f32 s2, v4;
	v8 =	vmul.f32 v7, v43  }
0x1b8: {  	v47 =	vld [tilespmem:s20+$0x90];
	v6 =	vmul.f32 s2, v6;
	v46 =	vmul.f32 v7, v44;
	v3 =	vadd.f32 v3, v7  }
0x1b9: {  	v49 =	vld [tilespmem:s20+$0xB0];
	p0 =	seq.s32 s17, s14;
	v5 =	vmul.f32 s2, v5;
	v48 =	vmul.f32 v7, v45;
	v4 =	vadd.f32 v4, v8  }
0x1ba: {  	v50 =	vbroadcast v0, $0xB;
	s6 =	simm.f32 @!p0 $0.0e+00;
	v8 =	vld [tilespmem:s20+$0xA0];
	v6 =	vadd.f32 v6, v46;
	[tilespmem:s5+$0x8530] =	vst @!p0 v3  }
0x1bb: {  	s22 =	spop (v2sf);
	s6 =	simm.f32 @p0 $1.000000000e+00;
	v5 =	vadd.f32 v5, v48;
	v7 =	vpop (erf);
	[tilespmem:s5+$0x8500] =	vst @!p0 v4  }
0x1bc: {  	s2 =	sshll.u32 s22, $0x6;
	v3 =	vmul.f32 s6, v3;
	[tilespmem:s5+$0x8510] =	vst @!p0 v6;
	v7 =	vmul.f32 v7, v50  }
0x1bd: {  	s24 =	sshra.s32 s2, $0x2;
	[tilespmem:s5+$0x8520] =	vst @!p0 v5;
	v4 =	vmul.f32 s6, v4;
	v6 =	vmul.f32 s6, v6  }
0x1be: {  	v5 =	vmul.f32 s6, v5;
	v51 =	vld [tilespmem:s24+$0x2700];
	v10 =	vmul.f32 v7, v47  }
0x1bf: {  	v52 =	vld [tilespmem:s20+$0xC0];
	v9 =	vmul.f32 v7, v49;
	v3 =	vadd.f32 v3, v7;
	v8 =	vmul.f32 v7, v8  }
0x1c0: {  	p0 =	seq.s32 s22, s17;
	v53 =	vld [tilespmem:s20+$0xD0];
	v4 =	vadd.f32 v4, v10  }
0x1c1: {  	v54 =	vld [tilespmem:s20+$0xE0];
	v5 =	vadd.f32 v5, v9;
	[tilespmem:s4+$0x8530] =	vst @!p0 v3;
	v6 =	vadd.f32 v6, v8;
	v8 =	vbroadcast v1, $0xC  }
0x1c2: {  	s25 =	spop (v2sf);
	[tilespmem:s4+$0x8500] =	vst @!p0 v4  }
0x1c3: {  	s5 =	sshll.u32 s25, $0x6;
	[tilespmem:s4+$0x8520] =	vst @!p0 v5;
	v7 =	vsub.f32 v8, v51  }
0x1c4: {  	s26 =	sshra.s32 s5, $0x2;
	[tilespmem:s4+$0x8510] =	vst @!p0 v6  }
0x1c5: {  	v8 =	vld [tilespmem:s26+$0x2700];
	v7 =	vmul.f32 $1.442695020e+00, v7;
	_ =	sdelay $0x1  }
0x1c6: {  	(erf) = vpow2.f32 v7  }
0x1c7: {  	(v2sf) =	vpush v2, $0xE;
	v7 =	vbroadcast v1, $0xD;
	_ =	sdelay $0x1  }
0x1c8: {  	v7 =	vsub.f32 v7, v8;
	_ =	sdelay $0x1  }
0x1c9: {  	v7 =	vmul.f32 $1.442695020e+00, v7;
	_ =	sdelay $0x1  }
0x1ca: {  	(erf) = vpow2.f32 v7  }
0x1cb: {  	(v2sf) =	vpush v2, $0xF;
	v8 =	vbroadcast v0, $0xC  }
0x1cc: {  	s4 =	simm.f32 @!p0 $0.0e+00;
	v7 =	vpop (erf)  }
0x1cd: {  	s4 =	simm.f32 @p0 $1.000000000e+00;
	v7 =	vmul.f32 v7, v8  }
0x1ce: {  	v3 =	vmul.f32 s4, v3  }
0x1cf: {  	v4 =	vmul.f32 s4, v4;
	v2 =	vmul.f32 v7, v52  }
0x1d0: {  	v55 =	vld [tilespmem:s20+$0xF0];
	v6 =	vmul.f32 s4, v6;
	v8 =	vmul.f32 v7, v53;
	v3 =	vadd.f32 v3, v7  }
0x1d1: {  	p0 =	seq.s32 s25, s22;
	v56 =	vmul.f32 v7, v54;
	v2 =	vadd.f32 v4, v2;
	v4 =	vmul.f32 s4, v5;
	v5 =	vld [tilespmem:s20+$0x100]  }
0x1d2: {  	v57 =	vbroadcast v0, $0xD;
	v6 =	vadd.f32 v6, v8;
	v8 =	vld [tilespmem:s20+$0x110];
	[tilespmem:s2+$0x8530] =	vst @!p0 v3  }
0x1d3: {  	s28 =	spop (v2sf);
	s6 =	simm.f32 @!p0 $0.0e+00;
	v7 =	vpop (erf);
	v4 =	vadd.f32 v4, v56;
	[tilespmem:s2+$0x8500] =	vst @!p0 v2  }
0x1d4: {  	s6 =	simm.f32 @p0 $1.000000000e+00;
	s4 =	sshll.u32 s28, $0x6;
	[tilespmem:s2+$0x8510] =	vst @!p0 v6;
	v7 =	vmul.f32 v7, v57  }
0x1d5: {  	v3 =	vmul.f32 s6, v3;
	s29 =	sshra.s32 s4, $0x2;
	[tilespmem:s2+$0x8520] =	vst @!p0 v4  }
0x1d6: {  	v2 =	vmul.f32 s6, v2;
	v9 =	vmul.f32 v7, v55;
	v58 =	vld [tilespmem:s29+$0x2700]  }
0x1d7: {  	v6 =	vmul.f32 s6, v6;
	v3 =	vadd.f32 v3, v7;
	v5 =	vmul.f32 v7, v5;
	v59 =	vld [tilespmem:s20+$0x120]  }
0x1d8: {  	v4 =	vmul.f32 s6, v4;
	p0 =	seq.s32 s28, s25;
	v8 =	vmul.f32 v7, v8;
	v60 =	vld [tilespmem:s20+$0x130];
	v2 =	vadd.f32 v2, v9  }
0x1d9: {  	v5 =	vadd.f32 v6, v5;
	v6 =	vld [tilespmem:s20+$0x140];
	[tilespmem:s5+$0x8530] =	vst @!p0 v3  }
0x1da: {  	s2 =	spop (v2sf);
	v4 =	vadd.f32 v4, v8;
	[tilespmem:s5+$0x8500] =	vst @!p0 v2  }
0x1db: {  	s30 =	sshll.u32 s2, $0x6;
	[tilespmem:s5+$0x8510] =	vst @!p0 v5  }
0x1dc: {  	v7 =	vbroadcast v1, $0xE;
	s3 =	sshra.s32 s30, $0x2;
	[tilespmem:s5+$0x8520] =	vst @!p0 v4  }
0x1dd: {  	v8 =	vld [tilespmem:s3+$0x2700]  }
0x1de: {  	v7 =	vsub.f32 v7, v58;
	_ =	sdelay $0x1  }
0x1df: {  	v1 =	vbroadcast v1, $0xF;
	v7 =	vmul.f32 $1.442695020e+00, v7;
	_ =	sdelay $0x1  }
0x1e0: {  	(erf) = vpow2.f32 v7;
	v1 =	vsub.f32 v1, v8;
	_ =	sdelay $0x1  }
0x1e1: {  	v1 =	vmul.f32 $1.442695020e+00, v1;
	_ =	sdelay $0x1  }
0x1e2: {  	(erf) = vpow2.f32 v1;
	_ =	sdelay $0x3  }
0x1e3: {  	s3 =	simm.f32 @!p0 $0.0e+00;
	v1 =	vbroadcast v0, $0xE  }
0x1e4: {  	s3 =	simm.f32 @p0 $1.000000000e+00;
	v7 =	vpop (erf)  }
0x1e5: {  	v2 =	vmul.f32 s3, v2;
	v1 =	vmul.f32 v7, v1  }
0x1e6: {  	v5 =	vmul.f32 s3, v5;
	v3 =	vmul.f32 s3, v3;
	v8 =	vld [tilespmem:s20+$0x150]  }
0x1e7: {  	v62 =	vld [tilespmem:s20+$0x160];
	v0 =	vbroadcast v0, $0xF;
	v7 =	vmul.f32 v1, v59  }
0x1e8: {  	p0 =	seq.s32 s2, s28;
	v9 =	vmul.f32 v1, v60;
	v6 =	vmul.f32 v1, v6;
	v1 =	vadd.f32 v3, v1;
	v61 =	vpop (erf)  }
0x1e9: {  	v63 =	vld [tilespmem:s20+$0x170];
	v4 =	vmul.f32 s3, v4;
	s1 =	simm.f32 @!p0 $0.0e+00;
	v2 =	vadd.f32 v2, v7;
	v0 =	vmul.f32 v61, v0  }
0x1ea: {  	s1 =	simm.f32 @p0 $1.000000000e+00;
	v5 =	vadd.f32 v5, v9;
	[tilespmem:s4+$0x8530] =	vst @!p0 v1  }
0x1eb: {  	v6 =	vadd.f32 v4, v6;
	[tilespmem:s4+$0x8500] =	vst @!p0 v2;
	v2 =	vmul.f32 s1, v2;
	v4 =	vmul.f32 v0, v8  }
0x1ec: {  	s0 =	sadd.s32 $0x40, s0;
	[tilespmem:s4+$0x8510] =	vst @!p0 v5;
	v5 =	vmul.f32 s1, v5;
	v3 =	vmul.f32 v0, v62  }
0x1ed: {  	v1 =	vmul.f32 s1, v1;
	[tilespmem:s4+$0x8520] =	vst @!p0 v6;
	p0 =	sne.s32 s0, $0x500;
	v4 =	vadd.f32 v2, v4  }
.Ltmp2:
0x1ee: {  	v7 =	vmul.f32 v0, v63;
	v2 =	vmul.f32 s1, v6;
	v6 =	vadd.f32 v5, v3;
	(pc) =	sbr.rel @p0 .LBB2_6-.Ltmp2, $4  }
0x1ef: {  	v3 =	vadd.f32 v1, v0;
	[tilespmem:$0x8480] =	vst v4  }
0x1f0: {  	v5 =	vadd.f32 v2, v7;
	[tilespmem:$0x8490] =	vst v6  }
0x1f1: {  	[tilespmem:$0x84B0] =	vst v3  }
0x1f2: {  	s20 =	sadd.s32 $0x300, s20;
	[tilespmem:$0x84A0] =	vst v5  }
0x1f3: {  	s0 =	sshll.u32 s2, $0x8  }
0x1f4: {  	s0 =	sshra.s32 s0, $0x2  }
0x1f5: {  	[tilespmem:s0+$0x8500] =	vst v4  }
0x1f6: {  	v0 =	vld [tilespmem:$0x8490];
	_ =	sdelay $0x4  }
0x1f7: {  	[tilespmem:s0+$0x8510] =	vst v0  }
0x1f8: {  	v0 =	vld [tilespmem:$0x84A0];
	_ =	sdelay $0x4  }
0x1f9: {  	[tilespmem:s0+$0x8520] =	vst v0  }
0x1fa: {  	v0 =	vld [tilespmem:$0x84B0];
	_ =	sdelay $0x4  }
0x1fb: {  	s1 =	rddreg [dreg:$0xe];
	[tilespmem:s0+$0x8530] =	vst v0;
	s0 =	simm.s32 $0x80  }
0x1fc: {  	[spmem:s1] =	stream.strided.scatter [tilespmem:s8], [sflag:$0x1], $0x8000, s21, s0, $0x38;
	[tilespmem:$0x1B700] =	vst v63  }
0x1fd: {  	_ =	swait.ge [sflag:s19], $0x8000  }
0x1fe: {  	[sflag:s19] =	ssyncset.done $0x0  }
0x1ff: {  	[sflag:s19] =	ssyncadd.s32 $0xFFFF8000  }
0x200: {  	s4 =	simm.s32 $0x10D00;
	s29 =	simm.s32 $0x8000;
	[bflag:$0x0] =	sbarrier.arrive $0xFFFF  }
0x201: {  	[tilespmem:s4], [sflag:$0x1] =	stream.strided.gather [spmem:s15], $0x800, s21, s0, $0x38;
	[tilespmem:$0x1B700] =	vst v63  }
0x202: {  	s1 =	sand.u32 $0x40000, s29;
	_ =	swait.ge [sflag:s19], $0x800  }
0x203: {  	s30 =	sand.u32 $0x380, s0;
	s1 =	sadd.s32 s1, s15;
	[sflag:s19] =	ssyncset.done $0x0  }
0x204: {  	s1 =	sadd.s32 s30, s1;
	[sflag:s19] =	ssyncadd.s32 $0xFFFFF800  }
0x205: {  	[tilespmem:s31], [sflag:$0x1] =	stream.strided.gather [spmem:s1], $0x800, s21, s23, $0x38;
	[tilespmem:$0x1B700] =	vst v63  }
0x206: {  	_ =	swait.ge [sflag:s19], $0x800  }
0x207: {  	[sflag:s19] =	ssyncset.done $0x0  }
0x208: {  	[sflag:s19] =	ssyncadd.s32 $0xFFFFF800  }
0x209: {  	v0 =	vld [tilespmem:$0x10520];
	_ =	sdelay $0x4  }
0x20a: {  	[tilespmem:$0x1FFD0] =	vst v0;
	v0 =	vld [tilespmem:$0x10CE0];
	_ =	sdelay $0x2  }
0x20b: {  	v3 =	vld [tilespmem:$0x10D40]  }
0x20c: {  	v2 =	vld [tilespmem:$0x10D50]  }
0x20d: {  	[tilespmem:$0x1FFE0] =	vst v0;
	v0 =	vld [tilespmem:$0x10510]  }
0x20e: {  	v1 =	vld [tilespmem:$0x10550]  }
0x20f: {  	v5 =	vld [tilespmem:$0x10D60]  }
0x210: {  	v4 =	vld [tilespmem:$0x10560]  }
0x211: {  	v7 =	vld [tilespmem:$0x10D70]  }
0x212: {  	[tilespmem:$0x1FFB0] =	vst v0;
	v0 =	vld [tilespmem:$0x10CA0]  }
0x213: {  	v6 =	vld [tilespmem:$0x10570]  }
0x214: {  	v9 =	vld [tilespmem:$0x10D80]  }
0x215: {  	v8 =	vld [tilespmem:$0x10580]  }
0x216: {  	v11 =	vld [tilespmem:$0x10D90]  }
0x217: {  	[tilespmem:$0x1FFC0] =	vst v0;
	v0 =	vld [tilespmem:$0x10500]  }
0x218: {  	v10 =	vld [tilespmem:$0x10590]  }
0x219: {  	v14 =	vld [tilespmem:$0x10DA0]  }
0x21a: {  	v12 =	vld [tilespmem:$0x105A0]  }
0x21b: {  	v16 =	vld [tilespmem:$0x10DB0]  }
0x21c: {  	[tilespmem:$0x1FF90] =	vst v0;
	v0 =	vld [tilespmem:$0x10BA0]  }
0x21d: {  	v13 =	vld [tilespmem:$0x105B0]  }
0x21e: {  	v18 =	vld [tilespmem:$0x10DC0]  }
0x21f: {  	v15 =	vld [tilespmem:$0x105C0]  }
0x220: {  	v20 =	vld [tilespmem:$0x10DD0]  }
0x221: {  	[tilespmem:$0x1FFA0] =	vst v0;
	v0 =	vld [tilespmem:$0x10A50]  }
0x222: {  	v17 =	vld [tilespmem:$0x105D0]  }
0x223: {  	v22 =	vld [tilespmem:$0x10DE0]  }
0x224: {  	v19 =	vld [tilespmem:$0x105E0]  }
0x225: {  	v24 =	vld [tilespmem:$0x10DF0]  }
0x226: {  	[tilespmem:$0x1FF80] =	vst v0;
	v0 =	vld [tilespmem:$0x10530]  }
0x227: {  	v21 =	vld [tilespmem:$0x105F0]  }
0x228: {  	v55 =	vld [tilespmem:$0x10E00]  }
0x229: {  	v23 =	vld [tilespmem:$0x10600]  }
0x22a: {  	v62 =	vld [tilespmem:$0x10E10]  }
0x22b: {  	[tilespmem:$0x1FFF0] =	vst v0;
	v0 =	vld [tilespmem:$0x10540]  }
0x22c: {  	v25 =	vld [tilespmem:$0x10610]  }
0x22d: {  	v61 =	vld [tilespmem:$0x10F40];
	_ =	sdelay $0x4  }
0x22e: {  	[tilespmem:$0x1FB10] =	vst v61;
	v61 =	vld [tilespmem:$0x10740];
	_ =	sdelay $0x4  }
0x22f: {  	[tilespmem:$0x1FB20] =	vst v61;
	v61 =	vld [tilespmem:$0x10F50];
	_ =	sdelay $0x4  }
0x230: {  	[tilespmem:$0x1FB30] =	vst v61;
	v61 =	vld [tilespmem:$0x10750];
	_ =	sdelay $0x4  }
0x231: {  	[tilespmem:$0x1FB40] =	vst v61;
	v61 =	vld [tilespmem:$0x10F60];
	_ =	sdelay $0x4  }
0x232: {  	[tilespmem:$0x1FB50] =	vst v61;
	v61 =	vld [tilespmem:$0x10760];
	_ =	sdelay $0x4  }
0x233: {  	[tilespmem:$0x1FB60] =	vst v61;
	v61 =	vld [tilespmem:$0x10F70];
	_ =	sdelay $0x4  }
0x234: {  	[tilespmem:$0x1FB70] =	vst v61;
	v61 =	vld [tilespmem:$0x10770];
	_ =	sdelay $0x4  }
0x235: {  	[tilespmem:$0x1FB80] =	vst v61;
	v61 =	vld [tilespmem:$0x10F80];
	_ =	sdelay $0x4  }
0x236: {  	[tilespmem:$0x1FB90] =	vst v61;
	v61 =	vld [tilespmem:$0x10780];
	_ =	sdelay $0x4  }
0x237: {  	[tilespmem:$0x1FBA0] =	vst v61;
	v61 =	vld [tilespmem:$0x10F90];
	_ =	sdelay $0x4  }
0x238: {  	[tilespmem:$0x1FBB0] =	vst v61;
	v61 =	vld [tilespmem:$0x10790];
	_ =	sdelay $0x4  }
0x239: {  	[tilespmem:$0x1FBC0] =	vst v61;
	v61 =	vld [tilespmem:$0x10FA0];
	_ =	sdelay $0x4  }
0x23a: {  	[tilespmem:$0x1FBD0] =	vst v61;
	v61 =	vld [tilespmem:$0x107A0]  }
0x23b: {  	v63 =	vld [tilespmem:$0x10E20]  }
0x23c: {  	v26 =	vld [tilespmem:$0x10620]  }
0x23d: {  	v46 =	vld [tilespmem:$0x10E30]  }
0x23e: {  	v27 =	vld [tilespmem:$0x10630]  }
0x23f: {  	[tilespmem:$0x1FBE0] =	vst v61;
	v61 =	vld [tilespmem:$0x10FB0]  }
0x240: {  	v43 =	vld [tilespmem:$0x10E40]  }
0x241: {  	v28 =	vld [tilespmem:$0x10640]  }
0x242: {  	v34 =	vld [tilespmem:$0x10E50]  }
0x243: {  	v29 =	vld [tilespmem:$0x10650]  }
0x244: {  	[tilespmem:$0x1FBF0] =	vst v61;
	v61 =	vld [tilespmem:$0x107B0]  }
0x245: {  	v35 =	vld [tilespmem:$0x10E60]  }
0x246: {  	v30 =	vld [tilespmem:$0x10660]  }
0x247: {  	v32 =	vld [tilespmem:$0x10E70]  }
0x248: {  	v31 =	vld [tilespmem:$0x10670]  }
0x249: {  	[tilespmem:$0x1FC00] =	vst v61;
	v61 =	vld [tilespmem:$0x10FC0]  }
0x24a: {  	v36 =	vld [tilespmem:$0x10E80]  }
0x24b: {  	v33 =	vld [tilespmem:$0x10680]  }
0x24c: {  	v38 =	vld [tilespmem:$0x10E90]  }
0x24d: {  	v37 =	vld [tilespmem:$0x10690]  }
0x24e: {  	[tilespmem:$0x1FC10] =	vst v61;
	v61 =	vld [tilespmem:$0x107C0]  }
0x24f: {  	v41 =	vld [tilespmem:$0x10EA0]  }
0x250: {  	v39 =	vld [tilespmem:$0x106A0]  }
0x251: {  	v42 =	vld [tilespmem:$0x10EB0]  }
0x252: {  	v40 =	vld [tilespmem:$0x106B0]  }
0x253: {  	[tilespmem:$0x1FC20] =	vst v61;
	v61 =	vld [tilespmem:$0x10FD0]  }
0x254: {  	v45 =	vld [tilespmem:$0x10EC0]  }
0x255: {  	v44 =	vld [tilespmem:$0x106C0]  }
0x256: {  	v48 =	vld [tilespmem:$0x10ED0]  }
0x257: {  	v47 =	vld [tilespmem:$0x106D0]  }
0x258: {  	[tilespmem:$0x1FC30] =	vst v61;
	v61 =	vld [tilespmem:$0x107D0]  }
0x259: {  	v51 =	vld [tilespmem:$0x10EE0]  }
0x25a: {  	v49 =	vld [tilespmem:$0x106E0]  }
0x25b: {  	v52 =	vld [tilespmem:$0x10EF0]  }
0x25c: {  	v50 =	vld [tilespmem:$0x106F0]  }
0x25d: {  	[tilespmem:$0x1FC40] =	vst v61;
	v61 =	vld [tilespmem:$0x10FE0]  }
0x25e: {  	v54 =	vld [tilespmem:$0x10F00]  }
0x25f: {  	v53 =	vld [tilespmem:$0x10700]  }
0x260: {  	v57 =	vld [tilespmem:$0x10F10]  }
0x261: {  	v56 =	vld [tilespmem:$0x10710]  }
0x262: {  	[tilespmem:$0x1FC50] =	vst v61;
	v61 =	vld [tilespmem:$0x107E0]  }
0x263: {  	v59 =	vld [tilespmem:$0x10F20]  }
0x264: {  	v58 =	vld [tilespmem:$0x10720]  }
0x265: {  	v60 =	vld [tilespmem:$0x10F30]  }
0x266: {  	v1 =	vadd.f32 v1, v2;
	v2 =	vld [tilespmem:$0x10920]  }
0x267: {  	[tilespmem:$0x1FC60] =	vst v61;
	v61 =	vld [tilespmem:$0x10FF0]  }
0x268: {  	[tilespmem:$0x10D50] =	vst v1;
	v1 =	vadd.f32 v6, v7;
	v6 =	vld [tilespmem:$0x109D0]  }
0x269: {  	v7 =	vld [tilespmem:$0x11210]  }
0x26a: {  	[tilespmem:$0x10D70] =	vst v1;
	v1 =	vadd.f32 v10, v11;
	v10 =	vld [tilespmem:$0x10A20]  }
0x26b: {  	v11 =	vld [tilespmem:$0x11230]  }
0x26c: {  	[tilespmem:$0x1FC70] =	vst v61;
	v61 =	vld [tilespmem:$0x107F0]  }
0x26d: {  	v0 =	vadd.f32 v0, v3;
	[tilespmem:$0x10D90] =	vst v1;
	v3 =	vld [tilespmem:$0x111E0]  }
0x26e: {  	[tilespmem:$0x1FB00] =	vst v60;
	v60 =	vld [tilespmem:$0x10730]  }
0x26f: {  	[tilespmem:$0x1FED0] =	vst v2;
	v2 =	vld [tilespmem:$0x11130]  }
0x270: {  	[tilespmem:$0x10D40] =	vst v0;
	v0 =	vadd.f32 v4, v5;
	v4 =	vld [tilespmem:$0x11200]  }
0x271: {  	v1 =	vadd.f32 v13, v16;
	[tilespmem:$0x1FC80] =	vst v61;
	v61 =	vld [tilespmem:$0x11000]  }
0x272: {  	v13 =	vadd.f32 v56, v57;
	v5 =	vld [tilespmem:$0x10A00]  }
0x273: {  	[tilespmem:$0x10DB0] =	vst v1;
	v1 =	vadd.f32 v17, v20;
	v17 =	vld [tilespmem:$0x1FB00]  }
0x274: {  	[tilespmem:$0x10F10] =	vst v13;
	v13 =	vld [tilespmem:$0x11240]  }
0x275: {  	[tilespmem:$0x10D60] =	vst v0;
	v0 =	vadd.f32 v8, v9;
	v8 =	vld [tilespmem:$0x10A10]  }
0x276: {  	[tilespmem:$0x1FC90] =	vst v61;
	v61 =	vld [tilespmem:$0x10800]  }
0x277: {  	[tilespmem:$0x10DD0] =	vst v1;
	v1 =	vadd.f32 v21, v24;
	v9 =	vld [tilespmem:$0x11220]  }
0x278: {  	[tilespmem:$0x1FEE0] =	vst v2;
	v2 =	vld [tilespmem:$0x10930]  }
0x279: {  	[tilespmem:$0x10DF0] =	vst v1;
	v1 =	vadd.f32 v25, v62;
	v62 =	vld [tilespmem:$0x10980]  }
0x27a: {  	[tilespmem:$0x10D80] =	vst v0;
	v0 =	vadd.f32 v12, v14;
	v14 =	vld [tilespmem:$0x109C0]  }
0x27b: {  	[tilespmem:$0x1FCA0] =	vst v61;
	v61 =	vld [tilespmem:$0x11010]  }
0x27c: {  	v20 =	vld [tilespmem:$0x1FB20]  }
0x27d: {  	v12 =	vadd.f32 v53, v54;
	[tilespmem:$0x10E10] =	vst v1;
	v1 =	vadd.f32 v27, v46;
	v46 =	vld [tilespmem:$0x10990]  }
0x27e: {  	[tilespmem:$0x10DA0] =	vst v0;
	v0 =	vadd.f32 v15, v18;
	v15 =	vld [tilespmem:$0x111D0]  }
0x27f: {  	[tilespmem:$0x10F00] =	vst v12;
	v12 =	vld [tilespmem:$0x10A30]  }
0x280: {  	[tilespmem:$0x1FCB0] =	vst v61;
	v61 =	vld [tilespmem:$0x10810]  }
0x281: {  	v18 =	vadd.f32 v60, v17;
	[tilespmem:$0x10E30] =	vst v1;
	v1 =	vadd.f32 v29, v34;
	v34 =	vld [tilespmem:$0x109A0]  }
0x282: {  	[tilespmem:$0x10DC0] =	vst v0;
	v0 =	vadd.f32 v19, v22;
	v19 =	vld [tilespmem:$0x1FB10]  }
0x283: {  	[tilespmem:$0x10F30] =	vst v18;
	v18 =	vld [tilespmem:$0x10A40]  }
0x284: {  	[tilespmem:$0x1FEF0] =	vst v2;
	v2 =	vld [tilespmem:$0x11140]  }
0x285: {  	[tilespmem:$0x1FCC0] =	vst v61;
	v61 =	vld [tilespmem:$0x11020]  }
0x286: {  	[tilespmem:$0x10DE0] =	vst v0;
	v0 =	vadd.f32 v23, v55;
	v55 =	vld [tilespmem:$0x11180]  }
0x287: {  	v23 =	vld [tilespmem:$0x111C0]  }
0x288: {  	v22 =	vld [tilespmem:$0x1FB30]  }
0x289: {  	v6 =	vadd.f32 v6, v15;
	v15 =	vld [tilespmem:$0x10B60]  }
0x28a: {  	[tilespmem:$0x1FCD0] =	vst v61;
	v61 =	vld [tilespmem:$0x10820]  }
0x28b: {  	[tilespmem:$0x10E00] =	vst v0;
	v0 =	vadd.f32 v26, v63;
	v63 =	vld [tilespmem:$0x11190]  }
0x28c: {  	v26 =	vld [tilespmem:$0x109B0]  }
0x28d: {  	v21 =	vadd.f32 v20, v19;
	v19 =	vld [tilespmem:$0x11250]  }
0x28e: {  	[tilespmem:$0x10E50] =	vst v1;
	v20 =	vld [tilespmem:$0x10D00]  }
0x28f: {  	[tilespmem:$0x1FCE0] =	vst v61;
	v61 =	vld [tilespmem:$0x11030]  }
0x290: {  	[tilespmem:$0x111D0] =	vst v6;
	v6 =	vld [tilespmem:$0x11390]  }
0x291: {  	v1 =	vadd.f32 v31, v32;
	[tilespmem:$0x1FF00] =	vst v2;
	v2 =	vld [tilespmem:$0x10940]  }
0x292: {  	[tilespmem:$0x10E20] =	vst v0;
	v0 =	vadd.f32 v28, v43;
	v43 =	vld [tilespmem:$0x111A0]  }
0x293: {  	[tilespmem:$0x10E70] =	vst v1;
	v24 =	vld [tilespmem:$0x1FB40]  }
0x294: {  	v1 =	vadd.f32 v37, v38;
	[tilespmem:$0x1FCF0] =	vst v61;
	v61 =	vld [tilespmem:$0x10830]  }
0x295: {  	[tilespmem:$0x10F40] =	vst v21;
	v21 =	vld [tilespmem:$0x11260]  }
0x296: {  	[tilespmem:$0x10E90] =	vst v1;
	v14 =	vadd.f32 v14, v23;
	v23 =	vld [tilespmem:$0x1FF90]  }
0x297: {  	[tilespmem:$0x10E40] =	vst v0;
	v0 =	vadd.f32 v30, v35;
	v35 =	vld [tilespmem:$0x111B0]  }
0x298: {  	v1 =	vadd.f32 v40, v42;
	[tilespmem:$0x1FF10] =	vst v2;
	v2 =	vld [tilespmem:$0x11150]  }
0x299: {  	[tilespmem:$0x1FD00] =	vst v61;
	v61 =	vld [tilespmem:$0x11040]  }
0x29a: {  	[tilespmem:$0x10EB0] =	vst v1;
	v1 =	vld [tilespmem:$0x111F0]  }
0x29b: {  	[tilespmem:$0x111C0] =	vst v14;
	v14 =	vld [tilespmem:$0x113D0]  }
0x29c: {  	[tilespmem:$0x10E60] =	vst v0;
	v27 =	vld [tilespmem:$0x1FB50]  }
0x29d: {  	v0 =	vadd.f32 v33, v36;
	[tilespmem:$0x1FF20] =	vst v2;
	v2 =	vld [tilespmem:$0x10950]  }
0x29e: {  	[tilespmem:$0x1FD10] =	vst v61;
	v61 =	vld [tilespmem:$0x10840]  }
0x29f: {  	[tilespmem:$0x10E80] =	vst v0;
	v0 =	vadd.f32 v39, v41;
	v25 =	vadd.f32 v24, v22;
	v22 =	vld [tilespmem:$0x10A60]  }
0x2a0: {  	v24 =	vld [tilespmem:$0x11270]  }
0x2a1: {  	[tilespmem:$0x10EA0] =	vst v0;
	v0 =	vld [tilespmem:$0x109E0]  }
0x2a2: {  	[tilespmem:$0x1FF30] =	vst v2;
	v2 =	vld [tilespmem:$0x11160]  }
0x2a3: {  	[tilespmem:$0x1FD20] =	vst v61;
	v61 =	vld [tilespmem:$0x11050]  }
0x2a4: {  	[tilespmem:$0x10F50] =	vst v25;
	v25 =	vld [tilespmem:$0x10A70]  }
0x2a5: {  	v28 =	vld [tilespmem:$0x1FB60]  }
0x2a6: {  	v0 =	vadd.f32 v0, v3;
	v3 =	vld [tilespmem:$0x11370]  }
0x2a7: {  	[tilespmem:$0x1FF40] =	vst v2;
	v2 =	vld [tilespmem:$0x10960]  }
0x2a8: {  	[tilespmem:$0x1FD30] =	vst v61;
	v61 =	vld [tilespmem:$0x10850]  }
0x2a9: {  	[tilespmem:$0x111E0] =	vst v0;
	v0 =	vadd.f32 v5, v4;
	v4 =	vld [tilespmem:$0x11380]  }
0x2aa: {  	v5 =	vld [tilespmem:$0x10B80]  }
0x2ab: {  	v30 =	vld [tilespmem:$0x1FB70]  }
0x2ac: {  	[tilespmem:$0x1FF50] =	vst v2;
	v2 =	vld [tilespmem:$0x11170]  }
0x2ad: {  	[tilespmem:$0x1FD40] =	vst v61;
	v61 =	vld [tilespmem:$0x11060]  }
0x2ae: {  	v29 =	vadd.f32 v28, v27;
	v27 =	vld [tilespmem:$0x11280]  }
0x2af: {  	v28 =	vld [tilespmem:$0x10A80]  }
0x2b0: {  	[tilespmem:$0x11200] =	vst v0;
	v0 =	vadd.f32 v10, v9;
	v9 =	vld [tilespmem:$0x10D10]  }
0x2b1: {  	[tilespmem:$0x1FF60] =	vst v2;
	v2 =	vld [tilespmem:$0x10970]  }
0x2b2: {  	[tilespmem:$0x1FD50] =	vst v61;
	v61 =	vld [tilespmem:$0x10860]  }
0x2b3: {  	[tilespmem:$0x10F60] =	vst v29;
	v29 =	vld [tilespmem:$0x11290]  }
0x2b4: {  	[tilespmem:$0x11220] =	vst v0;
	v0 =	vadd.f32 v18, v13;
	v13 =	vld [tilespmem:$0x10BC0]  }
0x2b5: {  	v18 =	vld [tilespmem:$0x113E0]  }
0x2b6: {  	v31 =	vld [tilespmem:$0x1FB80];
	[tilespmem:$0x1FF70] =	vst v2  }
0x2b7: {  	v2 =	vadd.f32 v44, v45;
	[tilespmem:$0x1FD60] =	vst v61;
	v61 =	vld [tilespmem:$0x11070]  }
0x2b8: {  	[tilespmem:$0x11240] =	vst v0;
	v0 =	vld [tilespmem:$0x113B0]  }
0x2b9: {  	[tilespmem:$0x10EC0] =	vst v2;
	v2 =	vld [tilespmem:$0x109F0]  }
0x2ba: {  	v33 =	vld [tilespmem:$0x1FB90]  }
0x2bb: {  	v32 =	vadd.f32 v31, v30;
	v30 =	vld [tilespmem:$0x10A90]  }
0x2bc: {  	[tilespmem:$0x1FD70] =	vst v61;
	v61 =	vld [tilespmem:$0x10870]  }
0x2bd: {  	v31 =	vld [tilespmem:$0x112A0]  }
0x2be: {  	[tilespmem:$0x10F70] =	vst v32;
	v32 =	vld [tilespmem:$0x10AA0];
	v1 =	vadd.f32 v2, v1  }
0x2bf: {  	v36 =	vld [tilespmem:$0x1FBA0]  }
0x2c0: {  	v37 =	vld [tilespmem:$0x1FBB0];
	[tilespmem:$0x111F0] =	vst v1  }
0x2c1: {  	v1 =	vadd.f32 v8, v7;
	[tilespmem:$0x1FD80] =	vst v61;
	v61 =	vld [tilespmem:$0x11080]  }
0x2c2: {  	v38 =	vld [tilespmem:$0x1FBC0]  }
0x2c3: {  	v2 =	vld [tilespmem:$0x10B70];
	[tilespmem:$0x11210] =	vst v1;
	v1 =	vadd.f32 v12, v11  }
0x2c4: {  	v7 =	vld [tilespmem:$0x10B90]  }
0x2c5: {  	[tilespmem:$0x11230] =	vst v1;
	v1 =	vld [tilespmem:$0x1FF80]  }
0x2c6: {  	[tilespmem:$0x1FD90] =	vst v61;
	v61 =	vld [tilespmem:$0x10880]  }
0x2c7: {  	v8 =	vld [tilespmem:$0x113A0]  }
0x2c8: {  	v39 =	vld [tilespmem:$0x1FBD0]  }
0x2c9: {  	v11 =	vld [tilespmem:$0x10BB0]  }
0x2ca: {  	v12 =	vld [tilespmem:$0x113C0];
	v2 =	vadd.f32 v2, v3  }
0x2cb: {  	v1 =	vadd.f32 v1, v19;
	[tilespmem:$0x1FDA0] =	vst v61;
	v61 =	vld [tilespmem:$0x11090]  }
0x2cc: {  	v3 =	vld [tilespmem:$0x11440];
	[tilespmem:$0x11370] =	vst v2;
	v2 =	vadd.f32 v7, v6  }
0x2cd: {  	v40 =	vld [tilespmem:$0x1FBE0];
	[tilespmem:$0x11250] =	vst v1;
	v1 =	vadd.f32 v22, v21  }
0x2ce: {  	[tilespmem:$0x11390] =	vst v2;
	v2 =	vld [tilespmem:$0x11460]  }
0x2cf: {  	v19 =	vld [tilespmem:$0x10BE0];
	[tilespmem:$0x11260] =	vst v1  }
0x2d0: {  	v1 =	vadd.f32 v28, v27;
	[tilespmem:$0x1FDB0] =	vst v61;
	v61 =	vld [tilespmem:$0x10890]  }
0x2d1: {  	v41 =	vld [tilespmem:$0x1FBF0]  }
0x2d2: {  	[tilespmem:$0x11280] =	vst v1;
	v1 =	vadd.f32 v32, v31;
	v32 =	vld [tilespmem:$0x10C10]  }
0x2d3: {  	v42 =	vld [tilespmem:$0x1FC00]  }
0x2d4: {  	v44 =	vld [tilespmem:$0x1FC10]  }
0x2d5: {  	[tilespmem:$0x1FDC0] =	vst v61;
	v61 =	vld [tilespmem:$0x110A0]  }
0x2d6: {  	v48 =	vadd.f32 v47, v48;
	v45 =	vld [tilespmem:$0x1FC20]  }
0x2d7: {  	v47 =	vld [tilespmem:$0x1FC30]  }
0x2d8: {  	[tilespmem:$0x10ED0] =	vst v48;
	v48 =	vld [tilespmem:$0x1FC40]  }
0x2d9: {  	v51 =	vadd.f32 v49, v51;
	v49 =	vld [tilespmem:$0x1FC50]  }
0x2da: {  	[tilespmem:$0x1FDD0] =	vst v61;
	v61 =	vld [tilespmem:$0x108A0]  }
0x2db: {  	v52 =	vadd.f32 v50, v52;
	v50 =	vld [tilespmem:$0x1FC60]  }
0x2dc: {  	[tilespmem:$0x10EE0] =	vst v51;
	v51 =	vld [tilespmem:$0x1FC70]  }
0x2dd: {  	[tilespmem:$0x10EF0] =	vst v52;
	v52 =	vld [tilespmem:$0x1FC80]  }
0x2de: {  	v16 =	vadd.f32 v58, v59;
	v53 =	vld [tilespmem:$0x1FC90]  }
0x2df: {  	v17 =	vadd.f32 v38, v37;
	[tilespmem:$0x1FDE0] =	vst v61;
	v61 =	vld [tilespmem:$0x110B0]  }
0x2e0: {  	[tilespmem:$0x10F20] =	vst v16;
	v16 =	vadd.f32 v36, v33;
	v54 =	vld [tilespmem:$0x1FCA0]  }
0x2e1: {  	[tilespmem:$0x10F90] =	vst v17;
	v17 =	vadd.f32 v42, v41;
	v56 =	vld [tilespmem:$0x1FCB0]  }
0x2e2: {  	[tilespmem:$0x10F80] =	vst v16;
	v57 =	vld [tilespmem:$0x1FCC0]  }
0x2e3: {  	v16 =	vadd.f32 v40, v39;
	[tilespmem:$0x10FB0] =	vst v17;
	v58 =	vld [tilespmem:$0x1FCD0]  }
0x2e4: {  	v17 =	vadd.f32 v48, v47;
	[tilespmem:$0x1FDF0] =	vst v61;
	v61 =	vld [tilespmem:$0x108B0]  }
0x2e5: {  	[tilespmem:$0x10FA0] =	vst v16;
	v16 =	vadd.f32 v45, v44;
	v60 =	vld [tilespmem:$0x1FCF0]  }
0x2e6: {  	[tilespmem:$0x10FD0] =	vst v17;
	v17 =	vadd.f32 v52, v51;
	v33 =	vld [tilespmem:$0x1FD00]  }
0x2e7: {  	[tilespmem:$0x10FC0] =	vst v16;
	v59 =	vld [tilespmem:$0x1FCE0]  }
0x2e8: {  	v16 =	vadd.f32 v50, v49;
	[tilespmem:$0x10FF0] =	vst v17;
	v36 =	vld [tilespmem:$0x1FD10]  }
0x2e9: {  	v17 =	vadd.f32 v57, v56;
	[tilespmem:$0x1FE00] =	vst v61;
	v61 =	vld [tilespmem:$0x110C0]  }
0x2ea: {  	[tilespmem:$0x10FE0] =	vst v16;
	v37 =	vld [tilespmem:$0x1FD20]  }
0x2eb: {  	v16 =	vadd.f32 v54, v53;
	[tilespmem:$0x11010] =	vst v17;
	v17 =	vadd.f32 v33, v60;
	v33 =	vld [tilespmem:$0x112B0]  }
0x2ec: {  	v38 =	vld [tilespmem:$0x1FD30]  }
0x2ed: {  	[tilespmem:$0x11000] =	vst v16;
	v16 =	vadd.f32 v59, v58;
	v39 =	vld [tilespmem:$0x1FD40]  }
0x2ee: {  	[tilespmem:$0x1FE10] =	vst v61;
	v61 =	vld [tilespmem:$0x108C0]  }
0x2ef: {  	[tilespmem:$0x11020] =	vst v16;
	v16 =	vadd.f32 v37, v36;
	v36 =	vld [tilespmem:$0x10AB0]  }
0x2f0: {  	v37 =	vld [tilespmem:$0x112C0]  }
0x2f1: {  	v40 =	vld [tilespmem:$0x1FD50]  }
0x2f2: {  	[tilespmem:$0x11030] =	vst v17;
	v17 =	vadd.f32 v39, v38;
	v38 =	vld [tilespmem:$0x10AC0]  }
0x2f3: {  	[tilespmem:$0x1FE20] =	vst v61;
	v61 =	vld [tilespmem:$0x110D0]  }
0x2f4: {  	v39 =	vld [tilespmem:$0x112D0]  }
0x2f5: {  	v41 =	vld [tilespmem:$0x1FD60]  }
0x2f6: {  	v42 =	vld [tilespmem:$0x1FD70]  }
0x2f7: {  	v44 =	vld [tilespmem:$0x1FD80]  }
0x2f8: {  	[tilespmem:$0x1FE30] =	vst v61;
	v61 =	vld [tilespmem:$0x108D0]  }
0x2f9: {  	[tilespmem:$0x112A0] =	vst v1;
	v1 =	vadd.f32 v38, v37;
	v38 =	vld [tilespmem:$0x11430]  }
0x2fa: {  	[tilespmem:$0x11040] =	vst v16;
	v16 =	vadd.f32 v41, v40;
	v40 =	vld [tilespmem:$0x10AD0]  }
0x2fb: {  	v41 =	vld [tilespmem:$0x112E0]  }
0x2fc: {  	[tilespmem:$0x11050] =	vst v17;
	v17 =	vadd.f32 v44, v42;
	v42 =	vld [tilespmem:$0x10AE0]  }
0x2fd: {  	[tilespmem:$0x1FE40] =	vst v61;
	v61 =	vld [tilespmem:$0x110E0]  }
0x2fe: {  	v45 =	vld [tilespmem:$0x1FD90]  }
0x2ff: {  	v44 =	vld [tilespmem:$0x112F0]  }
0x300: {  	v47 =	vld [tilespmem:$0x1FDA0]  }
0x301: {  	[tilespmem:$0x112C0] =	vst v1;
	v1 =	vadd.f32 v42, v41;
	v41 =	vld [tilespmem:$0x11450]  }
0x302: {  	[tilespmem:$0x1FE50] =	vst v61;
	v61 =	vld [tilespmem:$0x108E0]  }
0x303: {  	v42 =	vld [tilespmem:$0x10C50]  }
0x304: {  	v48 =	vld [tilespmem:$0x1FDB0]  }
0x305: {  	[tilespmem:$0x11060] =	vst v16;
	v16 =	vadd.f32 v47, v45;
	v45 =	vld [tilespmem:$0x10AF0]  }
0x306: {  	v47 =	vld [tilespmem:$0x11300]  }
0x307: {  	[tilespmem:$0x1FE60] =	vst v61;
	v61 =	vld [tilespmem:$0x110F0]  }
0x308: {  	v49 =	vld [tilespmem:$0x1FDC0]  }
0x309: {  	v50 =	vld [tilespmem:$0x1FDD0]  }
0x30a: {  	v51 =	vld [tilespmem:$0x1FDE0]  }
0x30b: {  	v52 =	vld [tilespmem:$0x1FDF0]  }
0x30c: {  	[tilespmem:$0x1FE70] =	vst v61;
	v61 =	vld [tilespmem:$0x108F0]  }
0x30d: {  	v54 =	vld [tilespmem:$0x1FE10]  }
0x30e: {  	v56 =	vld [tilespmem:$0x1FE20]  }
0x30f: {  	v53 =	vld [tilespmem:$0x1FE00]  }
0x310: {  	[tilespmem:$0x11080] =	vst v16;
	v57 =	vld [tilespmem:$0x1FE30]  }
0x311: {  	v16 =	vadd.f32 v51, v50;
	[tilespmem:$0x1FE80] =	vst v61;
	v61 =	vld [tilespmem:$0x11100]  }
0x312: {  	[tilespmem:$0x11070] =	vst v17;
	v58 =	vld [tilespmem:$0x1FE40]  }
0x313: {  	v17 =	vadd.f32 v49, v48;
	[tilespmem:$0x110A0] =	vst v16;
	v16 =	vadd.f32 v56, v54;
	v54 =	vld [tilespmem:$0x1FED0]  }
0x314: {  	v56 =	vld [tilespmem:$0x1FEE0]  }
0x315: {  	[tilespmem:$0x11090] =	vst v17;
	v17 =	vadd.f32 v53, v52;
	v59 =	vld [tilespmem:$0x1FE50]  }
0x316: {  	[tilespmem:$0x1FE90] =	vst v61;
	v61 =	vld [tilespmem:$0x10900]  }
0x317: {  	[tilespmem:$0x110B0] =	vst v17;
	v17 =	vadd.f32 v58, v57;
	v57 =	vld [tilespmem:$0x1FEF0]  }
0x318: {  	v60 =	vld [tilespmem:$0x1FE60]  }
0x319: {  	v48 =	vld [tilespmem:$0x1FE70]  }
0x31a: {  	v49 =	vld [tilespmem:$0x1FE80]  }
0x31b: {  	[tilespmem:$0x1FEA0] =	vst v61;
	v61 =	vld [tilespmem:$0x11110]  }
0x31c: {  	v58 =	vld [tilespmem:$0x1FF00]  }
0x31d: {  	[tilespmem:$0x110C0] =	vst v16;
	v16 =	vadd.f32 v60, v59;
	v59 =	vld [tilespmem:$0x1FF10]  }
0x31e: {  	v60 =	vld [tilespmem:$0x1FF20]  }
0x31f: {  	[tilespmem:$0x110D0] =	vst v17;
	v17 =	vadd.f32 v49, v48;
	v48 =	vld [tilespmem:$0x10B00]  }
0x320: {  	[tilespmem:$0x1FEB0] =	vst v61;
	v61 =	vld [tilespmem:$0x10910]  }
0x321: {  	v50 =	vld [tilespmem:$0x1FE90]  }
0x322: {  	v49 =	vld [tilespmem:$0x11310]  }
0x323: {  	v51 =	vld [tilespmem:$0x1FEA0]  }
0x324: {  	[tilespmem:$0x112E0] =	vst v1;
	v1 =	vadd.f32 v48, v47;
	v48 =	vld [tilespmem:$0x11480]  }
0x325: {  	[tilespmem:$0x1FEC0] =	vst v61;
	v61 =	vld [tilespmem:$0x11120]  }
0x326: {  	v52 =	vld [tilespmem:$0x1FEB0]  }
0x327: {  	v53 =	vld [tilespmem:$0x1FEC0]  }
0x328: {  	[tilespmem:$0x110E0] =	vst v16;
	v16 =	vadd.f32 v51, v50;
	v50 =	vld [tilespmem:$0x10B10]  }
0x329: {  	v51 =	vld [tilespmem:$0x11320]  }
0x32a: {  	[tilespmem:$0x11100] =	vst v16;
	v16 =	vadd.f32 v54, v61;
	v61 =	vld [tilespmem:$0x1FF30]  }
0x32b: {  	v25 =	vadd.f32 v25, v24;
	v54 =	vld [tilespmem:$0x10B30]  }
0x32c: {  	[tilespmem:$0x110F0] =	vst v17;
	v17 =	vadd.f32 v53, v52;
	v52 =	vld [tilespmem:$0x10B20]  }
0x32d: {  	[tilespmem:$0x11270] =	vst v25;
	v10 =	vadd.f32 v23, v20;
	v53 =	vld [tilespmem:$0x11330]  }
0x32e: {  	[tilespmem:$0x11120] =	vst v16;
	v16 =	vadd.f32 v59, v58;
	v58 =	vld [tilespmem:$0x1FF60]  }
0x32f: {  	[tilespmem:$0x10D00] =	vst v10;
	v0 =	vadd.f32 v11, v0;
	v59 =	vld [tilespmem:$0x1FF70]  }
0x330: {  	[tilespmem:$0x11110] =	vst v17;
	v17 =	vadd.f32 v57, v56;
	v56 =	vld [tilespmem:$0x1FF40]  }
0x331: {  	[tilespmem:$0x113B0] =	vst v0;
	v47 =	vadd.f32 v19, v18;
	v57 =	vld [tilespmem:$0x1FF50]  }
0x332: {  	[tilespmem:$0x11130] =	vst v17;
	v17 =	vadd.f32 v61, v60;
	v60 =	vadd.f32 v62, v55;
	v55 =	vld [tilespmem:$0x11340]  }
0x333: {  	[tilespmem:$0x11300] =	vst v1;
	v61 =	vadd.f32 v46, v63;
	v46 =	vld [tilespmem:$0x10B40]  }
0x334: {  	[tilespmem:$0x113E0] =	vst v47;
	v62 =	vadd.f32 v34, v43;
	v34 =	vld [tilespmem:$0x11350]  }
0x335: {  	[tilespmem:$0x11140] =	vst v16;
	v63 =	vadd.f32 v26, v35;
	v26 =	vld [tilespmem:$0x10B50]  }
0x336: {  	v43 =	vadd.f32 v36, v33;
	v36 =	vld [tilespmem:$0x10C20];
	[tilespmem:$0x11150] =	vst v17  }
0x337: {  	v1 =	vadd.f32 v52, v51;
	v51 =	vld [tilespmem:$0x11490];
	[tilespmem:$0x11180] =	vst v60;
	v16 =	vadd.f32 v57, v56  }
0x338: {  	v52 =	vld [tilespmem:$0x10C90];
	[tilespmem:$0x11190] =	vst v61  }
0x339: {  	[tilespmem:$0x11160] =	vst v16;
	v16 =	vld [tilespmem:$0x11360]  }
0x33a: {  	v33 =	vadd.f32 v54, v53;
	v54 =	vld [tilespmem:$0x114A0];
	[tilespmem:$0x111A0] =	vst v62  }
0x33b: {  	v35 =	vadd.f32 v30, v29;
	v17 =	vadd.f32 v59, v58;
	[tilespmem:$0x111B0] =	vst v63;
	v58 =	vld [tilespmem:$0x10BF0]  }
0x33c: {  	v60 =	vld [tilespmem:$0x11400];
	[tilespmem:$0x11320] =	vst v1;
	v1 =	vadd.f32 v46, v55  }
0x33d: {  	[tilespmem:$0x11290] =	vst v35;
	v61 =	vld [tilespmem:$0x10C00]  }
0x33e: {  	v63 =	vld [tilespmem:$0x11410];
	[tilespmem:$0x11340] =	vst v1;
	v1 =	vadd.f32 v15, v16  }
0x33f: {  	[tilespmem:$0x11170] =	vst v17;
	v17 =	vld [tilespmem:$0x10BD0]  }
0x340: {  	v35 =	vld [tilespmem:$0x11420];
	[tilespmem:$0x11360] =	vst v1;
	v1 =	vadd.f32 v5, v4  }
0x341: {  	[tilespmem:$0x112B0] =	vst v43;
	v57 =	vld [tilespmem:$0x113F0]  }
0x342: {  	v59 =	vadd.f32 v45, v44;
	[tilespmem:$0x11380] =	vst v1;
	v1 =	vld [tilespmem:$0x1FFA0]  }
0x343: {  	v62 =	vadd.f32 v50, v49;
	v43 =	vld [tilespmem:$0x1FFB0];
	[tilespmem:$0x11330] =	vst v33  }
0x344: {  	v45 =	vld [tilespmem:$0x11470];
	[tilespmem:$0x112F0] =	vst v59;
	v0 =	vadd.f32 v17, v14  }
0x345: {  	v44 =	vadd.f32 v13, v12;
	v56 =	vadd.f32 v40, v39;
	v40 =	vld [tilespmem:$0x10C40];
	[tilespmem:$0x11310] =	vst v62  }
0x346: {  	v39 =	vld [tilespmem:$0x10C30];
	[tilespmem:$0x113D0] =	vst v0;
	v0 =	vadd.f32 v58, v57  }
0x347: {  	v49 =	vld [tilespmem:$0x10C80];
	[tilespmem:$0x113C0] =	vst v44;
	v1 =	vadd.f32 v1, v8  }
0x348: {  	v59 =	vld [tilespmem:$0x10CD0];
	[tilespmem:$0x113F0] =	vst v0  }
0x349: {  	v0 =	vadd.f32 v32, v63;
	[tilespmem:$0x113A0] =	vst v1;
	v1 =	vld [tilespmem:$0x10C60]  }
0x34a: {  	[tilespmem:$0x112D0] =	vst v56;
	v46 =	vld [tilespmem:$0x10C70];
	v3 =	vadd.f32 v40, v3  }
0x34b: {  	v55 =	vld [tilespmem:$0x10D20];
	[tilespmem:$0x11410] =	vst v0;
	v0 =	vadd.f32 v39, v38  }
0x34c: {  	v37 =	vadd.f32 v26, v34;
	v56 =	vld [tilespmem:$0x114B0];
	[tilespmem:$0x11440] =	vst v3  }
0x34d: {  	v3 =	vld [tilespmem:$0x10CC0];
	[tilespmem:$0x11430] =	vst v0;
	v0 =	vadd.f32 v42, v41  }
0x34e: {  	[tilespmem:$0x11350] =	vst v37;
	v1 =	vadd.f32 v1, v2;
	v2 =	vld [tilespmem:$0x114C0]  }
0x34f: {  	v50 =	vadd.f32 v61, v60;
	v60 =	vld [tilespmem:$0x114E0];
	[tilespmem:$0x11450] =	vst v0;
	v0 =	vadd.f32 v46, v45  }
0x350: {  	v61 =	vld [tilespmem:$0x1FFD0];
	[tilespmem:$0x11460] =	vst v1;
	v1 =	vadd.f32 v49, v48  }
0x351: {  	v63 =	vld [tilespmem:$0x1FFF0];
	[tilespmem:$0x11470] =	vst v0;
	v0 =	vadd.f32 v52, v51  }
0x352: {  	v7 =	vadd.f32 v43, v9;
	[tilespmem:$0x11480] =	vst v1;
	v1 =	vld [tilespmem:$0x1FFC0]  }
0x353: {  	[tilespmem:$0x11490] =	vst v0;
	v0 =	vld [tilespmem:$0x10D30];
	v2 =	vadd.f32 v3, v2  }
0x354: {  	[tilespmem:$0x10D10] =	vst v7;
	v57 =	vld [tilespmem:$0x10CB0]  }
0x355: {  	v53 =	vadd.f32 v36, v35;
	[tilespmem:$0x114C0] =	vst v2;
	v2 =	vld [tilespmem:$0x1FFE0]  }
0x356: {  	[tilespmem:$0x11400] =	vst v50;
	v58 =	vld [tilespmem:$0x114D0];
	v9 =	vadd.f32 v61, v55  }
0x357: {  	v62 =	vld [tilespmem:$0x114F0];
	[tilespmem:$0x11420] =	vst v53;
	v1 =	vadd.f32 v1, v54  }
0x358: {  	[tilespmem:$0x10D20] =	vst v9;
	v0 =	vadd.f32 v63, v0;
	v3 =	vld [tilespmem:$0x10CF0]  }
0x359: {  	[tilespmem:$0x114A0] =	vst v1;
	v1 =	vadd.f32 v57, v56  }
0x35a: {  	[tilespmem:$0x10D30] =	vst v0;
	v2 =	vadd.f32 v2, v60  }
0x35b: {  	[tilespmem:$0x114B0] =	vst v1;
	v1 =	vadd.f32 v59, v58  }
0x35c: {  	[tilespmem:$0x114E0] =	vst v2  }
0x35d: {  	s2 =	simm.s32 $0x10000;
	v0 =	vadd.f32 v3, v62;
	[tilespmem:$0x114D0] =	vst v1  }
.LBB2_8:
0x35e: {  	s1 =	sand.u32 $0x40000, s2  }
0x35f: {  	s0 =	sadd.s32 $0x80, s0;
	s3 =	smov.u32 s2;
	s20 =	sadd.s32 $0x8000, s2;
	[tilespmem:$0x114F0] =	vst v0  }
0x360: {  	p0 =	sne.s32 s2, $0x78000;
	s3 =	sand.u32 $0x380, s0;
	s1 =	sadd.s32 s1, s15  }
0x361: {  	s1 =	sadd.s32 s3, s1  }
0x362: {  	[tilespmem:s31], [sflag:$0x1] =	stream.strided.gather [spmem:s1], $0x800, s21, s23, $0x38;
	[tilespmem:$0x1B700] =	vst v63  }
0x363: {  	_ =	swait.ge [sflag:s19], $0x800  }
0x364: {  	[sflag:s19] =	ssyncset.done $0x0  }
0x365: {  	[sflag:s19] =	ssyncadd.s32 $0xFFFFF800  }
0x366: {  	v2 =	vld [tilespmem:$0x10520]  }
0x367: {  	v0 =	vld [tilespmem:$0x10CE0]  }
0x368: {  	v4 =	vld [tilespmem:$0x10510]  }
0x369: {  	v3 =	vld [tilespmem:$0x10CA0]  }
0x36a: {  	v6 =	vld [tilespmem:$0x10500]  }
0x36b: {  	v5 =	vld [tilespmem:$0x10BA0]  }
0x36c: {  	v7 =	vld [tilespmem:$0x10A50]  }
0x36d: {  	v1 =	vld [tilespmem:$0x10530]  }
0x36e: {  	v8 =	vld [tilespmem:$0x10D40]  }
0x36f: {  	v9 =	vld [tilespmem:$0x10540]  }
0x370: {  	v10 =	vld [tilespmem:$0x10D50]  }
0x371: {  	v11 =	vld [tilespmem:$0x10550]  }
0x372: {  	v12 =	vld [tilespmem:$0x10D60]  }
0x373: {  	v13 =	vld [tilespmem:$0x10560]  }
0x374: {  	v8 =	vadd.f32 v9, v8;
	v9 =	vld [tilespmem:$0x10D70]  }
0x375: {  	v14 =	vld [tilespmem:$0x10570]  }
0x376: {  	[tilespmem:$0x10D40] =	vst v8;
	v8 =	vadd.f32 v11, v10;
	v10 =	vld [tilespmem:$0x10D80]  }
0x377: {  	v11 =	vld [tilespmem:$0x10580]  }
0x378: {  	[tilespmem:$0x10D50] =	vst v8;
	v8 =	vadd.f32 v13, v12;
	v12 =	vld [tilespmem:$0x10D90]  }
0x379: {  	v13 =	vld [tilespmem:$0x10590]  }
0x37a: {  	[tilespmem:$0x10D60] =	vst v8;
	v8 =	vadd.f32 v14, v9;
	v9 =	vld [tilespmem:$0x10DA0]  }
0x37b: {  	v14 =	vld [tilespmem:$0x105A0]  }
0x37c: {  	[tilespmem:$0x10D70] =	vst v8;
	v8 =	vadd.f32 v11, v10;
	v10 =	vld [tilespmem:$0x10DB0]  }
0x37d: {  	v11 =	vld [tilespmem:$0x105B0]  }
0x37e: {  	[tilespmem:$0x10D80] =	vst v8;
	v8 =	vadd.f32 v13, v12;
	v12 =	vld [tilespmem:$0x10DC0]  }
0x37f: {  	v13 =	vld [tilespmem:$0x105C0]  }
0x380: {  	[tilespmem:$0x10D90] =	vst v8;
	v8 =	vadd.f32 v14, v9;
	v9 =	vld [tilespmem:$0x10DD0]  }
0x381: {  	v14 =	vld [tilespmem:$0x105D0]  }
0x382: {  	[tilespmem:$0x10DA0] =	vst v8;
	v8 =	vadd.f32 v11, v10;
	v10 =	vld [tilespmem:$0x10DE0]  }
0x383: {  	v11 =	vld [tilespmem:$0x105E0]  }
0x384: {  	[tilespmem:$0x10DB0] =	vst v8;
	v8 =	vadd.f32 v13, v12;
	v12 =	vld [tilespmem:$0x10DF0]  }
0x385: {  	v13 =	vld [tilespmem:$0x105F0]  }
0x386: {  	[tilespmem:$0x10DC0] =	vst v8;
	v8 =	vadd.f32 v14, v9;
	v9 =	vld [tilespmem:$0x10E00]  }
0x387: {  	v14 =	vld [tilespmem:$0x10600]  }
0x388: {  	[tilespmem:$0x10DD0] =	vst v8;
	v8 =	vadd.f32 v11, v10;
	v10 =	vld [tilespmem:$0x10E10]  }
0x389: {  	v11 =	vld [tilespmem:$0x10610]  }
0x38a: {  	[tilespmem:$0x10DE0] =	vst v8;
	v8 =	vadd.f32 v13, v12;
	v12 =	vld [tilespmem:$0x10E20]  }
0x38b: {  	v13 =	vld [tilespmem:$0x10620]  }
0x38c: {  	[tilespmem:$0x10DF0] =	vst v8;
	v8 =	vadd.f32 v14, v9;
	v9 =	vld [tilespmem:$0x10E30]  }
0x38d: {  	v14 =	vld [tilespmem:$0x10630]  }
0x38e: {  	[tilespmem:$0x10E00] =	vst v8;
	v8 =	vadd.f32 v11, v10;
	v10 =	vld [tilespmem:$0x10E40]  }
0x38f: {  	v11 =	vld [tilespmem:$0x10640]  }
0x390: {  	[tilespmem:$0x10E10] =	vst v8;
	v8 =	vadd.f32 v13, v12;
	v12 =	vld [tilespmem:$0x10E50]  }
0x391: {  	v13 =	vld [tilespmem:$0x10650]  }
0x392: {  	[tilespmem:$0x10E20] =	vst v8;
	v8 =	vadd.f32 v14, v9;
	v9 =	vld [tilespmem:$0x10E60]  }
0x393: {  	v14 =	vld [tilespmem:$0x10660]  }
0x394: {  	[tilespmem:$0x10E30] =	vst v8;
	v8 =	vadd.f32 v11, v10;
	v10 =	vld [tilespmem:$0x10E70]  }
0x395: {  	v11 =	vld [tilespmem:$0x10670]  }
0x396: {  	[tilespmem:$0x10E40] =	vst v8;
	v8 =	vadd.f32 v13, v12;
	v12 =	vld [tilespmem:$0x10E80]  }
0x397: {  	v13 =	vld [tilespmem:$0x10680]  }
0x398: {  	[tilespmem:$0x10E50] =	vst v8;
	v8 =	vadd.f32 v14, v9;
	v9 =	vld [tilespmem:$0x10E90]  }
0x399: {  	v14 =	vld [tilespmem:$0x10690]  }
0x39a: {  	[tilespmem:$0x10E60] =	vst v8;
	v8 =	vadd.f32 v11, v10;
	v10 =	vld [tilespmem:$0x10EA0]  }
0x39b: {  	v11 =	vld [tilespmem:$0x106A0]  }
0x39c: {  	[tilespmem:$0x10E70] =	vst v8;
	v8 =	vadd.f32 v13, v12;
	v12 =	vld [tilespmem:$0x10EB0]  }
0x39d: {  	v13 =	vld [tilespmem:$0x106B0]  }
0x39e: {  	[tilespmem:$0x10E80] =	vst v8;
	v8 =	vadd.f32 v14, v9;
	v9 =	vld [tilespmem:$0x10EC0]  }
0x39f: {  	v14 =	vld [tilespmem:$0x106C0]  }
0x3a0: {  	[tilespmem:$0x10E90] =	vst v8;
	v8 =	vadd.f32 v11, v10;
	v10 =	vld [tilespmem:$0x10ED0]  }
0x3a1: {  	v11 =	vld [tilespmem:$0x106D0]  }
0x3a2: {  	[tilespmem:$0x10EA0] =	vst v8;
	v8 =	vadd.f32 v13, v12;
	v12 =	vld [tilespmem:$0x10EE0]  }
0x3a3: {  	v13 =	vld [tilespmem:$0x106E0]  }
0x3a4: {  	[tilespmem:$0x10EB0] =	vst v8;
	v8 =	vadd.f32 v14, v9;
	v9 =	vld [tilespmem:$0x10EF0]  }
0x3a5: {  	v14 =	vld [tilespmem:$0x106F0]  }
0x3a6: {  	[tilespmem:$0x10EC0] =	vst v8;
	v8 =	vadd.f32 v11, v10;
	v10 =	vld [tilespmem:$0x10F00]  }
0x3a7: {  	v11 =	vld [tilespmem:$0x10700]  }
0x3a8: {  	[tilespmem:$0x10ED0] =	vst v8;
	v8 =	vadd.f32 v13, v12;
	v12 =	vld [tilespmem:$0x10F10]  }
0x3a9: {  	v13 =	vld [tilespmem:$0x10710]  }
0x3aa: {  	[tilespmem:$0x10EE0] =	vst v8;
	v8 =	vadd.f32 v14, v9;
	v9 =	vld [tilespmem:$0x10F20]  }
0x3ab: {  	v14 =	vld [tilespmem:$0x10720]  }
0x3ac: {  	[tilespmem:$0x10EF0] =	vst v8;
	v8 =	vadd.f32 v11, v10;
	v10 =	vld [tilespmem:$0x10F30]  }
0x3ad: {  	v11 =	vld [tilespmem:$0x10730]  }
0x3ae: {  	[tilespmem:$0x10F00] =	vst v8;
	v8 =	vadd.f32 v13, v12;
	v12 =	vld [tilespmem:$0x10F40]  }
0x3af: {  	v13 =	vld [tilespmem:$0x10740]  }
0x3b0: {  	[tilespmem:$0x10F10] =	vst v8;
	v8 =	vadd.f32 v14, v9;
	v9 =	vld [tilespmem:$0x10F50]  }
0x3b1: {  	v14 =	vld [tilespmem:$0x10750]  }
0x3b2: {  	[tilespmem:$0x10F20] =	vst v8;
	v8 =	vadd.f32 v11, v10;
	v10 =	vld [tilespmem:$0x10F60]  }
0x3b3: {  	v11 =	vld [tilespmem:$0x10760]  }
0x3b4: {  	[tilespmem:$0x10F30] =	vst v8;
	v8 =	vadd.f32 v13, v12;
	v12 =	vld [tilespmem:$0x10F70]  }
0x3b5: {  	v13 =	vld [tilespmem:$0x10770]  }
0x3b6: {  	[tilespmem:$0x10F40] =	vst v8;
	v8 =	vadd.f32 v14, v9;
	v9 =	vld [tilespmem:$0x10F80]  }
0x3b7: {  	v14 =	vld [tilespmem:$0x10780]  }
0x3b8: {  	[tilespmem:$0x10F50] =	vst v8;
	v8 =	vadd.f32 v11, v10;
	v10 =	vld [tilespmem:$0x10F90]  }
0x3b9: {  	v11 =	vld [tilespmem:$0x10790]  }
0x3ba: {  	[tilespmem:$0x10F60] =	vst v8;
	v8 =	vadd.f32 v13, v12;
	v12 =	vld [tilespmem:$0x10FA0]  }
0x3bb: {  	v13 =	vld [tilespmem:$0x107A0]  }
0x3bc: {  	[tilespmem:$0x10F70] =	vst v8;
	v8 =	vadd.f32 v14, v9;
	v9 =	vld [tilespmem:$0x10FB0]  }
0x3bd: {  	v14 =	vld [tilespmem:$0x107B0]  }
0x3be: {  	[tilespmem:$0x10F80] =	vst v8;
	v8 =	vadd.f32 v11, v10;
	v10 =	vld [tilespmem:$0x10FC0]  }
0x3bf: {  	v11 =	vld [tilespmem:$0x107C0]  }
0x3c0: {  	[tilespmem:$0x10F90] =	vst v8;
	v8 =	vadd.f32 v13, v12;
	v12 =	vld [tilespmem:$0x10FD0]  }
0x3c1: {  	v13 =	vld [tilespmem:$0x107D0]  }
0x3c2: {  	[tilespmem:$0x10FA0] =	vst v8;
	v8 =	vadd.f32 v14, v9;
	v9 =	vld [tilespmem:$0x10FE0]  }
0x3c3: {  	v14 =	vld [tilespmem:$0x107E0]  }
0x3c4: {  	[tilespmem:$0x10FB0] =	vst v8;
	v8 =	vadd.f32 v11, v10;
	v10 =	vld [tilespmem:$0x10FF0]  }
0x3c5: {  	v11 =	vld [tilespmem:$0x107F0]  }
0x3c6: {  	[tilespmem:$0x10FC0] =	vst v8;
	v8 =	vadd.f32 v13, v12;
	v12 =	vld [tilespmem:$0x11000]  }
0x3c7: {  	v13 =	vld [tilespmem:$0x10800]  }
0x3c8: {  	[tilespmem:$0x10FD0] =	vst v8;
	v8 =	vadd.f32 v14, v9;
	v9 =	vld [tilespmem:$0x11010]  }
0x3c9: {  	v14 =	vld [tilespmem:$0x10810]  }
0x3ca: {  	[tilespmem:$0x10FE0] =	vst v8;
	v8 =	vadd.f32 v11, v10;
	v10 =	vld [tilespmem:$0x11020]  }
0x3cb: {  	v11 =	vld [tilespmem:$0x10820]  }
0x3cc: {  	[tilespmem:$0x10FF0] =	vst v8;
	v8 =	vadd.f32 v13, v12;
	v12 =	vld [tilespmem:$0x11030]  }
0x3cd: {  	v13 =	vld [tilespmem:$0x10830]  }
0x3ce: {  	[tilespmem:$0x11000] =	vst v8;
	v8 =	vadd.f32 v14, v9;
	v9 =	vld [tilespmem:$0x11040]  }
0x3cf: {  	v14 =	vld [tilespmem:$0x10840]  }
0x3d0: {  	[tilespmem:$0x11010] =	vst v8;
	v8 =	vadd.f32 v11, v10;
	v10 =	vld [tilespmem:$0x11050]  }
0x3d1: {  	v11 =	vld [tilespmem:$0x10850]  }
0x3d2: {  	[tilespmem:$0x11020] =	vst v8;
	v8 =	vadd.f32 v13, v12;
	v12 =	vld [tilespmem:$0x11060]  }
0x3d3: {  	v13 =	vld [tilespmem:$0x10860]  }
0x3d4: {  	[tilespmem:$0x11030] =	vst v8;
	v8 =	vadd.f32 v14, v9;
	v9 =	vld [tilespmem:$0x11070]  }
0x3d5: {  	v14 =	vld [tilespmem:$0x10870]  }
0x3d6: {  	[tilespmem:$0x11040] =	vst v8;
	v8 =	vadd.f32 v11, v10;
	v10 =	vld [tilespmem:$0x11080]  }
0x3d7: {  	v11 =	vld [tilespmem:$0x10880]  }
0x3d8: {  	[tilespmem:$0x11050] =	vst v8;
	v8 =	vadd.f32 v13, v12;
	v12 =	vld [tilespmem:$0x11090]  }
0x3d9: {  	v13 =	vld [tilespmem:$0x10890]  }
0x3da: {  	[tilespmem:$0x11060] =	vst v8;
	v8 =	vadd.f32 v14, v9;
	v9 =	vld [tilespmem:$0x110A0]  }
0x3db: {  	v14 =	vld [tilespmem:$0x108A0]  }
0x3dc: {  	[tilespmem:$0x11070] =	vst v8;
	v8 =	vadd.f32 v11, v10;
	v10 =	vld [tilespmem:$0x110B0]  }
0x3dd: {  	v11 =	vld [tilespmem:$0x108B0]  }
0x3de: {  	[tilespmem:$0x11080] =	vst v8;
	v8 =	vadd.f32 v13, v12;
	v12 =	vld [tilespmem:$0x110C0]  }
0x3df: {  	v13 =	vld [tilespmem:$0x108C0]  }
0x3e0: {  	[tilespmem:$0x11090] =	vst v8;
	v8 =	vadd.f32 v14, v9;
	v9 =	vld [tilespmem:$0x110D0]  }
0x3e1: {  	v14 =	vld [tilespmem:$0x108D0]  }
0x3e2: {  	[tilespmem:$0x110A0] =	vst v8;
	v8 =	vadd.f32 v11, v10;
	v10 =	vld [tilespmem:$0x110E0]  }
0x3e3: {  	v11 =	vld [tilespmem:$0x108E0]  }
0x3e4: {  	[tilespmem:$0x110B0] =	vst v8;
	v8 =	vadd.f32 v13, v12;
	v12 =	vld [tilespmem:$0x110F0]  }
0x3e5: {  	v13 =	vld [tilespmem:$0x108F0]  }
0x3e6: {  	[tilespmem:$0x110C0] =	vst v8;
	v8 =	vadd.f32 v14, v9;
	v9 =	vld [tilespmem:$0x11100]  }
0x3e7: {  	v14 =	vld [tilespmem:$0x10900]  }
0x3e8: {  	[tilespmem:$0x110D0] =	vst v8;
	v8 =	vadd.f32 v11, v10;
	v10 =	vld [tilespmem:$0x11110]  }
0x3e9: {  	v11 =	vld [tilespmem:$0x10910]  }
0x3ea: {  	[tilespmem:$0x110E0] =	vst v8;
	v8 =	vadd.f32 v13, v12;
	v12 =	vld [tilespmem:$0x11120]  }
0x3eb: {  	v13 =	vld [tilespmem:$0x10920]  }
0x3ec: {  	[tilespmem:$0x110F0] =	vst v8;
	v8 =	vadd.f32 v14, v9;
	v9 =	vld [tilespmem:$0x11130]  }
0x3ed: {  	v14 =	vld [tilespmem:$0x10930]  }
0x3ee: {  	[tilespmem:$0x11100] =	vst v8;
	v8 =	vadd.f32 v11, v10;
	v10 =	vld [tilespmem:$0x11140]  }
0x3ef: {  	v11 =	vld [tilespmem:$0x10940]  }
0x3f0: {  	[tilespmem:$0x11110] =	vst v8;
	v8 =	vadd.f32 v13, v12;
	v12 =	vld [tilespmem:$0x11150]  }
0x3f1: {  	v13 =	vld [tilespmem:$0x10950]  }
0x3f2: {  	[tilespmem:$0x11120] =	vst v8;
	v8 =	vadd.f32 v14, v9;
	v9 =	vld [tilespmem:$0x11160]  }
0x3f3: {  	v14 =	vld [tilespmem:$0x10960]  }
0x3f4: {  	[tilespmem:$0x11130] =	vst v8;
	v8 =	vadd.f32 v11, v10;
	v10 =	vld [tilespmem:$0x11170]  }
0x3f5: {  	v11 =	vld [tilespmem:$0x10970]  }
0x3f6: {  	[tilespmem:$0x11140] =	vst v8;
	v8 =	vadd.f32 v13, v12;
	v12 =	vld [tilespmem:$0x11180]  }
0x3f7: {  	v13 =	vld [tilespmem:$0x10980]  }
0x3f8: {  	[tilespmem:$0x11150] =	vst v8;
	v8 =	vadd.f32 v14, v9;
	v9 =	vld [tilespmem:$0x11190]  }
0x3f9: {  	v14 =	vld [tilespmem:$0x10990]  }
0x3fa: {  	[tilespmem:$0x11160] =	vst v8;
	v8 =	vadd.f32 v11, v10;
	v10 =	vld [tilespmem:$0x111A0]  }
0x3fb: {  	v11 =	vld [tilespmem:$0x109A0]  }
0x3fc: {  	[tilespmem:$0x11170] =	vst v8;
	v8 =	vadd.f32 v13, v12;
	v12 =	vld [tilespmem:$0x111B0]  }
0x3fd: {  	v13 =	vld [tilespmem:$0x109B0]  }
0x3fe: {  	[tilespmem:$0x11180] =	vst v8;
	v8 =	vadd.f32 v14, v9;
	v9 =	vld [tilespmem:$0x111C0]  }
0x3ff: {  	v14 =	vld [tilespmem:$0x109C0]  }
0x400: {  	[tilespmem:$0x11190] =	vst v8;
	v8 =	vadd.f32 v11, v10;
	v10 =	vld [tilespmem:$0x111D0]  }
0x401: {  	v11 =	vld [tilespmem:$0x109D0]  }
0x402: {  	[tilespmem:$0x111A0] =	vst v8;
	v8 =	vadd.f32 v13, v12;
	v12 =	vld [tilespmem:$0x111E0]  }
0x403: {  	v13 =	vld [tilespmem:$0x109E0]  }
0x404: {  	[tilespmem:$0x111B0] =	vst v8;
	v8 =	vadd.f32 v14, v9;
	v9 =	vld [tilespmem:$0x111F0]  }
0x405: {  	v14 =	vld [tilespmem:$0x109F0]  }
0x406: {  	[tilespmem:$0x111C0] =	vst v8;
	v8 =	vadd.f32 v11, v10;
	v10 =	vld [tilespmem:$0x11200]  }
0x407: {  	v11 =	vld [tilespmem:$0x10A00]  }
0x408: {  	[tilespmem:$0x111D0] =	vst v8;
	v8 =	vadd.f32 v13, v12;
	v12 =	vld [tilespmem:$0x11210]  }
0x409: {  	v13 =	vld [tilespmem:$0x10A10]  }
0x40a: {  	[tilespmem:$0x111E0] =	vst v8;
	v8 =	vadd.f32 v14, v9;
	v9 =	vld [tilespmem:$0x11220]  }
0x40b: {  	v14 =	vld [tilespmem:$0x10A20]  }
0x40c: {  	[tilespmem:$0x111F0] =	vst v8;
	v8 =	vadd.f32 v11, v10;
	v10 =	vld [tilespmem:$0x11230]  }
0x40d: {  	v11 =	vld [tilespmem:$0x10A30]  }
0x40e: {  	[tilespmem:$0x11200] =	vst v8;
	v8 =	vadd.f32 v13, v12;
	v12 =	vld [tilespmem:$0x11240]  }
0x40f: {  	v13 =	vld [tilespmem:$0x10A40]  }
0x410: {  	[tilespmem:$0x11210] =	vst v8;
	v8 =	vadd.f32 v14, v9;
	v9 =	vld [tilespmem:$0x11250]  }
0x411: {  	v14 =	vld [tilespmem:$0x10D00]  }
0x412: {  	[tilespmem:$0x11220] =	vst v8;
	v8 =	vadd.f32 v11, v10;
	v10 =	vld [tilespmem:$0x11260]  }
0x413: {  	v11 =	vld [tilespmem:$0x10A60]  }
0x414: {  	[tilespmem:$0x11230] =	vst v8;
	v8 =	vadd.f32 v13, v12;
	v12 =	vld [tilespmem:$0x11270]  }
0x415: {  	v7 =	vadd.f32 v7, v9;
	v9 =	vld [tilespmem:$0x10A70]  }
0x416: {  	v6 =	vadd.f32 v6, v14;
	[tilespmem:$0x11240] =	vst v8;
	v8 =	vld [tilespmem:$0x11280]  }
0x417: {  	[tilespmem:$0x11250] =	vst v7;
	v7 =	vld [tilespmem:$0x10A80]  }
0x418: {  	[tilespmem:$0x10D00] =	vst v6;
	v6 =	vadd.f32 v11, v10;
	v10 =	vld [tilespmem:$0x11290]  }
0x419: {  	v11 =	vld [tilespmem:$0x10A90]  }
0x41a: {  	[tilespmem:$0x11260] =	vst v6;
	v6 =	vadd.f32 v9, v12;
	v9 =	vld [tilespmem:$0x112A0]  }
0x41b: {  	v12 =	vld [tilespmem:$0x10AA0]  }
0x41c: {  	[tilespmem:$0x11270] =	vst v6;
	v6 =	vadd.f32 v7, v8;
	v7 =	vld [tilespmem:$0x112B0]  }
0x41d: {  	v8 =	vld [tilespmem:$0x10AB0]  }
0x41e: {  	[tilespmem:$0x11280] =	vst v6;
	v6 =	vadd.f32 v11, v10;
	v10 =	vld [tilespmem:$0x112C0]  }
0x41f: {  	v11 =	vld [tilespmem:$0x10AC0]  }
0x420: {  	[tilespmem:$0x11290] =	vst v6;
	v6 =	vadd.f32 v12, v9;
	v9 =	vld [tilespmem:$0x112D0]  }
0x421: {  	v12 =	vld [tilespmem:$0x10AD0]  }
0x422: {  	[tilespmem:$0x112A0] =	vst v6;
	v6 =	vadd.f32 v8, v7;
	v7 =	vld [tilespmem:$0x112E0]  }
0x423: {  	v8 =	vld [tilespmem:$0x10AE0]  }
0x424: {  	[tilespmem:$0x112B0] =	vst v6;
	v6 =	vadd.f32 v11, v10;
	v10 =	vld [tilespmem:$0x112F0]  }
0x425: {  	v11 =	vld [tilespmem:$0x10AF0]  }
0x426: {  	[tilespmem:$0x112C0] =	vst v6;
	v6 =	vadd.f32 v12, v9;
	v9 =	vld [tilespmem:$0x11300]  }
0x427: {  	v12 =	vld [tilespmem:$0x10B00]  }
0x428: {  	[tilespmem:$0x112D0] =	vst v6;
	v6 =	vadd.f32 v8, v7;
	v7 =	vld [tilespmem:$0x11310]  }
0x429: {  	v8 =	vld [tilespmem:$0x10B10]  }
0x42a: {  	[tilespmem:$0x112E0] =	vst v6;
	v6 =	vadd.f32 v11, v10;
	v10 =	vld [tilespmem:$0x11320]  }
0x42b: {  	v11 =	vld [tilespmem:$0x10B20]  }
0x42c: {  	[tilespmem:$0x112F0] =	vst v6;
	v6 =	vadd.f32 v12, v9;
	v9 =	vld [tilespmem:$0x11330]  }
0x42d: {  	v12 =	vld [tilespmem:$0x10B30]  }
0x42e: {  	[tilespmem:$0x11300] =	vst v6;
	v6 =	vadd.f32 v8, v7;
	v7 =	vld [tilespmem:$0x11340]  }
0x42f: {  	v8 =	vld [tilespmem:$0x10B40]  }
0x430: {  	[tilespmem:$0x11310] =	vst v6;
	v6 =	vadd.f32 v11, v10;
	v10 =	vld [tilespmem:$0x11350]  }
0x431: {  	v11 =	vld [tilespmem:$0x10B50]  }
0x432: {  	[tilespmem:$0x11320] =	vst v6;
	v6 =	vadd.f32 v12, v9;
	v9 =	vld [tilespmem:$0x11360]  }
0x433: {  	v12 =	vld [tilespmem:$0x10B60]  }
0x434: {  	[tilespmem:$0x11330] =	vst v6;
	v6 =	vadd.f32 v8, v7;
	v7 =	vld [tilespmem:$0x11370]  }
0x435: {  	v8 =	vld [tilespmem:$0x10B70]  }
0x436: {  	[tilespmem:$0x11340] =	vst v6;
	v6 =	vadd.f32 v11, v10;
	v10 =	vld [tilespmem:$0x11380]  }
0x437: {  	v11 =	vld [tilespmem:$0x10B80]  }
0x438: {  	[tilespmem:$0x11350] =	vst v6;
	v6 =	vadd.f32 v12, v9;
	v9 =	vld [tilespmem:$0x11390]  }
0x439: {  	v12 =	vld [tilespmem:$0x10B90]  }
0x43a: {  	[tilespmem:$0x11360] =	vst v6;
	v6 =	vadd.f32 v8, v7;
	v7 =	vld [tilespmem:$0x113A0]  }
0x43b: {  	v8 =	vld [tilespmem:$0x10D10]  }
0x43c: {  	[tilespmem:$0x11370] =	vst v6;
	v6 =	vadd.f32 v11, v10;
	v10 =	vld [tilespmem:$0x113B0]  }
0x43d: {  	v11 =	vld [tilespmem:$0x10BB0]  }
0x43e: {  	[tilespmem:$0x11380] =	vst v6;
	v6 =	vadd.f32 v12, v9;
	v9 =	vld [tilespmem:$0x113C0]  }
0x43f: {  	v5 =	vadd.f32 v5, v7;
	v7 =	vld [tilespmem:$0x10BC0]  }
0x440: {  	v4 =	vadd.f32 v4, v8;
	[tilespmem:$0x11390] =	vst v6;
	v6 =	vld [tilespmem:$0x113D0]  }
0x441: {  	[tilespmem:$0x113A0] =	vst v5;
	v5 =	vld [tilespmem:$0x10BD0]  }
0x442: {  	[tilespmem:$0x10D10] =	vst v4;
	v4 =	vadd.f32 v11, v10;
	v8 =	vld [tilespmem:$0x113E0]  }
0x443: {  	v10 =	vld [tilespmem:$0x10BE0]  }
0x444: {  	[tilespmem:$0x113B0] =	vst v4;
	v4 =	vadd.f32 v7, v9;
	v7 =	vld [tilespmem:$0x113F0]  }
0x445: {  	v9 =	vld [tilespmem:$0x10BF0]  }
0x446: {  	[tilespmem:$0x113C0] =	vst v4;
	v4 =	vadd.f32 v5, v6;
	v5 =	vld [tilespmem:$0x11400]  }
0x447: {  	v6 =	vld [tilespmem:$0x10C00]  }
0x448: {  	[tilespmem:$0x113D0] =	vst v4;
	v4 =	vadd.f32 v10, v8;
	v8 =	vld [tilespmem:$0x11410]  }
0x449: {  	v10 =	vld [tilespmem:$0x10C10]  }
0x44a: {  	[tilespmem:$0x113E0] =	vst v4;
	v4 =	vadd.f32 v9, v7;
	v7 =	vld [tilespmem:$0x11420]  }
0x44b: {  	v9 =	vld [tilespmem:$0x10C20]  }
0x44c: {  	[tilespmem:$0x113F0] =	vst v4;
	v4 =	vadd.f32 v6, v5;
	v5 =	vld [tilespmem:$0x11430]  }
0x44d: {  	v6 =	vld [tilespmem:$0x10C30]  }
0x44e: {  	[tilespmem:$0x11400] =	vst v4;
	v4 =	vadd.f32 v10, v8;
	v8 =	vld [tilespmem:$0x11440]  }
0x44f: {  	v10 =	vld [tilespmem:$0x10C40]  }
0x450: {  	[tilespmem:$0x11410] =	vst v4;
	v4 =	vadd.f32 v9, v7;
	v7 =	vld [tilespmem:$0x11450]  }
0x451: {  	v9 =	vld [tilespmem:$0x10C50]  }
0x452: {  	[tilespmem:$0x11420] =	vst v4;
	v4 =	vadd.f32 v6, v5;
	v5 =	vld [tilespmem:$0x11460]  }
0x453: {  	v6 =	vld [tilespmem:$0x10C60]  }
0x454: {  	[tilespmem:$0x11430] =	vst v4;
	v4 =	vadd.f32 v10, v8;
	v8 =	vld [tilespmem:$0x11470]  }
0x455: {  	v10 =	vld [tilespmem:$0x10C70]  }
0x456: {  	[tilespmem:$0x11440] =	vst v4;
	v4 =	vadd.f32 v9, v7;
	v7 =	vld [tilespmem:$0x11480]  }
0x457: {  	v9 =	vld [tilespmem:$0x10C80]  }
0x458: {  	[tilespmem:$0x11450] =	vst v4;
	v4 =	vadd.f32 v6, v5;
	v5 =	vld [tilespmem:$0x11490]  }
0x459: {  	v6 =	vld [tilespmem:$0x10C90]  }
0x45a: {  	[tilespmem:$0x11460] =	vst v4;
	v4 =	vadd.f32 v10, v8;
	v8 =	vld [tilespmem:$0x114A0]  }
0x45b: {  	v10 =	vld [tilespmem:$0x10D20]  }
0x45c: {  	[tilespmem:$0x11470] =	vst v4;
	v4 =	vadd.f32 v9, v7;
	v7 =	vld [tilespmem:$0x114B0]  }
0x45d: {  	v9 =	vld [tilespmem:$0x10CB0]  }
0x45e: {  	[tilespmem:$0x11480] =	vst v4;
	v4 =	vadd.f32 v6, v5;
	v5 =	vld [tilespmem:$0x114C0]  }
0x45f: {  	v3 =	vadd.f32 v3, v8;
	v6 =	vld [tilespmem:$0x10CC0]  }
0x460: {  	v2 =	vadd.f32 v2, v10;
	[tilespmem:$0x11490] =	vst v4;
	v4 =	vld [tilespmem:$0x114D0]  }
0x461: {  	[tilespmem:$0x114A0] =	vst v3;
	v3 =	vld [tilespmem:$0x10CD0]  }
0x462: {  	[tilespmem:$0x10D20] =	vst v2;
	v2 =	vadd.f32 v9, v7;
	v7 =	vld [tilespmem:$0x114E0]  }
0x463: {  	v8 =	vld [tilespmem:$0x10D30]  }
0x464: {  	[tilespmem:$0x114B0] =	vst v2;
	v2 =	vadd.f32 v6, v5;
	v5 =	vld [tilespmem:$0x114F0]  }
0x465: {  	v6 =	vld [tilespmem:$0x10CF0]  }
.Ltmp3:
0x466: {  	[tilespmem:$0x114C0] =	vst v2;
	v2 =	vadd.f32 v3, v4;
	(pc) =	sbr.rel @p0 .LBB2_8-.Ltmp3, $4  }
0x467: {  	v0 =	vadd.f32 v0, v7  }
0x468: {  	v1 =	vadd.f32 v1, v8;
	[tilespmem:$0x114D0] =	vst v2  }
0x469: {  	[tilespmem:$0x114E0] =	vst v0  }
0x46a: {  	s2 =	smov.u32 s20;
	[tilespmem:$0x10D30] =	vst v1;
	v0 =	vadd.f32 v6, v5  }
0x46b: {  	_ = 	snop  }
0x46c: {  	s3 =	simm.s32 $0x0;
	s0 =	rddreg [dreg:$0xf];
	[tilespmem:$0x114F0] =	vst v0  }
0x46d: {  	[hbm4b:s0+s3] =	stream.linear.scatter [tilespmem:s4], [sflag:$0x1], $0x800, $0x38;
	[tilespmem:$0x1B700] =	vst v63  }
0x46e: {  	_ =	swait.ge [sflag:s19], $0x800  }
0x46f: {  	s1 =	rddreg [dreg:$0x11]  }
0x470: {  	s30 =	rddreg [dreg:$0x10];
	s1 =	sadd.s32 $0x1, s1  }
0x471: {  	p0 =	sne.s32 s1, s30  }
.Ltmp4:
0x472: {  	_ = 	snop;
	(pc) =	sbr.rel @p0 .LBB2_1-.Ltmp4, $3  }
0x473: {  	_ =	sdelay $0x1  }
0x474: {  	[sflag:s19] =	ssyncset.done $0x0  }
0x475: {  	[sflag:s19] =	ssyncadd.s32 $0xFFFFF800  }
0x476: {  	_ =	sfence.sel $0x180000  }
0x477: {  	[bflag:$0x0] =	sbarrier.arrive $0xFFFF  }
0x478: {  	_ =	strace $0x90000047  }
0x479: {  	s0 =	stileid.u32;
	[bflag:$0x2] =	sbarrier.arrive $0xFFFF  }
0x47a: {  	p0 =	sne.s32 s0, $0x0;
	s0 =	rddreg [dreg:$0x4]  }
0x47b: {  	s0 =	sadd.s32 @!p0 $0x100000, s0  }
0x47c: {  	[sflag:s0] =	ssyncadd.tile.s32 @!p0 $0x1;
	_ =	shalt  }
.Lfunc_end2:
_tile_overlayer_lowered:
.L_overlay_start_2:
0x47d: {  	(tag) =	ssettag $0x2  }
0x47e: {  	s0 =	rddreg [dreg:$0x0];
	s2 =	stileid.u32  }
0x47f: {  	s1 =	rddreg [dreg:$0x1];
	p0 =	sne.s32 s2, $0x0  }
0x480: {  	s3 =	rddreg [dreg:$0x2];
	[bflag:$0x3] =	sbarrier.arrive $0xFFFF;
	s2 =	simm.s32 @!p0 $0x1C01  }
0x481: {  	[timem:s3], [sflag:s2] =	dma.local @!p0 [hbm:s0], s1  }
0x482: {  	s0 =	simm.s32 @!p0 $0x1  }
0x483: {  	_ =	swait.ge @!p0 [sflag:s0], s1  }
0x484: {  	s1 =	ssub.s32 @!p0 $0x0, s1;
	[sflag:s0] =	ssyncset.done @!p0 $0x0  }
0x485: {  	[sflag:s0] =	ssyncadd.s32 @!p0 s1  }
0x486: {  	[bflag:$0x3] =	sbarrier.arrive $0xFFFF  }
0x487: {  	_ =	shalt  }

</sc_bundles>
